<compile_context>
chip_gen: v7x
topology: tpu7x:2x2x1
jax: 0.10.2.dev20260603
libtpu: 0.0.44.dev20260713+nightly
codegen_flags: <defaults>
</compile_context>

<pallas_src>
import functools

import jax
import jax.numpy as jnp
from jax import lax
from jax.experimental import pallas as pl
from jax.experimental.pallas import tpu as pltpu
from jax.experimental.pallas import tpu_sc as plsc

N = 50000
E = 800000
NODE_DIM = 92
EDGE_DIM = 41
H = 128
G = 256
L = 3

BN_NODE = 2000
BE = 4000
NB_NODE = N // BN_NODE
NB_EDGE = E // BE

NW = 32
EPT = E // NW
KG = 200
BS = 200
F32 = jnp.float32


def _sp(x):
    return jnp.maximum(x, 0.0) + jnp.log1p(jnp.exp(-jnp.abs(x)))



def _fold_body(We2_ref, C_ref, be2_ref, bn1_ref, W2C_ref, bias2_ref):
    W2C_ref[...] = jnp.dot(We2_ref[...], C_ref[...], preferred_element_type=F32)
    bias2_ref[...] = jnp.dot(be2_ref[...], C_ref[...], preferred_element_type=F32) + bn1_ref[...]


_fold = pl.pallas_call(
    _fold_body,
    out_shape=(jax.ShapeDtypeStruct((H, H), F32), jax.ShapeDtypeStruct((1, H), F32)),
)


def _emb_body(x_ref, W_ref, b_ref, o_ref):
    o_ref[...] = jnp.dot(x_ref[...], W_ref[...], preferred_element_type=F32) + b_ref[...]


_emb = pl.pallas_call(
    _emb_body,
    grid=(NB_NODE,),
    in_specs=[
        pl.BlockSpec((BN_NODE, NODE_DIM), lambda i: (i, 0)),
        pl.BlockSpec((NODE_DIM, H), lambda i: (0, 0)),
        pl.BlockSpec((1, H), lambda i: (0, 0)),
    ],
    out_specs=pl.BlockSpec((BN_NODE, H), lambda i: (i, 0)),
    out_shape=jax.ShapeDtypeStruct((N, H), F32),
)


def _nodemm_body(h_ref, A_ref, B_ref, hA_ref, hB_ref):
    h = h_ref[...]
    hA_ref[...] = jnp.dot(h, A_ref[...], preferred_element_type=F32)
    hB_ref[...] = jnp.dot(h, B_ref[...], preferred_element_type=F32)


_nodemm = pl.pallas_call(
    _nodemm_body,
    grid=(NB_NODE,),
    in_specs=[
        pl.BlockSpec((BN_NODE, H), lambda i: (i, 0)),
        pl.BlockSpec((H, H), lambda i: (0, 0)),
        pl.BlockSpec((H, H), lambda i: (0, 0)),
    ],
    out_specs=(
        pl.BlockSpec((BN_NODE, H), lambda i: (i, 0)),
        pl.BlockSpec((BN_NODE, H), lambda i: (i, 0)),
    ),
    out_shape=(jax.ShapeDtypeStruct((N, H), F32), jax.ShapeDtypeStruct((N, H), F32)),
)


def _edge_body(ea_ref, gA_ref, gB_ref, We1_ref, be1_ref, W2C_ref, bias2_ref,
               Wn2_ref, bn2_ref, z_ref):
    u = jnp.dot(ea_ref[...], We1_ref[...], preferred_element_type=F32) + be1_ref[...]
    t = jnp.dot(_sp(u), W2C_ref[...], preferred_element_type=F32)
    pre = gA_ref[...] + gB_ref[...] + t + bias2_ref[...]
    z_ref[...] = jnp.dot(_sp(pre), Wn2_ref[...], preferred_element_type=F32) + bn2_ref[...]


_edge = pl.pallas_call(
    _edge_body,
    grid=(NB_EDGE,),
    in_specs=[
        pl.BlockSpec((BE, EDGE_DIM), lambda i: (i, 0)),
        pl.BlockSpec((BE, H), lambda i: (i, 0)),
        pl.BlockSpec((BE, H), lambda i: (i, 0)),
        pl.BlockSpec((EDGE_DIM, H), lambda i: (0, 0)),
        pl.BlockSpec((1, H), lambda i: (0, 0)),
        pl.BlockSpec((H, H), lambda i: (0, 0)),
        pl.BlockSpec((1, H), lambda i: (0, 0)),
        pl.BlockSpec((H, H), lambda i: (0, 0)),
        pl.BlockSpec((1, H), lambda i: (0, 0)),
    ],
    out_specs=pl.BlockSpec((BE, H), lambda i: (i, 0)),
    out_shape=jax.ShapeDtypeStruct((E, H), F32),
)


def _bnsum_body(h_ref, a0, a1, a2, a3, a4, a5, a6, a7, hu_ref, sums_ref, acc_ref):
    i = pl.program_id(0)
    aggr = jnp.concatenate(
        [a0[...] + a4[...], a1[...] + a5[...], a2[...] + a6[...], a3[...] + a7[...]],
        axis=-1)
    hu = h_ref[...] + aggr
    hu_ref[...] = hu

    @pl.when(i == 0)
    def _():
        acc_ref[...] = jnp.zeros_like(acc_ref)

    acc_ref[0:1, :] += jnp.sum(hu, axis=0, keepdims=True)
    acc_ref[1:2, :] += jnp.sum(hu * hu, axis=0, keepdims=True)

    @pl.when(i == NB_NODE - 1)
    def _():
        sums_ref[...] = acc_ref[...]


_bnsum = pl.pallas_call(
    _bnsum_body,
    grid=(NB_NODE,),
    in_specs=[pl.BlockSpec((BN_NODE, H), lambda i: (i, 0))] +
             [pl.BlockSpec((BN_NODE, 32), lambda i: (i, 0))] * 8,
    out_specs=(
        pl.BlockSpec((BN_NODE, H), lambda i: (i, 0)),
        pl.BlockSpec((8, H), lambda i: (0, 0)),
    ),
    out_shape=(jax.ShapeDtypeStruct((N, H), F32), jax.ShapeDtypeStruct((8, H), F32)),
    scratch_shapes=[pltpu.VMEM((8, H), F32)],
)


def _bnapply_body(hu_ref, sums_ref, gamma_ref, beta_ref, o_ref):
    sums = sums_ref[...]
    mean = sums[0:1, :] / N
    var = sums[1:2, :] / N - mean * mean
    inv = lax.rsqrt(var + 1e-5)
    o_ref[...] = _sp((hu_ref[...] - mean) * inv * gamma_ref[...] + beta_ref[...])


_bnapply = pl.pallas_call(
    _bnapply_body,
    grid=(NB_NODE,),
    in_specs=[
        pl.BlockSpec((BN_NODE, H), lambda i: (i, 0)),
        pl.BlockSpec((8, H), lambda i: (0, 0)),
        pl.BlockSpec((1, H), lambda i: (0, 0)),
        pl.BlockSpec((1, H), lambda i: (0, 0)),
    ],
    out_specs=pl.BlockSpec((BN_NODE, H), lambda i: (i, 0)),
    out_shape=jax.ShapeDtypeStruct((N, H), F32),
)


def _pool_body(h_ref, b_ref, Wf0_ref, bf0_ref, Wf1_ref, bf1_ref, Wo_ref, bo_ref,
               out_ref, sum_acc, cnt_acc):
    i = pl.program_id(0)

    @pl.when(i == 0)
    def _():
        sum_acc[...] = jnp.zeros_like(sum_acc)
        cnt_acc[...] = jnp.zeros_like(cnt_acc)

    hb = h_ref[...]
    bids = b_ref[0, 0, :]
    onehot = (lax.broadcasted_iota(jnp.int32, (G, BN_NODE), 0) == bids[None, :]).astype(F32)
    sum_acc[...] += jnp.dot(onehot, hb, preferred_element_type=F32)
    cnt_acc[...] += jnp.broadcast_to(jnp.sum(onehot, axis=1, keepdims=True), (G, H))

    @pl.when(i == NB_NODE - 1)
    def _():
        xm = sum_acc[...] / jnp.maximum(cnt_acc[...], 1.0)
        g2 = jnp.concatenate([xm, xm], axis=-1)
        t = _sp(jnp.dot(g2, Wf0_ref[...], preferred_element_type=F32) + bf0_ref[...])
        t = _sp(jnp.dot(t, Wf1_ref[...], preferred_element_type=F32) + bf1_ref[...])
        out_ref[...] = jnp.dot(t, Wo_ref[...], preferred_element_type=F32) + bo_ref[...]


_pool = pl.pallas_call(
    _pool_body,
    grid=(NB_NODE,),
    in_specs=[
        pl.BlockSpec((BN_NODE, H), lambda i: (i, 0)),
        pl.BlockSpec((1, 1, BN_NODE), lambda i: (i, 0, 0)),
        pl.BlockSpec((2 * H, H), lambda i: (0, 0)),
        pl.BlockSpec((1, H), lambda i: (0, 0)),
        pl.BlockSpec((H, H), lambda i: (0, 0)),
        pl.BlockSpec((1, H), lambda i: (0, 0)),
        pl.BlockSpec((H, 1), lambda i: (0, 0)),
        pl.BlockSpec((1, 1), lambda i: (0, 0)),
    ],
    out_specs=pl.BlockSpec((G, 1), lambda i: (0, 0)),
    out_shape=jax.ShapeDtypeStruct((G, 1), F32),
    scratch_shapes=[pltpu.VMEM((G, H), F32), pltpu.VMEM((G, H), F32)],
)



_sc_mesh = plsc.VectorSubcoreMesh(core_axis_name="c", subcore_axis_name="s")


@functools.partial(
    pl.kernel,
    mesh=_sc_mesh,
    out_type=(jax.ShapeDtypeStruct((E, H), F32), jax.ShapeDtypeStruct((E, H), F32)),
    scratch_types=[
        pltpu.VMEM((KG,), jnp.int32),
        pltpu.VMEM((KG,), jnp.int32),
        pltpu.VMEM((KG, H), F32),
        pltpu.VMEM((KG, H), F32),
        pltpu.SemaphoreType.DMA,
        pltpu.SemaphoreType.DMA,
    ],
)
def _gather2(hA_hbm, hB_hbm, dst_hbm, src_hbm, gA_hbm, gB_hbm,
             idxd, idxs, bufA, bufB, semA, semB):
    c = lax.axis_index("c")
    s = lax.axis_index("s")
    wid = s * 2 + c
    base = wid * EPT

    def step(j, carry):
        off = base + j * KG
        pltpu.sync_copy(dst_hbm.at[pl.ds(off, KG)], idxd)
        pltpu.sync_copy(src_hbm.at[pl.ds(off, KG)], idxs)
        cpA = pltpu.async_copy(hA_hbm.at[idxd], bufA, semA)
        cpB = pltpu.async_copy(hB_hbm.at[idxs], bufB, semB)
        cpA.wait()
        cpB.wait()
        pltpu.sync_copy(bufA, gA_hbm.at[pl.ds(off, KG)])
        pltpu.sync_copy(bufB, gB_hbm.at[pl.ds(off, KG)])
        return carry

    lax.fori_loop(0, EPT // KG, step, 0)


@functools.partial(
    pl.kernel,
    mesh=_sc_mesh,
    compiler_params=pltpu.CompilerParams(use_tc_tiling_on_sc=False),
    out_type=jax.ShapeDtypeStruct((4, 2, N, 32), F32),
    scratch_types=[
        pltpu.VMEM((BS,), jnp.int32),
        pltpu.VMEM((BS, 32), F32),
        pltpu.VMEM_SHARED((N, 32), F32),
    ],
)
def _scatter(z_hbm, dst_hbm, zeros_hbm, aggr_hbm, idxb, zbuf, acc):
    c = lax.axis_index("c")
    s = lax.axis_index("s")
    wid = c * 16 + s
    base = wid * EPT

    for chunk in range(4):
        col0 = 32 * chunk

        @pl.when(s == 0)
        def _():
            pltpu.sync_copy(zeros_hbm, acc)

        plsc.subcore_barrier()

        def step(j, carry):
            off = base + j * BS
            pltpu.sync_copy(dst_hbm.at[pl.ds(off, BS)], idxb)
            pltpu.sync_copy(z_hbm.at[pl.ds(off, BS), pl.ds(col0, 32)], zbuf)
            pltpu.sync_copy(zbuf, acc.at[idxb], add=True)
            return carry

        lax.fori_loop(0, EPT // BS, step, 0)
        plsc.subcore_barrier()

        @pl.when(s == 0)
        def _():
            pltpu.sync_copy(acc, aggr_hbm.at[chunk, c])

        plsc.subcore_barrier()



@jax.jit
def _run(x, edge_attr, params, edge_index, batch):
    src = edge_index[0]
    dst = edge_index[1]
    zeros32 = jnp.zeros((N, 32), F32)
    batch3 = batch.reshape(NB_NODE, 1, BN_NODE)

    def row(b):
        return b.reshape(1, -1)

    h = _emb(x, params["emb"]["W"], row(params["emb"]["b"]))
    for i in range(L):
        cv = params["convs"][i]
        Wn1 = cv["n1"]["W"]
        A, B, C = Wn1[:H], Wn1[H:2 * H], Wn1[2 * H:]
        W2C, bias2 = _fold(cv["e2"]["W"], C, row(cv["e2"]["b"]), row(cv["n1"]["b"]))
        hA, hB = _nodemm(h, A, B)
        gA, gB = _gather2(hA, hB, dst, src)
        z = _edge(edge_attr, gA, gB, cv["e1"]["W"], row(cv["e1"]["b"]), W2C, bias2,
                  cv["n2"]["W"], row(cv["n2"]["b"]))
        aggr = _scatter(z, dst, zeros32)
        parts = [aggr[q, p] for p in range(2) for q in range(4)]
        bn = params["bns"][i]
        hu, sums = _bnsum(h, *parts)
        h = _bnapply(hu, sums, row(bn["gamma"]), row(bn["beta"]))

    fc0, fc1 = params["fcs"]
    out = _pool(h, batch3, fc0["W"], row(fc0["b"]), fc1["W"], row(fc1["b"]),
                params["out"]["W"], params["out"]["b"].reshape(1, 1))
    return out


def kernel(x, edge_attr, params, edge_index, batch):
    return _run(x, edge_attr, params, edge_index, batch)

# --- scband reference (transcript-rebuilt; emitter-appended) ---
"""Pipeline reference for scband-cgcnn-12223476924528 (READ-ONLY COPY).

The authoritative reference and input builder live on the scoring server;
editing this copy changes nothing except your own understanding.
"""

import jax, jax.numpy as jnp
import numpy as np

N = 50000
E = 800000
NODE_DIM = 92
EDGE_DIM = 41
H = 128
G = 256
L = 3


def _linear(x, W, b):
    return x @ W + b


def _dense(key, fi, fo):
    kW, kb = jax.random.split(key)
    return {"W": (jax.random.normal(kW, (fi, fo), jnp.float32) / np.sqrt(fi)).astype(jnp.float32),
            "b": jnp.zeros((fo,), jnp.float32)}


def _make_params(key):
    keys = jax.random.split(key, 32)
    p = {"emb": _dense(keys[0], NODE_DIM, H)}
    convs = []
    bns = []
    for i in range(L):
        k = jax.random.split(keys[1 + i], 4)
        convs.append({
            "e1": _dense(k[0], EDGE_DIM, H),
            "e2": _dense(k[1], H, 2 * H),
            # node_mlp input = node_dim*2 + edge_mlp_out (2*H) = 4*H to match the concat
            "n1": _dense(k[2], 2 * H + 2 * H, H),
            "n2": _dense(k[3], H, H),
        })
        bns.append({"gamma": jnp.ones((H,), jnp.float32), "beta": jnp.zeros((H,), jnp.float32)})
    p["convs"] = convs
    p["bns"] = bns
    dims = [2 * H, H, H]
    p["fcs"] = [_dense(keys[10 + i], dims[i], dims[i + 1]) for i in range(2)]
    p["out"] = _dense(keys[20], H, 1)
    return p


def setup_inputs(seed: int = 0) -> dict:
    key = jax.random.key(seed)
    k1, k2, k3, k4 = jax.random.split(key, 4)
    x = jax.random.normal(k1, (N, NODE_DIM), jnp.float32)
    edge_index = jax.random.randint(k2, (2, E), 0, N, dtype=jnp.int32)
    edge_attr = jax.random.uniform(k3, (E, EDGE_DIM), jnp.float32)
    batch = jnp.sort(jax.random.randint(k4, (N,), 0, G, dtype=jnp.int32))
    params = _make_params(jax.random.fold_in(key, 7))
    return {"x": x, "edge_attr": edge_attr, "params": params,
            "edge_index": edge_index, "batch": batch}


def _forward(x, edge_attr, params, edge_index, batch):
    sp = jax.nn.softplus
    src = edge_index[0]
    dst = edge_index[1]
    h = _linear(x, params["emb"]["W"], params["emb"]["b"])
    for i in range(L):
        c = params["convs"][i]
        ef = _linear(sp(_linear(edge_attr, c["e1"]["W"], c["e1"]["b"])), c["e2"]["W"], c["e2"]["b"])
        x_i = jnp.take(h, dst, axis=0)
        x_j = jnp.take(h, src, axis=0)
        m = jnp.concatenate([x_i, x_j, ef], axis=-1)
        m = _linear(sp(_linear(m, c["n1"]["W"], c["n1"]["b"])), c["n2"]["W"], c["n2"]["b"])
        aggr = jax.ops.segment_sum(m, dst, num_segments=N)
        h = h + aggr  # update(): residual
        bn = params["bns"][i]
        mean = jnp.mean(h, axis=0)
        var = jnp.var(h, axis=0)
        h = (h - mean) / jnp.sqrt(var + 1e-5) * bn["gamma"] + bn["beta"]
        h = sp(h)
    counts = jnp.maximum(jax.ops.segment_sum(jnp.ones((N,), h.dtype), batch, num_segments=G), 1.0)[:, None]
    x_mean = jax.ops.segment_sum(h, batch, num_segments=G) / counts
    x_max = jax.ops.segment_sum(h, batch, num_segments=G) / counts  # original code calls global_mean_pool twice
    g = jnp.concatenate([x_mean, x_max], axis=-1)
    for fc in params["fcs"]:
        g = sp(_linear(g, fc["W"], fc["b"]))
    return _linear(g, params["out"]["W"], params["out"]["b"])


def reference(x, edge_attr, params, edge_index, batch):
    return _forward(x, edge_attr, params, edge_index, batch)

if __name__ == "__main__":
    import jax
    _d = setup_inputs()
    print(jax.jit(kernel)(*tuple(_d.values())))

</pallas_src>

<mosaic_0001>
#map = affine_map<(d0, d1) -> (0, 0)>
#map1 = affine_map<(d0, d1) -> (0)>
#map2 = affine_map<(d0, d1) -> (0, 0, 0, 0)>
module attributes {stable_mosaic.version = 14 : i64} {
  func.func @_scatter(%arg0: i32, %arg1: i32, %arg2: memref<800000x128xf32, #tpu.memory_space<hbm>>, %arg3: memref<800000xi32, #tpu.memory_space<hbm>>, %arg4: memref<50000x32xf32, #tpu.memory_space<hbm>>, %arg5: memref<4x2x50000x32xf32, #tpu.memory_space<hbm>>, %arg6: memref<200xi32, #tpu.memory_space<vmem>>, %arg7: memref<200x32xf32, #tpu.memory_space<vmem>>, %arg8: memref<50000x32xf32, #tpu.memory_space<vmem_shared>>) attributes {dimension_semantics = [#tpu.dimension_semantics<core_parallel>, #tpu.dimension_semantics<subcore_parallel>], iteration_bounds = array<i64: 2, 16>, scalar_prefetch = 0 : i64, scratch_operands = 3 : i64, tpu.core_type = #tpu.core_type<sc_vector_subcore>, window_params = [{transform_indices = #map}, {transform_indices = #map1}, {transform_indices = #map}, {transform_indices = #map2}]} {
    %mul3A = arith.constant 16 : i32
    %mul3A_0 = arith.muli %arg0, %mul3A : i32
    %add3A = arith.addi %mul3A_0, %arg1 : i32
    %mul3A_1 = arith.constant 25000 : i32
    %mul3A_2 = arith.muli %add3A, %mul3A_1 : i32
    %eq3A = arith.constant 0 : i32
    %eq3A_3 = arith.cmpi eq, %arg1, %eq3A : i32
    %convert_element_type3A = arith.extui %eq3A_3 : i1 to i32
    %cond3A = arith.constant 0 : i32
    %cond3A_4 = arith.cmpi ne, %convert_element_type3A, %cond3A : i32
    scf.if %cond3A_4 {
      "tpu.region"() ({
        %run_scoped3A = tpu.sem_alloc : memref<!tpu.dma_semaphore, #tpu.memory_space<semaphore_mem>>
        tpu.enqueue_dma source(%arg4 : memref<50000x32xf32, #tpu.memory_space<hbm>>) target(%arg8 : memref<50000x32xf32, #tpu.memory_space<vmem_shared>>) target_semaphore(%run_scoped3A : memref<!tpu.dma_semaphore, #tpu.memory_space<semaphore_mem>>)
        tpu.wait_dma2 semaphore(%run_scoped3A : memref<!tpu.dma_semaphore, #tpu.memory_space<semaphore_mem>>) src(%arg4 : memref<50000x32xf32, #tpu.memory_space<hbm>>) dst(%arg8 : memref<50000x32xf32, #tpu.memory_space<vmem_shared>>)
        tpu.yield
      }) : () -> ()
    } else {
    }
    %barrier3A = arith.constant 0 : index
    tpu.barrier barrier_id(%barrier3A)
    %scan3A = arith.constant 0 : i32
    %scan3A_5 = arith.constant 0 : i32
    %scan3A_6 = arith.constant 125 : i32
    %scan3A_7 = arith.addi %scan3A_5, %scan3A_6 : i32
    %scan3A_8 = arith.constant 1 : i32
    scf.for %scan3A_74 = %scan3A_5 to %scan3A_7 step %scan3A_8  : i32 {
      %mul3A_75 = arith.constant 200 : i32
      %mul3A_76 = arith.muli %scan3A_74, %mul3A_75 : i32
      %add3A_77 = arith.addi %mul3A_2, %mul3A_76 : i32
      "tpu.region"() ({
        %run_scoped3A = tpu.sem_alloc : memref<!tpu.dma_semaphore, #tpu.memory_space<semaphore_mem>>
        %dma_start3A = tpu.memref_slice %arg3[%add3A_77] : memref<800000xi32, #tpu.memory_space<hbm>> -> memref<200xi32, #tpu.memory_space<hbm>>
        %dma_start3A_78 = tpu.memref_slice %arg3[%add3A_77] : memref<800000xi32, #tpu.memory_space<hbm>> -> memref<200xi32, #tpu.memory_space<hbm>>
        tpu.enqueue_dma source(%dma_start3A_78 : memref<200xi32, #tpu.memory_space<hbm>>) target(%arg6 : memref<200xi32, #tpu.memory_space<vmem>>) target_semaphore(%run_scoped3A : memref<!tpu.dma_semaphore, #tpu.memory_space<semaphore_mem>>)
        %dma_wait3A = tpu.memref_slice %arg3[%add3A_77] : memref<800000xi32, #tpu.memory_space<hbm>> -> memref<200xi32, #tpu.memory_space<hbm>>
        %dma_wait3A_79 = tpu.memref_slice %arg3[%add3A_77] : memref<800000xi32, #tpu.memory_space<hbm>> -> memref<200xi32, #tpu.memory_space<hbm>>
        tpu.wait_dma2 semaphore(%run_scoped3A : memref<!tpu.dma_semaphore, #tpu.memory_space<semaphore_mem>>) src(%dma_wait3A_79 : memref<200xi32, #tpu.memory_space<hbm>>) dst(%arg6 : memref<200xi32, #tpu.memory_space<vmem>>)
        tpu.yield
      }) : () -> ()
      "tpu.region"() ({
        %run_scoped3A = tpu.sem_alloc : memref<!tpu.dma_semaphore, #tpu.memory_space<semaphore_mem>>
        %dma_start3A = arith.constant 0 : i32
        %dma_start3A_78 = tpu.memref_slice %arg2[%add3A_77, %dma_start3A] : memref<800000x128xf32, #tpu.memory_space<hbm>> -> memref<200x32xf32, #tpu.memory_space<hbm>>
        %dma_start3A_79 = arith.constant 0 : i32
        %dma_start3A_80 = tpu.memref_slice %arg2[%add3A_77, %dma_start3A_79] : memref<800000x128xf32, #tpu.memory_space<hbm>> -> memref<200x32xf32, #tpu.memory_space<hbm>>
        tpu.enqueue_dma source(%dma_start3A_80 : memref<200x32xf32, #tpu.memory_space<hbm>>) target(%arg7 : memref<200x32xf32, #tpu.memory_space<vmem>>) target_semaphore(%run_scoped3A : memref<!tpu.dma_semaphore, #tpu.memory_space<semaphore_mem>>)
        %dma_wait3A = arith.constant 0 : i32
        %dma_wait3A_81 = tpu.memref_slice %arg2[%add3A_77, %dma_wait3A] : memref<800000x128xf32, #tpu.memory_space<hbm>> -> memref<200x32xf32, #tpu.memory_space<hbm>>
        %dma_wait3A_82 = arith.constant 0 : i32
        %dma_wait3A_83 = tpu.memref_slice %arg2[%add3A_77, %dma_wait3A_82] : memref<800000x128xf32, #tpu.memory_space<hbm>> -> memref<200x32xf32, #tpu.memory_space<hbm>>
        tpu.wait_dma2 semaphore(%run_scoped3A : memref<!tpu.dma_semaphore, #tpu.memory_space<semaphore_mem>>) src(%dma_wait3A_83 : memref<200x32xf32, #tpu.memory_space<hbm>>) dst(%arg7 : memref<200x32xf32, #tpu.memory_space<vmem>>)
        tpu.yield
      }) : () -> ()
      "tpu.region"() ({
        %run_scoped3A = tpu.sem_alloc : memref<!tpu.dma_semaphore, #tpu.memory_space<semaphore_mem>>
        %dma_start3A = arith.constant 0 : i32
        %dma_start3A_78 = arith.constant 0 : i32
        %dma_start3A_79 = tpu.memref_slice %arg8[%dma_start3A, %dma_start3A_78] : memref<50000x32xf32, #tpu.memory_space<vmem_shared>> -> memref<50000x32xf32, #tpu.memory_space<vmem_shared>>
        tpu.enqueue_indirect_dma source(%arg7 : memref<200x32xf32, #tpu.memory_space<vmem>>) target(%dma_start3A_79 : memref<50000x32xf32, #tpu.memory_space<vmem_shared>>) offsets(%arg6 : memref<200xi32, #tpu.memory_space<vmem>>) semaphore(%run_scoped3A : memref<!tpu.dma_semaphore, #tpu.memory_space<semaphore_mem>>) {add = true}
        %dma_wait3A = arith.constant 0 : i32
        %dma_wait3A_80 = arith.constant 0 : i32
        %dma_wait3A_81 = tpu.memref_slice %arg8[%dma_wait3A, %dma_wait3A_80] : memref<50000x32xf32, #tpu.memory_space<vmem_shared>> -> memref<50000x32xf32, #tpu.memory_space<vmem_shared>>
        tpu.wait_indirect_dma semaphore(%run_scoped3A : memref<!tpu.dma_semaphore, #tpu.memory_space<semaphore_mem>>) src(%arg7 : memref<200x32xf32, #tpu.memory_space<vmem>>) dst(%dma_wait3A_81 : memref<50000x32xf32, #tpu.memory_space<vmem_shared>>)
        tpu.yield
      }) : () -> ()
    }
    %scan3A_9 = arith.constant 125 : i32
    %barrier3A_10 = arith.constant 0 : index
    tpu.barrier barrier_id(%barrier3A_10)
    %eq3A_11 = arith.constant 0 : i32
    %eq3A_12 = arith.cmpi eq, %arg1, %eq3A_11 : i32
    %convert_element_type3A_13 = arith.extui %eq3A_12 : i1 to i32
    %cond3A_14 = arith.constant 0 : i32
    %cond3A_15 = arith.cmpi ne, %convert_element_type3A_13, %cond3A_14 : i32
    scf.if %cond3A_15 {
      %run_scoped3A = arith.constant 0 : i32
      "tpu.region"() ({
        %run_scoped3A_74 = tpu.sem_alloc : memref<!tpu.dma_semaphore, #tpu.memory_space<semaphore_mem>>
        %dma_start3A = arith.constant 0 : i32
        %dma_start3A_75 = arith.constant 0 : i32
        %dma_start3A_76 = tpu.memref_slice %arg5[%run_scoped3A, %arg0, %dma_start3A, %dma_start3A_75] : memref<4x2x50000x32xf32, #tpu.memory_space<hbm>> -> memref<1x1x50000x32xf32, #tpu.memory_space<hbm>>
        %dma_start3A_77 = tpu.memref_squeeze %dma_start3A_76 : memref<1x1x50000x32xf32, #tpu.memory_space<hbm>> -> memref<50000x32xf32, #tpu.memory_space<hbm>>
        tpu.enqueue_dma source(%arg8 : memref<50000x32xf32, #tpu.memory_space<vmem_shared>>) target(%dma_start3A_77 : memref<50000x32xf32, #tpu.memory_space<hbm>>) target_semaphore(%run_scoped3A_74 : memref<!tpu.dma_semaphore, #tpu.memory_space<semaphore_mem>>)
        %dma_wait3A = arith.constant 0 : i32
        %dma_wait3A_78 = arith.constant 0 : i32
        %dma_wait3A_79 = tpu.memref_slice %arg5[%run_scoped3A, %arg0, %dma_wait3A, %dma_wait3A_78] : memref<4x2x50000x32xf32, #tpu.memory_space<hbm>> -> memref<1x1x50000x32xf32, #tpu.memory_space<hbm>>
        %dma_wait3A_80 = tpu.memref_squeeze %dma_wait3A_79 : memref<1x1x50000x32xf32, #tpu.memory_space<hbm>> -> memref<50000x32xf32, #tpu.memory_space<hbm>>
        tpu.wait_dma2 semaphore(%run_scoped3A_74 : memref<!tpu.dma_semaphore, #tpu.memory_space<semaphore_mem>>) src(%arg8 : memref<50000x32xf32, #tpu.memory_space<vmem_shared>>) dst(%dma_wait3A_80 : memref<50000x32xf32, #tpu.memory_space<hbm>>)
        tpu.yield
      }) : () -> ()
    } else {
    }
    %barrier3A_16 = arith.constant 0 : index
    tpu.barrier barrier_id(%barrier3A_16)
    %eq3A_17 = arith.constant 0 : i32
    %eq3A_18 = arith.cmpi eq, %arg1, %eq3A_17 : i32
    %convert_element_type3A_19 = arith.extui %eq3A_18 : i1 to i32
    %cond3A_20 = arith.constant 0 : i32
    %cond3A_21 = arith.cmpi ne, %convert_element_type3A_19, %cond3A_20 : i32
    scf.if %cond3A_21 {
      "tpu.region"() ({
        %run_scoped3A = tpu.sem_alloc : memref<!tpu.dma_semaphore, #tpu.memory_space<semaphore_mem>>
        tpu.enqueue_dma source(%arg4 : memref<50000x32xf32, #tpu.memory_space<hbm>>) target(%arg8 : memref<50000x32xf32, #tpu.memory_space<vmem_shared>>) target_semaphore(%run_scoped3A : memref<!tpu.dma_semaphore, #tpu.memory_space<semaphore_mem>>)
        tpu.wait_dma2 semaphore(%run_scoped3A : memref<!tpu.dma_semaphore, #tpu.memory_space<semaphore_mem>>) src(%arg4 : memref<50000x32xf32, #tpu.memory_space<hbm>>) dst(%arg8 : memref<50000x32xf32, #tpu.memory_space<vmem_shared>>)
        tpu.yield
      }) : () -> ()
    } else {
    }
    %barrier3A_22 = arith.constant 0 : index
    tpu.barrier barrier_id(%barrier3A_22)
    %scan3A_23 = arith.constant 0 : i32
    %scan3A_24 = arith.constant 0 : i32
    %scan3A_25 = arith.constant 125 : i32
    %scan3A_26 = arith.addi %scan3A_24, %scan3A_25 : i32
    %scan3A_27 = arith.constant 1 : i32
    scf.for %scan3A_74 = %scan3A_24 to %scan3A_26 step %scan3A_27  : i32 {
      %mul3A_75 = arith.constant 200 : i32
      %mul3A_76 = arith.muli %scan3A_74, %mul3A_75 : i32
      %add3A_77 = arith.addi %mul3A_2, %mul3A_76 : i32
      "tpu.region"() ({
        %run_scoped3A = tpu.sem_alloc : memref<!tpu.dma_semaphore, #tpu.memory_space<semaphore_mem>>
        %dma_start3A = tpu.memref_slice %arg3[%add3A_77] : memref<800000xi32, #tpu.memory_space<hbm>> -> memref<200xi32, #tpu.memory_space<hbm>>
        %dma_start3A_78 = tpu.memref_slice %arg3[%add3A_77] : memref<800000xi32, #tpu.memory_space<hbm>> -> memref<200xi32, #tpu.memory_space<hbm>>
        tpu.enqueue_dma source(%dma_start3A_78 : memref<200xi32, #tpu.memory_space<hbm>>) target(%arg6 : memref<200xi32, #tpu.memory_space<vmem>>) target_semaphore(%run_scoped3A : memref<!tpu.dma_semaphore, #tpu.memory_space<semaphore_mem>>)
        %dma_wait3A = tpu.memref_slice %arg3[%add3A_77] : memref<800000xi32, #tpu.memory_space<hbm>> -> memref<200xi32, #tpu.memory_space<hbm>>
        %dma_wait3A_79 = tpu.memref_slice %arg3[%add3A_77] : memref<800000xi32, #tpu.memory_space<hbm>> -> memref<200xi32, #tpu.memory_space<hbm>>
        tpu.wait_dma2 semaphore(%run_scoped3A : memref<!tpu.dma_semaphore, #tpu.memory_space<semaphore_mem>>) src(%dma_wait3A_79 : memref<200xi32, #tpu.memory_space<hbm>>) dst(%arg6 : memref<200xi32, #tpu.memory_space<vmem>>)
        tpu.yield
      }) : () -> ()
      "tpu.region"() ({
        %run_scoped3A = tpu.sem_alloc : memref<!tpu.dma_semaphore, #tpu.memory_space<semaphore_mem>>
        %dma_start3A = arith.constant 32 : i32
        %dma_start3A_78 = tpu.memref_slice %arg2[%add3A_77, %dma_start3A] : memref<800000x128xf32, #tpu.memory_space<hbm>> -> memref<200x32xf32, #tpu.memory_space<hbm>>
        %dma_start3A_79 = arith.constant 32 : i32
        %dma_start3A_80 = tpu.memref_slice %arg2[%add3A_77, %dma_start3A_79] : memref<800000x128xf32, #tpu.memory_space<hbm>> -> memref<200x32xf32, #tpu.memory_space<hbm>>
        tpu.enqueue_dma source(%dma_start3A_80 : memref<200x32xf32, #tpu.memory_space<hbm>>) target(%arg7 : memref<200x32xf32, #tpu.memory_space<vmem>>) target_semaphore(%run_scoped3A : memref<!tpu.dma_semaphore, #tpu.memory_space<semaphore_mem>>)
        %dma_wait3A = arith.constant 32 : i32
        %dma_wait3A_81 = tpu.memref_slice %arg2[%add3A_77, %dma_wait3A] : memref<800000x128xf32, #tpu.memory_space<hbm>> -> memref<200x32xf32, #tpu.memory_space<hbm>>
        %dma_wait3A_82 = arith.constant 32 : i32
        %dma_wait3A_83 = tpu.memref_slice %arg2[%add3A_77, %dma_wait3A_82] : memref<800000x128xf32, #tpu.memory_space<hbm>> -> memref<200x32xf32, #tpu.memory_space<hbm>>
        tpu.wait_dma2 semaphore(%run_scoped3A : memref<!tpu.dma_semaphore, #tpu.memory_space<semaphore_mem>>) src(%dma_wait3A_83 : memref<200x32xf32, #tpu.memory_space<hbm>>) dst(%arg7 : memref<200x32xf32, #tpu.memory_space<vmem>>)
        tpu.yield
      }) : () -> ()
      "tpu.region"() ({
        %run_scoped3A = tpu.sem_alloc : memref<!tpu.dma_semaphore, #tpu.memory_space<semaphore_mem>>
        %dma_start3A = arith.constant 0 : i32
        %dma_start3A_78 = arith.constant 0 : i32
        %dma_start3A_79 = tpu.memref_slice %arg8[%dma_start3A, %dma_start3A_78] : memref<50000x32xf32, #tpu.memory_space<vmem_shared>> -> memref<50000x32xf32, #tpu.memory_space<vmem_shared>>
        tpu.enqueue_indirect_dma source(%arg7 : memref<200x32xf32, #tpu.memory_space<vmem>>) target(%dma_start3A_79 : memref<50000x32xf32, #tpu.memory_space<vmem_shared>>) offsets(%arg6 : memref<200xi32, #tpu.memory_space<vmem>>) semaphore(%run_scoped3A : memref<!tpu.dma_semaphore, #tpu.memory_space<semaphore_mem>>) {add = true}
        %dma_wait3A = arith.constant 0 : i32
        %dma_wait3A_80 = arith.constant 0 : i32
        %dma_wait3A_81 = tpu.memref_slice %arg8[%dma_wait3A, %dma_wait3A_80] : memref<50000x32xf32, #tpu.memory_space<vmem_shared>> -> memref<50000x32xf32, #tpu.memory_space<vmem_shared>>
        tpu.wait_indirect_dma semaphore(%run_scoped3A : memref<!tpu.dma_semaphore, #tpu.memory_space<semaphore_mem>>) src(%arg7 : memref<200x32xf32, #tpu.memory_space<vmem>>) dst(%dma_wait3A_81 : memref<50000x32xf32, #tpu.memory_space<vmem_shared>>)
        tpu.yield
      }) : () -> ()
    }
    %scan3A_28 = arith.constant 125 : i32
    %barrier3A_29 = arith.constant 0 : index
    tpu.barrier barrier_id(%barrier3A_29)
    %eq3A_30 = arith.constant 0 : i32
    %eq3A_31 = arith.cmpi eq, %arg1, %eq3A_30 : i32
    %convert_element_type3A_32 = arith.extui %eq3A_31 : i1 to i32
    %cond3A_33 = arith.constant 0 : i32
    %cond3A_34 = arith.cmpi ne, %convert_element_type3A_32, %cond3A_33 : i32
    scf.if %cond3A_34 {
      %run_scoped3A = arith.constant 1 : i32
      "tpu.region"() ({
        %run_scoped3A_74 = tpu.sem_alloc : memref<!tpu.dma_semaphore, #tpu.memory_space<semaphore_mem>>
        %dma_start3A = arith.constant 0 : i32
        %dma_start3A_75 = arith.constant 0 : i32
        %dma_start3A_76 = tpu.memref_slice %arg5[%run_scoped3A, %arg0, %dma_start3A, %dma_start3A_75] : memref<4x2x50000x32xf32, #tpu.memory_space<hbm>> -> memref<1x1x50000x32xf32, #tpu.memory_space<hbm>>
        %dma_start3A_77 = tpu.memref_squeeze %dma_start3A_76 : memref<1x1x50000x32xf32, #tpu.memory_space<hbm>> -> memref<50000x32xf32, #tpu.memory_space<hbm>>
        tpu.enqueue_dma source(%arg8 : memref<50000x32xf32, #tpu.memory_space<vmem_shared>>) target(%dma_start3A_77 : memref<50000x32xf32, #tpu.memory_space<hbm>>) target_semaphore(%run_scoped3A_74 : memref<!tpu.dma_semaphore, #tpu.memory_space<semaphore_mem>>)
        %dma_wait3A = arith.constant 0 : i32
        %dma_wait3A_78 = arith.constant 0 : i32
        %dma_wait3A_79 = tpu.memref_slice %arg5[%run_scoped3A, %arg0, %dma_wait3A, %dma_wait3A_78] : memref<4x2x50000x32xf32, #tpu.memory_space<hbm>> -> memref<1x1x50000x32xf32, #tpu.memory_space<hbm>>
        %dma_wait3A_80 = tpu.memref_squeeze %dma_wait3A_79 : memref<1x1x50000x32xf32, #tpu.memory_space<hbm>> -> memref<50000x32xf32, #tpu.memory_space<hbm>>
        tpu.wait_dma2 semaphore(%run_scoped3A_74 : memref<!tpu.dma_semaphore, #tpu.memory_space<semaphore_mem>>) src(%arg8 : memref<50000x32xf32, #tpu.memory_space<vmem_shared>>) dst(%dma_wait3A_80 : memref<50000x32xf32, #tpu.memory_space<hbm>>)
        tpu.yield
      }) : () -> ()
    } else {
    }
    %barrier3A_35 = arith.constant 0 : index
    tpu.barrier barrier_id(%barrier3A_35)
    %eq3A_36 = arith.constant 0 : i32
    %eq3A_37 = arith.cmpi eq, %arg1, %eq3A_36 : i32
    %convert_element_type3A_38 = arith.extui %eq3A_37 : i1 to i32
    %cond3A_39 = arith.constant 0 : i32
    %cond3A_40 = arith.cmpi ne, %convert_element_type3A_38, %cond3A_39 : i32
    scf.if %cond3A_40 {
      "tpu.region"() ({
        %run_scoped3A = tpu.sem_alloc : memref<!tpu.dma_semaphore, #tpu.memory_space<semaphore_mem>>
        tpu.enqueue_dma source(%arg4 : memref<50000x32xf32, #tpu.memory_space<hbm>>) target(%arg8 : memref<50000x32xf32, #tpu.memory_space<vmem_shared>>) target_semaphore(%run_scoped3A : memref<!tpu.dma_semaphore, #tpu.memory_space<semaphore_mem>>)
        tpu.wait_dma2 semaphore(%run_scoped3A : memref<!tpu.dma_semaphore, #tpu.memory_space<semaphore_mem>>) src(%arg4 : memref<50000x32xf32, #tpu.memory_space<hbm>>) dst(%arg8 : memref<50000x32xf32, #tpu.memory_space<vmem_shared>>)
        tpu.yield
      }) : () -> ()
    } else {
    }
    %barrier3A_41 = arith.constant 0 : index
    tpu.barrier barrier_id(%barrier3A_41)
    %scan3A_42 = arith.constant 0 : i32
    %scan3A_43 = arith.constant 0 : i32
    %scan3A_44 = arith.constant 125 : i32
    %scan3A_45 = arith.addi %scan3A_43, %scan3A_44 : i32
    %scan3A_46 = arith.constant 1 : i32
    scf.for %scan3A_74 = %scan3A_43 to %scan3A_45 step %scan3A_46  : i32 {
      %mul3A_75 = arith.constant 200 : i32
      %mul3A_76 = arith.muli %scan3A_74, %mul3A_75 : i32
      %add3A_77 = arith.addi %mul3A_2, %mul3A_76 : i32
      "tpu.region"() ({
        %run_scoped3A = tpu.sem_alloc : memref<!tpu.dma_semaphore, #tpu.memory_space<semaphore_mem>>
        %dma_start3A = tpu.memref_slice %arg3[%add3A_77] : memref<800000xi32, #tpu.memory_space<hbm>> -> memref<200xi32, #tpu.memory_space<hbm>>
        %dma_start3A_78 = tpu.memref_slice %arg3[%add3A_77] : memref<800000xi32, #tpu.memory_space<hbm>> -> memref<200xi32, #tpu.memory_space<hbm>>
        tpu.enqueue_dma source(%dma_start3A_78 : memref<200xi32, #tpu.memory_space<hbm>>) target(%arg6 : memref<200xi32, #tpu.memory_space<vmem>>) target_semaphore(%run_scoped3A : memref<!tpu.dma_semaphore, #tpu.memory_space<semaphore_mem>>)
        %dma_wait3A = tpu.memref_slice %arg3[%add3A_77] : memref<800000xi32, #tpu.memory_space<hbm>> -> memref<200xi32, #tpu.memory_space<hbm>>
        %dma_wait3A_79 = tpu.memref_slice %arg3[%add3A_77] : memref<800000xi32, #tpu.memory_space<hbm>> -> memref<200xi32, #tpu.memory_space<hbm>>
        tpu.wait_dma2 semaphore(%run_scoped3A : memref<!tpu.dma_semaphore, #tpu.memory_space<semaphore_mem>>) src(%dma_wait3A_79 : memref<200xi32, #tpu.memory_space<hbm>>) dst(%arg6 : memref<200xi32, #tpu.memory_space<vmem>>)
        tpu.yield
      }) : () -> ()
      "tpu.region"() ({
        %run_scoped3A = tpu.sem_alloc : memref<!tpu.dma_semaphore, #tpu.memory_space<semaphore_mem>>
        %dma_start3A = arith.constant 64 : i32
        %dma_start3A_78 = tpu.memref_slice %arg2[%add3A_77, %dma_start3A] : memref<800000x128xf32, #tpu.memory_space<hbm>> -> memref<200x32xf32, #tpu.memory_space<hbm>>
        %dma_start3A_79 = arith.constant 64 : i32
        %dma_start3A_80 = tpu.memref_slice %arg2[%add3A_77, %dma_start3A_79] : memref<800000x128xf32, #tpu.memory_space<hbm>> -> memref<200x32xf32, #tpu.memory_space<hbm>>
        tpu.enqueue_dma source(%dma_start3A_80 : memref<200x32xf32, #tpu.memory_space<hbm>>) target(%arg7 : memref<200x32xf32, #tpu.memory_space<vmem>>) target_semaphore(%run_scoped3A : memref<!tpu.dma_semaphore, #tpu.memory_space<semaphore_mem>>)
        %dma_wait3A = arith.constant 64 : i32
        %dma_wait3A_81 = tpu.memref_slice %arg2[%add3A_77, %dma_wait3A] : memref<800000x128xf32, #tpu.memory_space<hbm>> -> memref<200x32xf32, #tpu.memory_space<hbm>>
        %dma_wait3A_82 = arith.constant 64 : i32
        %dma_wait3A_83 = tpu.memref_slice %arg2[%add3A_77, %dma_wait3A_82] : memref<800000x128xf32, #tpu.memory_space<hbm>> -> memref<200x32xf32, #tpu.memory_space<hbm>>
        tpu.wait_dma2 semaphore(%run_scoped3A : memref<!tpu.dma_semaphore, #tpu.memory_space<semaphore_mem>>) src(%dma_wait3A_83 : memref<200x32xf32, #tpu.memory_space<hbm>>) dst(%arg7 : memref<200x32xf32, #tpu.memory_space<vmem>>)
        tpu.yield
      }) : () -> ()
      "tpu.region"() ({
        %run_scoped3A = tpu.sem_alloc : memref<!tpu.dma_semaphore, #tpu.memory_space<semaphore_mem>>
        %dma_start3A = arith.constant 0 : i32
        %dma_start3A_78 = arith.constant 0 : i32
        %dma_start3A_79 = tpu.memref_slice %arg8[%dma_start3A, %dma_start3A_78] : memref<50000x32xf32, #tpu.memory_space<vmem_shared>> -> memref<50000x32xf32, #tpu.memory_space<vmem_shared>>
        tpu.enqueue_indirect_dma source(%arg7 : memref<200x32xf32, #tpu.memory_space<vmem>>) target(%dma_start3A_79 : memref<50000x32xf32, #tpu.memory_space<vmem_shared>>) offsets(%arg6 : memref<200xi32, #tpu.memory_space<vmem>>) semaphore(%run_scoped3A : memref<!tpu.dma_semaphore, #tpu.memory_space<semaphore_mem>>) {add = true}
        %dma_wait3A = arith.constant 0 : i32
        %dma_wait3A_80 = arith.constant 0 : i32
        %dma_wait3A_81 = tpu.memref_slice %arg8[%dma_wait3A, %dma_wait3A_80] : memref<50000x32xf32, #tpu.memory_space<vmem_shared>> -> memref<50000x32xf32, #tpu.memory_space<vmem_shared>>
        tpu.wait_indirect_dma semaphore(%run_scoped3A : memref<!tpu.dma_semaphore, #tpu.memory_space<semaphore_mem>>) src(%arg7 : memref<200x32xf32, #tpu.memory_space<vmem>>) dst(%dma_wait3A_81 : memref<50000x32xf32, #tpu.memory_space<vmem_shared>>)
        tpu.yield
      }) : () -> ()
    }
    %scan3A_47 = arith.constant 125 : i32
    %barrier3A_48 = arith.constant 0 : index
    tpu.barrier barrier_id(%barrier3A_48)
    %eq3A_49 = arith.constant 0 : i32
    %eq3A_50 = arith.cmpi eq, %arg1, %eq3A_49 : i32
    %convert_element_type3A_51 = arith.extui %eq3A_50 : i1 to i32
    %cond3A_52 = arith.constant 0 : i32
    %cond3A_53 = arith.cmpi ne, %convert_element_type3A_51, %cond3A_52 : i32
    scf.if %cond3A_53 {
      %run_scoped3A = arith.constant 2 : i32
      "tpu.region"() ({
        %run_scoped3A_74 = tpu.sem_alloc : memref<!tpu.dma_semaphore, #tpu.memory_space<semaphore_mem>>
        %dma_start3A = arith.constant 0 : i32
        %dma_start3A_75 = arith.constant 0 : i32
        %dma_start3A_76 = tpu.memref_slice %arg5[%run_scoped3A, %arg0, %dma_start3A, %dma_start3A_75] : memref<4x2x50000x32xf32, #tpu.memory_space<hbm>> -> memref<1x1x50000x32xf32, #tpu.memory_space<hbm>>
        %dma_start3A_77 = tpu.memref_squeeze %dma_start3A_76 : memref<1x1x50000x32xf32, #tpu.memory_space<hbm>> -> memref<50000x32xf32, #tpu.memory_space<hbm>>
        tpu.enqueue_dma source(%arg8 : memref<50000x32xf32, #tpu.memory_space<vmem_shared>>) target(%dma_start3A_77 : memref<50000x32xf32, #tpu.memory_space<hbm>>) target_semaphore(%run_scoped3A_74 : memref<!tpu.dma_semaphore, #tpu.memory_space<semaphore_mem>>)
        %dma_wait3A = arith.constant 0 : i32
        %dma_wait3A_78 = arith.constant 0 : i32
        %dma_wait3A_79 = tpu.memref_slice %arg5[%run_scoped3A, %arg0, %dma_wait3A, %dma_wait3A_78] : memref<4x2x50000x32xf32, #tpu.memory_space<hbm>> -> memref<1x1x50000x32xf32, #tpu.memory_space<hbm>>
        %dma_wait3A_80 = tpu.memref_squeeze %dma_wait3A_79 : memref<1x1x50000x32xf32, #tpu.memory_space<hbm>> -> memref<50000x32xf32, #tpu.memory_space<hbm>>
        tpu.wait_dma2 semaphore(%run_scoped3A_74 : memref<!tpu.dma_semaphore, #tpu.memory_space<semaphore_mem>>) src(%arg8 : memref<50000x32xf32, #tpu.memory_space<vmem_shared>>) dst(%dma_wait3A_80 : memref<50000x32xf32, #tpu.memory_space<hbm>>)
        tpu.yield
      }) : () -> ()
    } else {
    }
    %barrier3A_54 = arith.constant 0 : index
    tpu.barrier barrier_id(%barrier3A_54)
    %eq3A_55 = arith.constant 0 : i32
    %eq3A_56 = arith.cmpi eq, %arg1, %eq3A_55 : i32
    %convert_element_type3A_57 = arith.extui %eq3A_56 : i1 to i32
    %cond3A_58 = arith.constant 0 : i32
    %cond3A_59 = arith.cmpi ne, %convert_element_type3A_57, %cond3A_58 : i32
    scf.if %cond3A_59 {
      "tpu.region"() ({
        %run_scoped3A = tpu.sem_alloc : memref<!tpu.dma_semaphore, #tpu.memory_space<semaphore_mem>>
        tpu.enqueue_dma source(%arg4 : memref<50000x32xf32, #tpu.memory_space<hbm>>) target(%arg8 : memref<50000x32xf32, #tpu.memory_space<vmem_shared>>) target_semaphore(%run_scoped3A : memref<!tpu.dma_semaphore, #tpu.memory_space<semaphore_mem>>)
        tpu.wait_dma2 semaphore(%run_scoped3A : memref<!tpu.dma_semaphore, #tpu.memory_space<semaphore_mem>>) src(%arg4 : memref<50000x32xf32, #tpu.memory_space<hbm>>) dst(%arg8 : memref<50000x32xf32, #tpu.memory_space<vmem_shared>>)
        tpu.yield
      }) : () -> ()
    } else {
    }
    %barrier3A_60 = arith.constant 0 : index
    tpu.barrier barrier_id(%barrier3A_60)
    %scan3A_61 = arith.constant 0 : i32
    %scan3A_62 = arith.constant 0 : i32
    %scan3A_63 = arith.constant 125 : i32
    %scan3A_64 = arith.addi %scan3A_62, %scan3A_63 : i32
    %scan3A_65 = arith.constant 1 : i32
    scf.for %scan3A_74 = %scan3A_62 to %scan3A_64 step %scan3A_65  : i32 {
      %mul3A_75 = arith.constant 200 : i32
      %mul3A_76 = arith.muli %scan3A_74, %mul3A_75 : i32
      %add3A_77 = arith.addi %mul3A_2, %mul3A_76 : i32
      "tpu.region"() ({
        %run_scoped3A = tpu.sem_alloc : memref<!tpu.dma_semaphore, #tpu.memory_space<semaphore_mem>>
        %dma_start3A = tpu.memref_slice %arg3[%add3A_77] : memref<800000xi32, #tpu.memory_space<hbm>> -> memref<200xi32, #tpu.memory_space<hbm>>
        %dma_start3A_78 = tpu.memref_slice %arg3[%add3A_77] : memref<800000xi32, #tpu.memory_space<hbm>> -> memref<200xi32, #tpu.memory_space<hbm>>
        tpu.enqueue_dma source(%dma_start3A_78 : memref<200xi32, #tpu.memory_space<hbm>>) target(%arg6 : memref<200xi32, #tpu.memory_space<vmem>>) target_semaphore(%run_scoped3A : memref<!tpu.dma_semaphore, #tpu.memory_space<semaphore_mem>>)
        %dma_wait3A = tpu.memref_slice %arg3[%add3A_77] : memref<800000xi32, #tpu.memory_space<hbm>> -> memref<200xi32, #tpu.memory_space<hbm>>
        %dma_wait3A_79 = tpu.memref_slice %arg3[%add3A_77] : memref<800000xi32, #tpu.memory_space<hbm>> -> memref<200xi32, #tpu.memory_space<hbm>>
        tpu.wait_dma2 semaphore(%run_scoped3A : memref<!tpu.dma_semaphore, #tpu.memory_space<semaphore_mem>>) src(%dma_wait3A_79 : memref<200xi32, #tpu.memory_space<hbm>>) dst(%arg6 : memref<200xi32, #tpu.memory_space<vmem>>)
        tpu.yield
      }) : () -> ()
      "tpu.region"() ({
        %run_scoped3A = tpu.sem_alloc : memref<!tpu.dma_semaphore, #tpu.memory_space<semaphore_mem>>
        %dma_start3A = arith.constant 96 : i32
        %dma_start3A_78 = tpu.memref_slice %arg2[%add3A_77, %dma_start3A] : memref<800000x128xf32, #tpu.memory_space<hbm>> -> memref<200x32xf32, #tpu.memory_space<hbm>>
        %dma_start3A_79 = arith.constant 96 : i32
        %dma_start3A_80 = tpu.memref_slice %arg2[%add3A_77, %dma_start3A_79] : memref<800000x128xf32, #tpu.memory_space<hbm>> -> memref<200x32xf32, #tpu.memory_space<hbm>>
        tpu.enqueue_dma source(%dma_start3A_80 : memref<200x32xf32, #tpu.memory_space<hbm>>) target(%arg7 : memref<200x32xf32, #tpu.memory_space<vmem>>) target_semaphore(%run_scoped3A : memref<!tpu.dma_semaphore, #tpu.memory_space<semaphore_mem>>)
        %dma_wait3A = arith.constant 96 : i32
        %dma_wait3A_81 = tpu.memref_slice %arg2[%add3A_77, %dma_wait3A] : memref<800000x128xf32, #tpu.memory_space<hbm>> -> memref<200x32xf32, #tpu.memory_space<hbm>>
        %dma_wait3A_82 = arith.constant 96 : i32
        %dma_wait3A_83 = tpu.memref_slice %arg2[%add3A_77, %dma_wait3A_82] : memref<800000x128xf32, #tpu.memory_space<hbm>> -> memref<200x32xf32, #tpu.memory_space<hbm>>
        tpu.wait_dma2 semaphore(%run_scoped3A : memref<!tpu.dma_semaphore, #tpu.memory_space<semaphore_mem>>) src(%dma_wait3A_83 : memref<200x32xf32, #tpu.memory_space<hbm>>) dst(%arg7 : memref<200x32xf32, #tpu.memory_space<vmem>>)
        tpu.yield
      }) : () -> ()
      "tpu.region"() ({
        %run_scoped3A = tpu.sem_alloc : memref<!tpu.dma_semaphore, #tpu.memory_space<semaphore_mem>>
        %dma_start3A = arith.constant 0 : i32
        %dma_start3A_78 = arith.constant 0 : i32
        %dma_start3A_79 = tpu.memref_slice %arg8[%dma_start3A, %dma_start3A_78] : memref<50000x32xf32, #tpu.memory_space<vmem_shared>> -> memref<50000x32xf32, #tpu.memory_space<vmem_shared>>
        tpu.enqueue_indirect_dma source(%arg7 : memref<200x32xf32, #tpu.memory_space<vmem>>) target(%dma_start3A_79 : memref<50000x32xf32, #tpu.memory_space<vmem_shared>>) offsets(%arg6 : memref<200xi32, #tpu.memory_space<vmem>>) semaphore(%run_scoped3A : memref<!tpu.dma_semaphore, #tpu.memory_space<semaphore_mem>>) {add = true}
        %dma_wait3A = arith.constant 0 : i32
        %dma_wait3A_80 = arith.constant 0 : i32
        %dma_wait3A_81 = tpu.memref_slice %arg8[%dma_wait3A, %dma_wait3A_80] : memref<50000x32xf32, #tpu.memory_space<vmem_shared>> -> memref<50000x32xf32, #tpu.memory_space<vmem_shared>>
        tpu.wait_indirect_dma semaphore(%run_scoped3A : memref<!tpu.dma_semaphore, #tpu.memory_space<semaphore_mem>>) src(%arg7 : memref<200x32xf32, #tpu.memory_space<vmem>>) dst(%dma_wait3A_81 : memref<50000x32xf32, #tpu.memory_space<vmem_shared>>)
        tpu.yield
      }) : () -> ()
    }
    %scan3A_66 = arith.constant 125 : i32
    %barrier3A_67 = arith.constant 0 : index
    tpu.barrier barrier_id(%barrier3A_67)
    %eq3A_68 = arith.constant 0 : i32
    %eq3A_69 = arith.cmpi eq, %arg1, %eq3A_68 : i32
    %convert_element_type3A_70 = arith.extui %eq3A_69 : i1 to i32
    %cond3A_71 = arith.constant 0 : i32
    %cond3A_72 = arith.cmpi ne, %convert_element_type3A_70, %cond3A_71 : i32
    scf.if %cond3A_72 {
      %run_scoped3A = arith.constant 3 : i32
      "tpu.region"() ({
        %run_scoped3A_74 = tpu.sem_alloc : memref<!tpu.dma_semaphore, #tpu.memory_space<semaphore_mem>>
        %dma_start3A = arith.constant 0 : i32
        %dma_start3A_75 = arith.constant 0 : i32
        %dma_start3A_76 = tpu.memref_slice %arg5[%run_scoped3A, %arg0, %dma_start3A, %dma_start3A_75] : memref<4x2x50000x32xf32, #tpu.memory_space<hbm>> -> memref<1x1x50000x32xf32, #tpu.memory_space<hbm>>
        %dma_start3A_77 = tpu.memref_squeeze %dma_start3A_76 : memref<1x1x50000x32xf32, #tpu.memory_space<hbm>> -> memref<50000x32xf32, #tpu.memory_space<hbm>>
        tpu.enqueue_dma source(%arg8 : memref<50000x32xf32, #tpu.memory_space<vmem_shared>>) target(%dma_start3A_77 : memref<50000x32xf32, #tpu.memory_space<hbm>>) target_semaphore(%run_scoped3A_74 : memref<!tpu.dma_semaphore, #tpu.memory_space<semaphore_mem>>)
        %dma_wait3A = arith.constant 0 : i32
        %dma_wait3A_78 = arith.constant 0 : i32
        %dma_wait3A_79 = tpu.memref_slice %arg5[%run_scoped3A, %arg0, %dma_wait3A, %dma_wait3A_78] : memref<4x2x50000x32xf32, #tpu.memory_space<hbm>> -> memref<1x1x50000x32xf32, #tpu.memory_space<hbm>>
        %dma_wait3A_80 = tpu.memref_squeeze %dma_wait3A_79 : memref<1x1x50000x32xf32, #tpu.memory_space<hbm>> -> memref<50000x32xf32, #tpu.memory_space<hbm>>
        tpu.wait_dma2 semaphore(%run_scoped3A_74 : memref<!tpu.dma_semaphore, #tpu.memory_space<semaphore_mem>>) src(%arg8 : memref<50000x32xf32, #tpu.memory_space<vmem_shared>>) dst(%dma_wait3A_80 : memref<50000x32xf32, #tpu.memory_space<hbm>>)
        tpu.yield
      }) : () -> ()
    } else {
    }
    %barrier3A_73 = arith.constant 0 : index
    tpu.barrier barrier_id(%barrier3A_73)
    return
  }
}

#map = affine_map<(d0, d1) -> (0, 0)>
#map1 = affine_map<(d0, d1) -> (0)>
module attributes {stable_mosaic.version = 14 : i64} {
  func.func @_gather2(%arg0: i32, %arg1: i32, %arg2: memref<50000x128xf32, #tpu.memory_space<hbm>>, %arg3: memref<50000x128xf32, #tpu.memory_space<hbm>>, %arg4: memref<800000xi32, #tpu.memory_space<hbm>>, %arg5: memref<800000xi32, #tpu.memory_space<hbm>>, %arg6: memref<800000x128xf32, #tpu.memory_space<hbm>>, %arg7: memref<800000x128xf32, #tpu.memory_space<hbm>>, %arg8: memref<200xi32, #tpu.memory_space<vmem>>, %arg9: memref<200xi32, #tpu.memory_space<vmem>>, %arg10: memref<200x128xf32, #tpu.memory_space<vmem>>, %arg11: memref<200x128xf32, #tpu.memory_space<vmem>>, %arg12: memref<!tpu.dma_semaphore, #tpu.memory_space<semaphore_mem>>, %arg13: memref<!tpu.dma_semaphore, #tpu.memory_space<semaphore_mem>>) attributes {dimension_semantics = [#tpu.dimension_semantics<core_parallel>, #tpu.dimension_semantics<subcore_parallel>], iteration_bounds = array<i64: 2, 16>, scalar_prefetch = 0 : i64, scratch_operands = 6 : i64, tpu.core_type = #tpu.core_type<sc_vector_subcore>, window_params = [{transform_indices = #map}, {transform_indices = #map}, {transform_indices = #map1}, {transform_indices = #map1}, {transform_indices = #map}, {transform_indices = #map}]} {
    %mul3A = arith.constant 2 : i32
    %mul3A_0 = arith.muli %arg1, %mul3A : i32
    %add3A = arith.addi %mul3A_0, %arg0 : i32
    %mul3A_1 = arith.constant 25000 : i32
    %mul3A_2 = arith.muli %add3A, %mul3A_1 : i32
    %scan3A = arith.constant 0 : i32
    %scan3A_3 = arith.constant 0 : i32
    %scan3A_4 = arith.constant 125 : i32
    %scan3A_5 = arith.addi %scan3A_3, %scan3A_4 : i32
    %scan3A_6 = arith.constant 1 : i32
    scf.for %scan3A_8 = %scan3A_3 to %scan3A_5 step %scan3A_6  : i32 {
      %mul3A_9 = arith.constant 200 : i32
      %mul3A_10 = arith.muli %scan3A_8, %mul3A_9 : i32
      %add3A_11 = arith.addi %mul3A_2, %mul3A_10 : i32
      "tpu.region"() ({
        %run_scoped3A = tpu.sem_alloc : memref<!tpu.dma_semaphore, #tpu.memory_space<semaphore_mem>>
        %dma_start3A_22 = tpu.memref_slice %arg4[%add3A_11] : memref<800000xi32, #tpu.memory_space<hbm>> -> memref<200xi32, #tpu.memory_space<hbm>>
        %dma_start3A_23 = tpu.memref_slice %arg4[%add3A_11] : memref<800000xi32, #tpu.memory_space<hbm>> -> memref<200xi32, #tpu.memory_space<hbm>>
        tpu.enqueue_dma source(%dma_start3A_23 : memref<200xi32, #tpu.memory_space<hbm>>) target(%arg8 : memref<200xi32, #tpu.memory_space<vmem>>) target_semaphore(%run_scoped3A : memref<!tpu.dma_semaphore, #tpu.memory_space<semaphore_mem>>)
        %dma_wait3A_24 = tpu.memref_slice %arg4[%add3A_11] : memref<800000xi32, #tpu.memory_space<hbm>> -> memref<200xi32, #tpu.memory_space<hbm>>
        %dma_wait3A_25 = tpu.memref_slice %arg4[%add3A_11] : memref<800000xi32, #tpu.memory_space<hbm>> -> memref<200xi32, #tpu.memory_space<hbm>>
        tpu.wait_dma2 semaphore(%run_scoped3A : memref<!tpu.dma_semaphore, #tpu.memory_space<semaphore_mem>>) src(%dma_wait3A_25 : memref<200xi32, #tpu.memory_space<hbm>>) dst(%arg8 : memref<200xi32, #tpu.memory_space<vmem>>)
        tpu.yield
      }) : () -> ()
      "tpu.region"() ({
        %run_scoped3A = tpu.sem_alloc : memref<!tpu.dma_semaphore, #tpu.memory_space<semaphore_mem>>
        %dma_start3A_22 = tpu.memref_slice %arg5[%add3A_11] : memref<800000xi32, #tpu.memory_space<hbm>> -> memref<200xi32, #tpu.memory_space<hbm>>
        %dma_start3A_23 = tpu.memref_slice %arg5[%add3A_11] : memref<800000xi32, #tpu.memory_space<hbm>> -> memref<200xi32, #tpu.memory_space<hbm>>
        tpu.enqueue_dma source(%dma_start3A_23 : memref<200xi32, #tpu.memory_space<hbm>>) target(%arg9 : memref<200xi32, #tpu.memory_space<vmem>>) target_semaphore(%run_scoped3A : memref<!tpu.dma_semaphore, #tpu.memory_space<semaphore_mem>>)
        %dma_wait3A_24 = tpu.memref_slice %arg5[%add3A_11] : memref<800000xi32, #tpu.memory_space<hbm>> -> memref<200xi32, #tpu.memory_space<hbm>>
        %dma_wait3A_25 = tpu.memref_slice %arg5[%add3A_11] : memref<800000xi32, #tpu.memory_space<hbm>> -> memref<200xi32, #tpu.memory_space<hbm>>
        tpu.wait_dma2 semaphore(%run_scoped3A : memref<!tpu.dma_semaphore, #tpu.memory_space<semaphore_mem>>) src(%dma_wait3A_25 : memref<200xi32, #tpu.memory_space<hbm>>) dst(%arg9 : memref<200xi32, #tpu.memory_space<vmem>>)
        tpu.yield
      }) : () -> ()
      %dma_start3A = arith.constant 0 : i32
      %dma_start3A_12 = arith.constant 0 : i32
      %dma_start3A_13 = tpu.memref_slice %arg2[%dma_start3A, %dma_start3A_12] : memref<50000x128xf32, #tpu.memory_space<hbm>> -> memref<50000x128xf32, #tpu.memory_space<hbm>>
      tpu.enqueue_indirect_dma source(%dma_start3A_13 : memref<50000x128xf32, #tpu.memory_space<hbm>>) target(%arg10 : memref<200x128xf32, #tpu.memory_space<vmem>>) offsets(%arg8 : memref<200xi32, #tpu.memory_space<vmem>>) semaphore(%arg12 : memref<!tpu.dma_semaphore, #tpu.memory_space<semaphore_mem>>)
      %dma_start3A_14 = arith.constant 0 : i32
      %dma_start3A_15 = arith.constant 0 : i32
      %dma_start3A_16 = tpu.memref_slice %arg3[%dma_start3A_14, %dma_start3A_15] : memref<50000x128xf32, #tpu.memory_space<hbm>> -> memref<50000x128xf32, #tpu.memory_space<hbm>>
      tpu.enqueue_indirect_dma source(%dma_start3A_16 : memref<50000x128xf32, #tpu.memory_space<hbm>>) target(%arg11 : memref<200x128xf32, #tpu.memory_space<vmem>>) offsets(%arg9 : memref<200xi32, #tpu.memory_space<vmem>>) semaphore(%arg13 : memref<!tpu.dma_semaphore, #tpu.memory_space<semaphore_mem>>)
      %dma_wait3A = arith.constant 0 : i32
      %dma_wait3A_17 = arith.constant 0 : i32
      %dma_wait3A_18 = tpu.memref_slice %arg2[%dma_wait3A, %dma_wait3A_17] : memref<50000x128xf32, #tpu.memory_space<hbm>> -> memref<50000x128xf32, #tpu.memory_space<hbm>>
      tpu.wait_indirect_dma semaphore(%arg12 : memref<!tpu.dma_semaphore, #tpu.memory_space<semaphore_mem>>) src(%dma_wait3A_18 : memref<50000x128xf32, #tpu.memory_space<hbm>>) dst(%arg10 : memref<200x128xf32, #tpu.memory_space<vmem>>)
      %dma_wait3A_19 = arith.constant 0 : i32
      %dma_wait3A_20 = arith.constant 0 : i32
      %dma_wait3A_21 = tpu.memref_slice %arg3[%dma_wait3A_19, %dma_wait3A_20] : memref<50000x128xf32, #tpu.memory_space<hbm>> -> memref<50000x128xf32, #tpu.memory_space<hbm>>
      tpu.wait_indirect_dma semaphore(%arg13 : memref<!tpu.dma_semaphore, #tpu.memory_space<semaphore_mem>>) src(%dma_wait3A_21 : memref<50000x128xf32, #tpu.memory_space<hbm>>) dst(%arg11 : memref<200x128xf32, #tpu.memory_space<vmem>>)
      "tpu.region"() ({
        %run_scoped3A = tpu.sem_alloc : memref<!tpu.dma_semaphore, #tpu.memory_space<semaphore_mem>>
        %dma_start3A_22 = arith.constant 0 : i32
        %dma_start3A_23 = tpu.memref_slice %arg6[%add3A_11, %dma_start3A_22] : memref<800000x128xf32, #tpu.memory_space<hbm>> -> memref<200x128xf32, #tpu.memory_space<hbm>>
        %dma_start3A_24 = arith.constant 0 : i32
        %dma_start3A_25 = tpu.memref_slice %arg6[%add3A_11, %dma_start3A_24] : memref<800000x128xf32, #tpu.memory_space<hbm>> -> memref<200x128xf32, #tpu.memory_space<hbm>>
        tpu.enqueue_dma source(%arg10 : memref<200x128xf32, #tpu.memory_space<vmem>>) target(%dma_start3A_25 : memref<200x128xf32, #tpu.memory_space<hbm>>) target_semaphore(%run_scoped3A : memref<!tpu.dma_semaphore, #tpu.memory_space<semaphore_mem>>)
        %dma_wait3A_26 = arith.constant 0 : i32
        %dma_wait3A_27 = tpu.memref_slice %arg6[%add3A_11, %dma_wait3A_26] : memref<800000x128xf32, #tpu.memory_space<hbm>> -> memref<200x128xf32, #tpu.memory_space<hbm>>
        %dma_wait3A_28 = arith.constant 0 : i32
        %dma_wait3A_29 = tpu.memref_slice %arg6[%add3A_11, %dma_wait3A_28] : memref<800000x128xf32, #tpu.memory_space<hbm>> -> memref<200x128xf32, #tpu.memory_space<hbm>>
        tpu.wait_dma2 semaphore(%run_scoped3A : memref<!tpu.dma_semaphore, #tpu.memory_space<semaphore_mem>>) src(%arg10 : memref<200x128xf32, #tpu.memory_space<vmem>>) dst(%dma_wait3A_29 : memref<200x128xf32, #tpu.memory_space<hbm>>)
        tpu.yield
      }) : () -> ()
      "tpu.region"() ({
        %run_scoped3A = tpu.sem_alloc : memref<!tpu.dma_semaphore, #tpu.memory_space<semaphore_mem>>
        %dma_start3A_22 = arith.constant 0 : i32
        %dma_start3A_23 = tpu.memref_slice %arg7[%add3A_11, %dma_start3A_22] : memref<800000x128xf32, #tpu.memory_space<hbm>> -> memref<200x128xf32, #tpu.memory_space<hbm>>
        %dma_start3A_24 = arith.constant 0 : i32
        %dma_start3A_25 = tpu.memref_slice %arg7[%add3A_11, %dma_start3A_24] : memref<800000x128xf32, #tpu.memory_space<hbm>> -> memref<200x128xf32, #tpu.memory_space<hbm>>
        tpu.enqueue_dma source(%arg11 : memref<200x128xf32, #tpu.memory_space<vmem>>) target(%dma_start3A_25 : memref<200x128xf32, #tpu.memory_space<hbm>>) target_semaphore(%run_scoped3A : memref<!tpu.dma_semaphore, #tpu.memory_space<semaphore_mem>>)
        %dma_wait3A_26 = arith.constant 0 : i32
        %dma_wait3A_27 = tpu.memref_slice %arg7[%add3A_11, %dma_wait3A_26] : memref<800000x128xf32, #tpu.memory_space<hbm>> -> memref<200x128xf32, #tpu.memory_space<hbm>>
        %dma_wait3A_28 = arith.constant 0 : i32
        %dma_wait3A_29 = tpu.memref_slice %arg7[%add3A_11, %dma_wait3A_28] : memref<800000x128xf32, #tpu.memory_space<hbm>> -> memref<200x128xf32, #tpu.memory_space<hbm>>
        tpu.wait_dma2 semaphore(%run_scoped3A : memref<!tpu.dma_semaphore, #tpu.memory_space<semaphore_mem>>) src(%arg11 : memref<200x128xf32, #tpu.memory_space<vmem>>) dst(%dma_wait3A_29 : memref<200x128xf32, #tpu.memory_space<hbm>>)
        tpu.yield
      }) : () -> ()
    }
    %scan3A_7 = arith.constant 125 : i32
    return
  }
}

#map = affine_map<(d0, d1) -> (0, 0)>
#map1 = affine_map<(d0, d1) -> (0)>
module attributes {stable_mosaic.version = 14 : i64} {
  func.func @_gather2(%arg0: i32, %arg1: i32, %arg2: memref<50000x128xf32, #tpu.memory_space<hbm>>, %arg3: memref<50000x128xf32, #tpu.memory_space<hbm>>, %arg4: memref<800000xi32, #tpu.memory_space<hbm>>, %arg5: memref<800000xi32, #tpu.memory_space<hbm>>, %arg6: memref<800000x128xf32, #tpu.memory_space<hbm>>, %arg7: memref<800000x128xf32, #tpu.memory_space<hbm>>, %arg8: memref<200xi32, #tpu.memory_space<vmem>>, %arg9: memref<200xi32, #tpu.memory_space<vmem>>, %arg10: memref<200x128xf32, #tpu.memory_space<vmem>>, %arg11: memref<200x128xf32, #tpu.memory_space<vmem>>, %arg12: memref<!tpu.dma_semaphore, #tpu.memory_space<semaphore_mem>>, %arg13: memref<!tpu.dma_semaphore, #tpu.memory_space<semaphore_mem>>) attributes {dimension_semantics = [#tpu.dimension_semantics<core_parallel>, #tpu.dimension_semantics<subcore_parallel>], iteration_bounds = array<i64: 2, 16>, scalar_prefetch = 0 : i64, scratch_operands = 6 : i64, tpu.core_type = #tpu.core_type<sc_vector_subcore>, window_params = [{transform_indices = #map}, {transform_indices = #map}, {transform_indices = #map1}, {transform_indices = #map1}, {transform_indices = #map}, {transform_indices = #map}]} {
    %mul3A = arith.constant 2 : i32
    %mul3A_0 = arith.muli %arg1, %mul3A : i32
    %add3A = arith.addi %mul3A_0, %arg0 : i32
    %mul3A_1 = arith.constant 25000 : i32
    %mul3A_2 = arith.muli %add3A, %mul3A_1 : i32
    %scan3A = arith.constant 0 : i32
    %scan3A_3 = arith.constant 0 : i32
    %scan3A_4 = arith.constant 125 : i32
    %scan3A_5 = arith.addi %scan3A_3, %scan3A_4 : i32
    %scan3A_6 = arith.constant 1 : i32
    scf.for %scan3A_8 = %scan3A_3 to %scan3A_5 step %scan3A_6  : i32 {
      %mul3A_9 = arith.constant 200 : i32
      %mul3A_10 = arith.muli %scan3A_8, %mul3A_9 : i32
      %add3A_11 = arith.addi %mul3A_2, %mul3A_10 : i32
      "tpu.region"() ({
        %run_scoped3A = tpu.sem_alloc : memref<!tpu.dma_semaphore, #tpu.memory_space<semaphore_mem>>
        %dma_start3A_22 = tpu.memref_slice %arg4[%add3A_11] : memref<800000xi32, #tpu.memory_space<hbm>> -> memref<200xi32, #tpu.memory_space<hbm>>
        %dma_start3A_23 = tpu.memref_slice %arg4[%add3A_11] : memref<800000xi32, #tpu.memory_space<hbm>> -> memref<200xi32, #tpu.memory_space<hbm>>
        tpu.enqueue_dma source(%dma_start3A_23 : memref<200xi32, #tpu.memory_space<hbm>>) target(%arg8 : memref<200xi32, #tpu.memory_space<vmem>>) target_semaphore(%run_scoped3A : memref<!tpu.dma_semaphore, #tpu.memory_space<semaphore_mem>>)
        %dma_wait3A_24 = tpu.memref_slice %arg4[%add3A_11] : memref<800000xi32, #tpu.memory_space<hbm>> -> memref<200xi32, #tpu.memory_space<hbm>>
        %dma_wait3A_25 = tpu.memref_slice %arg4[%add3A_11] : memref<800000xi32, #tpu.memory_space<hbm>> -> memref<200xi32, #tpu.memory_space<hbm>>
        tpu.wait_dma2 semaphore(%run_scoped3A : memref<!tpu.dma_semaphore, #tpu.memory_space<semaphore_mem>>) src(%dma_wait3A_25 : memref<200xi32, #tpu.memory_space<hbm>>) dst(%arg8 : memref<200xi32, #tpu.memory_space<vmem>>)
        tpu.yield
      }) : () -> ()
      "tpu.region"() ({
        %run_scoped3A = tpu.sem_alloc : memref<!tpu.dma_semaphore, #tpu.memory_space<semaphore_mem>>
        %dma_start3A_22 = tpu.memref_slice %arg5[%add3A_11] : memref<800000xi32, #tpu.memory_space<hbm>> -> memref<200xi32, #tpu.memory_space<hbm>>
        %dma_start3A_23 = tpu.memref_slice %arg5[%add3A_11] : memref<800000xi32, #tpu.memory_space<hbm>> -> memref<200xi32, #tpu.memory_space<hbm>>
        tpu.enqueue_dma source(%dma_start3A_23 : memref<200xi32, #tpu.memory_space<hbm>>) target(%arg9 : memref<200xi32, #tpu.memory_space<vmem>>) target_semaphore(%run_scoped3A : memref<!tpu.dma_semaphore, #tpu.memory_space<semaphore_mem>>)
        %dma_wait3A_24 = tpu.memref_slice %arg5[%add3A_11] : memref<800000xi32, #tpu.memory_space<hbm>> -> memref<200xi32, #tpu.memory_space<hbm>>
        %dma_wait3A_25 = tpu.memref_slice %arg5[%add3A_11] : memref<800000xi32, #tpu.memory_space<hbm>> -> memref<200xi32, #tpu.memory_space<hbm>>
        tpu.wait_dma2 semaphore(%run_scoped3A : memref<!tpu.dma_semaphore, #tpu.memory_space<semaphore_mem>>) src(%dma_wait3A_25 : memref<200xi32, #tpu.memory_space<hbm>>) dst(%arg9 : memref<200xi32, #tpu.memory_space<vmem>>)
        tpu.yield
      }) : () -> ()
      %dma_start3A = arith.constant 0 : i32
      %dma_start3A_12 = arith.constant 0 : i32
      %dma_start3A_13 = tpu.memref_slice %arg2[%dma_start3A, %dma_start3A_12] : memref<50000x128xf32, #tpu.memory_space<hbm>> -> memref<50000x128xf32, #tpu.memory_space<hbm>>
      tpu.enqueue_indirect_dma source(%dma_start3A_13 : memref<50000x128xf32, #tpu.memory_space<hbm>>) target(%arg10 : memref<200x128xf32, #tpu.memory_space<vmem>>) offsets(%arg8 : memref<200xi32, #tpu.memory_space<vmem>>) semaphore(%arg12 : memref<!tpu.dma_semaphore, #tpu.memory_space<semaphore_mem>>)
      %dma_start3A_14 = arith.constant 0 : i32
      %dma_start3A_15 = arith.constant 0 : i32
      %dma_start3A_16 = tpu.memref_slice %arg3[%dma_start3A_14, %dma_start3A_15] : memref<50000x128xf32, #tpu.memory_space<hbm>> -> memref<50000x128xf32, #tpu.memory_space<hbm>>
      tpu.enqueue_indirect_dma source(%dma_start3A_16 : memref<50000x128xf32, #tpu.memory_space<hbm>>) target(%arg11 : memref<200x128xf32, #tpu.memory_space<vmem>>) offsets(%arg9 : memref<200xi32, #tpu.memory_space<vmem>>) semaphore(%arg13 : memref<!tpu.dma_semaphore, #tpu.memory_space<semaphore_mem>>)
      %dma_wait3A = arith.constant 0 : i32
      %dma_wait3A_17 = arith.constant 0 : i32
      %dma_wait3A_18 = tpu.memref_slice %arg2[%dma_wait3A, %dma_wait3A_17] : memref<50000x128xf32, #tpu.memory_space<hbm>> -> memref<50000x128xf32, #tpu.memory_space<hbm>>
      tpu.wait_indirect_dma semaphore(%arg12 : memref<!tpu.dma_semaphore, #tpu.memory_space<semaphore_mem>>) src(%dma_wait3A_18 : memref<50000x128xf32, #tpu.memory_space<hbm>>) dst(%arg10 : memref<200x128xf32, #tpu.memory_space<vmem>>)
      %dma_wait3A_19 = arith.constant 0 : i32
      %dma_wait3A_20 = arith.constant 0 : i32
      %dma_wait3A_21 = tpu.memref_slice %arg3[%dma_wait3A_19, %dma_wait3A_20] : memref<50000x128xf32, #tpu.memory_space<hbm>> -> memref<50000x128xf32, #tpu.memory_space<hbm>>
      tpu.wait_indirect_dma semaphore(%arg13 : memref<!tpu.dma_semaphore, #tpu.memory_space<semaphore_mem>>) src(%dma_wait3A_21 : memref<50000x128xf32, #tpu.memory_space<hbm>>) dst(%arg11 : memref<200x128xf32, #tpu.memory_space<vmem>>)
      "tpu.region"() ({
        %run_scoped3A = tpu.sem_alloc : memref<!tpu.dma_semaphore, #tpu.memory_space<semaphore_mem>>
        %dma_start3A_22 = arith.constant 0 : i32
        %dma_start3A_23 = tpu.memref_slice %arg6[%add3A_11, %dma_start3A_22] : memref<800000x128xf32, #tpu.memory_space<hbm>> -> memref<200x128xf32, #tpu.memory_space<hbm>>
        %dma_start3A_24 = arith.constant 0 : i32
        %dma_start3A_25 = tpu.memref_slice %arg6[%add3A_11, %dma_start3A_24] : memref<800000x128xf32, #tpu.memory_space<hbm>> -> memref<200x128xf32, #tpu.memory_space<hbm>>
        tpu.enqueue_dma source(%arg10 : memref<200x128xf32, #tpu.memory_space<vmem>>) target(%dma_start3A_25 : memref<200x128xf32, #tpu.memory_space<hbm>>) target_semaphore(%run_scoped3A : memref<!tpu.dma_semaphore, #tpu.memory_space<semaphore_mem>>)
        %dma_wait3A_26 = arith.constant 0 : i32
        %dma_wait3A_27 = tpu.memref_slice %arg6[%add3A_11, %dma_wait3A_26] : memref<800000x128xf32, #tpu.memory_space<hbm>> -> memref<200x128xf32, #tpu.memory_space<hbm>>
        %dma_wait3A_28 = arith.constant 0 : i32
        %dma_wait3A_29 = tpu.memref_slice %arg6[%add3A_11, %dma_wait3A_28] : memref<800000x128xf32, #tpu.memory_space<hbm>> -> memref<200x128xf32, #tpu.memory_space<hbm>>
        tpu.wait_dma2 semaphore(%run_scoped3A : memref<!tpu.dma_semaphore, #tpu.memory_space<semaphore_mem>>) src(%arg10 : memref<200x128xf32, #tpu.memory_space<vmem>>) dst(%dma_wait3A_29 : memref<200x128xf32, #tpu.memory_space<hbm>>)
        tpu.yield
      }) : () -> ()
      "tpu.region"() ({
        %run_scoped3A = tpu.sem_alloc : memref<!tpu.dma_semaphore, #tpu.memory_space<semaphore_mem>>
        %dma_start3A_22 = arith.constant 0 : i32
        %dma_start3A_23 = tpu.memref_slice %arg7[%add3A_11, %dma_start3A_22] : memref<800000x128xf32, #tpu.memory_space<hbm>> -> memref<200x128xf32, #tpu.memory_space<hbm>>
        %dma_start3A_24 = arith.constant 0 : i32
        %dma_start3A_25 = tpu.memref_slice %arg7[%add3A_11, %dma_start3A_24] : memref<800000x128xf32, #tpu.memory_space<hbm>> -> memref<200x128xf32, #tpu.memory_space<hbm>>
        tpu.enqueue_dma source(%arg11 : memref<200x128xf32, #tpu.memory_space<vmem>>) target(%dma_start3A_25 : memref<200x128xf32, #tpu.memory_space<hbm>>) target_semaphore(%run_scoped3A : memref<!tpu.dma_semaphore, #tpu.memory_space<semaphore_mem>>)
        %dma_wait3A_26 = arith.constant 0 : i32
        %dma_wait3A_27 = tpu.memref_slice %arg7[%add3A_11, %dma_wait3A_26] : memref<800000x128xf32, #tpu.memory_space<hbm>> -> memref<200x128xf32, #tpu.memory_space<hbm>>
        %dma_wait3A_28 = arith.constant 0 : i32
        %dma_wait3A_29 = tpu.memref_slice %arg7[%add3A_11, %dma_wait3A_28] : memref<800000x128xf32, #tpu.memory_space<hbm>> -> memref<200x128xf32, #tpu.memory_space<hbm>>
        tpu.wait_dma2 semaphore(%run_scoped3A : memref<!tpu.dma_semaphore, #tpu.memory_space<semaphore_mem>>) src(%arg11 : memref<200x128xf32, #tpu.memory_space<vmem>>) dst(%dma_wait3A_29 : memref<200x128xf32, #tpu.memory_space<hbm>>)
        tpu.yield
      }) : () -> ()
    }
    %scan3A_7 = arith.constant 125 : i32
    return
  }
}

#map = affine_map<(d0, d1) -> (0, 0)>
#map1 = affine_map<(d0, d1) -> (0)>
#map2 = affine_map<(d0, d1) -> (0, 0, 0, 0)>
module attributes {stable_mosaic.version = 14 : i64} {
  func.func @_scatter(%arg0: i32, %arg1: i32, %arg2: memref<800000x128xf32, #tpu.memory_space<hbm>>, %arg3: memref<800000xi32, #tpu.memory_space<hbm>>, %arg4: memref<50000x32xf32, #tpu.memory_space<hbm>>, %arg5: memref<4x2x50000x32xf32, #tpu.memory_space<hbm>>, %arg6: memref<200xi32, #tpu.memory_space<vmem>>, %arg7: memref<200x32xf32, #tpu.memory_space<vmem>>, %arg8: memref<50000x32xf32, #tpu.memory_space<vmem_shared>>) attributes {dimension_semantics = [#tpu.dimension_semantics<core_parallel>, #tpu.dimension_semantics<subcore_parallel>], iteration_bounds = array<i64: 2, 16>, scalar_prefetch = 0 : i64, scratch_operands = 3 : i64, tpu.core_type = #tpu.core_type<sc_vector_subcore>, window_params = [{transform_indices = #map}, {transform_indices = #map1}, {transform_indices = #map}, {transform_indices = #map2}]} {
    %mul3A = arith.constant 16 : i32
    %mul3A_0 = arith.muli %arg0, %mul3A : i32
    %add3A = arith.addi %mul3A_0, %arg1 : i32
    %mul3A_1 = arith.constant 25000 : i32
    %mul3A_2 = arith.muli %add3A, %mul3A_1 : i32
    %eq3A = arith.constant 0 : i32
    %eq3A_3 = arith.cmpi eq, %arg1, %eq3A : i32
    %convert_element_type3A = arith.extui %eq3A_3 : i1 to i32
    %cond3A = arith.constant 0 : i32
    %cond3A_4 = arith.cmpi ne, %convert_element_type3A, %cond3A : i32
    scf.if %cond3A_4 {
      "tpu.region"() ({
        %run_scoped3A = tpu.sem_alloc : memref<!tpu.dma_semaphore, #tpu.memory_space<semaphore_mem>>
        tpu.enqueue_dma source(%arg4 : memref<50000x32xf32, #tpu.memory_space<hbm>>) target(%arg8 : memref<50000x32xf32, #tpu.memory_space<vmem_shared>>) target_semaphore(%run_scoped3A : memref<!tpu.dma_semaphore, #tpu.memory_space<semaphore_mem>>)
        tpu.wait_dma2 semaphore(%run_scoped3A : memref<!tpu.dma_semaphore, #tpu.memory_space<semaphore_mem>>) src(%arg4 : memref<50000x32xf32, #tpu.memory_space<hbm>>) dst(%arg8 : memref<50000x32xf32, #tpu.memory_space<vmem_shared>>)
        tpu.yield
      }) : () -> ()
    } else {
    }
    %barrier3A = arith.constant 0 : index
    tpu.barrier barrier_id(%barrier3A)
    %scan3A = arith.constant 0 : i32
    %scan3A_5 = arith.constant 0 : i32
    %scan3A_6 = arith.constant 125 : i32
    %scan3A_7 = arith.addi %scan3A_5, %scan3A_6 : i32
    %scan3A_8 = arith.constant 1 : i32
    scf.for %scan3A_74 = %scan3A_5 to %scan3A_7 step %scan3A_8  : i32 {
      %mul3A_75 = arith.constant 200 : i32
      %mul3A_76 = arith.muli %scan3A_74, %mul3A_75 : i32
      %add3A_77 = arith.addi %mul3A_2, %mul3A_76 : i32
      "tpu.region"() ({
        %run_scoped3A = tpu.sem_alloc : memref<!tpu.dma_semaphore, #tpu.memory_space<semaphore_mem>>
        %dma_start3A = tpu.memref_slice %arg3[%add3A_77] : memref<800000xi32, #tpu.memory_space<hbm>> -> memref<200xi32, #tpu.memory_space<hbm>>
        %dma_start3A_78 = tpu.memref_slice %arg3[%add3A_77] : memref<800000xi32, #tpu.memory_space<hbm>> -> memref<200xi32, #tpu.memory_space<hbm>>
        tpu.enqueue_dma source(%dma_start3A_78 : memref<200xi32, #tpu.memory_space<hbm>>) target(%arg6 : memref<200xi32, #tpu.memory_space<vmem>>) target_semaphore(%run_scoped3A : memref<!tpu.dma_semaphore, #tpu.memory_space<semaphore_mem>>)
        %dma_wait3A = tpu.memref_slice %arg3[%add3A_77] : memref<800000xi32, #tpu.memory_space<hbm>> -> memref<200xi32, #tpu.memory_space<hbm>>
        %dma_wait3A_79 = tpu.memref_slice %arg3[%add3A_77] : memref<800000xi32, #tpu.memory_space<hbm>> -> memref<200xi32, #tpu.memory_space<hbm>>
        tpu.wait_dma2 semaphore(%run_scoped3A : memref<!tpu.dma_semaphore, #tpu.memory_space<semaphore_mem>>) src(%dma_wait3A_79 : memref<200xi32, #tpu.memory_space<hbm>>) dst(%arg6 : memref<200xi32, #tpu.memory_space<vmem>>)
        tpu.yield
      }) : () -> ()
      "tpu.region"() ({
        %run_scoped3A = tpu.sem_alloc : memref<!tpu.dma_semaphore, #tpu.memory_space<semaphore_mem>>
        %dma_start3A = arith.constant 0 : i32
        %dma_start3A_78 = tpu.memref_slice %arg2[%add3A_77, %dma_start3A] : memref<800000x128xf32, #tpu.memory_space<hbm>> -> memref<200x32xf32, #tpu.memory_space<hbm>>
        %dma_start3A_79 = arith.constant 0 : i32
        %dma_start3A_80 = tpu.memref_slice %arg2[%add3A_77, %dma_start3A_79] : memref<800000x128xf32, #tpu.memory_space<hbm>> -> memref<200x32xf32, #tpu.memory_space<hbm>>
        tpu.enqueue_dma source(%dma_start3A_80 : memref<200x32xf32, #tpu.memory_space<hbm>>) target(%arg7 : memref<200x32xf32, #tpu.memory_space<vmem>>) target_semaphore(%run_scoped3A : memref<!tpu.dma_semaphore, #tpu.memory_space<semaphore_mem>>)
        %dma_wait3A = arith.constant 0 : i32
        %dma_wait3A_81 = tpu.memref_slice %arg2[%add3A_77, %dma_wait3A] : memref<800000x128xf32, #tpu.memory_space<hbm>> -> memref<200x32xf32, #tpu.memory_space<hbm>>
        %dma_wait3A_82 = arith.constant 0 : i32
        %dma_wait3A_83 = tpu.memref_slice %arg2[%add3A_77, %dma_wait3A_82] : memref<800000x128xf32, #tpu.memory_space<hbm>> -> memref<200x32xf32, #tpu.memory_space<hbm>>
        tpu.wait_dma2 semaphore(%run_scoped3A : memref<!tpu.dma_semaphore, #tpu.memory_space<semaphore_mem>>) src(%dma_wait3A_83 : memref<200x32xf32, #tpu.memory_space<hbm>>) dst(%arg7 : memref<200x32xf32, #tpu.memory_space<vmem>>)
        tpu.yield
      }) : () -> ()
      "tpu.region"() ({
        %run_scoped3A = tpu.sem_alloc : memref<!tpu.dma_semaphore, #tpu.memory_space<semaphore_mem>>
        %dma_start3A = arith.constant 0 : i32
        %dma_start3A_78 = arith.constant 0 : i32
        %dma_start3A_79 = tpu.memref_slice %arg8[%dma_start3A, %dma_start3A_78] : memref<50000x32xf32, #tpu.memory_space<vmem_shared>> -> memref<50000x32xf32, #tpu.memory_space<vmem_shared>>
        tpu.enqueue_indirect_dma source(%arg7 : memref<200x32xf32, #tpu.memory_space<vmem>>) target(%dma_start3A_79 : memref<50000x32xf32, #tpu.memory_space<vmem_shared>>) offsets(%arg6 : memref<200xi32, #tpu.memory_space<vmem>>) semaphore(%run_scoped3A : memref<!tpu.dma_semaphore, #tpu.memory_space<semaphore_mem>>) {add = true}
        %dma_wait3A = arith.constant 0 : i32
        %dma_wait3A_80 = arith.constant 0 : i32
        %dma_wait3A_81 = tpu.memref_slice %arg8[%dma_wait3A, %dma_wait3A_80] : memref<50000x32xf32, #tpu.memory_space<vmem_shared>> -> memref<50000x32xf32, #tpu.memory_space<vmem_shared>>
        tpu.wait_indirect_dma semaphore(%run_scoped3A : memref<!tpu.dma_semaphore, #tpu.memory_space<semaphore_mem>>) src(%arg7 : memref<200x32xf32, #tpu.memory_space<vmem>>) dst(%dma_wait3A_81 : memref<50000x32xf32, #tpu.memory_space<vmem_shared>>)
        tpu.yield
      }) : () -> ()
    }
    %scan3A_9 = arith.constant 125 : i32
    %barrier3A_10 = arith.constant 0 : index
    tpu.barrier barrier_id(%barrier3A_10)
    %eq3A_11 = arith.constant 0 : i32
    %eq3A_12 = arith.cmpi eq, %arg1, %eq3A_11 : i32
    %convert_element_type3A_13 = arith.extui %eq3A_12 : i1 to i32
    %cond3A_14 = arith.constant 0 : i32
    %cond3A_15 = arith.cmpi ne, %convert_element_type3A_13, %cond3A_14 : i32
    scf.if %cond3A_15 {
      %run_scoped3A = arith.constant 0 : i32
      "tpu.region"() ({
        %run_scoped3A_74 = tpu.sem_alloc : memref<!tpu.dma_semaphore, #tpu.memory_space<semaphore_mem>>
        %dma_start3A = arith.constant 0 : i32
        %dma_start3A_75 = arith.constant 0 : i32
        %dma_start3A_76 = tpu.memref_slice %arg5[%run_scoped3A, %arg0, %dma_start3A, %dma_start3A_75] : memref<4x2x50000x32xf32, #tpu.memory_space<hbm>> -> memref<1x1x50000x32xf32, #tpu.memory_space<hbm>>
        %dma_start3A_77 = tpu.memref_squeeze %dma_start3A_76 : memref<1x1x50000x32xf32, #tpu.memory_space<hbm>> -> memref<50000x32xf32, #tpu.memory_space<hbm>>
        tpu.enqueue_dma source(%arg8 : memref<50000x32xf32, #tpu.memory_space<vmem_shared>>) target(%dma_start3A_77 : memref<50000x32xf32, #tpu.memory_space<hbm>>) target_semaphore(%run_scoped3A_74 : memref<!tpu.dma_semaphore, #tpu.memory_space<semaphore_mem>>)
        %dma_wait3A = arith.constant 0 : i32
        %dma_wait3A_78 = arith.constant 0 : i32
        %dma_wait3A_79 = tpu.memref_slice %arg5[%run_scoped3A, %arg0, %dma_wait3A, %dma_wait3A_78] : memref<4x2x50000x32xf32, #tpu.memory_space<hbm>> -> memref<1x1x50000x32xf32, #tpu.memory_space<hbm>>
        %dma_wait3A_80 = tpu.memref_squeeze %dma_wait3A_79 : memref<1x1x50000x32xf32, #tpu.memory_space<hbm>> -> memref<50000x32xf32, #tpu.memory_space<hbm>>
        tpu.wait_dma2 semaphore(%run_scoped3A_74 : memref<!tpu.dma_semaphore, #tpu.memory_space<semaphore_mem>>) src(%arg8 : memref<50000x32xf32, #tpu.memory_space<vmem_shared>>) dst(%dma_wait3A_80 : memref<50000x32xf32, #tpu.memory_space<hbm>>)
        tpu.yield
      }) : () -> ()
    } else {
    }
    %barrier3A_16 = arith.constant 0 : index
    tpu.barrier barrier_id(%barrier3A_16)
    %eq3A_17 = arith.constant 0 : i32
    %eq3A_18 = arith.cmpi eq, %arg1, %eq3A_17 : i32
    %convert_element_type3A_19 = arith.extui %eq3A_18 : i1 to i32
    %cond3A_20 = arith.constant 0 : i32
    %cond3A_21 = arith.cmpi ne, %convert_element_type3A_19, %cond3A_20 : i32
    scf.if %cond3A_21 {
      "tpu.region"() ({
        %run_scoped3A = tpu.sem_alloc : memref<!tpu.dma_semaphore, #tpu.memory_space<semaphore_mem>>
        tpu.enqueue_dma source(%arg4 : memref<50000x32xf32, #tpu.memory_space<hbm>>) target(%arg8 : memref<50000x32xf32, #tpu.memory_space<vmem_shared>>) target_semaphore(%run_scoped3A : memref<!tpu.dma_semaphore, #tpu.memory_space<semaphore_mem>>)
        tpu.wait_dma2 semaphore(%run_scoped3A : memref<!tpu.dma_semaphore, #tpu.memory_space<semaphore_mem>>) src(%arg4 : memref<50000x32xf32, #tpu.memory_space<hbm>>) dst(%arg8 : memref<50000x32xf32, #tpu.memory_space<vmem_shared>>)
        tpu.yield
      }) : () -> ()
    } else {
    }
    %barrier3A_22 = arith.constant 0 : index
    tpu.barrier barrier_id(%barrier3A_22)
    %scan3A_23 = arith.constant 0 : i32
    %scan3A_24 = arith.constant 0 : i32
    %scan3A_25 = arith.constant 125 : i32
    %scan3A_26 = arith.addi %scan3A_24, %scan3A_25 : i32
    %scan3A_27 = arith.constant 1 : i32
    scf.for %scan3A_74 = %scan3A_24 to %scan3A_26 step %scan3A_27  : i32 {
      %mul3A_75 = arith.constant 200 : i32
      %mul3A_76 = arith.muli %scan3A_74, %mul3A_75 : i32
      %add3A_77 = arith.addi %mul3A_2, %mul3A_76 : i32
      "tpu.region"() ({
        %run_scoped3A = tpu.sem_alloc : memref<!tpu.dma_semaphore, #tpu.memory_space<semaphore_mem>>
        %dma_start3A = tpu.memref_slice %arg3[%add3A_77] : memref<800000xi32, #tpu.memory_space<hbm>> -> memref<200xi32, #tpu.memory_space<hbm>>
        %dma_start3A_78 = tpu.memref_slice %arg3[%add3A_77] : memref<800000xi32, #tpu.memory_space<hbm>> -> memref<200xi32, #tpu.memory_space<hbm>>
        tpu.enqueue_dma source(%dma_start3A_78 : memref<200xi32, #tpu.memory_space<hbm>>) target(%arg6 : memref<200xi32, #tpu.memory_space<vmem>>) target_semaphore(%run_scoped3A : memref<!tpu.dma_semaphore, #tpu.memory_space<semaphore_mem>>)
        %dma_wait3A = tpu.memref_slice %arg3[%add3A_77] : memref<800000xi32, #tpu.memory_space<hbm>> -> memref<200xi32, #tpu.memory_space<hbm>>
        %dma_wait3A_79 = tpu.memref_slice %arg3[%add3A_77] : memref<800000xi32, #tpu.memory_space<hbm>> -> memref<200xi32, #tpu.memory_space<hbm>>
        tpu.wait_dma2 semaphore(%run_scoped3A : memref<!tpu.dma_semaphore, #tpu.memory_space<semaphore_mem>>) src(%dma_wait3A_79 : memref<200xi32, #tpu.memory_space<hbm>>) dst(%arg6 : memref<200xi32, #tpu.memory_space<vmem>>)
        tpu.yield
      }) : () -> ()
      "tpu.region"() ({
        %run_scoped3A = tpu.sem_alloc : memref<!tpu.dma_semaphore, #tpu.memory_space<semaphore_mem>>
        %dma_start3A = arith.constant 32 : i32
        %dma_start3A_78 = tpu.memref_slice %arg2[%add3A_77, %dma_start3A] : memref<800000x128xf32, #tpu.memory_space<hbm>> -> memref<200x32xf32, #tpu.memory_space<hbm>>
        %dma_start3A_79 = arith.constant 32 : i32
        %dma_start3A_80 = tpu.memref_slice %arg2[%add3A_77, %dma_start3A_79] : memref<800000x128xf32, #tpu.memory_space<hbm>> -> memref<200x32xf32, #tpu.memory_space<hbm>>
        tpu.enqueue_dma source(%dma_start3A_80 : memref<200x32xf32, #tpu.memory_space<hbm>>) target(%arg7 : memref<200x32xf32, #tpu.memory_space<vmem>>) target_semaphore(%run_scoped3A : memref<!tpu.dma_semaphore, #tpu.memory_space<semaphore_mem>>)
        %dma_wait3A = arith.constant 32 : i32
        %dma_wait3A_81 = tpu.memref_slice %arg2[%add3A_77, %dma_wait3A] : memref<800000x128xf32, #tpu.memory_space<hbm>> -> memref<200x32xf32, #tpu.memory_space<hbm>>
        %dma_wait3A_82 = arith.constant 32 : i32
        %dma_wait3A_83 = tpu.memref_slice %arg2[%add3A_77, %dma_wait3A_82] : memref<800000x128xf32, #tpu.memory_space<hbm>> -> memref<200x32xf32, #tpu.memory_space<hbm>>
        tpu.wait_dma2 semaphore(%run_scoped3A : memref<!tpu.dma_semaphore, #tpu.memory_space<semaphore_mem>>) src(%dma_wait3A_83 : memref<200x32xf32, #tpu.memory_space<hbm>>) dst(%arg7 : memref<200x32xf32, #tpu.memory_space<vmem>>)
        tpu.yield
      }) : () -> ()
      "tpu.region"() ({
        %run_scoped3A = tpu.sem_alloc : memref<!tpu.dma_semaphore, #tpu.memory_space<semaphore_mem>>
        %dma_start3A = arith.constant 0 : i32
        %dma_start3A_78 = arith.constant 0 : i32
        %dma_start3A_79 = tpu.memref_slice %arg8[%dma_start3A, %dma_start3A_78] : memref<50000x32xf32, #tpu.memory_space<vmem_shared>> -> memref<50000x32xf32, #tpu.memory_space<vmem_shared>>
        tpu.enqueue_indirect_dma source(%arg7 : memref<200x32xf32, #tpu.memory_space<vmem>>) target(%dma_start3A_79 : memref<50000x32xf32, #tpu.memory_space<vmem_shared>>) offsets(%arg6 : memref<200xi32, #tpu.memory_space<vmem>>) semaphore(%run_scoped3A : memref<!tpu.dma_semaphore, #tpu.memory_space<semaphore_mem>>) {add = true}
        %dma_wait3A = arith.constant 0 : i32
        %dma_wait3A_80 = arith.constant 0 : i32
        %dma_wait3A_81 = tpu.memref_slice %arg8[%dma_wait3A, %dma_wait3A_80] : memref<50000x32xf32, #tpu.memory_space<vmem_shared>> -> memref<50000x32xf32, #tpu.memory_space<vmem_shared>>
        tpu.wait_indirect_dma semaphore(%run_scoped3A : memref<!tpu.dma_semaphore, #tpu.memory_space<semaphore_mem>>) src(%arg7 : memref<200x32xf32, #tpu.memory_space<vmem>>) dst(%dma_wait3A_81 : memref<50000x32xf32, #tpu.memory_space<vmem_shared>>)
        tpu.yield
      }) : () -> ()
    }
    %scan3A_28 = arith.constant 125 : i32
    %barrier3A_29 = arith.constant 0 : index
    tpu.barrier barrier_id(%barrier3A_29)
    %eq3A_30 = arith.constant 0 : i32
    %eq3A_31 = arith.cmpi eq, %arg1, %eq3A_30 : i32
    %convert_element_type3A_32 = arith.extui %eq3A_31 : i1 to i32
    %cond3A_33 = arith.constant 0 : i32
    %cond3A_34 = arith.cmpi ne, %convert_element_type3A_32, %cond3A_33 : i32
    scf.if %cond3A_34 {
      %run_scoped3A = arith.constant 1 : i32
      "tpu.region"() ({
        %run_scoped3A_74 = tpu.sem_alloc : memref<!tpu.dma_semaphore, #tpu.memory_space<semaphore_mem>>
        %dma_start3A = arith.constant 0 : i32
        %dma_start3A_75 = arith.constant 0 : i32
        %dma_start3A_76 = tpu.memref_slice %arg5[%run_scoped3A, %arg0, %dma_start3A, %dma_start3A_75] : memref<4x2x50000x32xf32, #tpu.memory_space<hbm>> -> memref<1x1x50000x32xf32, #tpu.memory_space<hbm>>
        %dma_start3A_77 = tpu.memref_squeeze %dma_start3A_76 : memref<1x1x50000x32xf32, #tpu.memory_space<hbm>> -> memref<50000x32xf32, #tpu.memory_space<hbm>>
        tpu.enqueue_dma source(%arg8 : memref<50000x32xf32, #tpu.memory_space<vmem_shared>>) target(%dma_start3A_77 : memref<50000x32xf32, #tpu.memory_space<hbm>>) target_semaphore(%run_scoped3A_74 : memref<!tpu.dma_semaphore, #tpu.memory_space<semaphore_mem>>)
        %dma_wait3A = arith.constant 0 : i32
        %dma_wait3A_78 = arith.constant 0 : i32
        %dma_wait3A_79 = tpu.memref_slice %arg5[%run_scoped3A, %arg0, %dma_wait3A, %dma_wait3A_78] : memref<4x2x50000x32xf32, #tpu.memory_space<hbm>> -> memref<1x1x50000x32xf32, #tpu.memory_space<hbm>>
        %dma_wait3A_80 = tpu.memref_squeeze %dma_wait3A_79 : memref<1x1x50000x32xf32, #tpu.memory_space<hbm>> -> memref<50000x32xf32, #tpu.memory_space<hbm>>
        tpu.wait_dma2 semaphore(%run_scoped3A_74 : memref<!tpu.dma_semaphore, #tpu.memory_space<semaphore_mem>>) src(%arg8 : memref<50000x32xf32, #tpu.memory_space<vmem_shared>>) dst(%dma_wait3A_80 : memref<50000x32xf32, #tpu.memory_space<hbm>>)
        tpu.yield
      }) : () -> ()
    } else {
    }
    %barrier3A_35 = arith.constant 0 : index
    tpu.barrier barrier_id(%barrier3A_35)
    %eq3A_36 = arith.constant 0 : i32
    %eq3A_37 = arith.cmpi eq, %arg1, %eq3A_36 : i32
    %convert_element_type3A_38 = arith.extui %eq3A_37 : i1 to i32
    %cond3A_39 = arith.constant 0 : i32
    %cond3A_40 = arith.cmpi ne, %convert_element_type3A_38, %cond3A_39 : i32
    scf.if %cond3A_40 {
      "tpu.region"() ({
        %run_scoped3A = tpu.sem_alloc : memref<!tpu.dma_semaphore, #tpu.memory_space<semaphore_mem>>
        tpu.enqueue_dma source(%arg4 : memref<50000x32xf32, #tpu.memory_space<hbm>>) target(%arg8 : memref<50000x32xf32, #tpu.memory_space<vmem_shared>>) target_semaphore(%run_scoped3A : memref<!tpu.dma_semaphore, #tpu.memory_space<semaphore_mem>>)
        tpu.wait_dma2 semaphore(%run_scoped3A : memref<!tpu.dma_semaphore, #tpu.memory_space<semaphore_mem>>) src(%arg4 : memref<50000x32xf32, #tpu.memory_space<hbm>>) dst(%arg8 : memref<50000x32xf32, #tpu.memory_space<vmem_shared>>)
        tpu.yield
      }) : () -> ()
    } else {
    }
    %barrier3A_41 = arith.constant 0 : index
    tpu.barrier barrier_id(%barrier3A_41)
    %scan3A_42 = arith.constant 0 : i32
    %scan3A_43 = arith.constant 0 : i32
    %scan3A_44 = arith.constant 125 : i32
    %scan3A_45 = arith.addi %scan3A_43, %scan3A_44 : i32
    %scan3A_46 = arith.constant 1 : i32
    scf.for %scan3A_74 = %scan3A_43 to %scan3A_45 step %scan3A_46  : i32 {
      %mul3A_75 = arith.constant 200 : i32
      %mul3A_76 = arith.muli %scan3A_74, %mul3A_75 : i32
      %add3A_77 = arith.addi %mul3A_2, %mul3A_76 : i32
      "tpu.region"() ({
        %run_scoped3A = tpu.sem_alloc : memref<!tpu.dma_semaphore, #tpu.memory_space<semaphore_mem>>
        %dma_start3A = tpu.memref_slice %arg3[%add3A_77] : memref<800000xi32, #tpu.memory_space<hbm>> -> memref<200xi32, #tpu.memory_space<hbm>>
        %dma_start3A_78 = tpu.memref_slice %arg3[%add3A_77] : memref<800000xi32, #tpu.memory_space<hbm>> -> memref<200xi32, #tpu.memory_space<hbm>>
        tpu.enqueue_dma source(%dma_start3A_78 : memref<200xi32, #tpu.memory_space<hbm>>) target(%arg6 : memref<200xi32, #tpu.memory_space<vmem>>) target_semaphore(%run_scoped3A : memref<!tpu.dma_semaphore, #tpu.memory_space<semaphore_mem>>)
        %dma_wait3A = tpu.memref_slice %arg3[%add3A_77] : memref<800000xi32, #tpu.memory_space<hbm>> -> memref<200xi32, #tpu.memory_space<hbm>>
        %dma_wait3A_79 = tpu.memref_slice %arg3[%add3A_77] : memref<800000xi32, #tpu.memory_space<hbm>> -> memref<200xi32, #tpu.memory_space<hbm>>
        tpu.wait_dma2 semaphore(%run_scoped3A : memref<!tpu.dma_semaphore, #tpu.memory_space<semaphore_mem>>) src(%dma_wait3A_79 : memref<200xi32, #tpu.memory_space<hbm>>) dst(%arg6 : memref<200xi32, #tpu.memory_space<vmem>>)
        tpu.yield
      }) : () -> ()
      "tpu.region"() ({
        %run_scoped3A = tpu.sem_alloc : memref<!tpu.dma_semaphore, #tpu.memory_space<semaphore_mem>>
        %dma_start3A = arith.constant 64 : i32
        %dma_start3A_78 = tpu.memref_slice %arg2[%add3A_77, %dma_start3A] : memref<800000x128xf32, #tpu.memory_space<hbm>> -> memref<200x32xf32, #tpu.memory_space<hbm>>
        %dma_start3A_79 = arith.constant 64 : i32
        %dma_start3A_80 = tpu.memref_slice %arg2[%add3A_77, %dma_start3A_79] : memref<800000x128xf32, #tpu.memory_space<hbm>> -> memref<200x32xf32, #tpu.memory_space<hbm>>
        tpu.enqueue_dma source(%dma_start3A_80 : memref<200x32xf32, #tpu.memory_space<hbm>>) target(%arg7 : memref<200x32xf32, #tpu.memory_space<vmem>>) target_semaphore(%run_scoped3A : memref<!tpu.dma_semaphore, #tpu.memory_space<semaphore_mem>>)
        %dma_wait3A = arith.constant 64 : i32
        %dma_wait3A_81 = tpu.memref_slice %arg2[%add3A_77, %dma_wait3A] : memref<800000x128xf32, #tpu.memory_space<hbm>> -> memref<200x32xf32, #tpu.memory_space<hbm>>
        %dma_wait3A_82 = arith.constant 64 : i32
        %dma_wait3A_83 = tpu.memref_slice %arg2[%add3A_77, %dma_wait3A_82] : memref<800000x128xf32, #tpu.memory_space<hbm>> -> memref<200x32xf32, #tpu.memory_space<hbm>>
        tpu.wait_dma2 semaphore(%run_scoped3A : memref<!tpu.dma_semaphore, #tpu.memory_space<semaphore_mem>>) src(%dma_wait3A_83 : memref<200x32xf32, #tpu.memory_space<hbm>>) dst(%arg7 : memref<200x32xf32, #tpu.memory_space<vmem>>)
        tpu.yield
      }) : () -> ()
      "tpu.region"() ({
        %run_scoped3A = tpu.sem_alloc : memref<!tpu.dma_semaphore, #tpu.memory_space<semaphore_mem>>
        %dma_start3A = arith.constant 0 : i32
        %dma_start3A_78 = arith.constant 0 : i32
        %dma_start3A_79 = tpu.memref_slice %arg8[%dma_start3A, %dma_start3A_78] : memref<50000x32xf32, #tpu.memory_space<vmem_shared>> -> memref<50000x32xf32, #tpu.memory_space<vmem_shared>>
        tpu.enqueue_indirect_dma source(%arg7 : memref<200x32xf32, #tpu.memory_space<vmem>>) target(%dma_start3A_79 : memref<50000x32xf32, #tpu.memory_space<vmem_shared>>) offsets(%arg6 : memref<200xi32, #tpu.memory_space<vmem>>) semaphore(%run_scoped3A : memref<!tpu.dma_semaphore, #tpu.memory_space<semaphore_mem>>) {add = true}
        %dma_wait3A = arith.constant 0 : i32
        %dma_wait3A_80 = arith.constant 0 : i32
        %dma_wait3A_81 = tpu.memref_slice %arg8[%dma_wait3A, %dma_wait3A_80] : memref<50000x32xf32, #tpu.memory_space<vmem_shared>> -> memref<50000x32xf32, #tpu.memory_space<vmem_shared>>
        tpu.wait_indirect_dma semaphore(%run_scoped3A : memref<!tpu.dma_semaphore, #tpu.memory_space<semaphore_mem>>) src(%arg7 : memref<200x32xf32, #tpu.memory_space<vmem>>) dst(%dma_wait3A_81 : memref<50000x32xf32, #tpu.memory_space<vmem_shared>>)
        tpu.yield
      }) : () -> ()
    }
    %scan3A_47 = arith.constant 125 : i32
    %barrier3A_48 = arith.constant 0 : index
    tpu.barrier barrier_id(%barrier3A_48)
    %eq3A_49 = arith.constant 0 : i32
    %eq3A_50 = arith.cmpi eq, %arg1, %eq3A_49 : i32
    %convert_element_type3A_51 = arith.extui %eq3A_50 : i1 to i32
    %cond3A_52 = arith.constant 0 : i32
    %cond3A_53 = arith.cmpi ne, %convert_element_type3A_51, %cond3A_52 : i32
    scf.if %cond3A_53 {
      %run_scoped3A = arith.constant 2 : i32
      "tpu.region"() ({
        %run_scoped3A_74 = tpu.sem_alloc : memref<!tpu.dma_semaphore, #tpu.memory_space<semaphore_mem>>
        %dma_start3A = arith.constant 0 : i32
        %dma_start3A_75 = arith.constant 0 : i32
        %dma_start3A_76 = tpu.memref_slice %arg5[%run_scoped3A, %arg0, %dma_start3A, %dma_start3A_75] : memref<4x2x50000x32xf32, #tpu.memory_space<hbm>> -> memref<1x1x50000x32xf32, #tpu.memory_space<hbm>>
        %dma_start3A_77 = tpu.memref_squeeze %dma_start3A_76 : memref<1x1x50000x32xf32, #tpu.memory_space<hbm>> -> memref<50000x32xf32, #tpu.memory_space<hbm>>
        tpu.enqueue_dma source(%arg8 : memref<50000x32xf32, #tpu.memory_space<vmem_shared>>) target(%dma_start3A_77 : memref<50000x32xf32, #tpu.memory_space<hbm>>) target_semaphore(%run_scoped3A_74 : memref<!tpu.dma_semaphore, #tpu.memory_space<semaphore_mem>>)
        %dma_wait3A = arith.constant 0 : i32
        %dma_wait3A_78 = arith.constant 0 : i32
        %dma_wait3A_79 = tpu.memref_slice %arg5[%run_scoped3A, %arg0, %dma_wait3A, %dma_wait3A_78] : memref<4x2x50000x32xf32, #tpu.memory_space<hbm>> -> memref<1x1x50000x32xf32, #tpu.memory_space<hbm>>
        %dma_wait3A_80 = tpu.memref_squeeze %dma_wait3A_79 : memref<1x1x50000x32xf32, #tpu.memory_space<hbm>> -> memref<50000x32xf32, #tpu.memory_space<hbm>>
        tpu.wait_dma2 semaphore(%run_scoped3A_74 : memref<!tpu.dma_semaphore, #tpu.memory_space<semaphore_mem>>) src(%arg8 : memref<50000x32xf32, #tpu.memory_space<vmem_shared>>) dst(%dma_wait3A_80 : memref<50000x32xf32, #tpu.memory_space<hbm>>)
        tpu.yield
      }) : () -> ()
    } else {
    }
    %barrier3A_54 = arith.constant 0 : index
    tpu.barrier barrier_id(%barrier3A_54)
    %eq3A_55 = arith.constant 0 : i32
    %eq3A_56 = arith.cmpi eq, %arg1, %eq3A_55 : i32
    %convert_element_type3A_57 = arith.extui %eq3A_56 : i1 to i32
    %cond3A_58 = arith.constant 0 : i32
    %cond3A_59 = arith.cmpi ne, %convert_element_type3A_57, %cond3A_58 : i32
    scf.if %cond3A_59 {
      "tpu.region"() ({
        %run_scoped3A = tpu.sem_alloc : memref<!tpu.dma_semaphore, #tpu.memory_space<semaphore_mem>>
        tpu.enqueue_dma source(%arg4 : memref<50000x32xf32, #tpu.memory_space<hbm>>) target(%arg8 : memref<50000x32xf32, #tpu.memory_space<vmem_shared>>) target_semaphore(%run_scoped3A : memref<!tpu.dma_semaphore, #tpu.memory_space<semaphore_mem>>)
        tpu.wait_dma2 semaphore(%run_scoped3A : memref<!tpu.dma_semaphore, #tpu.memory_space<semaphore_mem>>) src(%arg4 : memref<50000x32xf32, #tpu.memory_space<hbm>>) dst(%arg8 : memref<50000x32xf32, #tpu.memory_space<vmem_shared>>)
        tpu.yield
      }) : () -> ()
    } else {
    }
    %barrier3A_60 = arith.constant 0 : index
    tpu.barrier barrier_id(%barrier3A_60)
    %scan3A_61 = arith.constant 0 : i32
    %scan3A_62 = arith.constant 0 : i32
    %scan3A_63 = arith.constant 125 : i32
    %scan3A_64 = arith.addi %scan3A_62, %scan3A_63 : i32
    %scan3A_65 = arith.constant 1 : i32
    scf.for %scan3A_74 = %scan3A_62 to %scan3A_64 step %scan3A_65  : i32 {
      %mul3A_75 = arith.constant 200 : i32
      %mul3A_76 = arith.muli %scan3A_74, %mul3A_75 : i32
      %add3A_77 = arith.addi %mul3A_2, %mul3A_76 : i32
      "tpu.region"() ({
        %run_scoped3A = tpu.sem_alloc : memref<!tpu.dma_semaphore, #tpu.memory_space<semaphore_mem>>
        %dma_start3A = tpu.memref_slice %arg3[%add3A_77] : memref<800000xi32, #tpu.memory_space<hbm>> -> memref<200xi32, #tpu.memory_space<hbm>>
        %dma_start3A_78 = tpu.memref_slice %arg3[%add3A_77] : memref<800000xi32, #tpu.memory_space<hbm>> -> memref<200xi32, #tpu.memory_space<hbm>>
        tpu.enqueue_dma source(%dma_start3A_78 : memref<200xi32, #tpu.memory_space<hbm>>) target(%arg6 : memref<200xi32, #tpu.memory_space<vmem>>) target_semaphore(%run_scoped3A : memref<!tpu.dma_semaphore, #tpu.memory_space<semaphore_mem>>)
        %dma_wait3A = tpu.memref_slice %arg3[%add3A_77] : memref<800000xi32, #tpu.memory_space<hbm>> -> memref<200xi32, #tpu.memory_space<hbm>>
        %dma_wait3A_79 = tpu.memref_slice %arg3[%add3A_77] : memref<800000xi32, #tpu.memory_space<hbm>> -> memref<200xi32, #tpu.memory_space<hbm>>
        tpu.wait_dma2 semaphore(%run_scoped3A : memref<!tpu.dma_semaphore, #tpu.memory_space<semaphore_mem>>) src(%dma_wait3A_79 : memref<200xi32, #tpu.memory_space<hbm>>) dst(%arg6 : memref<200xi32, #tpu.memory_space<vmem>>)
        tpu.yield
      }) : () -> ()
      "tpu.region"() ({
        %run_scoped3A = tpu.sem_alloc : memref<!tpu.dma_semaphore, #tpu.memory_space<semaphore_mem>>
        %dma_start3A = arith.constant 96 : i32
        %dma_start3A_78 = tpu.memref_slice %arg2[%add3A_77, %dma_start3A] : memref<800000x128xf32, #tpu.memory_space<hbm>> -> memref<200x32xf32, #tpu.memory_space<hbm>>
        %dma_start3A_79 = arith.constant 96 : i32
        %dma_start3A_80 = tpu.memref_slice %arg2[%add3A_77, %dma_start3A_79] : memref<800000x128xf32, #tpu.memory_space<hbm>> -> memref<200x32xf32, #tpu.memory_space<hbm>>
        tpu.enqueue_dma source(%dma_start3A_80 : memref<200x32xf32, #tpu.memory_space<hbm>>) target(%arg7 : memref<200x32xf32, #tpu.memory_space<vmem>>) target_semaphore(%run_scoped3A : memref<!tpu.dma_semaphore, #tpu.memory_space<semaphore_mem>>)
        %dma_wait3A = arith.constant 96 : i32
        %dma_wait3A_81 = tpu.memref_slice %arg2[%add3A_77, %dma_wait3A] : memref<800000x128xf32, #tpu.memory_space<hbm>> -> memref<200x32xf32, #tpu.memory_space<hbm>>
        %dma_wait3A_82 = arith.constant 96 : i32
        %dma_wait3A_83 = tpu.memref_slice %arg2[%add3A_77, %dma_wait3A_82] : memref<800000x128xf32, #tpu.memory_space<hbm>> -> memref<200x32xf32, #tpu.memory_space<hbm>>
        tpu.wait_dma2 semaphore(%run_scoped3A : memref<!tpu.dma_semaphore, #tpu.memory_space<semaphore_mem>>) src(%dma_wait3A_83 : memref<200x32xf32, #tpu.memory_space<hbm>>) dst(%arg7 : memref<200x32xf32, #tpu.memory_space<vmem>>)
        tpu.yield
      }) : () -> ()
      "tpu.region"() ({
        %run_scoped3A = tpu.sem_alloc : memref<!tpu.dma_semaphore, #tpu.memory_space<semaphore_mem>>
        %dma_start3A = arith.constant 0 : i32
        %dma_start3A_78 = arith.constant 0 : i32
        %dma_start3A_79 = tpu.memref_slice %arg8[%dma_start3A, %dma_start3A_78] : memref<50000x32xf32, #tpu.memory_space<vmem_shared>> -> memref<50000x32xf32, #tpu.memory_space<vmem_shared>>
        tpu.enqueue_indirect_dma source(%arg7 : memref<200x32xf32, #tpu.memory_space<vmem>>) target(%dma_start3A_79 : memref<50000x32xf32, #tpu.memory_space<vmem_shared>>) offsets(%arg6 : memref<200xi32, #tpu.memory_space<vmem>>) semaphore(%run_scoped3A : memref<!tpu.dma_semaphore, #tpu.memory_space<semaphore_mem>>) {add = true}
        %dma_wait3A = arith.constant 0 : i32
        %dma_wait3A_80 = arith.constant 0 : i32
        %dma_wait3A_81 = tpu.memref_slice %arg8[%dma_wait3A, %dma_wait3A_80] : memref<50000x32xf32, #tpu.memory_space<vmem_shared>> -> memref<50000x32xf32, #tpu.memory_space<vmem_shared>>
        tpu.wait_indirect_dma semaphore(%run_scoped3A : memref<!tpu.dma_semaphore, #tpu.memory_space<semaphore_mem>>) src(%arg7 : memref<200x32xf32, #tpu.memory_space<vmem>>) dst(%dma_wait3A_81 : memref<50000x32xf32, #tpu.memory_space<vmem_shared>>)
        tpu.yield
      }) : () -> ()
    }
    %scan3A_66 = arith.constant 125 : i32
    %barrier3A_67 = arith.constant 0 : index
    tpu.barrier barrier_id(%barrier3A_67)
    %eq3A_68 = arith.constant 0 : i32
    %eq3A_69 = arith.cmpi eq, %arg1, %eq3A_68 : i32
    %convert_element_type3A_70 = arith.extui %eq3A_69 : i1 to i32
    %cond3A_71 = arith.constant 0 : i32
    %cond3A_72 = arith.cmpi ne, %convert_element_type3A_70, %cond3A_71 : i32
    scf.if %cond3A_72 {
      %run_scoped3A = arith.constant 3 : i32
      "tpu.region"() ({
        %run_scoped3A_74 = tpu.sem_alloc : memref<!tpu.dma_semaphore, #tpu.memory_space<semaphore_mem>>
        %dma_start3A = arith.constant 0 : i32
        %dma_start3A_75 = arith.constant 0 : i32
        %dma_start3A_76 = tpu.memref_slice %arg5[%run_scoped3A, %arg0, %dma_start3A, %dma_start3A_75] : memref<4x2x50000x32xf32, #tpu.memory_space<hbm>> -> memref<1x1x50000x32xf32, #tpu.memory_space<hbm>>
        %dma_start3A_77 = tpu.memref_squeeze %dma_start3A_76 : memref<1x1x50000x32xf32, #tpu.memory_space<hbm>> -> memref<50000x32xf32, #tpu.memory_space<hbm>>
        tpu.enqueue_dma source(%arg8 : memref<50000x32xf32, #tpu.memory_space<vmem_shared>>) target(%dma_start3A_77 : memref<50000x32xf32, #tpu.memory_space<hbm>>) target_semaphore(%run_scoped3A_74 : memref<!tpu.dma_semaphore, #tpu.memory_space<semaphore_mem>>)
        %dma_wait3A = arith.constant 0 : i32
        %dma_wait3A_78 = arith.constant 0 : i32
        %dma_wait3A_79 = tpu.memref_slice %arg5[%run_scoped3A, %arg0, %dma_wait3A, %dma_wait3A_78] : memref<4x2x50000x32xf32, #tpu.memory_space<hbm>> -> memref<1x1x50000x32xf32, #tpu.memory_space<hbm>>
        %dma_wait3A_80 = tpu.memref_squeeze %dma_wait3A_79 : memref<1x1x50000x32xf32, #tpu.memory_space<hbm>> -> memref<50000x32xf32, #tpu.memory_space<hbm>>
        tpu.wait_dma2 semaphore(%run_scoped3A_74 : memref<!tpu.dma_semaphore, #tpu.memory_space<semaphore_mem>>) src(%arg8 : memref<50000x32xf32, #tpu.memory_space<vmem_shared>>) dst(%dma_wait3A_80 : memref<50000x32xf32, #tpu.memory_space<hbm>>)
        tpu.yield
      }) : () -> ()
    } else {
    }
    %barrier3A_73 = arith.constant 0 : index
    tpu.barrier barrier_id(%barrier3A_73)
    return
  }
}

#map = affine_map<(d0, d1) -> (0, 0)>
#map1 = affine_map<(d0, d1) -> (0)>
module attributes {stable_mosaic.version = 14 : i64} {
  func.func @_gather2(%arg0: i32, %arg1: i32, %arg2: memref<50000x128xf32, #tpu.memory_space<hbm>>, %arg3: memref<50000x128xf32, #tpu.memory_space<hbm>>, %arg4: memref<800000xi32, #tpu.memory_space<hbm>>, %arg5: memref<800000xi32, #tpu.memory_space<hbm>>, %arg6: memref<800000x128xf32, #tpu.memory_space<hbm>>, %arg7: memref<800000x128xf32, #tpu.memory_space<hbm>>, %arg8: memref<200xi32, #tpu.memory_space<vmem>>, %arg9: memref<200xi32, #tpu.memory_space<vmem>>, %arg10: memref<200x128xf32, #tpu.memory_space<vmem>>, %arg11: memref<200x128xf32, #tpu.memory_space<vmem>>, %arg12: memref<!tpu.dma_semaphore, #tpu.memory_space<semaphore_mem>>, %arg13: memref<!tpu.dma_semaphore, #tpu.memory_space<semaphore_mem>>) attributes {dimension_semantics = [#tpu.dimension_semantics<core_parallel>, #tpu.dimension_semantics<subcore_parallel>], iteration_bounds = array<i64: 2, 16>, scalar_prefetch = 0 : i64, scratch_operands = 6 : i64, tpu.core_type = #tpu.core_type<sc_vector_subcore>, window_params = [{transform_indices = #map}, {transform_indices = #map}, {transform_indices = #map1}, {transform_indices = #map1}, {transform_indices = #map}, {transform_indices = #map}]} {
    %mul3A = arith.constant 2 : i32
    %mul3A_0 = arith.muli %arg1, %mul3A : i32
    %add3A = arith.addi %mul3A_0, %arg0 : i32
    %mul3A_1 = arith.constant 25000 : i32
    %mul3A_2 = arith.muli %add3A, %mul3A_1 : i32
    %scan3A = arith.constant 0 : i32
    %scan3A_3 = arith.constant 0 : i32
    %scan3A_4 = arith.constant 125 : i32
    %scan3A_5 = arith.addi %scan3A_3, %scan3A_4 : i32
    %scan3A_6 = arith.constant 1 : i32
    scf.for %scan3A_8 = %scan3A_3 to %scan3A_5 step %scan3A_6  : i32 {
      %mul3A_9 = arith.constant 200 : i32
      %mul3A_10 = arith.muli %scan3A_8, %mul3A_9 : i32
      %add3A_11 = arith.addi %mul3A_2, %mul3A_10 : i32
      "tpu.region"() ({
        %run_scoped3A = tpu.sem_alloc : memref<!tpu.dma_semaphore, #tpu.memory_space<semaphore_mem>>
        %dma_start3A_22 = tpu.memref_slice %arg4[%add3A_11] : memref<800000xi32, #tpu.memory_space<hbm>> -> memref<200xi32, #tpu.memory_space<hbm>>
        %dma_start3A_23 = tpu.memref_slice %arg4[%add3A_11] : memref<800000xi32, #tpu.memory_space<hbm>> -> memref<200xi32, #tpu.memory_space<hbm>>
        tpu.enqueue_dma source(%dma_start3A_23 : memref<200xi32, #tpu.memory_space<hbm>>) target(%arg8 : memref<200xi32, #tpu.memory_space<vmem>>) target_semaphore(%run_scoped3A : memref<!tpu.dma_semaphore, #tpu.memory_space<semaphore_mem>>)
        %dma_wait3A_24 = tpu.memref_slice %arg4[%add3A_11] : memref<800000xi32, #tpu.memory_space<hbm>> -> memref<200xi32, #tpu.memory_space<hbm>>
        %dma_wait3A_25 = tpu.memref_slice %arg4[%add3A_11] : memref<800000xi32, #tpu.memory_space<hbm>> -> memref<200xi32, #tpu.memory_space<hbm>>
        tpu.wait_dma2 semaphore(%run_scoped3A : memref<!tpu.dma_semaphore, #tpu.memory_space<semaphore_mem>>) src(%dma_wait3A_25 : memref<200xi32, #tpu.memory_space<hbm>>) dst(%arg8 : memref<200xi32, #tpu.memory_space<vmem>>)
        tpu.yield
      }) : () -> ()
      "tpu.region"() ({
        %run_scoped3A = tpu.sem_alloc : memref<!tpu.dma_semaphore, #tpu.memory_space<semaphore_mem>>
        %dma_start3A_22 = tpu.memref_slice %arg5[%add3A_11] : memref<800000xi32, #tpu.memory_space<hbm>> -> memref<200xi32, #tpu.memory_space<hbm>>
        %dma_start3A_23 = tpu.memref_slice %arg5[%add3A_11] : memref<800000xi32, #tpu.memory_space<hbm>> -> memref<200xi32, #tpu.memory_space<hbm>>
        tpu.enqueue_dma source(%dma_start3A_23 : memref<200xi32, #tpu.memory_space<hbm>>) target(%arg9 : memref<200xi32, #tpu.memory_space<vmem>>) target_semaphore(%run_scoped3A : memref<!tpu.dma_semaphore, #tpu.memory_space<semaphore_mem>>)
        %dma_wait3A_24 = tpu.memref_slice %arg5[%add3A_11] : memref<800000xi32, #tpu.memory_space<hbm>> -> memref<200xi32, #tpu.memory_space<hbm>>
        %dma_wait3A_25 = tpu.memref_slice %arg5[%add3A_11] : memref<800000xi32, #tpu.memory_space<hbm>> -> memref<200xi32, #tpu.memory_space<hbm>>
        tpu.wait_dma2 semaphore(%run_scoped3A : memref<!tpu.dma_semaphore, #tpu.memory_space<semaphore_mem>>) src(%dma_wait3A_25 : memref<200xi32, #tpu.memory_space<hbm>>) dst(%arg9 : memref<200xi32, #tpu.memory_space<vmem>>)
        tpu.yield
      }) : () -> ()
      %dma_start3A = arith.constant 0 : i32
      %dma_start3A_12 = arith.constant 0 : i32
      %dma_start3A_13 = tpu.memref_slice %arg2[%dma_start3A, %dma_start3A_12] : memref<50000x128xf32, #tpu.memory_space<hbm>> -> memref<50000x128xf32, #tpu.memory_space<hbm>>
      tpu.enqueue_indirect_dma source(%dma_start3A_13 : memref<50000x128xf32, #tpu.memory_space<hbm>>) target(%arg10 : memref<200x128xf32, #tpu.memory_space<vmem>>) offsets(%arg8 : memref<200xi32, #tpu.memory_space<vmem>>) semaphore(%arg12 : memref<!tpu.dma_semaphore, #tpu.memory_space<semaphore_mem>>)
      %dma_start3A_14 = arith.constant 0 : i32
      %dma_start3A_15 = arith.constant 0 : i32
      %dma_start3A_16 = tpu.memref_slice %arg3[%dma_start3A_14, %dma_start3A_15] : memref<50000x128xf32, #tpu.memory_space<hbm>> -> memref<50000x128xf32, #tpu.memory_space<hbm>>
      tpu.enqueue_indirect_dma source(%dma_start3A_16 : memref<50000x128xf32, #tpu.memory_space<hbm>>) target(%arg11 : memref<200x128xf32, #tpu.memory_space<vmem>>) offsets(%arg9 : memref<200xi32, #tpu.memory_space<vmem>>) semaphore(%arg13 : memref<!tpu.dma_semaphore, #tpu.memory_space<semaphore_mem>>)
      %dma_wait3A = arith.constant 0 : i32
      %dma_wait3A_17 = arith.constant 0 : i32
      %dma_wait3A_18 = tpu.memref_slice %arg2[%dma_wait3A, %dma_wait3A_17] : memref<50000x128xf32, #tpu.memory_space<hbm>> -> memref<50000x128xf32, #tpu.memory_space<hbm>>
      tpu.wait_indirect_dma semaphore(%arg12 : memref<!tpu.dma_semaphore, #tpu.memory_space<semaphore_mem>>) src(%dma_wait3A_18 : memref<50000x128xf32, #tpu.memory_space<hbm>>) dst(%arg10 : memref<200x128xf32, #tpu.memory_space<vmem>>)
      %dma_wait3A_19 = arith.constant 0 : i32
      %dma_wait3A_20 = arith.constant 0 : i32
      %dma_wait3A_21 = tpu.memref_slice %arg3[%dma_wait3A_19, %dma_wait3A_20] : memref<50000x128xf32, #tpu.memory_space<hbm>> -> memref<50000x128xf32, #tpu.memory_space<hbm>>
      tpu.wait_indirect_dma semaphore(%arg13 : memref<!tpu.dma_semaphore, #tpu.memory_space<semaphore_mem>>) src(%dma_wait3A_21 : memref<50000x128xf32, #tpu.memory_space<hbm>>) dst(%arg11 : memref<200x128xf32, #tpu.memory_space<vmem>>)
      "tpu.region"() ({
        %run_scoped3A = tpu.sem_alloc : memref<!tpu.dma_semaphore, #tpu.memory_space<semaphore_mem>>
        %dma_start3A_22 = arith.constant 0 : i32
        %dma_start3A_23 = tpu.memref_slice %arg6[%add3A_11, %dma_start3A_22] : memref<800000x128xf32, #tpu.memory_space<hbm>> -> memref<200x128xf32, #tpu.memory_space<hbm>>
        %dma_start3A_24 = arith.constant 0 : i32
        %dma_start3A_25 = tpu.memref_slice %arg6[%add3A_11, %dma_start3A_24] : memref<800000x128xf32, #tpu.memory_space<hbm>> -> memref<200x128xf32, #tpu.memory_space<hbm>>
        tpu.enqueue_dma source(%arg10 : memref<200x128xf32, #tpu.memory_space<vmem>>) target(%dma_start3A_25 : memref<200x128xf32, #tpu.memory_space<hbm>>) target_semaphore(%run_scoped3A : memref<!tpu.dma_semaphore, #tpu.memory_space<semaphore_mem>>)
        %dma_wait3A_26 = arith.constant 0 : i32
        %dma_wait3A_27 = tpu.memref_slice %arg6[%add3A_11, %dma_wait3A_26] : memref<800000x128xf32, #tpu.memory_space<hbm>> -> memref<200x128xf32, #tpu.memory_space<hbm>>
        %dma_wait3A_28 = arith.constant 0 : i32
        %dma_wait3A_29 = tpu.memref_slice %arg6[%add3A_11, %dma_wait3A_28] : memref<800000x128xf32, #tpu.memory_space<hbm>> -> memref<200x128xf32, #tpu.memory_space<hbm>>
        tpu.wait_dma2 semaphore(%run_scoped3A : memref<!tpu.dma_semaphore, #tpu.memory_space<semaphore_mem>>) src(%arg10 : memref<200x128xf32, #tpu.memory_space<vmem>>) dst(%dma_wait3A_29 : memref<200x128xf32, #tpu.memory_space<hbm>>)
        tpu.yield
      }) : () -> ()
      "tpu.region"() ({
        %run_scoped3A = tpu.sem_alloc : memref<!tpu.dma_semaphore, #tpu.memory_space<semaphore_mem>>
        %dma_start3A_22 = arith.constant 0 : i32
        %dma_start3A_23 = tpu.memref_slice %arg7[%add3A_11, %dma_start3A_22] : memref<800000x128xf32, #tpu.memory_space<hbm>> -> memref<200x128xf32, #tpu.memory_space<hbm>>
        %dma_start3A_24 = arith.constant 0 : i32
        %dma_start3A_25 = tpu.memref_slice %arg7[%add3A_11, %dma_start3A_24] : memref<800000x128xf32, #tpu.memory_space<hbm>> -> memref<200x128xf32, #tpu.memory_space<hbm>>
        tpu.enqueue_dma source(%arg11 : memref<200x128xf32, #tpu.memory_space<vmem>>) target(%dma_start3A_25 : memref<200x128xf32, #tpu.memory_space<hbm>>) target_semaphore(%run_scoped3A : memref<!tpu.dma_semaphore, #tpu.memory_space<semaphore_mem>>)
        %dma_wait3A_26 = arith.constant 0 : i32
        %dma_wait3A_27 = tpu.memref_slice %arg7[%add3A_11, %dma_wait3A_26] : memref<800000x128xf32, #tpu.memory_space<hbm>> -> memref<200x128xf32, #tpu.memory_space<hbm>>
        %dma_wait3A_28 = arith.constant 0 : i32
        %dma_wait3A_29 = tpu.memref_slice %arg7[%add3A_11, %dma_wait3A_28] : memref<800000x128xf32, #tpu.memory_space<hbm>> -> memref<200x128xf32, #tpu.memory_space<hbm>>
        tpu.wait_dma2 semaphore(%run_scoped3A : memref<!tpu.dma_semaphore, #tpu.memory_space<semaphore_mem>>) src(%arg11 : memref<200x128xf32, #tpu.memory_space<vmem>>) dst(%dma_wait3A_29 : memref<200x128xf32, #tpu.memory_space<hbm>>)
        tpu.yield
      }) : () -> ()
    }
    %scan3A_7 = arith.constant 125 : i32
    return
  }
}

#map = affine_map<(d0, d1) -> (0, 0)>
#map1 = affine_map<(d0, d1) -> (0)>
#map2 = affine_map<(d0, d1) -> (0, 0, 0, 0)>
module attributes {stable_mosaic.version = 14 : i64} {
  func.func @_scatter(%arg0: i32, %arg1: i32, %arg2: memref<800000x128xf32, #tpu.memory_space<hbm>>, %arg3: memref<800000xi32, #tpu.memory_space<hbm>>, %arg4: memref<50000x32xf32, #tpu.memory_space<hbm>>, %arg5: memref<4x2x50000x32xf32, #tpu.memory_space<hbm>>, %arg6: memref<200xi32, #tpu.memory_space<vmem>>, %arg7: memref<200x32xf32, #tpu.memory_space<vmem>>, %arg8: memref<50000x32xf32, #tpu.memory_space<vmem_shared>>) attributes {dimension_semantics = [#tpu.dimension_semantics<core_parallel>, #tpu.dimension_semantics<subcore_parallel>], iteration_bounds = array<i64: 2, 16>, scalar_prefetch = 0 : i64, scratch_operands = 3 : i64, tpu.core_type = #tpu.core_type<sc_vector_subcore>, window_params = [{transform_indices = #map}, {transform_indices = #map1}, {transform_indices = #map}, {transform_indices = #map2}]} {
    %mul3A = arith.constant 16 : i32
    %mul3A_0 = arith.muli %arg0, %mul3A : i32
    %add3A = arith.addi %mul3A_0, %arg1 : i32
    %mul3A_1 = arith.constant 25000 : i32
    %mul3A_2 = arith.muli %add3A, %mul3A_1 : i32
    %eq3A = arith.constant 0 : i32
    %eq3A_3 = arith.cmpi eq, %arg1, %eq3A : i32
    %convert_element_type3A = arith.extui %eq3A_3 : i1 to i32
    %cond3A = arith.constant 0 : i32
    %cond3A_4 = arith.cmpi ne, %convert_element_type3A, %cond3A : i32
    scf.if %cond3A_4 {
      "tpu.region"() ({
        %run_scoped3A = tpu.sem_alloc : memref<!tpu.dma_semaphore, #tpu.memory_space<semaphore_mem>>
        tpu.enqueue_dma source(%arg4 : memref<50000x32xf32, #tpu.memory_space<hbm>>) target(%arg8 : memref<50000x32xf32, #tpu.memory_space<vmem_shared>>) target_semaphore(%run_scoped3A : memref<!tpu.dma_semaphore, #tpu.memory_space<semaphore_mem>>)
        tpu.wait_dma2 semaphore(%run_scoped3A : memref<!tpu.dma_semaphore, #tpu.memory_space<semaphore_mem>>) src(%arg4 : memref<50000x32xf32, #tpu.memory_space<hbm>>) dst(%arg8 : memref<50000x32xf32, #tpu.memory_space<vmem_shared>>)
        tpu.yield
      }) : () -> ()
    } else {
    }
    %barrier3A = arith.constant 0 : index
    tpu.barrier barrier_id(%barrier3A)
    %scan3A = arith.constant 0 : i32
    %scan3A_5 = arith.constant 0 : i32
    %scan3A_6 = arith.constant 125 : i32
    %scan3A_7 = arith.addi %scan3A_5, %scan3A_6 : i32
    %scan3A_8 = arith.constant 1 : i32
    scf.for %scan3A_74 = %scan3A_5 to %scan3A_7 step %scan3A_8  : i32 {
      %mul3A_75 = arith.constant 200 : i32
      %mul3A_76 = arith.muli %scan3A_74, %mul3A_75 : i32
      %add3A_77 = arith.addi %mul3A_2, %mul3A_76 : i32
      "tpu.region"() ({
        %run_scoped3A = tpu.sem_alloc : memref<!tpu.dma_semaphore, #tpu.memory_space<semaphore_mem>>
        %dma_start3A = tpu.memref_slice %arg3[%add3A_77] : memref<800000xi32, #tpu.memory_space<hbm>> -> memref<200xi32, #tpu.memory_space<hbm>>
        %dma_start3A_78 = tpu.memref_slice %arg3[%add3A_77] : memref<800000xi32, #tpu.memory_space<hbm>> -> memref<200xi32, #tpu.memory_space<hbm>>
        tpu.enqueue_dma source(%dma_start3A_78 : memref<200xi32, #tpu.memory_space<hbm>>) target(%arg6 : memref<200xi32, #tpu.memory_space<vmem>>) target_semaphore(%run_scoped3A : memref<!tpu.dma_semaphore, #tpu.memory_space<semaphore_mem>>)
        %dma_wait3A = tpu.memref_slice %arg3[%add3A_77] : memref<800000xi32, #tpu.memory_space<hbm>> -> memref<200xi32, #tpu.memory_space<hbm>>
        %dma_wait3A_79 = tpu.memref_slice %arg3[%add3A_77] : memref<800000xi32, #tpu.memory_space<hbm>> -> memref<200xi32, #tpu.memory_space<hbm>>
        tpu.wait_dma2 semaphore(%run_scoped3A : memref<!tpu.dma_semaphore, #tpu.memory_space<semaphore_mem>>) src(%dma_wait3A_79 : memref<200xi32, #tpu.memory_space<hbm>>) dst(%arg6 : memref<200xi32, #tpu.memory_space<vmem>>)
        tpu.yield
      }) : () -> ()
      "tpu.region"() ({
        %run_scoped3A = tpu.sem_alloc : memref<!tpu.dma_semaphore, #tpu.memory_space<semaphore_mem>>
        %dma_start3A = arith.constant 0 : i32
        %dma_start3A_78 = tpu.memref_slice %arg2[%add3A_77, %dma_start3A] : memref<800000x128xf32, #tpu.memory_space<hbm>> -> memref<200x32xf32, #tpu.memory_space<hbm>>
        %dma_start3A_79 = arith.constant 0 : i32
        %dma_start3A_80 = tpu.memref_slice %arg2[%add3A_77, %dma_start3A_79] : memref<800000x128xf32, #tpu.memory_space<hbm>> -> memref<200x32xf32, #tpu.memory_space<hbm>>
        tpu.enqueue_dma source(%dma_start3A_80 : memref<200x32xf32, #tpu.memory_space<hbm>>) target(%arg7 : memref<200x32xf32, #tpu.memory_space<vmem>>) target_semaphore(%run_scoped3A : memref<!tpu.dma_semaphore, #tpu.memory_space<semaphore_mem>>)
        %dma_wait3A = arith.constant 0 : i32
        %dma_wait3A_81 = tpu.memref_slice %arg2[%add3A_77, %dma_wait3A] : memref<800000x128xf32, #tpu.memory_space<hbm>> -> memref<200x32xf32, #tpu.memory_space<hbm>>
        %dma_wait3A_82 = arith.constant 0 : i32
        %dma_wait3A_83 = tpu.memref_slice %arg2[%add3A_77, %dma_wait3A_82] : memref<800000x128xf32, #tpu.memory_space<hbm>> -> memref<200x32xf32, #tpu.memory_space<hbm>>
        tpu.wait_dma2 semaphore(%run_scoped3A : memref<!tpu.dma_semaphore, #tpu.memory_space<semaphore_mem>>) src(%dma_wait3A_83 : memref<200x32xf32, #tpu.memory_space<hbm>>) dst(%arg7 : memref<200x32xf32, #tpu.memory_space<vmem>>)
        tpu.yield
      }) : () -> ()
      "tpu.region"() ({
        %run_scoped3A = tpu.sem_alloc : memref<!tpu.dma_semaphore, #tpu.memory_space<semaphore_mem>>
        %dma_start3A = arith.constant 0 : i32
        %dma_start3A_78 = arith.constant 0 : i32
        %dma_start3A_79 = tpu.memref_slice %arg8[%dma_start3A, %dma_start3A_78] : memref<50000x32xf32, #tpu.memory_space<vmem_shared>> -> memref<50000x32xf32, #tpu.memory_space<vmem_shared>>
        tpu.enqueue_indirect_dma source(%arg7 : memref<200x32xf32, #tpu.memory_space<vmem>>) target(%dma_start3A_79 : memref<50000x32xf32, #tpu.memory_space<vmem_shared>>) offsets(%arg6 : memref<200xi32, #tpu.memory_space<vmem>>) semaphore(%run_scoped3A : memref<!tpu.dma_semaphore, #tpu.memory_space<semaphore_mem>>) {add = true}
        %dma_wait3A = arith.constant 0 : i32
        %dma_wait3A_80 = arith.constant 0 : i32
        %dma_wait3A_81 = tpu.memref_slice %arg8[%dma_wait3A, %dma_wait3A_80] : memref<50000x32xf32, #tpu.memory_space<vmem_shared>> -> memref<50000x32xf32, #tpu.memory_space<vmem_shared>>
        tpu.wait_indirect_dma semaphore(%run_scoped3A : memref<!tpu.dma_semaphore, #tpu.memory_space<semaphore_mem>>) src(%arg7 : memref<200x32xf32, #tpu.memory_space<vmem>>) dst(%dma_wait3A_81 : memref<50000x32xf32, #tpu.memory_space<vmem_shared>>)
        tpu.yield
      }) : () -> ()
    }
    %scan3A_9 = arith.constant 125 : i32
    %barrier3A_10 = arith.constant 0 : index
    tpu.barrier barrier_id(%barrier3A_10)
    %eq3A_11 = arith.constant 0 : i32
    %eq3A_12 = arith.cmpi eq, %arg1, %eq3A_11 : i32
    %convert_element_type3A_13 = arith.extui %eq3A_12 : i1 to i32
    %cond3A_14 = arith.constant 0 : i32
    %cond3A_15 = arith.cmpi ne, %convert_element_type3A_13, %cond3A_14 : i32
    scf.if %cond3A_15 {
      %run_scoped3A = arith.constant 0 : i32
      "tpu.region"() ({
        %run_scoped3A_74 = tpu.sem_alloc : memref<!tpu.dma_semaphore, #tpu.memory_space<semaphore_mem>>
        %dma_start3A = arith.constant 0 : i32
        %dma_start3A_75 = arith.constant 0 : i32
        %dma_start3A_76 = tpu.memref_slice %arg5[%run_scoped3A, %arg0, %dma_start3A, %dma_start3A_75] : memref<4x2x50000x32xf32, #tpu.memory_space<hbm>> -> memref<1x1x50000x32xf32, #tpu.memory_space<hbm>>
        %dma_start3A_77 = tpu.memref_squeeze %dma_start3A_76 : memref<1x1x50000x32xf32, #tpu.memory_space<hbm>> -> memref<50000x32xf32, #tpu.memory_space<hbm>>
        tpu.enqueue_dma source(%arg8 : memref<50000x32xf32, #tpu.memory_space<vmem_shared>>) target(%dma_start3A_77 : memref<50000x32xf32, #tpu.memory_space<hbm>>) target_semaphore(%run_scoped3A_74 : memref<!tpu.dma_semaphore, #tpu.memory_space<semaphore_mem>>)
        %dma_wait3A = arith.constant 0 : i32
        %dma_wait3A_78 = arith.constant 0 : i32
        %dma_wait3A_79 = tpu.memref_slice %arg5[%run_scoped3A, %arg0, %dma_wait3A, %dma_wait3A_78] : memref<4x2x50000x32xf32, #tpu.memory_space<hbm>> -> memref<1x1x50000x32xf32, #tpu.memory_space<hbm>>
        %dma_wait3A_80 = tpu.memref_squeeze %dma_wait3A_79 : memref<1x1x50000x32xf32, #tpu.memory_space<hbm>> -> memref<50000x32xf32, #tpu.memory_space<hbm>>
        tpu.wait_dma2 semaphore(%run_scoped3A_74 : memref<!tpu.dma_semaphore, #tpu.memory_space<semaphore_mem>>) src(%arg8 : memref<50000x32xf32, #tpu.memory_space<vmem_shared>>) dst(%dma_wait3A_80 : memref<50000x32xf32, #tpu.memory_space<hbm>>)
        tpu.yield
      }) : () -> ()
    } else {
    }
    %barrier3A_16 = arith.constant 0 : index
    tpu.barrier barrier_id(%barrier3A_16)
    %eq3A_17 = arith.constant 0 : i32
    %eq3A_18 = arith.cmpi eq, %arg1, %eq3A_17 : i32
    %convert_element_type3A_19 = arith.extui %eq3A_18 : i1 to i32
    %cond3A_20 = arith.constant 0 : i32
    %cond3A_21 = arith.cmpi ne, %convert_element_type3A_19, %cond3A_20 : i32
    scf.if %cond3A_21 {
      "tpu.region"() ({
        %run_scoped3A = tpu.sem_alloc : memref<!tpu.dma_semaphore, #tpu.memory_space<semaphore_mem>>
        tpu.enqueue_dma source(%arg4 : memref<50000x32xf32, #tpu.memory_space<hbm>>) target(%arg8 : memref<50000x32xf32, #tpu.memory_space<vmem_shared>>) target_semaphore(%run_scoped3A : memref<!tpu.dma_semaphore, #tpu.memory_space<semaphore_mem>>)
        tpu.wait_dma2 semaphore(%run_scoped3A : memref<!tpu.dma_semaphore, #tpu.memory_space<semaphore_mem>>) src(%arg4 : memref<50000x32xf32, #tpu.memory_space<hbm>>) dst(%arg8 : memref<50000x32xf32, #tpu.memory_space<vmem_shared>>)
        tpu.yield
      }) : () -> ()
    } else {
    }
    %barrier3A_22 = arith.constant 0 : index
    tpu.barrier barrier_id(%barrier3A_22)
    %scan3A_23 = arith.constant 0 : i32
    %scan3A_24 = arith.constant 0 : i32
    %scan3A_25 = arith.constant 125 : i32
    %scan3A_26 = arith.addi %scan3A_24, %scan3A_25 : i32
    %scan3A_27 = arith.constant 1 : i32
    scf.for %scan3A_74 = %scan3A_24 to %scan3A_26 step %scan3A_27  : i32 {
      %mul3A_75 = arith.constant 200 : i32
      %mul3A_76 = arith.muli %scan3A_74, %mul3A_75 : i32
      %add3A_77 = arith.addi %mul3A_2, %mul3A_76 : i32
      "tpu.region"() ({
        %run_scoped3A = tpu.sem_alloc : memref<!tpu.dma_semaphore, #tpu.memory_space<semaphore_mem>>
        %dma_start3A = tpu.memref_slice %arg3[%add3A_77] : memref<800000xi32, #tpu.memory_space<hbm>> -> memref<200xi32, #tpu.memory_space<hbm>>
        %dma_start3A_78 = tpu.memref_slice %arg3[%add3A_77] : memref<800000xi32, #tpu.memory_space<hbm>> -> memref<200xi32, #tpu.memory_space<hbm>>
        tpu.enqueue_dma source(%dma_start3A_78 : memref<200xi32, #tpu.memory_space<hbm>>) target(%arg6 : memref<200xi32, #tpu.memory_space<vmem>>) target_semaphore(%run_scoped3A : memref<!tpu.dma_semaphore, #tpu.memory_space<semaphore_mem>>)
        %dma_wait3A = tpu.memref_slice %arg3[%add3A_77] : memref<800000xi32, #tpu.memory_space<hbm>> -> memref<200xi32, #tpu.memory_space<hbm>>
        %dma_wait3A_79 = tpu.memref_slice %arg3[%add3A_77] : memref<800000xi32, #tpu.memory_space<hbm>> -> memref<200xi32, #tpu.memory_space<hbm>>
        tpu.wait_dma2 semaphore(%run_scoped3A : memref<!tpu.dma_semaphore, #tpu.memory_space<semaphore_mem>>) src(%dma_wait3A_79 : memref<200xi32, #tpu.memory_space<hbm>>) dst(%arg6 : memref<200xi32, #tpu.memory_space<vmem>>)
        tpu.yield
      }) : () -> ()
      "tpu.region"() ({
        %run_scoped3A = tpu.sem_alloc : memref<!tpu.dma_semaphore, #tpu.memory_space<semaphore_mem>>
        %dma_start3A = arith.constant 32 : i32
        %dma_start3A_78 = tpu.memref_slice %arg2[%add3A_77, %dma_start3A] : memref<800000x128xf32, #tpu.memory_space<hbm>> -> memref<200x32xf32, #tpu.memory_space<hbm>>
        %dma_start3A_79 = arith.constant 32 : i32
        %dma_start3A_80 = tpu.memref_slice %arg2[%add3A_77, %dma_start3A_79] : memref<800000x128xf32, #tpu.memory_space<hbm>> -> memref<200x32xf32, #tpu.memory_space<hbm>>
        tpu.enqueue_dma source(%dma_start3A_80 : memref<200x32xf32, #tpu.memory_space<hbm>>) target(%arg7 : memref<200x32xf32, #tpu.memory_space<vmem>>) target_semaphore(%run_scoped3A : memref<!tpu.dma_semaphore, #tpu.memory_space<semaphore_mem>>)
        %dma_wait3A = arith.constant 32 : i32
        %dma_wait3A_81 = tpu.memref_slice %arg2[%add3A_77, %dma_wait3A] : memref<800000x128xf32, #tpu.memory_space<hbm>> -> memref<200x32xf32, #tpu.memory_space<hbm>>
        %dma_wait3A_82 = arith.constant 32 : i32
        %dma_wait3A_83 = tpu.memref_slice %arg2[%add3A_77, %dma_wait3A_82] : memref<800000x128xf32, #tpu.memory_space<hbm>> -> memref<200x32xf32, #tpu.memory_space<hbm>>
        tpu.wait_dma2 semaphore(%run_scoped3A : memref<!tpu.dma_semaphore, #tpu.memory_space<semaphore_mem>>) src(%dma_wait3A_83 : memref<200x32xf32, #tpu.memory_space<hbm>>) dst(%arg7 : memref<200x32xf32, #tpu.memory_space<vmem>>)
        tpu.yield
      }) : () -> ()
      "tpu.region"() ({
        %run_scoped3A = tpu.sem_alloc : memref<!tpu.dma_semaphore, #tpu.memory_space<semaphore_mem>>
        %dma_start3A = arith.constant 0 : i32
        %dma_start3A_78 = arith.constant 0 : i32
        %dma_start3A_79 = tpu.memref_slice %arg8[%dma_start3A, %dma_start3A_78] : memref<50000x32xf32, #tpu.memory_space<vmem_shared>> -> memref<50000x32xf32, #tpu.memory_space<vmem_shared>>
        tpu.enqueue_indirect_dma source(%arg7 : memref<200x32xf32, #tpu.memory_space<vmem>>) target(%dma_start3A_79 : memref<50000x32xf32, #tpu.memory_space<vmem_shared>>) offsets(%arg6 : memref<200xi32, #tpu.memory_space<vmem>>) semaphore(%run_scoped3A : memref<!tpu.dma_semaphore, #tpu.memory_space<semaphore_mem>>) {add = true}
        %dma_wait3A = arith.constant 0 : i32
        %dma_wait3A_80 = arith.constant 0 : i32
        %dma_wait3A_81 = tpu.memref_slice %arg8[%dma_wait3A, %dma_wait3A_80] : memref<50000x32xf32, #tpu.memory_space<vmem_shared>> -> memref<50000x32xf32, #tpu.memory_space<vmem_shared>>
        tpu.wait_indirect_dma semaphore(%run_scoped3A : memref<!tpu.dma_semaphore, #tpu.memory_space<semaphore_mem>>) src(%arg7 : memref<200x32xf32, #tpu.memory_space<vmem>>) dst(%dma_wait3A_81 : memref<50000x32xf32, #tpu.memory_space<vmem_shared>>)
        tpu.yield
      }) : () -> ()
    }
    %scan3A_28 = arith.constant 125 : i32
    %barrier3A_29 = arith.constant 0 : index
    tpu.barrier barrier_id(%barrier3A_29)
    %eq3A_30 = arith.constant 0 : i32
    %eq3A_31 = arith.cmpi eq, %arg1, %eq3A_30 : i32
    %convert_element_type3A_32 = arith.extui %eq3A_31 : i1 to i32
    %cond3A_33 = arith.constant 0 : i32
    %cond3A_34 = arith.cmpi ne, %convert_element_type3A_32, %cond3A_33 : i32
    scf.if %cond3A_34 {
      %run_scoped3A = arith.constant 1 : i32
      "tpu.region"() ({
        %run_scoped3A_74 = tpu.sem_alloc : memref<!tpu.dma_semaphore, #tpu.memory_space<semaphore_mem>>
        %dma_start3A = arith.constant 0 : i32
        %dma_start3A_75 = arith.constant 0 : i32
        %dma_start3A_76 = tpu.memref_slice %arg5[%run_scoped3A, %arg0, %dma_start3A, %dma_start3A_75] : memref<4x2x50000x32xf32, #tpu.memory_space<hbm>> -> memref<1x1x50000x32xf32, #tpu.memory_space<hbm>>
        %dma_start3A_77 = tpu.memref_squeeze %dma_start3A_76 : memref<1x1x50000x32xf32, #tpu.memory_space<hbm>> -> memref<50000x32xf32, #tpu.memory_space<hbm>>
        tpu.enqueue_dma source(%arg8 : memref<50000x32xf32, #tpu.memory_space<vmem_shared>>) target(%dma_start3A_77 : memref<50000x32xf32, #tpu.memory_space<hbm>>) target_semaphore(%run_scoped3A_74 : memref<!tpu.dma_semaphore, #tpu.memory_space<semaphore_mem>>)
        %dma_wait3A = arith.constant 0 : i32
        %dma_wait3A_78 = arith.constant 0 : i32
        %dma_wait3A_79 = tpu.memref_slice %arg5[%run_scoped3A, %arg0, %dma_wait3A, %dma_wait3A_78] : memref<4x2x50000x32xf32, #tpu.memory_space<hbm>> -> memref<1x1x50000x32xf32, #tpu.memory_space<hbm>>
        %dma_wait3A_80 = tpu.memref_squeeze %dma_wait3A_79 : memref<1x1x50000x32xf32, #tpu.memory_space<hbm>> -> memref<50000x32xf32, #tpu.memory_space<hbm>>
        tpu.wait_dma2 semaphore(%run_scoped3A_74 : memref<!tpu.dma_semaphore, #tpu.memory_space<semaphore_mem>>) src(%arg8 : memref<50000x32xf32, #tpu.memory_space<vmem_shared>>) dst(%dma_wait3A_80 : memref<50000x32xf32, #tpu.memory_space<hbm>>)
        tpu.yield
      }) : () -> ()
    } else {
    }
    %barrier3A_35 = arith.constant 0 : index
    tpu.barrier barrier_id(%barrier3A_35)
    %eq3A_36 = arith.constant 0 : i32
    %eq3A_37 = arith.cmpi eq, %arg1, %eq3A_36 : i32
    %convert_element_type3A_38 = arith.extui %eq3A_37 : i1 to i32
    %cond3A_39 = arith.constant 0 : i32
    %cond3A_40 = arith.cmpi ne, %convert_element_type3A_38, %cond3A_39 : i32
    scf.if %cond3A_40 {
      "tpu.region"() ({
        %run_scoped3A = tpu.sem_alloc : memref<!tpu.dma_semaphore, #tpu.memory_space<semaphore_mem>>
        tpu.enqueue_dma source(%arg4 : memref<50000x32xf32, #tpu.memory_space<hbm>>) target(%arg8 : memref<50000x32xf32, #tpu.memory_space<vmem_shared>>) target_semaphore(%run_scoped3A : memref<!tpu.dma_semaphore, #tpu.memory_space<semaphore_mem>>)
        tpu.wait_dma2 semaphore(%run_scoped3A : memref<!tpu.dma_semaphore, #tpu.memory_space<semaphore_mem>>) src(%arg4 : memref<50000x32xf32, #tpu.memory_space<hbm>>) dst(%arg8 : memref<50000x32xf32, #tpu.memory_space<vmem_shared>>)
        tpu.yield
      }) : () -> ()
    } else {
    }
    %barrier3A_41 = arith.constant 0 : index
    tpu.barrier barrier_id(%barrier3A_41)
    %scan3A_42 = arith.constant 0 : i32
    %scan3A_43 = arith.constant 0 : i32
    %scan3A_44 = arith.constant 125 : i32
    %scan3A_45 = arith.addi %scan3A_43, %scan3A_44 : i32
    %scan3A_46 = arith.constant 1 : i32
    scf.for %scan3A_74 = %scan3A_43 to %scan3A_45 step %scan3A_46  : i32 {
      %mul3A_75 = arith.constant 200 : i32
      %mul3A_76 = arith.muli %scan3A_74, %mul3A_75 : i32
      %add3A_77 = arith.addi %mul3A_2, %mul3A_76 : i32
      "tpu.region"() ({
        %run_scoped3A = tpu.sem_alloc : memref<!tpu.dma_semaphore, #tpu.memory_space<semaphore_mem>>
        %dma_start3A = tpu.memref_slice %arg3[%add3A_77] : memref<800000xi32, #tpu.memory_space<hbm>> -> memref<200xi32, #tpu.memory_space<hbm>>
        %dma_start3A_78 = tpu.memref_slice %arg3[%add3A_77] : memref<800000xi32, #tpu.memory_space<hbm>> -> memref<200xi32, #tpu.memory_space<hbm>>
        tpu.enqueue_dma source(%dma_start3A_78 : memref<200xi32, #tpu.memory_space<hbm>>) target(%arg6 : memref<200xi32, #tpu.memory_space<vmem>>) target_semaphore(%run_scoped3A : memref<!tpu.dma_semaphore, #tpu.memory_space<semaphore_mem>>)
        %dma_wait3A = tpu.memref_slice %arg3[%add3A_77] : memref<800000xi32, #tpu.memory_space<hbm>> -> memref<200xi32, #tpu.memory_space<hbm>>
        %dma_wait3A_79 = tpu.memref_slice %arg3[%add3A_77] : memref<800000xi32, #tpu.memory_space<hbm>> -> memref<200xi32, #tpu.memory_space<hbm>>
        tpu.wait_dma2 semaphore(%run_scoped3A : memref<!tpu.dma_semaphore, #tpu.memory_space<semaphore_mem>>) src(%dma_wait3A_79 : memref<200xi32, #tpu.memory_space<hbm>>) dst(%arg6 : memref<200xi32, #tpu.memory_space<vmem>>)
        tpu.yield
      }) : () -> ()
      "tpu.region"() ({
        %run_scoped3A = tpu.sem_alloc : memref<!tpu.dma_semaphore, #tpu.memory_space<semaphore_mem>>
        %dma_start3A = arith.constant 64 : i32
        %dma_start3A_78 = tpu.memref_slice %arg2[%add3A_77, %dma_start3A] : memref<800000x128xf32, #tpu.memory_space<hbm>> -> memref<200x32xf32, #tpu.memory_space<hbm>>
        %dma_start3A_79 = arith.constant 64 : i32
        %dma_start3A_80 = tpu.memref_slice %arg2[%add3A_77, %dma_start3A_79] : memref<800000x128xf32, #tpu.memory_space<hbm>> -> memref<200x32xf32, #tpu.memory_space<hbm>>
        tpu.enqueue_dma source(%dma_start3A_80 : memref<200x32xf32, #tpu.memory_space<hbm>>) target(%arg7 : memref<200x32xf32, #tpu.memory_space<vmem>>) target_semaphore(%run_scoped3A : memref<!tpu.dma_semaphore, #tpu.memory_space<semaphore_mem>>)
        %dma_wait3A = arith.constant 64 : i32
        %dma_wait3A_81 = tpu.memref_slice %arg2[%add3A_77, %dma_wait3A] : memref<800000x128xf32, #tpu.memory_space<hbm>> -> memref<200x32xf32, #tpu.memory_space<hbm>>
        %dma_wait3A_82 = arith.constant 64 : i32
        %dma_wait3A_83 = tpu.memref_slice %arg2[%add3A_77, %dma_wait3A_82] : memref<800000x128xf32, #tpu.memory_space<hbm>> -> memref<200x32xf32, #tpu.memory_space<hbm>>
        tpu.wait_dma2 semaphore(%run_scoped3A : memref<!tpu.dma_semaphore, #tpu.memory_space<semaphore_mem>>) src(%dma_wait3A_83 : memref<200x32xf32, #tpu.memory_space<hbm>>) dst(%arg7 : memref<200x32xf32, #tpu.memory_space<vmem>>)
        tpu.yield
      }) : () -> ()
      "tpu.region"() ({
        %run_scoped3A = tpu.sem_alloc : memref<!tpu.dma_semaphore, #tpu.memory_space<semaphore_mem>>
        %dma_start3A = arith.constant 0 : i32
        %dma_start3A_78 = arith.constant 0 : i32
        %dma_start3A_79 = tpu.memref_slice %arg8[%dma_start3A, %dma_start3A_78] : memref<50000x32xf32, #tpu.memory_space<vmem_shared>> -> memref<50000x32xf32, #tpu.memory_space<vmem_shared>>
        tpu.enqueue_indirect_dma source(%arg7 : memref<200x32xf32, #tpu.memory_space<vmem>>) target(%dma_start3A_79 : memref<50000x32xf32, #tpu.memory_space<vmem_shared>>) offsets(%arg6 : memref<200xi32, #tpu.memory_space<vmem>>) semaphore(%run_scoped3A : memref<!tpu.dma_semaphore, #tpu.memory_space<semaphore_mem>>) {add = true}
        %dma_wait3A = arith.constant 0 : i32
        %dma_wait3A_80 = arith.constant 0 : i32
        %dma_wait3A_81 = tpu.memref_slice %arg8[%dma_wait3A, %dma_wait3A_80] : memref<50000x32xf32, #tpu.memory_space<vmem_shared>> -> memref<50000x32xf32, #tpu.memory_space<vmem_shared>>
        tpu.wait_indirect_dma semaphore(%run_scoped3A : memref<!tpu.dma_semaphore, #tpu.memory_space<semaphore_mem>>) src(%arg7 : memref<200x32xf32, #tpu.memory_space<vmem>>) dst(%dma_wait3A_81 : memref<50000x32xf32, #tpu.memory_space<vmem_shared>>)
        tpu.yield
      }) : () -> ()
    }
    %scan3A_47 = arith.constant 125 : i32
    %barrier3A_48 = arith.constant 0 : index
    tpu.barrier barrier_id(%barrier3A_48)
    %eq3A_49 = arith.constant 0 : i32
    %eq3A_50 = arith.cmpi eq, %arg1, %eq3A_49 : i32
    %convert_element_type3A_51 = arith.extui %eq3A_50 : i1 to i32
    %cond3A_52 = arith.constant 0 : i32
    %cond3A_53 = arith.cmpi ne, %convert_element_type3A_51, %cond3A_52 : i32
    scf.if %cond3A_53 {
      %run_scoped3A = arith.constant 2 : i32
      "tpu.region"() ({
        %run_scoped3A_74 = tpu.sem_alloc : memref<!tpu.dma_semaphore, #tpu.memory_space<semaphore_mem>>
        %dma_start3A = arith.constant 0 : i32
        %dma_start3A_75 = arith.constant 0 : i32
        %dma_start3A_76 = tpu.memref_slice %arg5[%run_scoped3A, %arg0, %dma_start3A, %dma_start3A_75] : memref<4x2x50000x32xf32, #tpu.memory_space<hbm>> -> memref<1x1x50000x32xf32, #tpu.memory_space<hbm>>
        %dma_start3A_77 = tpu.memref_squeeze %dma_start3A_76 : memref<1x1x50000x32xf32, #tpu.memory_space<hbm>> -> memref<50000x32xf32, #tpu.memory_space<hbm>>
        tpu.enqueue_dma source(%arg8 : memref<50000x32xf32, #tpu.memory_space<vmem_shared>>) target(%dma_start3A_77 : memref<50000x32xf32, #tpu.memory_space<hbm>>) target_semaphore(%run_scoped3A_74 : memref<!tpu.dma_semaphore, #tpu.memory_space<semaphore_mem>>)
        %dma_wait3A = arith.constant 0 : i32
        %dma_wait3A_78 = arith.constant 0 : i32
        %dma_wait3A_79 = tpu.memref_slice %arg5[%run_scoped3A, %arg0, %dma_wait3A, %dma_wait3A_78] : memref<4x2x50000x32xf32, #tpu.memory_space<hbm>> -> memref<1x1x50000x32xf32, #tpu.memory_space<hbm>>
        %dma_wait3A_80 = tpu.memref_squeeze %dma_wait3A_79 : memref<1x1x50000x32xf32, #tpu.memory_space<hbm>> -> memref<50000x32xf32, #tpu.memory_space<hbm>>
        tpu.wait_dma2 semaphore(%run_scoped3A_74 : memref<!tpu.dma_semaphore, #tpu.memory_space<semaphore_mem>>) src(%arg8 : memref<50000x32xf32, #tpu.memory_space<vmem_shared>>) dst(%dma_wait3A_80 : memref<50000x32xf32, #tpu.memory_space<hbm>>)
        tpu.yield
      }) : () -> ()
    } else {
    }
    %barrier3A_54 = arith.constant 0 : index
    tpu.barrier barrier_id(%barrier3A_54)
    %eq3A_55 = arith.constant 0 : i32
    %eq3A_56 = arith.cmpi eq, %arg1, %eq3A_55 : i32
    %convert_element_type3A_57 = arith.extui %eq3A_56 : i1 to i32
    %cond3A_58 = arith.constant 0 : i32
    %cond3A_59 = arith.cmpi ne, %convert_element_type3A_57, %cond3A_58 : i32
    scf.if %cond3A_59 {
      "tpu.region"() ({
        %run_scoped3A = tpu.sem_alloc : memref<!tpu.dma_semaphore, #tpu.memory_space<semaphore_mem>>
        tpu.enqueue_dma source(%arg4 : memref<50000x32xf32, #tpu.memory_space<hbm>>) target(%arg8 : memref<50000x32xf32, #tpu.memory_space<vmem_shared>>) target_semaphore(%run_scoped3A : memref<!tpu.dma_semaphore, #tpu.memory_space<semaphore_mem>>)
        tpu.wait_dma2 semaphore(%run_scoped3A : memref<!tpu.dma_semaphore, #tpu.memory_space<semaphore_mem>>) src(%arg4 : memref<50000x32xf32, #tpu.memory_space<hbm>>) dst(%arg8 : memref<50000x32xf32, #tpu.memory_space<vmem_shared>>)
        tpu.yield
      }) : () -> ()
    } else {
    }
    %barrier3A_60 = arith.constant 0 : index
    tpu.barrier barrier_id(%barrier3A_60)
    %scan3A_61 = arith.constant 0 : i32
    %scan3A_62 = arith.constant 0 : i32
    %scan3A_63 = arith.constant 125 : i32
    %scan3A_64 = arith.addi %scan3A_62, %scan3A_63 : i32
    %scan3A_65 = arith.constant 1 : i32
    scf.for %scan3A_74 = %scan3A_62 to %scan3A_64 step %scan3A_65  : i32 {
      %mul3A_75 = arith.constant 200 : i32
      %mul3A_76 = arith.muli %scan3A_74, %mul3A_75 : i32
      %add3A_77 = arith.addi %mul3A_2, %mul3A_76 : i32
      "tpu.region"() ({
        %run_scoped3A = tpu.sem_alloc : memref<!tpu.dma_semaphore, #tpu.memory_space<semaphore_mem>>
        %dma_start3A = tpu.memref_slice %arg3[%add3A_77] : memref<800000xi32, #tpu.memory_space<hbm>> -> memref<200xi32, #tpu.memory_space<hbm>>
        %dma_start3A_78 = tpu.memref_slice %arg3[%add3A_77] : memref<800000xi32, #tpu.memory_space<hbm>> -> memref<200xi32, #tpu.memory_space<hbm>>
        tpu.enqueue_dma source(%dma_start3A_78 : memref<200xi32, #tpu.memory_space<hbm>>) target(%arg6 : memref<200xi32, #tpu.memory_space<vmem>>) target_semaphore(%run_scoped3A : memref<!tpu.dma_semaphore, #tpu.memory_space<semaphore_mem>>)
        %dma_wait3A = tpu.memref_slice %arg3[%add3A_77] : memref<800000xi32, #tpu.memory_space<hbm>> -> memref<200xi32, #tpu.memory_space<hbm>>
        %dma_wait3A_79 = tpu.memref_slice %arg3[%add3A_77] : memref<800000xi32, #tpu.memory_space<hbm>> -> memref<200xi32, #tpu.memory_space<hbm>>
        tpu.wait_dma2 semaphore(%run_scoped3A : memref<!tpu.dma_semaphore, #tpu.memory_space<semaphore_mem>>) src(%dma_wait3A_79 : memref<200xi32, #tpu.memory_space<hbm>>) dst(%arg6 : memref<200xi32, #tpu.memory_space<vmem>>)
        tpu.yield
      }) : () -> ()
      "tpu.region"() ({
        %run_scoped3A = tpu.sem_alloc : memref<!tpu.dma_semaphore, #tpu.memory_space<semaphore_mem>>
        %dma_start3A = arith.constant 96 : i32
        %dma_start3A_78 = tpu.memref_slice %arg2[%add3A_77, %dma_start3A] : memref<800000x128xf32, #tpu.memory_space<hbm>> -> memref<200x32xf32, #tpu.memory_space<hbm>>
        %dma_start3A_79 = arith.constant 96 : i32
        %dma_start3A_80 = tpu.memref_slice %arg2[%add3A_77, %dma_start3A_79] : memref<800000x128xf32, #tpu.memory_space<hbm>> -> memref<200x32xf32, #tpu.memory_space<hbm>>
        tpu.enqueue_dma source(%dma_start3A_80 : memref<200x32xf32, #tpu.memory_space<hbm>>) target(%arg7 : memref<200x32xf32, #tpu.memory_space<vmem>>) target_semaphore(%run_scoped3A : memref<!tpu.dma_semaphore, #tpu.memory_space<semaphore_mem>>)
        %dma_wait3A = arith.constant 96 : i32
        %dma_wait3A_81 = tpu.memref_slice %arg2[%add3A_77, %dma_wait3A] : memref<800000x128xf32, #tpu.memory_space<hbm>> -> memref<200x32xf32, #tpu.memory_space<hbm>>
        %dma_wait3A_82 = arith.constant 96 : i32
        %dma_wait3A_83 = tpu.memref_slice %arg2[%add3A_77, %dma_wait3A_82] : memref<800000x128xf32, #tpu.memory_space<hbm>> -> memref<200x32xf32, #tpu.memory_space<hbm>>
        tpu.wait_dma2 semaphore(%run_scoped3A : memref<!tpu.dma_semaphore, #tpu.memory_space<semaphore_mem>>) src(%dma_wait3A_83 : memref<200x32xf32, #tpu.memory_space<hbm>>) dst(%arg7 : memref<200x32xf32, #tpu.memory_space<vmem>>)
        tpu.yield
      }) : () -> ()
      "tpu.region"() ({
        %run_scoped3A = tpu.sem_alloc : memref<!tpu.dma_semaphore, #tpu.memory_space<semaphore_mem>>
        %dma_start3A = arith.constant 0 : i32
        %dma_start3A_78 = arith.constant 0 : i32
        %dma_start3A_79 = tpu.memref_slice %arg8[%dma_start3A, %dma_start3A_78] : memref<50000x32xf32, #tpu.memory_space<vmem_shared>> -> memref<50000x32xf32, #tpu.memory_space<vmem_shared>>
        tpu.enqueue_indirect_dma source(%arg7 : memref<200x32xf32, #tpu.memory_space<vmem>>) target(%dma_start3A_79 : memref<50000x32xf32, #tpu.memory_space<vmem_shared>>) offsets(%arg6 : memref<200xi32, #tpu.memory_space<vmem>>) semaphore(%run_scoped3A : memref<!tpu.dma_semaphore, #tpu.memory_space<semaphore_mem>>) {add = true}
        %dma_wait3A = arith.constant 0 : i32
        %dma_wait3A_80 = arith.constant 0 : i32
        %dma_wait3A_81 = tpu.memref_slice %arg8[%dma_wait3A, %dma_wait3A_80] : memref<50000x32xf32, #tpu.memory_space<vmem_shared>> -> memref<50000x32xf32, #tpu.memory_space<vmem_shared>>
        tpu.wait_indirect_dma semaphore(%run_scoped3A : memref<!tpu.dma_semaphore, #tpu.memory_space<semaphore_mem>>) src(%arg7 : memref<200x32xf32, #tpu.memory_space<vmem>>) dst(%dma_wait3A_81 : memref<50000x32xf32, #tpu.memory_space<vmem_shared>>)
        tpu.yield
      }) : () -> ()
    }
    %scan3A_66 = arith.constant 125 : i32
    %barrier3A_67 = arith.constant 0 : index
    tpu.barrier barrier_id(%barrier3A_67)
    %eq3A_68 = arith.constant 0 : i32
    %eq3A_69 = arith.cmpi eq, %arg1, %eq3A_68 : i32
    %convert_element_type3A_70 = arith.extui %eq3A_69 : i1 to i32
    %cond3A_71 = arith.constant 0 : i32
    %cond3A_72 = arith.cmpi ne, %convert_element_type3A_70, %cond3A_71 : i32
    scf.if %cond3A_72 {
      %run_scoped3A = arith.constant 3 : i32
      "tpu.region"() ({
        %run_scoped3A_74 = tpu.sem_alloc : memref<!tpu.dma_semaphore, #tpu.memory_space<semaphore_mem>>
        %dma_start3A = arith.constant 0 : i32
        %dma_start3A_75 = arith.constant 0 : i32
        %dma_start3A_76 = tpu.memref_slice %arg5[%run_scoped3A, %arg0, %dma_start3A, %dma_start3A_75] : memref<4x2x50000x32xf32, #tpu.memory_space<hbm>> -> memref<1x1x50000x32xf32, #tpu.memory_space<hbm>>
        %dma_start3A_77 = tpu.memref_squeeze %dma_start3A_76 : memref<1x1x50000x32xf32, #tpu.memory_space<hbm>> -> memref<50000x32xf32, #tpu.memory_space<hbm>>
        tpu.enqueue_dma source(%arg8 : memref<50000x32xf32, #tpu.memory_space<vmem_shared>>) target(%dma_start3A_77 : memref<50000x32xf32, #tpu.memory_space<hbm>>) target_semaphore(%run_scoped3A_74 : memref<!tpu.dma_semaphore, #tpu.memory_space<semaphore_mem>>)
        %dma_wait3A = arith.constant 0 : i32
        %dma_wait3A_78 = arith.constant 0 : i32
        %dma_wait3A_79 = tpu.memref_slice %arg5[%run_scoped3A, %arg0, %dma_wait3A, %dma_wait3A_78] : memref<4x2x50000x32xf32, #tpu.memory_space<hbm>> -> memref<1x1x50000x32xf32, #tpu.memory_space<hbm>>
        %dma_wait3A_80 = tpu.memref_squeeze %dma_wait3A_79 : memref<1x1x50000x32xf32, #tpu.memory_space<hbm>> -> memref<50000x32xf32, #tpu.memory_space<hbm>>
        tpu.wait_dma2 semaphore(%run_scoped3A_74 : memref<!tpu.dma_semaphore, #tpu.memory_space<semaphore_mem>>) src(%arg8 : memref<50000x32xf32, #tpu.memory_space<vmem_shared>>) dst(%dma_wait3A_80 : memref<50000x32xf32, #tpu.memory_space<hbm>>)
        tpu.yield
      }) : () -> ()
    } else {
    }
    %barrier3A_73 = arith.constant 0 : index
    tpu.barrier barrier_id(%barrier3A_73)
    return
  }
}

module attributes {stable_mosaic.version = 14 : i64} {
  func.func @_emb_body(%arg0: i32, %arg1: memref<2000x92xf32, #tpu.memory_space<vmem>>, %arg2: memref<92x128xf32, #tpu.memory_space<vmem>>, %arg3: memref<1x128xf32, #tpu.memory_space<vmem>>, %arg4: memref<2000x128xf32, #tpu.memory_space<vmem>>) attributes {dimension_semantics = [#tpu.dimension_semantics<arbitrary>], iteration_bounds = array<i64: 25>, scalar_prefetch = 0 : i64, scratch_operands = 0 : i64, tpu.core_type = #tpu.core_type<tc>, window_params = [{transform_indices = @transform_0, window_bounds = array<i64: 2000, 92>}, {pipeline_mode = #tpu.pipeline_mode<synchronous>, transform_indices = @transform_1, window_bounds = array<i64: 92, 128>}, {pipeline_mode = #tpu.pipeline_mode<synchronous>, transform_indices = @transform_2, window_bounds = array<i64: 1, 128>}, {transform_indices = @transform_3, window_bounds = array<i64: 2000, 128>}]} {
    %get3A = arith.constant 0 : index
    %get3A_0 = arith.constant 0 : index
    %get3A_1 = vector.load %arg1[%get3A, %get3A_0] : memref<2000x92xf32, #tpu.memory_space<vmem>>, vector<2000x92xf32>
    %get3A_2 = arith.constant 0 : index
    %get3A_3 = arith.constant 0 : index
    %get3A_4 = vector.load %arg2[%get3A_2, %get3A_3] : memref<92x128xf32, #tpu.memory_space<vmem>>, vector<92x128xf32>
    %dot_general3A = arith.constant dense<0.000000e+00> : vector<2000x128xf32>
    %dot_general3A_5 = tpu.matmul %get3A_1, %get3A_4, %dot_general3A {dimension_numbers = #tpu.dot_dimension_numbers<[1], [0], [0], [1], [0, 0, 1, 1], [], []>, transpose_lhs_hint = false} : vector<2000x92xf32>, vector<92x128xf32>, vector<2000x128xf32> -> vector<2000x128xf32>
    %get3A_6 = arith.constant 0 : index
    %get3A_7 = arith.constant 0 : index
    %get3A_8 = vector.load %arg3[%get3A_6, %get3A_7] : memref<1x128xf32, #tpu.memory_space<vmem>>, vector<1x128xf32>
    %add3A = vector.broadcast %get3A_8 : vector<1x128xf32> to vector<2000x128xf32>
    %add3A_9 = arith.addf %dot_general3A_5, %add3A : vector<2000x128xf32>
    %swap3A = arith.constant 0 : index
    %swap3A_10 = arith.constant 0 : index
    %swap3A_11 = vector.load %arg4[%swap3A, %swap3A_10] : memref<2000x128xf32, #tpu.memory_space<vmem>>, vector<2000x128xf32>
    tpu.vector_store %arg4[%swap3A, %swap3A_10], %add3A_9 {strides = array<i32>} : memref<2000x128xf32, #tpu.memory_space<vmem>>, vector<2000x128xf32>,
    return
  }
  func.func @transform_0(%arg0: i32) -> (i32, i32) {
    %c0_i32 = arith.constant 0 : i32
    %c0_i32_0 = arith.constant 0 : i32
    return %arg0, %c0_i32 : i32, i32
  }
  func.func @transform_1(%arg0: i32) -> (i32, i32) {
    %c0_i32 = arith.constant 0 : i32
    %c0_i32_0 = arith.constant 0 : i32
    %c0_i32_1 = arith.constant 0 : i32
    return %c0_i32, %c0_i32_0 : i32, i32
  }
  func.func @transform_2(%arg0: i32) -> (i32, i32) {
    %c0_i32 = arith.constant 0 : i32
    %c0_i32_0 = arith.constant 0 : i32
    %c0_i32_1 = arith.constant 0 : i32
    return %c0_i32, %c0_i32_0 : i32, i32
  }
  func.func @transform_3(%arg0: i32) -> (i32, i32) {
    %c0_i32 = arith.constant 0 : i32
    %c0_i32_0 = arith.constant 0 : i32
    return %arg0, %c0_i32 : i32, i32
  }
}

module attributes {stable_mosaic.version = 14 : i64} {
  func.func @_nodemm_body(%arg0: i32, %arg1: memref<2000x128xf32, #tpu.memory_space<vmem>>, %arg2: memref<128x128xf32, #tpu.memory_space<vmem>>, %arg3: memref<128x128xf32, #tpu.memory_space<vmem>>, %arg4: memref<2000x128xf32, #tpu.memory_space<vmem>>, %arg5: memref<2000x128xf32, #tpu.memory_space<vmem>>) attributes {dimension_semantics = [#tpu.dimension_semantics<arbitrary>], iteration_bounds = array<i64: 25>, scalar_prefetch = 0 : i64, scratch_operands = 0 : i64, tpu.core_type = #tpu.core_type<tc>, window_params = [{transform_indices = @transform_0, window_bounds = array<i64: 2000, 128>}, {pipeline_mode = #tpu.pipeline_mode<synchronous>, transform_indices = @transform_1, window_bounds = array<i64: 128, 128>}, {pipeline_mode = #tpu.pipeline_mode<synchronous>, transform_indices = @transform_2, window_bounds = array<i64: 128, 128>}, {transform_indices = @transform_3, window_bounds = array<i64: 2000, 128>}, {transform_indices = @transform_4, window_bounds = array<i64: 2000, 128>}]} {
    %get3A = arith.constant 0 : index
    %get3A_0 = arith.constant 0 : index
    %get3A_1 = vector.load %arg1[%get3A, %get3A_0] : memref<2000x128xf32, #tpu.memory_space<vmem>>, vector<2000x128xf32>
    %get3A_2 = arith.constant 0 : index
    %get3A_3 = arith.constant 0 : index
    %get3A_4 = vector.load %arg2[%get3A_2, %get3A_3] : memref<128x128xf32, #tpu.memory_space<vmem>>, vector<128x128xf32>
    %dot_general3A = arith.constant dense<0.000000e+00> : vector<2000x128xf32>
    %dot_general3A_5 = tpu.matmul %get3A_1, %get3A_4, %dot_general3A {dimension_numbers = #tpu.dot_dimension_numbers<[1], [0], [0], [1], [0, 0, 1, 1], [], []>, transpose_lhs_hint = false} : vector<2000x128xf32>, vector<128x128xf32>, vector<2000x128xf32> -> vector<2000x128xf32>
    %swap3A = arith.constant 0 : index
    %swap3A_6 = arith.constant 0 : index
    %swap3A_7 = vector.load %arg4[%swap3A, %swap3A_6] : memref<2000x128xf32, #tpu.memory_space<vmem>>, vector<2000x128xf32>
    tpu.vector_store %arg4[%swap3A, %swap3A_6], %dot_general3A_5 {strides = array<i32>} : memref<2000x128xf32, #tpu.memory_space<vmem>>, vector<2000x128xf32>,
    %get3A_8 = arith.constant 0 : index
    %get3A_9 = arith.constant 0 : index
    %get3A_10 = vector.load %arg3[%get3A_8, %get3A_9] : memref<128x128xf32, #tpu.memory_space<vmem>>, vector<128x128xf32>
    %dot_general3A_11 = arith.constant dense<0.000000e+00> : vector<2000x128xf32>
    %dot_general3A_12 = tpu.matmul %get3A_1, %get3A_10, %dot_general3A_11 {dimension_numbers = #tpu.dot_dimension_numbers<[1], [0], [0], [1], [0, 0, 1, 1], [], []>, transpose_lhs_hint = false} : vector<2000x128xf32>, vector<128x128xf32>, vector<2000x128xf32> -> vector<2000x128xf32>
    %swap3A_13 = arith.constant 0 : index
    %swap3A_14 = arith.constant 0 : index
    %swap3A_15 = vector.load %arg5[%swap3A_13, %swap3A_14] : memref<2000x128xf32, #tpu.memory_space<vmem>>, vector<2000x128xf32>
    tpu.vector_store %arg5[%swap3A_13, %swap3A_14], %dot_general3A_12 {strides = array<i32>} : memref<2000x128xf32, #tpu.memory_space<vmem>>, vector<2000x128xf32>,
    return
  }
  func.func @transform_0(%arg0: i32) -> (i32, i32) {
    %c0_i32 = arith.constant 0 : i32
    %c0_i32_0 = arith.constant 0 : i32
    return %arg0, %c0_i32 : i32, i32
  }
  func.func @transform_1(%arg0: i32) -> (i32, i32) {
    %c0_i32 = arith.constant 0 : i32
    %c0_i32_0 = arith.constant 0 : i32
    %c0_i32_1 = arith.constant 0 : i32
    return %c0_i32, %c0_i32_0 : i32, i32
  }
  func.func @transform_2(%arg0: i32) -> (i32, i32) {
    %c0_i32 = arith.constant 0 : i32
    %c0_i32_0 = arith.constant 0 : i32
    %c0_i32_1 = arith.constant 0 : i32
    return %c0_i32, %c0_i32_0 : i32, i32
  }
  func.func @transform_3(%arg0: i32) -> (i32, i32) {
    %c0_i32 = arith.constant 0 : i32
    %c0_i32_0 = arith.constant 0 : i32
    return %arg0, %c0_i32 : i32, i32
  }
  func.func @transform_4(%arg0: i32) -> (i32, i32) {
    %c0_i32 = arith.constant 0 : i32
    %c0_i32_0 = arith.constant 0 : i32
    return %arg0, %c0_i32 : i32, i32
  }
}

module attributes {stable_mosaic.version = 14 : i64} {
  func.func @_fold_body(%arg0: memref<128x256xf32, #tpu.memory_space<vmem>>, %arg1: memref<256x128xf32, #tpu.memory_space<vmem>>, %arg2: memref<1x256xf32, #tpu.memory_space<vmem>>, %arg3: memref<1x128xf32, #tpu.memory_space<vmem>>, %arg4: memref<128x128xf32, #tpu.memory_space<vmem>>, %arg5: memref<1x128xf32, #tpu.memory_space<vmem>>) attributes {dimension_semantics = [], scalar_prefetch = 0 : i64, scratch_operands = 0 : i64, tpu.core_type = #tpu.core_type<tc>} {
    %get3A = arith.constant 0 : index
    %get3A_0 = arith.constant 0 : index
    %get3A_1 = vector.load %arg0[%get3A, %get3A_0] : memref<128x256xf32, #tpu.memory_space<vmem>>, vector<128x256xf32>
    %get3A_2 = arith.constant 0 : index
    %get3A_3 = arith.constant 0 : index
    %get3A_4 = vector.load %arg1[%get3A_2, %get3A_3] : memref<256x128xf32, #tpu.memory_space<vmem>>, vector<256x128xf32>
    %dot_general3A = arith.constant dense<0.000000e+00> : vector<128x128xf32>
    %dot_general3A_5 = tpu.matmul %get3A_1, %get3A_4, %dot_general3A {dimension_numbers = #tpu.dot_dimension_numbers<[1], [0], [0], [1], [0, 0, 1, 1], [], []>, transpose_lhs_hint = false} : vector<128x256xf32>, vector<256x128xf32>, vector<128x128xf32> -> vector<128x128xf32>
    %swap3A = arith.constant 0 : index
    %swap3A_6 = arith.constant 0 : index
    %swap3A_7 = vector.load %arg4[%swap3A, %swap3A_6] : memref<128x128xf32, #tpu.memory_space<vmem>>, vector<128x128xf32>
    tpu.vector_store %arg4[%swap3A, %swap3A_6], %dot_general3A_5 {strides = array<i32>} : memref<128x128xf32, #tpu.memory_space<vmem>>, vector<128x128xf32>,
    %get3A_8 = arith.constant 0 : index
    %get3A_9 = arith.constant 0 : index
    %get3A_10 = vector.load %arg2[%get3A_8, %get3A_9] : memref<1x256xf32, #tpu.memory_space<vmem>>, vector<1x256xf32>
    %get3A_11 = arith.constant 0 : index
    %get3A_12 = arith.constant 0 : index
    %get3A_13 = vector.load %arg1[%get3A_11, %get3A_12] : memref<256x128xf32, #tpu.memory_space<vmem>>, vector<256x128xf32>
    %dot_general3A_14 = arith.constant dense<0.000000e+00> : vector<1x128xf32>
    %dot_general3A_15 = tpu.matmul %get3A_10, %get3A_13, %dot_general3A_14 {dimension_numbers = #tpu.dot_dimension_numbers<[1], [0], [0], [1], [0, 0, 1, 1], [], []>, transpose_lhs_hint = false} : vector<1x256xf32>, vector<256x128xf32>, vector<1x128xf32> -> vector<1x128xf32>
    %get3A_16 = arith.constant 0 : index
    %get3A_17 = arith.constant 0 : index
    %get3A_18 = vector.load %arg3[%get3A_16, %get3A_17] : memref<1x128xf32, #tpu.memory_space<vmem>>, vector<1x128xf32>
    %add3A = arith.addf %dot_general3A_15, %get3A_18 : vector<1x128xf32>
    %swap3A_19 = arith.constant 0 : index
    %swap3A_20 = arith.constant 0 : index
    %swap3A_21 = vector.load %arg5[%swap3A_19, %swap3A_20] : memref<1x128xf32, #tpu.memory_space<vmem>>, vector<1x128xf32>
    tpu.vector_store %arg5[%swap3A_19, %swap3A_20], %add3A {strides = array<i32>} : memref<1x128xf32, #tpu.memory_space<vmem>>, vector<1x128xf32>,
    return
  }
}

module attributes {stable_mosaic.version = 14 : i64} {
  func.func @_edge_body(%arg0: i32, %arg1: memref<4000x41xf32, #tpu.memory_space<vmem>>, %arg2: memref<4000x128xf32, #tpu.memory_space<vmem>>, %arg3: memref<4000x128xf32, #tpu.memory_space<vmem>>, %arg4: memref<41x128xf32, #tpu.memory_space<vmem>>, %arg5: memref<1x128xf32, #tpu.memory_space<vmem>>, %arg6: memref<128x128xf32, #tpu.memory_space<vmem>>, %arg7: memref<1x128xf32, #tpu.memory_space<vmem>>, %arg8: memref<128x128xf32, #tpu.memory_space<vmem>>, %arg9: memref<1x128xf32, #tpu.memory_space<vmem>>, %arg10: memref<4000x128xf32, #tpu.memory_space<vmem>>) attributes {dimension_semantics = [#tpu.dimension_semantics<arbitrary>], iteration_bounds = array<i64: 200>, scalar_prefetch = 0 : i64, scratch_operands = 0 : i64, tpu.core_type = #tpu.core_type<tc>, window_params = [{transform_indices = @transform_0, window_bounds = array<i64: 4000, 41>}, {transform_indices = @transform_1, window_bounds = array<i64: 4000, 128>}, {transform_indices = @transform_2, window_bounds = array<i64: 4000, 128>}, {pipeline_mode = #tpu.pipeline_mode<synchronous>, transform_indices = @transform_3, window_bounds = array<i64: 41, 128>}, {pipeline_mode = #tpu.pipeline_mode<synchronous>, transform_indices = @transform_4, window_bounds = array<i64: 1, 128>}, {pipeline_mode = #tpu.pipeline_mode<synchronous>, transform_indices = @transform_5, window_bounds = array<i64: 128, 128>}, {pipeline_mode = #tpu.pipeline_mode<synchronous>, transform_indices = @transform_6, window_bounds = array<i64: 1, 128>}, {pipeline_mode = #tpu.pipeline_mode<synchronous>, transform_indices = @transform_7, window_bounds = array<i64: 128, 128>}, {pipeline_mode = #tpu.pipeline_mode<synchronous>, transform_indices = @transform_8, window_bounds = array<i64: 1, 128>}, {transform_indices = @transform_9, window_bounds = array<i64: 4000, 128>}]} {
    %get3A = arith.constant 0 : index
    %get3A_0 = arith.constant 0 : index
    %get3A_1 = vector.load %arg1[%get3A, %get3A_0] : memref<4000x41xf32, #tpu.memory_space<vmem>>, vector<4000x41xf32>
    %get3A_2 = arith.constant 0 : index
    %get3A_3 = arith.constant 0 : index
    %get3A_4 = vector.load %arg4[%get3A_2, %get3A_3] : memref<41x128xf32, #tpu.memory_space<vmem>>, vector<41x128xf32>
    %dot_general3A = arith.constant dense<0.000000e+00> : vector<4000x128xf32>
    %dot_general3A_5 = tpu.matmul %get3A_1, %get3A_4, %dot_general3A {dimension_numbers = #tpu.dot_dimension_numbers<[1], [0], [0], [1], [0, 0, 1, 1], [], []>, transpose_lhs_hint = false} : vector<4000x41xf32>, vector<41x128xf32>, vector<4000x128xf32> -> vector<4000x128xf32>
    %get3A_6 = arith.constant 0 : index
    %get3A_7 = arith.constant 0 : index
    %get3A_8 = vector.load %arg5[%get3A_6, %get3A_7] : memref<1x128xf32, #tpu.memory_space<vmem>>, vector<1x128xf32>
    %add3A = vector.broadcast %get3A_8 : vector<1x128xf32> to vector<4000x128xf32>
    %add3A_9 = arith.addf %dot_general3A_5, %add3A : vector<4000x128xf32>
    %max3A = arith.constant 0.000000e+00 : f32
    %max3A_10 = vector.broadcast %max3A : f32 to vector<4000x128xf32>
    %max3A_11 = arith.maximumf %add3A_9, %max3A_10 : vector<4000x128xf32>
    %abs3A = math.absf %add3A_9 : vector<4000x128xf32>
    %neg3A = arith.constant 0.000000e+00 : f32
    %neg3A_12 = vector.broadcast %neg3A : f32 to vector<4000x128xf32>
    %neg3A_13 = arith.subf %neg3A_12, %abs3A : vector<4000x128xf32>
    %exp3A = math.exp %neg3A_13 : vector<4000x128xf32>
    %log1p3A = math.log1p %exp3A : vector<4000x128xf32>
    %add3A_14 = arith.addf %max3A_11, %log1p3A : vector<4000x128xf32>
    %get3A_15 = arith.constant 0 : index
    %get3A_16 = arith.constant 0 : index
    %get3A_17 = vector.load %arg6[%get3A_15, %get3A_16] : memref<128x128xf32, #tpu.memory_space<vmem>>, vector<128x128xf32>
    %dot_general3A_18 = arith.constant dense<0.000000e+00> : vector<4000x128xf32>
    %dot_general3A_19 = tpu.matmul %add3A_14, %get3A_17, %dot_general3A_18 {dimension_numbers = #tpu.dot_dimension_numbers<[1], [0], [0], [1], [0, 0, 1, 1], [], []>, transpose_lhs_hint = false} : vector<4000x128xf32>, vector<128x128xf32>, vector<4000x128xf32> -> vector<4000x128xf32>
    %get3A_20 = arith.constant 0 : index
    %get3A_21 = arith.constant 0 : index
    %get3A_22 = vector.load %arg2[%get3A_20, %get3A_21] : memref<4000x128xf32, #tpu.memory_space<vmem>>, vector<4000x128xf32>
    %get3A_23 = arith.constant 0 : index
    %get3A_24 = arith.constant 0 : index
    %get3A_25 = vector.load %arg3[%get3A_23, %get3A_24] : memref<4000x128xf32, #tpu.memory_space<vmem>>, vector<4000x128xf32>
    %add3A_26 = arith.addf %get3A_22, %get3A_25 : vector<4000x128xf32>
    %add3A_27 = arith.addf %add3A_26, %dot_general3A_19 : vector<4000x128xf32>
    %get3A_28 = arith.constant 0 : index
    %get3A_29 = arith.constant 0 : index
    %get3A_30 = vector.load %arg7[%get3A_28, %get3A_29] : memref<1x128xf32, #tpu.memory_space<vmem>>, vector<1x128xf32>
    %add3A_31 = vector.broadcast %get3A_30 : vector<1x128xf32> to vector<4000x128xf32>
    %add3A_32 = arith.addf %add3A_27, %add3A_31 : vector<4000x128xf32>
    %max3A_33 = arith.constant 0.000000e+00 : f32
    %max3A_34 = vector.broadcast %max3A_33 : f32 to vector<4000x128xf32>
    %max3A_35 = arith.maximumf %add3A_32, %max3A_34 : vector<4000x128xf32>
    %abs3A_36 = math.absf %add3A_32 : vector<4000x128xf32>
    %neg3A_37 = arith.constant 0.000000e+00 : f32
    %neg3A_38 = vector.broadcast %neg3A_37 : f32 to vector<4000x128xf32>
    %neg3A_39 = arith.subf %neg3A_38, %abs3A_36 : vector<4000x128xf32>
    %exp3A_40 = math.exp %neg3A_39 : vector<4000x128xf32>
    %log1p3A_41 = math.log1p %exp3A_40 : vector<4000x128xf32>
    %add3A_42 = arith.addf %max3A_35, %log1p3A_41 : vector<4000x128xf32>
    %get3A_43 = arith.constant 0 : index
    %get3A_44 = arith.constant 0 : index
    %get3A_45 = vector.load %arg8[%get3A_43, %get3A_44] : memref<128x128xf32, #tpu.memory_space<vmem>>, vector<128x128xf32>
    %dot_general3A_46 = arith.constant dense<0.000000e+00> : vector<4000x128xf32>
    %dot_general3A_47 = tpu.matmul %add3A_42, %get3A_45, %dot_general3A_46 {dimension_numbers = #tpu.dot_dimension_numbers<[1], [0], [0], [1], [0, 0, 1, 1], [], []>, transpose_lhs_hint = false} : vector<4000x128xf32>, vector<128x128xf32>, vector<4000x128xf32> -> vector<4000x128xf32>
    %get3A_48 = arith.constant 0 : index
    %get3A_49 = arith.constant 0 : index
    %get3A_50 = vector.load %arg9[%get3A_48, %get3A_49] : memref<1x128xf32, #tpu.memory_space<vmem>>, vector<1x128xf32>
    %add3A_51 = vector.broadcast %get3A_50 : vector<1x128xf32> to vector<4000x128xf32>
    %add3A_52 = arith.addf %dot_general3A_47, %add3A_51 : vector<4000x128xf32>
    %swap3A = arith.constant 0 : index
    %swap3A_53 = arith.constant 0 : index
    %swap3A_54 = vector.load %arg10[%swap3A, %swap3A_53] : memref<4000x128xf32, #tpu.memory_space<vmem>>, vector<4000x128xf32>
    tpu.vector_store %arg10[%swap3A, %swap3A_53], %add3A_52 {strides = array<i32>} : memref<4000x128xf32, #tpu.memory_space<vmem>>, vector<4000x128xf32>,
    return
  }
  func.func @transform_0(%arg0: i32) -> (i32, i32) {
    %c0_i32 = arith.constant 0 : i32
    %c0_i32_0 = arith.constant 0 : i32
    return %arg0, %c0_i32 : i32, i32
  }
  func.func @transform_1(%arg0: i32) -> (i32, i32) {
    %c0_i32 = arith.constant 0 : i32
    %c0_i32_0 = arith.constant 0 : i32
    return %arg0, %c0_i32 : i32, i32
  }
  func.func @transform_2(%arg0: i32) -> (i32, i32) {
    %c0_i32 = arith.constant 0 : i32
    %c0_i32_0 = arith.constant 0 : i32
    return %arg0, %c0_i32 : i32, i32
  }
  func.func @transform_3(%arg0: i32) -> (i32, i32) {
    %c0_i32 = arith.constant 0 : i32
    %c0_i32_0 = arith.constant 0 : i32
    %c0_i32_1 = arith.constant 0 : i32
    return %c0_i32, %c0_i32_0 : i32, i32
  }
  func.func @transform_4(%arg0: i32) -> (i32, i32) {
    %c0_i32 = arith.constant 0 : i32
    %c0_i32_0 = arith.constant 0 : i32
    %c0_i32_1 = arith.constant 0 : i32
    return %c0_i32, %c0_i32_0 : i32, i32
  }
  func.func @transform_5(%arg0: i32) -> (i32, i32) {
    %c0_i32 = arith.constant 0 : i32
    %c0_i32_0 = arith.constant 0 : i32
    %c0_i32_1 = arith.constant 0 : i32
    return %c0_i32, %c0_i32_0 : i32, i32
  }
  func.func @transform_6(%arg0: i32) -> (i32, i32) {
    %c0_i32 = arith.constant 0 : i32
    %c0_i32_0 = arith.constant 0 : i32
    %c0_i32_1 = arith.constant 0 : i32
    return %c0_i32, %c0_i32_0 : i32, i32
  }
  func.func @transform_7(%arg0: i32) -> (i32, i32) {
    %c0_i32 = arith.constant 0 : i32
    %c0_i32_0 = arith.constant 0 : i32
    %c0_i32_1 = arith.constant 0 : i32
    return %c0_i32, %c0_i32_0 : i32, i32
  }
  func.func @transform_8(%arg0: i32) -> (i32, i32) {
    %c0_i32 = arith.constant 0 : i32
    %c0_i32_0 = arith.constant 0 : i32
    %c0_i32_1 = arith.constant 0 : i32
    return %c0_i32, %c0_i32_0 : i32, i32
  }
  func.func @transform_9(%arg0: i32) -> (i32, i32) {
    %c0_i32 = arith.constant 0 : i32
    %c0_i32_0 = arith.constant 0 : i32
    return %arg0, %c0_i32 : i32, i32
  }
}

module attributes {stable_mosaic.version = 14 : i64} {
  func.func @_bnsum_body(%arg0: i32, %arg1: memref<2000x128xf32, #tpu.memory_space<vmem>>, %arg2: memref<2000x32xf32, #tpu.memory_space<vmem>>, %arg3: memref<2000x32xf32, #tpu.memory_space<vmem>>, %arg4: memref<2000x32xf32, #tpu.memory_space<vmem>>, %arg5: memref<2000x32xf32, #tpu.memory_space<vmem>>, %arg6: memref<2000x32xf32, #tpu.memory_space<vmem>>, %arg7: memref<2000x32xf32, #tpu.memory_space<vmem>>, %arg8: memref<2000x32xf32, #tpu.memory_space<vmem>>, %arg9: memref<2000x32xf32, #tpu.memory_space<vmem>>, %arg10: memref<2000x128xf32, #tpu.memory_space<vmem>>, %arg11: memref<8x128xf32, #tpu.memory_space<vmem>>, %arg12: memref<8x128xf32, #tpu.memory_space<vmem>>) attributes {dimension_semantics = [#tpu.dimension_semantics<arbitrary>], iteration_bounds = array<i64: 25>, scalar_prefetch = 0 : i64, scratch_operands = 1 : i64, tpu.core_type = #tpu.core_type<tc>, window_params = [{transform_indices = @transform_0, window_bounds = array<i64: 2000, 128>}, {transform_indices = @transform_1, window_bounds = array<i64: 2000, 32>}, {transform_indices = @transform_2, window_bounds = array<i64: 2000, 32>}, {transform_indices = @transform_3, window_bounds = array<i64: 2000, 32>}, {transform_indices = @transform_4, window_bounds = array<i64: 2000, 32>}, {transform_indices = @transform_5, window_bounds = array<i64: 2000, 32>}, {transform_indices = @transform_6, window_bounds = array<i64: 2000, 32>}, {transform_indices = @transform_7, window_bounds = array<i64: 2000, 32>}, {transform_indices = @transform_8, window_bounds = array<i64: 2000, 32>}, {transform_indices = @transform_9, window_bounds = array<i64: 2000, 128>}, {pipeline_mode = #tpu.pipeline_mode<synchronous>, transform_indices = @transform_10, window_bounds = array<i64: 8, 128>}]} {
    %get3A = arith.constant 0 : index
    %get3A_0 = arith.constant 0 : index
    %get3A_1 = vector.load %arg2[%get3A, %get3A_0] : memref<2000x32xf32, #tpu.memory_space<vmem>>, vector<2000x32xf32>
    %get3A_2 = arith.constant 0 : index
    %get3A_3 = arith.constant 0 : index
    %get3A_4 = vector.load %arg6[%get3A_2, %get3A_3] : memref<2000x32xf32, #tpu.memory_space<vmem>>, vector<2000x32xf32>
    %add3A = arith.addf %get3A_1, %get3A_4 : vector<2000x32xf32>
    %get3A_5 = arith.constant 0 : index
    %get3A_6 = arith.constant 0 : index
    %get3A_7 = vector.load %arg3[%get3A_5, %get3A_6] : memref<2000x32xf32, #tpu.memory_space<vmem>>, vector<2000x32xf32>
    %get3A_8 = arith.constant 0 : index
    %get3A_9 = arith.constant 0 : index
    %get3A_10 = vector.load %arg7[%get3A_8, %get3A_9] : memref<2000x32xf32, #tpu.memory_space<vmem>>, vector<2000x32xf32>
    %add3A_11 = arith.addf %get3A_7, %get3A_10 : vector<2000x32xf32>
    %get3A_12 = arith.constant 0 : index
    %get3A_13 = arith.constant 0 : index
    %get3A_14 = vector.load %arg4[%get3A_12, %get3A_13] : memref<2000x32xf32, #tpu.memory_space<vmem>>, vector<2000x32xf32>
    %get3A_15 = arith.constant 0 : index
    %get3A_16 = arith.constant 0 : index
    %get3A_17 = vector.load %arg8[%get3A_15, %get3A_16] : memref<2000x32xf32, #tpu.memory_space<vmem>>, vector<2000x32xf32>
    %add3A_18 = arith.addf %get3A_14, %get3A_17 : vector<2000x32xf32>
    %get3A_19 = arith.constant 0 : index
    %get3A_20 = arith.constant 0 : index
    %get3A_21 = vector.load %arg5[%get3A_19, %get3A_20] : memref<2000x32xf32, #tpu.memory_space<vmem>>, vector<2000x32xf32>
    %get3A_22 = arith.constant 0 : index
    %get3A_23 = arith.constant 0 : index
    %get3A_24 = vector.load %arg9[%get3A_22, %get3A_23] : memref<2000x32xf32, #tpu.memory_space<vmem>>, vector<2000x32xf32>
    %add3A_25 = arith.addf %get3A_21, %get3A_24 : vector<2000x32xf32>
    %concatenate3A = tpu.concatenate %add3A, %add3A_11, %add3A_18, %add3A_25 in 1 : vector<2000x32xf32>, vector<2000x32xf32>, vector<2000x32xf32>, vector<2000x32xf32> -> vector<2000x128xf32>
    %get3A_26 = arith.constant 0 : index
    %get3A_27 = arith.constant 0 : index
    %get3A_28 = vector.load %arg1[%get3A_26, %get3A_27] : memref<2000x128xf32, #tpu.memory_space<vmem>>, vector<2000x128xf32>
    %add3A_29 = arith.addf %get3A_28, %concatenate3A : vector<2000x128xf32>
    %swap3A = arith.constant 0 : index
    %swap3A_30 = arith.constant 0 : index
    %swap3A_31 = vector.load %arg10[%swap3A, %swap3A_30] : memref<2000x128xf32, #tpu.memory_space<vmem>>, vector<2000x128xf32>
    tpu.vector_store %arg10[%swap3A, %swap3A_30], %add3A_29 {strides = array<i32>} : memref<2000x128xf32, #tpu.memory_space<vmem>>, vector<2000x128xf32>,
    %eq3A = arith.constant 0 : i32
    %eq3A_32 = arith.cmpi eq, %arg0, %eq3A : i32
    %convert_element_type3A = arith.extui %eq3A_32 : i1 to i32
    %cond3A = arith.constant 0 : i32
    %cond3A_33 = arith.cmpi ne, %convert_element_type3A, %cond3A : i32
    scf.if %cond3A_33 {
      %broadcast_in_dim3A_57 = arith.constant 0.000000e+00 : f32
      %broadcast_in_dim3A_58 = vector.broadcast %broadcast_in_dim3A_57 : f32 to vector<8x128xf32>
      %swap3A_59 = arith.constant 0 : index
      %swap3A_60 = arith.constant 0 : index
      %swap3A_61 = vector.load %arg12[%swap3A_59, %swap3A_60] : memref<8x128xf32, #tpu.memory_space<vmem>>, vector<8x128xf32>
      tpu.vector_store %arg12[%swap3A_59, %swap3A_60], %broadcast_in_dim3A_58 {strides = array<i32>} : memref<8x128xf32, #tpu.memory_space<vmem>>, vector<8x128xf32>,
    } else {
    }
    %get3A_34 = arith.constant 0 : index
    %get3A_35 = arith.constant 0 : index
    %get3A_36 = vector.load %arg12[%get3A_34, %get3A_35] : memref<8x128xf32, #tpu.memory_space<vmem>>, vector<1x128xf32>
    %reduce_sum3A = arith.constant dense<0.000000e+00> : vector<128xf32>
    %reduce_sum3A_37 = vector.multi_reduction <add>, %add3A_29, %reduce_sum3A [0] : vector<2000x128xf32> to vector<128xf32>
    %broadcast_in_dim3A = vector.shape_cast %reduce_sum3A_37 : vector<128xf32> to vector<1x128xf32>
    %add3A_38 = arith.addf %get3A_36, %broadcast_in_dim3A : vector<1x128xf32>
    %swap3A_39 = arith.constant 0 : index
    %swap3A_40 = arith.constant 0 : index
    %swap3A_41 = vector.load %arg12[%swap3A_39, %swap3A_40] : memref<8x128xf32, #tpu.memory_space<vmem>>, vector<1x128xf32>
    tpu.vector_store %arg12[%swap3A_39, %swap3A_40], %add3A_38 {strides = array<i32>} : memref<8x128xf32, #tpu.memory_space<vmem>>, vector<1x128xf32>,
    %get3A_42 = arith.constant 1 : index
    %get3A_43 = arith.constant 0 : index
    %get3A_44 = vector.load %arg12[%get3A_42, %get3A_43] : memref<8x128xf32, #tpu.memory_space<vmem>>, vector<1x128xf32>
    %mul3A = arith.mulf %add3A_29, %add3A_29 : vector<2000x128xf32>
    %reduce_sum3A_45 = arith.constant dense<0.000000e+00> : vector<128xf32>
    %reduce_sum3A_46 = vector.multi_reduction <add>, %mul3A, %reduce_sum3A_45 [0] : vector<2000x128xf32> to vector<128xf32>
    %broadcast_in_dim3A_47 = vector.shape_cast %reduce_sum3A_46 : vector<128xf32> to vector<1x128xf32>
    %add3A_48 = arith.addf %get3A_44, %broadcast_in_dim3A_47 : vector<1x128xf32>
    %swap3A_49 = arith.constant 1 : index
    %swap3A_50 = arith.constant 0 : index
    %swap3A_51 = vector.load %arg12[%swap3A_49, %swap3A_50] : memref<8x128xf32, #tpu.memory_space<vmem>>, vector<1x128xf32>
    tpu.vector_store %arg12[%swap3A_49, %swap3A_50], %add3A_48 {strides = array<i32>} : memref<8x128xf32, #tpu.memory_space<vmem>>, vector<1x128xf32>,
    %eq3A_52 = arith.constant 24 : i32
    %eq3A_53 = arith.cmpi eq, %arg0, %eq3A_52 : i32
    %convert_element_type3A_54 = arith.extui %eq3A_53 : i1 to i32
    %cond3A_55 = arith.constant 0 : i32
    %cond3A_56 = arith.cmpi ne, %convert_element_type3A_54, %cond3A_55 : i32
    scf.if %cond3A_56 {
      %get3A_57 = arith.constant 0 : index
      %get3A_58 = arith.constant 0 : index
      %get3A_59 = vector.load %arg12[%get3A_57, %get3A_58] : memref<8x128xf32, #tpu.memory_space<vmem>>, vector<8x128xf32>
      %swap3A_60 = arith.constant 0 : index
      %swap3A_61 = arith.constant 0 : index
      %swap3A_62 = vector.load %arg11[%swap3A_60, %swap3A_61] : memref<8x128xf32, #tpu.memory_space<vmem>>, vector<8x128xf32>
      tpu.vector_store %arg11[%swap3A_60, %swap3A_61], %get3A_59 {strides = array<i32>} : memref<8x128xf32, #tpu.memory_space<vmem>>, vector<8x128xf32>,
    } else {
    }
    return
  }
  func.func @transform_0(%arg0: i32) -> (i32, i32) {
    %c0_i32 = arith.constant 0 : i32
    %c0_i32_0 = arith.constant 0 : i32
    return %arg0, %c0_i32 : i32, i32
  }
  func.func @transform_1(%arg0: i32) -> (i32, i32) {
    %c0_i32 = arith.constant 0 : i32
    %c0_i32_0 = arith.constant 0 : i32
    return %arg0, %c0_i32 : i32, i32
  }
  func.func @transform_2(%arg0: i32) -> (i32, i32) {
    %c0_i32 = arith.constant 0 : i32
    %c0_i32_0 = arith.constant 0 : i32
    return %arg0, %c0_i32 : i32, i32
  }
  func.func @transform_3(%arg0: i32) -> (i32, i32) {
    %c0_i32 = arith.constant 0 : i32
    %c0_i32_0 = arith.constant 0 : i32
    return %arg0, %c0_i32 : i32, i32
  }
  func.func @transform_4(%arg0: i32) -> (i32, i32) {
    %c0_i32 = arith.constant 0 : i32
    %c0_i32_0 = arith.constant 0 : i32
    return %arg0, %c0_i32 : i32, i32
  }
  func.func @transform_5(%arg0: i32) -> (i32, i32) {
    %c0_i32 = arith.constant 0 : i32
    %c0_i32_0 = arith.constant 0 : i32
    return %arg0, %c0_i32 : i32, i32
  }
  func.func @transform_6(%arg0: i32) -> (i32, i32) {
    %c0_i32 = arith.constant 0 : i32
    %c0_i32_0 = arith.constant 0 : i32
    return %arg0, %c0_i32 : i32, i32
  }
  func.func @transform_7(%arg0: i32) -> (i32, i32) {
    %c0_i32 = arith.constant 0 : i32
    %c0_i32_0 = arith.constant 0 : i32
    return %arg0, %c0_i32 : i32, i32
  }
  func.func @transform_8(%arg0: i32) -> (i32, i32) {
    %c0_i32 = arith.constant 0 : i32
    %c0_i32_0 = arith.constant 0 : i32
    return %arg0, %c0_i32 : i32, i32
  }
  func.func @transform_9(%arg0: i32) -> (i32, i32) {
    %c0_i32 = arith.constant 0 : i32
    %c0_i32_0 = arith.constant 0 : i32
    return %arg0, %c0_i32 : i32, i32
  }
  func.func @transform_10(%arg0: i32) -> (i32, i32) {
    %c0_i32 = arith.constant 0 : i32
    %c0_i32_0 = arith.constant 0 : i32
    %c0_i32_1 = arith.constant 0 : i32
    return %c0_i32, %c0_i32_0 : i32, i32
  }
}

module attributes {stable_mosaic.version = 14 : i64} {
  func.func @_bnapply_body(%arg0: i32, %arg1: memref<2000x128xf32, #tpu.memory_space<vmem>>, %arg2: memref<8x128xf32, #tpu.memory_space<vmem>>, %arg3: memref<1x128xf32, #tpu.memory_space<vmem>>, %arg4: memref<1x128xf32, #tpu.memory_space<vmem>>, %arg5: memref<2000x128xf32, #tpu.memory_space<vmem>>) attributes {dimension_semantics = [#tpu.dimension_semantics<arbitrary>], iteration_bounds = array<i64: 25>, scalar_prefetch = 0 : i64, scratch_operands = 0 : i64, tpu.core_type = #tpu.core_type<tc>, window_params = [{transform_indices = @transform_0, window_bounds = array<i64: 2000, 128>}, {pipeline_mode = #tpu.pipeline_mode<synchronous>, transform_indices = @transform_1, window_bounds = array<i64: 8, 128>}, {pipeline_mode = #tpu.pipeline_mode<synchronous>, transform_indices = @transform_2, window_bounds = array<i64: 1, 128>}, {pipeline_mode = #tpu.pipeline_mode<synchronous>, transform_indices = @transform_3, window_bounds = array<i64: 1, 128>}, {transform_indices = @transform_4, window_bounds = array<i64: 2000, 128>}]} {
    %get3A = arith.constant 0 : index
    %get3A_0 = arith.constant 0 : index
    %get3A_1 = vector.load %arg2[%get3A, %get3A_0] : memref<8x128xf32, #tpu.memory_space<vmem>>, vector<8x128xf32>
    %slice3A = vector.extract_strided_slice %get3A_1 {offsets = [0, 0], sizes = [1, 128], strides = [1, 1]} : vector<8x128xf32> to vector<1x128xf32>
    %div3A = arith.constant 5.000000e+04 : f32
    %div3A_2 = vector.broadcast %div3A : f32 to vector<1x128xf32>
    %div3A_3 = arith.divf %slice3A, %div3A_2 : vector<1x128xf32>
    %slice3A_4 = vector.extract_strided_slice %get3A_1 {offsets = [1, 0], sizes = [1, 128], strides = [1, 1]} : vector<8x128xf32> to vector<1x128xf32>
    %div3A_5 = arith.constant 5.000000e+04 : f32
    %div3A_6 = vector.broadcast %div3A_5 : f32 to vector<1x128xf32>
    %div3A_7 = arith.divf %slice3A_4, %div3A_6 : vector<1x128xf32>
    %mul3A = arith.mulf %div3A_3, %div3A_3 : vector<1x128xf32>
    %sub3A = arith.subf %div3A_7, %mul3A : vector<1x128xf32>
    %add3A = arith.constant 9.99999974E-6 : f32
    %add3A_8 = vector.broadcast %add3A : f32 to vector<1x128xf32>
    %add3A_9 = arith.addf %sub3A, %add3A_8 : vector<1x128xf32>
    %rsqrt3A = math.rsqrt %add3A_9 : vector<1x128xf32>
    %get3A_10 = arith.constant 0 : index
    %get3A_11 = arith.constant 0 : index
    %get3A_12 = vector.load %arg1[%get3A_10, %get3A_11] : memref<2000x128xf32, #tpu.memory_space<vmem>>, vector<2000x128xf32>
    %sub3A_13 = vector.broadcast %div3A_3 : vector<1x128xf32> to vector<2000x128xf32>
    %sub3A_14 = arith.subf %get3A_12, %sub3A_13 : vector<2000x128xf32>
    %mul3A_15 = vector.broadcast %rsqrt3A : vector<1x128xf32> to vector<2000x128xf32>
    %mul3A_16 = arith.mulf %sub3A_14, %mul3A_15 : vector<2000x128xf32>
    %get3A_17 = arith.constant 0 : index
    %get3A_18 = arith.constant 0 : index
    %get3A_19 = vector.load %arg3[%get3A_17, %get3A_18] : memref<1x128xf32, #tpu.memory_space<vmem>>, vector<1x128xf32>
    %mul3A_20 = vector.broadcast %get3A_19 : vector<1x128xf32> to vector<2000x128xf32>
    %mul3A_21 = arith.mulf %mul3A_16, %mul3A_20 : vector<2000x128xf32>
    %get3A_22 = arith.constant 0 : index
    %get3A_23 = arith.constant 0 : index
    %get3A_24 = vector.load %arg4[%get3A_22, %get3A_23] : memref<1x128xf32, #tpu.memory_space<vmem>>, vector<1x128xf32>
    %add3A_25 = vector.broadcast %get3A_24 : vector<1x128xf32> to vector<2000x128xf32>
    %add3A_26 = arith.addf %mul3A_21, %add3A_25 : vector<2000x128xf32>
    %max3A = arith.constant 0.000000e+00 : f32
    %max3A_27 = vector.broadcast %max3A : f32 to vector<2000x128xf32>
    %max3A_28 = arith.maximumf %add3A_26, %max3A_27 : vector<2000x128xf32>
    %abs3A = math.absf %add3A_26 : vector<2000x128xf32>
    %neg3A = arith.constant 0.000000e+00 : f32
    %neg3A_29 = vector.broadcast %neg3A : f32 to vector<2000x128xf32>
    %neg3A_30 = arith.subf %neg3A_29, %abs3A : vector<2000x128xf32>
    %exp3A = math.exp %neg3A_30 : vector<2000x128xf32>
    %log1p3A = math.log1p %exp3A : vector<2000x128xf32>
    %add3A_31 = arith.addf %max3A_28, %log1p3A : vector<2000x128xf32>
    %swap3A = arith.constant 0 : index
    %swap3A_32 = arith.constant 0 : index
    %swap3A_33 = vector.load %arg5[%swap3A, %swap3A_32] : memref<2000x128xf32, #tpu.memory_space<vmem>>, vector<2000x128xf32>
    tpu.vector_store %arg5[%swap3A, %swap3A_32], %add3A_31 {strides = array<i32>} : memref<2000x128xf32, #tpu.memory_space<vmem>>, vector<2000x128xf32>,
    return
  }
  func.func @transform_0(%arg0: i32) -> (i32, i32) {
    %c0_i32 = arith.constant 0 : i32
    %c0_i32_0 = arith.constant 0 : i32
    return %arg0, %c0_i32 : i32, i32
  }
  func.func @transform_1(%arg0: i32) -> (i32, i32) {
    %c0_i32 = arith.constant 0 : i32
    %c0_i32_0 = arith.constant 0 : i32
    %c0_i32_1 = arith.constant 0 : i32
    return %c0_i32, %c0_i32_0 : i32, i32
  }
  func.func @transform_2(%arg0: i32) -> (i32, i32) {
    %c0_i32 = arith.constant 0 : i32
    %c0_i32_0 = arith.constant 0 : i32
    %c0_i32_1 = arith.constant 0 : i32
    return %c0_i32, %c0_i32_0 : i32, i32
  }
  func.func @transform_3(%arg0: i32) -> (i32, i32) {
    %c0_i32 = arith.constant 0 : i32
    %c0_i32_0 = arith.constant 0 : i32
    %c0_i32_1 = arith.constant 0 : i32
    return %c0_i32, %c0_i32_0 : i32, i32
  }
  func.func @transform_4(%arg0: i32) -> (i32, i32) {
    %c0_i32 = arith.constant 0 : i32
    %c0_i32_0 = arith.constant 0 : i32
    return %arg0, %c0_i32 : i32, i32
  }
}

module attributes {stable_mosaic.version = 14 : i64} {
  func.func @_pool_body(%arg0: i32, %arg1: memref<2000x128xf32, #tpu.memory_space<vmem>>, %arg2: memref<1x1x2000xi32, #tpu.memory_space<vmem>>, %arg3: memref<256x128xf32, #tpu.memory_space<vmem>>, %arg4: memref<1x128xf32, #tpu.memory_space<vmem>>, %arg5: memref<128x128xf32, #tpu.memory_space<vmem>>, %arg6: memref<1x128xf32, #tpu.memory_space<vmem>>, %arg7: memref<128x1xf32, #tpu.memory_space<vmem>>, %arg8: memref<1x1xf32, #tpu.memory_space<vmem>>, %arg9: memref<256x1xf32, #tpu.memory_space<vmem>>, %arg10: memref<256x128xf32, #tpu.memory_space<vmem>>, %arg11: memref<256x128xf32, #tpu.memory_space<vmem>>) attributes {dimension_semantics = [#tpu.dimension_semantics<arbitrary>], iteration_bounds = array<i64: 25>, scalar_prefetch = 0 : i64, scratch_operands = 2 : i64, tpu.core_type = #tpu.core_type<tc>, window_params = [{transform_indices = @transform_0, window_bounds = array<i64: 2000, 128>}, {transform_indices = @transform_1, window_bounds = array<i64: 1, 1, 2000>}, {pipeline_mode = #tpu.pipeline_mode<synchronous>, transform_indices = @transform_2, window_bounds = array<i64: 256, 128>}, {pipeline_mode = #tpu.pipeline_mode<synchronous>, transform_indices = @transform_3, window_bounds = array<i64: 1, 128>}, {pipeline_mode = #tpu.pipeline_mode<synchronous>, transform_indices = @transform_4, window_bounds = array<i64: 128, 128>}, {pipeline_mode = #tpu.pipeline_mode<synchronous>, transform_indices = @transform_5, window_bounds = array<i64: 1, 128>}, {pipeline_mode = #tpu.pipeline_mode<synchronous>, transform_indices = @transform_6, window_bounds = array<i64: 128, 1>}, {pipeline_mode = #tpu.pipeline_mode<synchronous>, transform_indices = @transform_7, window_bounds = array<i64: 1, 1>}, {pipeline_mode = #tpu.pipeline_mode<synchronous>, transform_indices = @transform_8, window_bounds = array<i64: 256, 1>}]} {
    %eq3A = arith.constant 0 : i32
    %eq3A_0 = arith.cmpi eq, %arg0, %eq3A : i32
    %convert_element_type3A = arith.extui %eq3A_0 : i1 to i32
    %cond3A = arith.constant 0 : i32
    %cond3A_1 = arith.cmpi ne, %convert_element_type3A, %cond3A : i32
    scf.if %cond3A_1 {
      %broadcast_in_dim3A_35 = arith.constant 0.000000e+00 : f32
      %broadcast_in_dim3A_36 = vector.broadcast %broadcast_in_dim3A_35 : f32 to vector<256x128xf32>
      %swap3A_37 = arith.constant 0 : index
      %swap3A_38 = arith.constant 0 : index
      %swap3A_39 = vector.load %arg10[%swap3A_37, %swap3A_38] : memref<256x128xf32, #tpu.memory_space<vmem>>, vector<256x128xf32>
      tpu.vector_store %arg10[%swap3A_37, %swap3A_38], %broadcast_in_dim3A_36 {strides = array<i32>} : memref<256x128xf32, #tpu.memory_space<vmem>>, vector<256x128xf32>,
      %broadcast_in_dim3A_40 = arith.constant 0.000000e+00 : f32
      %broadcast_in_dim3A_41 = vector.broadcast %broadcast_in_dim3A_40 : f32 to vector<256x128xf32>
      %swap3A_42 = arith.constant 0 : index
      %swap3A_43 = arith.constant 0 : index
      %swap3A_44 = vector.load %arg11[%swap3A_42, %swap3A_43] : memref<256x128xf32, #tpu.memory_space<vmem>>, vector<256x128xf32>
      tpu.vector_store %arg11[%swap3A_42, %swap3A_43], %broadcast_in_dim3A_41 {strides = array<i32>} : memref<256x128xf32, #tpu.memory_space<vmem>>, vector<256x128xf32>,
    } else {
    }
    %get3A = arith.constant 0 : index
    %get3A_2 = arith.constant 0 : index
    %get3A_3 = vector.load %arg1[%get3A, %get3A_2] : memref<2000x128xf32, #tpu.memory_space<vmem>>, vector<2000x128xf32>
    %get3A_4 = arith.constant 0 : index
    %get3A_5 = arith.constant 0 : index
    %get3A_6 = arith.constant 0 : index
    %get3A_7 = vector.load %arg2[%get3A_4, %get3A_5, %get3A_6] : memref<1x1x2000xi32, #tpu.memory_space<vmem>>, vector<1x1x2000xi32>
    %get3A_8 = vector.shape_cast %get3A_7 : vector<1x1x2000xi32> to vector<2000xi32>
    %iota3A = tpu.iota {dimensions = array<i32: 0>} : vector<256x2000xi32>
    %broadcast_in_dim3A = vector.shape_cast %get3A_8 : vector<2000xi32> to vector<1x2000xi32>
    %eq3A_9 = vector.broadcast %broadcast_in_dim3A : vector<1x2000xi32> to vector<256x2000xi32>
    %eq3A_10 = arith.cmpi eq, %iota3A, %eq3A_9 : vector<256x2000xi32>
    %convert_element_type3A_11 = arith.extui %eq3A_10 : vector<256x2000xi1> to vector<256x2000xi32>
    %convert_element_type3A_12 = arith.sitofp %convert_element_type3A_11 : vector<256x2000xi32> to vector<256x2000xf32>
    %get3A_13 = arith.constant 0 : index
    %get3A_14 = arith.constant 0 : index
    %get3A_15 = vector.load %arg10[%get3A_13, %get3A_14] : memref<256x128xf32, #tpu.memory_space<vmem>>, vector<256x128xf32>
    %dot_general3A = arith.constant dense<0.000000e+00> : vector<256x128xf32>
    %dot_general3A_16 = tpu.matmul %convert_element_type3A_12, %get3A_3, %dot_general3A {dimension_numbers = #tpu.dot_dimension_numbers<[1], [0], [0], [1], [0, 0, 1, 1], [], []>, transpose_lhs_hint = false} : vector<256x2000xf32>, vector<2000x128xf32>, vector<256x128xf32> -> vector<256x128xf32>
    %add3A = arith.addf %get3A_15, %dot_general3A_16 : vector<256x128xf32>
    %swap3A = arith.constant 0 : index
    %swap3A_17 = arith.constant 0 : index
    %swap3A_18 = vector.load %arg10[%swap3A, %swap3A_17] : memref<256x128xf32, #tpu.memory_space<vmem>>, vector<256x128xf32>
    tpu.vector_store %arg10[%swap3A, %swap3A_17], %add3A {strides = array<i32>} : memref<256x128xf32, #tpu.memory_space<vmem>>, vector<256x128xf32>,
    %get3A_19 = arith.constant 0 : index
    %get3A_20 = arith.constant 0 : index
    %get3A_21 = vector.load %arg11[%get3A_19, %get3A_20] : memref<256x128xf32, #tpu.memory_space<vmem>>, vector<256x128xf32>
    %reduce_sum3A = arith.constant dense<0.000000e+00> : vector<256xf32>
    %reduce_sum3A_22 = vector.multi_reduction <add>, %convert_element_type3A_12, %reduce_sum3A [1] : vector<256x2000xf32> to vector<256xf32>
    %broadcast_in_dim3A_23 = vector.shape_cast %reduce_sum3A_22 : vector<256xf32> to vector<256x1xf32>
    %broadcast_in_dim3A_24 = vector.shape_cast %broadcast_in_dim3A_23 : vector<256x1xf32> to vector<256x1xf32>
    %broadcast_in_dim3A_25 = vector.broadcast %broadcast_in_dim3A_24 : vector<256x1xf32> to vector<256x128xf32>
    %add3A_26 = arith.addf %get3A_21, %broadcast_in_dim3A_25 : vector<256x128xf32>
    %swap3A_27 = arith.constant 0 : index
    %swap3A_28 = arith.constant 0 : index
    %swap3A_29 = vector.load %arg11[%swap3A_27, %swap3A_28] : memref<256x128xf32, #tpu.memory_space<vmem>>, vector<256x128xf32>
    tpu.vector_store %arg11[%swap3A_27, %swap3A_28], %add3A_26 {strides = array<i32>} : memref<256x128xf32, #tpu.memory_space<vmem>>, vector<256x128xf32>,
    %eq3A_30 = arith.constant 24 : i32
    %eq3A_31 = arith.cmpi eq, %arg0, %eq3A_30 : i32
    %convert_element_type3A_32 = arith.extui %eq3A_31 : i1 to i32
    %cond3A_33 = arith.constant 0 : i32
    %cond3A_34 = arith.cmpi ne, %convert_element_type3A_32, %cond3A_33 : i32
    scf.if %cond3A_34 {
      %get3A_35 = arith.constant 0 : index
      %get3A_36 = arith.constant 0 : index
      %get3A_37 = vector.load %arg10[%get3A_35, %get3A_36] : memref<256x128xf32, #tpu.memory_space<vmem>>, vector<256x128xf32>
      %get3A_38 = arith.constant 0 : index
      %get3A_39 = arith.constant 0 : index
      %get3A_40 = vector.load %arg11[%get3A_38, %get3A_39] : memref<256x128xf32, #tpu.memory_space<vmem>>, vector<256x128xf32>
      %max3A = arith.constant 1.000000e+00 : f32
      %max3A_41 = vector.broadcast %max3A : f32 to vector<256x128xf32>
      %max3A_42 = arith.maximumf %get3A_40, %max3A_41 : vector<256x128xf32>
      %div3A = arith.divf %get3A_37, %max3A_42 : vector<256x128xf32>
      %concatenate3A = tpu.concatenate %div3A, %div3A in 1 : vector<256x128xf32>, vector<256x128xf32> -> vector<256x256xf32>
      %get3A_43 = arith.constant 0 : index
      %get3A_44 = arith.constant 0 : index
      %get3A_45 = vector.load %arg3[%get3A_43, %get3A_44] : memref<256x128xf32, #tpu.memory_space<vmem>>, vector<256x128xf32>
      %dot_general3A_46 = arith.constant dense<0.000000e+00> : vector<256x128xf32>
      %dot_general3A_47 = tpu.matmul %concatenate3A, %get3A_45, %dot_general3A_46 {dimension_numbers = #tpu.dot_dimension_numbers<[1], [0], [0], [1], [0, 0, 1, 1], [], []>, transpose_lhs_hint = false} : vector<256x256xf32>, vector<256x128xf32>, vector<256x128xf32> -> vector<256x128xf32>
      %get3A_48 = arith.constant 0 : index
      %get3A_49 = arith.constant 0 : index
      %get3A_50 = vector.load %arg4[%get3A_48, %get3A_49] : memref<1x128xf32, #tpu.memory_space<vmem>>, vector<1x128xf32>
      %add3A_51 = vector.broadcast %get3A_50 : vector<1x128xf32> to vector<256x128xf32>
      %add3A_52 = arith.addf %dot_general3A_47, %add3A_51 : vector<256x128xf32>
      %max3A_53 = arith.constant 0.000000e+00 : f32
      %max3A_54 = vector.broadcast %max3A_53 : f32 to vector<256x128xf32>
      %max3A_55 = arith.maximumf %add3A_52, %max3A_54 : vector<256x128xf32>
      %abs3A = math.absf %add3A_52 : vector<256x128xf32>
      %neg3A = arith.constant 0.000000e+00 : f32
      %neg3A_56 = vector.broadcast %neg3A : f32 to vector<256x128xf32>
      %neg3A_57 = arith.subf %neg3A_56, %abs3A : vector<256x128xf32>
      %exp3A = math.exp %neg3A_57 : vector<256x128xf32>
      %log1p3A = math.log1p %exp3A : vector<256x128xf32>
      %add3A_58 = arith.addf %max3A_55, %log1p3A : vector<256x128xf32>
      %get3A_59 = arith.constant 0 : index
      %get3A_60 = arith.constant 0 : index
      %get3A_61 = vector.load %arg5[%get3A_59, %get3A_60] : memref<128x128xf32, #tpu.memory_space<vmem>>, vector<128x128xf32>
      %dot_general3A_62 = arith.constant dense<0.000000e+00> : vector<256x128xf32>
      %dot_general3A_63 = tpu.matmul %add3A_58, %get3A_61, %dot_general3A_62 {dimension_numbers = #tpu.dot_dimension_numbers<[1], [0], [0], [1], [0, 0, 1, 1], [], []>, transpose_lhs_hint = false} : vector<256x128xf32>, vector<128x128xf32>, vector<256x128xf32> -> vector<256x128xf32>
      %get3A_64 = arith.constant 0 : index
      %get3A_65 = arith.constant 0 : index
      %get3A_66 = vector.load %arg6[%get3A_64, %get3A_65] : memref<1x128xf32, #tpu.memory_space<vmem>>, vector<1x128xf32>
      %add3A_67 = vector.broadcast %get3A_66 : vector<1x128xf32> to vector<256x128xf32>
      %add3A_68 = arith.addf %dot_general3A_63, %add3A_67 : vector<256x128xf32>
      %max3A_69 = arith.constant 0.000000e+00 : f32
      %max3A_70 = vector.broadcast %max3A_69 : f32 to vector<256x128xf32>
      %max3A_71 = arith.maximumf %add3A_68, %max3A_70 : vector<256x128xf32>
      %abs3A_72 = math.absf %add3A_68 : vector<256x128xf32>
      %neg3A_73 = arith.constant 0.000000e+00 : f32
      %neg3A_74 = vector.broadcast %neg3A_73 : f32 to vector<256x128xf32>
      %neg3A_75 = arith.subf %neg3A_74, %abs3A_72 : vector<256x128xf32>
      %exp3A_76 = math.exp %neg3A_75 : vector<256x128xf32>
      %log1p3A_77 = math.log1p %exp3A_76 : vector<256x128xf32>
      %add3A_78 = arith.addf %max3A_71, %log1p3A_77 : vector<256x128xf32>
      %get3A_79 = arith.constant 0 : index
      %get3A_80 = arith.constant 0 : index
      %get3A_81 = vector.load %arg7[%get3A_79, %get3A_80] : memref<128x1xf32, #tpu.memory_space<vmem>>, vector<128x1xf32>
      %dot_general3A_82 = arith.constant dense<0.000000e+00> : vector<256x1xf32>
      %dot_general3A_83 = tpu.matmul %add3A_78, %get3A_81, %dot_general3A_82 {dimension_numbers = #tpu.dot_dimension_numbers<[1], [0], [0], [1], [0, 0, 1, 1], [], []>, transpose_lhs_hint = false} : vector<256x128xf32>, vector<128x1xf32>, vector<256x1xf32> -> vector<256x1xf32>
      %get3A_84 = arith.constant 0 : index
      %get3A_85 = arith.constant 0 : index
      %get3A_86 = vector.load %arg8[%get3A_84, %get3A_85] : memref<1x1xf32, #tpu.memory_space<vmem>>, vector<1x1xf32>
      %add3A_87 = vector.broadcast %get3A_86 : vector<1x1xf32> to vector<256x1xf32>
      %add3A_88 = arith.addf %dot_general3A_83, %add3A_87 : vector<256x1xf32>
      %swap3A_89 = arith.constant 0 : index
      %swap3A_90 = arith.constant 0 : index
      %swap3A_91 = vector.load %arg9[%swap3A_89, %swap3A_90] : memref<256x1xf32, #tpu.memory_space<vmem>>, vector<256x1xf32>
      tpu.vector_store %arg9[%swap3A_89, %swap3A_90], %add3A_88 {strides = array<i32>} : memref<256x1xf32, #tpu.memory_space<vmem>>, vector<256x1xf32>,
    } else {
    }
    return
  }
  func.func @transform_0(%arg0: i32) -> (i32, i32) {
    %c0_i32 = arith.constant 0 : i32
    %c0_i32_0 = arith.constant 0 : i32
    return %arg0, %c0_i32 : i32, i32
  }
  func.func @transform_1(%arg0: i32) -> (i32, i32, i32) {
    %c0_i32 = arith.constant 0 : i32
    %c0_i32_0 = arith.constant 0 : i32
    %c0_i32_1 = arith.constant 0 : i32
    return %arg0, %c0_i32, %c0_i32_0 : i32, i32, i32
  }
  func.func @transform_2(%arg0: i32) -> (i32, i32) {
    %c0_i32 = arith.constant 0 : i32
    %c0_i32_0 = arith.constant 0 : i32
    %c0_i32_1 = arith.constant 0 : i32
    return %c0_i32, %c0_i32_0 : i32, i32
  }
  func.func @transform_3(%arg0: i32) -> (i32, i32) {
    %c0_i32 = arith.constant 0 : i32
    %c0_i32_0 = arith.constant 0 : i32
    %c0_i32_1 = arith.constant 0 : i32
    return %c0_i32, %c0_i32_0 : i32, i32
  }
  func.func @transform_4(%arg0: i32) -> (i32, i32) {
    %c0_i32 = arith.constant 0 : i32
    %c0_i32_0 = arith.constant 0 : i32
    %c0_i32_1 = arith.constant 0 : i32
    return %c0_i32, %c0_i32_0 : i32, i32
  }
  func.func @transform_5(%arg0: i32) -> (i32, i32) {
    %c0_i32 = arith.constant 0 : i32
    %c0_i32_0 = arith.constant 0 : i32
    %c0_i32_1 = arith.constant 0 : i32
    return %c0_i32, %c0_i32_0 : i32, i32
  }
  func.func @transform_6(%arg0: i32) -> (i32, i32) {
    %c0_i32 = arith.constant 0 : i32
    %c0_i32_0 = arith.constant 0 : i32
    %c0_i32_1 = arith.constant 0 : i32
    return %c0_i32, %c0_i32_0 : i32, i32
  }
  func.func @transform_7(%arg0: i32) -> (i32, i32) {
    %c0_i32 = arith.constant 0 : i32
    %c0_i32_0 = arith.constant 0 : i32
    %c0_i32_1 = arith.constant 0 : i32
    return %c0_i32, %c0_i32_0 : i32, i32
  }
  func.func @transform_8(%arg0: i32) -> (i32, i32) {
    %c0_i32 = arith.constant 0 : i32
    %c0_i32_0 = arith.constant 0 : i32
    %c0_i32_1 = arith.constant 0 : i32
    return %c0_i32, %c0_i32_0 : i32, i32
  }
}

</mosaic_0001>

<sc_bundles>
// kernel: _run.25.cloned.1.call-start
scs
__scs_entry_jumppad:
0x0: {  	(pc) =	sbr.rel $0x88, $3  }
0x1: {  	(tag) =	ssettag $0x0;
	lr =	simm.s32 $0x1  }
0x2: {  	[smem:$0x3F77] =	sst lr;
	_ =	strace $0xD0000000  }
0x3: {  	_ = 	snop  }
0x4: {  	_ = 	snop  }
0x5: {  	_ = 	snop  }
0x6: {  	_ = 	snop  }
0x7: {  	_ = 	snop  }
__scs_overlays_trampoline_lowered:
0x8: {  	[smem:$0x3F86] =	sst s0  }
0x9: {  	[smem:$0x3F87] =	sst s1  }
0xa: {  	[smem:$0x3F88] =	sst s2  }
0xb: {  	[smem:$0x3F89] =	sst s3  }
0xc: {  	[smem:$0x3F8A] =	sst s4  }
0xd: {  	[smem:$0x3F8B] =	sst s5  }
0xe: {  	[smem:$0x3F8C] =	sst s6  }
0xf: {  	[smem:$0x3F8D] =	sst s7  }
0x10: {  	[smem:$0x3F8E] =	sst s8  }
0x11: {  	[smem:$0x3F8F] =	sst s9;
	s0 =	simm.s32 @!p0 $0x0  }
0x12: {  	s1 =	sld [smem:$0x3F75];
	s0 =	simm.s32 @p0 $0x1  }
0x13: {  	[smem:$0x3F90] =	sst s0;
	s0 =	simm.s32 @!p1 $0x0  }
0x14: {  	s2 =	sld [smem:$0x3F74];
	s0 =	simm.s32 @p1 $0x1  }
0x15: {  	[smem:$0x3F91] =	sst s0;
	s0 =	simm.s32 @!p2 $0x0  }
0x16: {  	s3 =	sld [smem:$0x3FDB];
	s0 =	simm.s32 @p2 $0x1  }
0x17: {  	s4 =	simm.s32 $0x1BF5;
	[smem:$0x3F93] =	sst s0  }
0x18: {  	s0 =	sld [smem:$0x3F76];
	_ =	swait.ge [sflag:s4], $0x0  }
0x19: {  	s7 =	sld [smem:$0x3F77]  }
0x1a: {  	s8 =	sadd.s32 $0xFFFFE003, lr  }
0x1b: {  	s9 =	sadd.s32 $0xFFFFFEF7, lr;
	s5 =	simm.s32 $0xFFFFFFFF;
	p2 =	slt.u32 s8, $0xFFFFF086  }
0x1c: {  	p1 =	slt.u32 s9, $0xF7A;
	s5 =	simm.s32 @!p2 $0x0  }
0x1d: {  	s5 =	simm.s32 @p1 $0x1;
	p0 =	seq.s32 s7, s2  }
0x1e: {  	s7 =	smul.u32 @!p0 $0xF7A, s2;
	p2 =	seq.s32 @!p0 s5, $0x0  }
0x1f: {  	s9 =	smul.u32 $0xF7A, s1;
	s8 =	simm.s32 @!p0 $0x1BF5;
	p2 =	por !p2, p0  }
0x20: {  	[sflag:s8] =	ssyncset.s32 @!p0 $0xFFFFF086;
	s6 =	sadd.s32 @!p0 s3, s7;
	s7 =	simm.s32 @!p0 $0x108  }
0x21: {  	s3 =	sadd.s32 s3, s9;
	s6 =	sadd.s32 @!p0 $0x88, s6;
	s7 =	simm.s32 @p2 $0x1082  }
0x22: {  	[simem:s7], [sflag:s8] =	dma.local @!p0 [hbm:s6], $0xF7A  }
0x23: {  	s9 =	sor.u32 $0xD0000000, s2;
	s6 =	simm.s32 $0x108;
	_ =	swait.ge @!p0 [sflag:s8], $0x0  }
0x24: {  	s3 =	sadd.s32 $0x88, s3;
	s6 =	simm.s32 @!p1 $0x1082;
	[sflag:s4] =	ssyncset.s32 $0xFFFFF086  }
0x25: {  	[simem:s6], [sflag:s4] =	dma.local [hbm:s3], $0xF7A  }
0x26: {  	[smem:$0x3F77] =	sst s1;
	(tag) =	ssettag s2;
	_ =	strace s9  }
0x27: {  	s1 =	sld [smem:$0x3F87]  }
0x28: {  	s2 =	sld [smem:$0x3F88]  }
0x29: {  	s4 =	sld [smem:$0x3F8A]  }
0x2a: {  	p0 =	seq.s32 s5, $0x0;
	s5 =	sld [smem:$0x3F8B]  }
0x2b: {  	s6 =	sld [smem:$0x3F8C]  }
0x2c: {  	s7 =	sld [smem:$0x3F8D]  }
0x2d: {  	s3 =	simm.s32 $0x108;
	s8 =	sld [smem:$0x3F8E]  }
0x2e: {  	s3 =	simm.s32 @!p0 $0x1082;
	s9 =	sld [smem:$0x3F8F]  }
0x2f: {  	lr =	sadd.s32 s0, s3;
	s0 =	sld [smem:$0x3F86]  }
0x30: {  	s3 =	sld [smem:$0x3F89]  }
0x31: {  	[smem:$0x3F92] =	sst s10  }
0x32: {  	s10 =	sld [smem:$0x3F90];
	_ =	sdelay $0x3  }
0x33: {  	p0 =	seq.s32 s10, $0x1;
	s10 =	sld [smem:$0x3F92];
	_ =	sdelay $0x3  }
0x34: {  	[smem:$0x3F92] =	sst s10  }
0x35: {  	s10 =	sld [smem:$0x3F91];
	_ =	sdelay $0x3  }
0x36: {  	p1 =	seq.s32 s10, $0x1;
	s10 =	sld [smem:$0x3F92];
	_ =	sdelay $0x3  }
0x37: {  	[smem:$0x3F92] =	sst s10  }
0x38: {  	s10 =	sld [smem:$0x3F93]  }
0x39: {  	_ = 	snop;
	(pc) =	sbr.ind lr, $3  }
0x3a: {  	_ = 	snop  }
0x3b: {  	_ = 	snop  }
0x3c: {  	p2 =	seq.s32 s10, $0x1;
	s10 =	sld [smem:$0x3F92]  }
0x3d: {  	_ =	shalt  }
0x3e: {  	_ =	shalt  }
0x3f: {  	_ =	shalt  }
0x40: {  	_ =	shalt  }
0x41: {  	_ =	shalt  }
0x42: {  	_ =	shalt  }
0x43: {  	_ =	shalt  }
0x44: {  	_ =	shalt  }
0x45: {  	_ =	shalt  }
0x46: {  	_ =	shalt  }
0x47: {  	_ =	shalt  }
0x48: {  	_ =	shalt  }
0x49: {  	_ =	shalt  }
0x4a: {  	_ =	shalt  }
0x4b: {  	_ =	shalt  }
0x4c: {  	_ =	shalt  }
0x4d: {  	_ =	shalt  }
0x4e: {  	_ =	shalt  }
0x4f: {  	_ =	shalt  }
0x50: {  	_ =	shalt  }
0x51: {  	_ =	shalt  }
0x52: {  	_ =	shalt  }
0x53: {  	_ =	shalt  }
0x54: {  	_ =	shalt  }
0x55: {  	_ =	shalt  }
0x56: {  	_ =	shalt  }
0x57: {  	_ =	shalt  }
0x58: {  	_ =	shalt  }
0x59: {  	_ =	shalt  }
0x5a: {  	_ =	shalt  }
0x5b: {  	_ =	shalt  }
0x5c: {  	_ =	shalt  }
0x5d: {  	_ =	shalt  }
0x5e: {  	_ =	shalt  }
0x5f: {  	_ =	shalt  }
0x60: {  	_ =	shalt  }
0x61: {  	_ =	shalt  }
0x62: {  	_ =	shalt  }
0x63: {  	_ =	shalt  }
0x64: {  	_ =	shalt  }
0x65: {  	_ =	shalt  }
0x66: {  	_ =	shalt  }
0x67: {  	_ =	shalt  }
0x68: {  	_ =	shalt  }
0x69: {  	_ =	shalt  }
0x6a: {  	_ =	shalt  }
0x6b: {  	_ =	shalt  }
0x6c: {  	_ =	shalt  }
0x6d: {  	_ =	shalt  }
0x6e: {  	_ =	shalt  }
0x6f: {  	_ =	shalt  }
0x70: {  	_ =	shalt  }
0x71: {  	_ =	shalt  }
0x72: {  	_ =	shalt  }
0x73: {  	_ =	shalt  }
0x74: {  	_ =	shalt  }
0x75: {  	_ =	shalt  }
0x76: {  	_ =	shalt  }
0x77: {  	_ =	shalt  }
0x78: {  	_ =	shalt  }
0x79: {  	_ =	shalt  }
0x7a: {  	_ =	shalt  }
0x7b: {  	_ =	shalt  }
0x7c: {  	_ =	shalt  }
0x7d: {  	_ =	shalt  }
0x7e: {  	_ =	shalt  }
0x7f: {  	_ =	shalt  }
0x80: {  	_ =	shalt  }
0x81: {  	_ =	shalt  }
0x82: {  	_ =	shalt  }
0x83: {  	_ =	shalt  }
0x84: {  	_ =	shalt  }
0x85: {  	_ =	shalt  }
0x86: {  	_ =	shalt  }
0x87: {  	_ =	shalt  }
.Lfunc_end0:
.L_simem_size_0:
called_computation_lowered:
.L_overlay_start_0:
0x88: {  	s2 =	sld [smem:$0x3FD9]  }
0x89: {  	s3 =	sld [smem:$0x3FFE];
	_ =	sdelay $0x1  }
0x8a: {  	s1 =	srdreg.scid  }
0x8b: {  	s0 =	sand.u32 $0x1, s1  }
0x8c: {  	s16 =	sshll.u32 s0, $0xA;
	s2 =	sadd.s32 s3, s2  }
0x8d: {  	s2 =	sadd.s32 s2, s16  }
0x8e: {  	[smem:$0x3F9E] =	sst s2  }
0x8f: {  	_ = 	snop  }
0x90: {  	(tm) =	ssettm $0x1  }
0x91: {  	s17 =	sld [smem:$0x3FFB];
	_ =	sdelay $0x3  }
0x92: {  	_ =	strace s17  }
0x93: {  	s2 =	sld [smem:$0x3FFC];
	_ =	sdelay $0x3  }
0x94: {  	_ =	strace s2  }
0x95: {  	s2 =	sld [smem:$0x3FFD];
	_ =	sdelay $0x3  }
0x96: {  	_ =	strace s2  }
0x97: {  	_ =	strace $0x8FFFFFFF  }
0x98: {  	s18 =	sld [smem:$0x3FDB];
	_ =	sdelay $0x1  }
0x99: {  	s19 =	simm.s32 $_scs_section_size  }
0x9a: {  	s4 =	simm.s32 $_size__tile_overlayer_lowered;
	s5 =	simm.s32 $_tile_overlayer_lowered  }
0x9b: {  	s22 =	simm.s32 $0x1BFF;
	s21 =	sshll.u32 s5, $0x1;
	s2 =	sadd.s32 s19, s18  }
0x9c: {  	s6 =	simm.s32 $0x0;
	s20 =	sshll.u32 s4, $0x1;
	s4 =	sadd.s32 s21, s2  }
0x9d: {  	[timem:s6], [sflag:s22] =	dma.local [hbm:s4], s20  }
0x9e: {  	_ =	swait.ge [sflag:s22], s20  }
0x9f: {  	s3 =	ssub.s32 $0x0, s20;
	[sflag:s22] =	ssyncset.done $0x0  }
0xa0: {  	[sflag:s22] =	ssyncadd.s32 s3;
	_ =	sdelay $0x1  }
0xa1: {  	s23 =	simm.s32 $0x1B8B  }
0xa2: {  	_ =	swait.ge [sflag:s23], $0x1  }
0xa3: {  	[sflag:s23] =	ssyncset.done $0x0  }
0xa4: {  	s25 =	simm.s32 $0x1B8E;
	s24 =	sld [smem:$0x3FFE];
	[sflag:s23] =	ssyncadd.s32 $0xFFFFFFFF  }
0xa5: {  	s26 =	simm.s32 $execute0_lowered;
	[smem:$0x3FD2] =	sst s25  }
0xa6: {  	s4 =	sshll.u32 s26, $0x1;
	_ =	strace $0x80000046;
	[dreg:$0x1] =	wrdreg $0xFFFFFFFF  }
0xa7: {  	s28 =	simm.s32 $_size_execute0_lowered;
	s2 =	sadd.s32 s2, s4;
	[dreg:$0x0] =	wrdreg $0x0  }
0xa8: {  	s4 =	sshll.u32 s28, $0x1;
	[dreg:$0x2] =	wrdreg s2  }
0xa9: {  	[dreg:$0x3] =	wrdreg s4  }
0xaa: {  	[dreg:$0x4] =	wrdreg $0xC0  }
0xab: {  	_ =	task [dreg:s6], $0x5FFFF  }
0xac: {  	[dreg:$0x1] =	wrdreg $0xFFFFFFFF  }
0xad: {  	[dreg:$0x0] =	wrdreg $0x60  }
0xae: {  	[dreg:$0x2] =	wrdreg s24  }
0xaf: {  	[dreg:$0x3] =	wrdreg $0x9  }
0xb0: {  	_ =	task.clear_ibuf [dreg:s6], $0x4FFFF;
	_ =	strace $0x90000046  }
0xb1: {  	s29 =	simm.s32 $0x9;
	_ =	strace $0x80000048  }
0xb2: {  	_ =	swait.ge [sflag:s29], $0x1  }
0xb3: {  	[sflag:s29] =	ssyncadd.s32 $0xFFFFFFFF  }
0xb4: {  	_ =	strace $0x90000048  }
0xb5: {  	_ =	sfence  }
0xb6: {  	s30 =	sld [smem:$0x0];
	_ =	sdelay $0x2  }
0xb7: {  	s31 =	sshll.u32 s1, $0xD;
	s1 =	sshrl.u32 s1, $0x2  }
0xb8: {  	s3 =	sand.u32 $0x4000, s31;
	s1 =	sadd.s32 s1, s30  }
0xb9: {  	s0 =	sor.u32 s3, s0;
	s1 =	sshll.u32 s1, $0x11  }
0xba: {  	s0 =	sor.u32 s1, s0  }
0xbb: {  	s0 =	sadd.s32 $0x8F2B, s0  }
0xbc: {  	[sflag:s0] =	ssyncadd.remote.s32 $0x1  }
0xbd: {  	_ =	sfence.sel $0xFFFF  }
0xbe: {  	[dreg:$0x0] =	wrdreg $0xFFFFFFFF;
	(pc) =	sbr.abs _section_cstart, $3  }
0xbf: {  	[dreg:$0x1] =	wrdreg $0xFFFFFFFF  }
0xc0: {  	_ =	task.clear_ibuf [dreg:s6], $0x2FFFF;
	_ =	strace $0x9FFFFFFF  }
0xc1: {  	(tm) =	ssettm $0x7FFFFFFF  }
tec
execute0_lowered:
.L_overlay_start_1:
0x0: {  	(tag) =	ssettag $0x1  }
0x1: {  	s5 =	rddreg [dreg:$0x0]  }
0x2: {  	s0 =	rddreg [dreg:$0x1]  }
0x3: {  	s3 =	srdreg.scid;
	s1 =	stileid.u32;
	s2 =	simm.s32 $0x0  }
0x4: {  	s11 =	simm.s32 $0x100;
	s12 =	simm.s32 $0xC8;
	s13 =	simm.s32 $0x200  }
0x5: {  	s14 =	simm.s32 $0x6600;
	s15 =	simm.s32 $0x1;
	s7 =	smul.u32 $0xC350, s1  }
0x6: {  	s16 =	simm.s32 $0x2;
	s6 =	sand.u32 $0x1, s3;
	s9 =	smul.u32 $0xC3500, s1  }
0x7: {  	s17 =	simm.s32 $0x0;
	[smem:$0x7FF] =	sst s2;
	s8 =	smul.u32 $0x61A8, s6  }
0x8: {  	s3 =	sadd.s32 $0xA000, s5;
	s4 =	sadd.s32 $0x1C1C00, s5;
	s10 =	smul.u32 $0x61A80, s6  }
0x9: {  	_ =	strace $0x80000047;
	s6 =	ssub.s32 $0x2, s6;
	s29 =	sadd.s32 s9, s5  }
0xa: {  	s30 =	sshrl.u32 s6, $0x1;
	s7 =	sadd.s32 s8, s7;
	s8 =	sadd.s32 s10, s29  }
0xb: {  	s6 =	ssub.s32 s6, s30;
	s10 =	simm.s32 $0x3;
	s7 =	sshrl.u32 s7, $0x3  }
0xc: {  	s6 =	smax.u32 s6, $0x1;
	s31 =	sadd.s32 s7, s5;
	s5 =	sadd.s32 $0x285200, s8  }
0xd: {  	s7 =	sadd.s32 $0xEBA200, s8;
	s8 =	sadd.s32 $0xCD600, s31;
	s9 =	sadd.s32 $0xE5E00, s31  }
.LBB2_1:
0xe: {  	s18 =	sadd.s32 $0x0, s9  }
0xf: {  	[tilespmem:s2], [sflag:$0x3] =	stream.linear.gather [hbm4b:s18+s2], $0xC8, $0x38;
	[tilespmem:$0xCA00] =	vst v63  }
0x10: {  	_ =	swait.ge [sflag:s10], $0xC8  }
0x11: {  	[sflag:s10] =	ssyncset.done $0x0  }
0x12: {  	s31 =	sadd.s32 $0x0, s8;
	[sflag:s10] =	ssyncadd.s32 $0xFFFFFF38  }
0x13: {  	[tilespmem:s11], [sflag:$0x3] =	stream.linear.gather [hbm4b:s31+s2], $0xC8, $0x38;
	[tilespmem:$0xCA00] =	vst v63  }
0x14: {  	_ =	swait.ge [sflag:s10], $0xC8  }
0x15: {  	[sflag:s10] =	ssyncset.done $0x0  }
0x16: {  	[sflag:s10] =	ssyncadd.s32 $0xFFFFFF38  }
0x17: {  	[tilespmem:s13], [sflag:$0x1] =	stream.indirect.gather [hbm4b:s3+s12], $0x80, s2, s12, $0xb8;
	[tilespmem:$0xCA00] =	vst v63  }
0x18: {  	_ = 	snop  }
0x19: {  	[tilespmem:s14], [sflag:$0x2] =	stream.indirect.gather [hbm4b:s4+s12], $0x80, s11, s12, $0xb8;
	[tilespmem:$0xCA00] =	vst v63  }
0x1a: {  	_ =	swait.ge [sflag:s15], $0x6400  }
0x1b: {  	[sflag:s15] =	ssyncset.done $0x0  }
0x1c: {  	[sflag:s15] =	ssyncadd.s32 $0xFFFF9C00  }
0x1d: {  	_ =	swait.ge [sflag:s16], $0x6400  }
0x1e: {  	[sflag:s16] =	ssyncset.done $0x0  }
0x1f: {  	[sflag:s16] =	ssyncadd.s32 $0xFFFF9C00  }
0x20: {  	[hbm4b:s5+s2] =	stream.linear.scatter [tilespmem:s13], [sflag:$0x3], $0x6400, $0x38;
	[tilespmem:$0xCA00] =	vst v63  }
0x21: {  	_ =	swait.ge [sflag:s10], $0x6400  }
0x22: {  	[sflag:s10] =	ssyncset.done $0x0  }
0x23: {  	[sflag:s10] =	ssyncadd.s32 $0xFFFF9C00  }
0x24: {  	[hbm4b:s7+s2] =	stream.linear.scatter [tilespmem:s14], [sflag:$0x3], $0x6400, $0x38;
	[tilespmem:$0xCA00] =	vst v63  }
0x25: {  	s20 =	simm.s32 $0x19;
	s21 =	simm.s32 $0x32;
	_ =	swait.ge [sflag:s10], $0x6400  }
0x26: {  	s19 =	sadd.s32 $0xC80, s5;
	s18 =	sadd.s32 $0xC80, s7;
	[sflag:s10] =	ssyncset.done $0x0  }
.LBB2_2:
0x27: {  	s22 =	sadd.s32 s20, s9  }
0x28: {  	[sflag:s10] =	ssyncadd.s32 $0xFFFF9C00;
	s23 =	smov.u32 s21;
	s24 =	sadd.s32 $0x19, s21  }
0x29: {  	[tilespmem:s2], [sflag:$0x3] =	stream.linear.gather [hbm4b:s22+s2], $0xC8, $0x38;
	[tilespmem:$0xCA00] =	vst v63  }
0x2a: {  	p0 =	sne.s32 s21, $0xC1C;
	_ =	swait.ge [sflag:s10], $0xC8  }
0x2b: {  	[sflag:s10] =	ssyncset.done $0x0  }
0x2c: {  	s21 =	sadd.s32 s20, s8;
	s20 =	smov.u32 s23;
	[sflag:s10] =	ssyncadd.s32 $0xFFFFFF38  }
0x2d: {  	[tilespmem:s11], [sflag:$0x3] =	stream.linear.gather [hbm4b:s21+s2], $0xC8, $0x38;
	[tilespmem:$0xCA00] =	vst v63  }
0x2e: {  	_ =	swait.ge [sflag:s10], $0xC8  }
0x2f: {  	[sflag:s10] =	ssyncset.done $0x0  }
0x30: {  	[sflag:s10] =	ssyncadd.s32 $0xFFFFFF38  }
0x31: {  	[tilespmem:s13], [sflag:$0x1] =	stream.indirect.gather [hbm4b:s3+s12], $0x80, s2, s12, $0xb8;
	[tilespmem:$0xCA00] =	vst v63  }
0x32: {  	_ = 	snop  }
0x33: {  	[tilespmem:s14], [sflag:$0x2] =	stream.indirect.gather [hbm4b:s4+s12], $0x80, s11, s12, $0xb8;
	[tilespmem:$0xCA00] =	vst v63  }
0x34: {  	_ =	swait.ge [sflag:s15], $0x6400  }
0x35: {  	[sflag:s15] =	ssyncset.done $0x0  }
0x36: {  	[sflag:s15] =	ssyncadd.s32 $0xFFFF9C00  }
0x37: {  	_ =	swait.ge [sflag:s16], $0x6400  }
0x38: {  	[sflag:s16] =	ssyncset.done $0x0  }
0x39: {  	[sflag:s16] =	ssyncadd.s32 $0xFFFF9C00  }
0x3a: {  	[hbm4b:s19+s2] =	stream.linear.scatter [tilespmem:s13], [sflag:$0x3], $0x6400, $0x38;
	[tilespmem:$0xCA00] =	vst v63  }
0x3b: {  	_ =	swait.ge [sflag:s10], $0x6400  }
.Ltmp0:
0x3c: {  	[sflag:s10] =	ssyncset.done $0x0;
	(pc) =	sbr.rel @p0 .LBB2_2-.Ltmp0, $4  }
0x3d: {  	[sflag:s10] =	ssyncadd.s32 $0xFFFF9C00  }
0x3e: {  	[hbm4b:s18+s2] =	stream.linear.scatter [tilespmem:s14], [sflag:$0x3], $0x6400, $0x38;
	[tilespmem:$0xCA00] =	vst v63  }
0x3f: {  	s21 =	smov.u32 s24;
	_ =	swait.ge [sflag:s10], $0x6400  }
0x40: {  	s19 =	sadd.s32 $0xC80, s19;
	s18 =	sadd.s32 $0xC80, s18;
	[sflag:s10] =	ssyncset.done $0x0  }
0x41: {  	s21 =	sadd.s32 s20, s9;
	[sflag:s10] =	ssyncadd.s32 $0xFFFF9C00  }
0x42: {  	[tilespmem:s2], [sflag:$0x3] =	stream.linear.gather [hbm4b:s21+s2], $0xC8, $0x38;
	[tilespmem:$0xCA00] =	vst v63  }
0x43: {  	_ =	swait.ge [sflag:s10], $0xC8  }
0x44: {  	[sflag:s10] =	ssyncset.done $0x0  }
0x45: {  	s31 =	sadd.s32 s20, s8;
	[sflag:s10] =	ssyncadd.s32 $0xFFFFFF38  }
0x46: {  	[tilespmem:s11], [sflag:$0x3] =	stream.linear.gather [hbm4b:s31+s2], $0xC8, $0x38;
	[tilespmem:$0xCA00] =	vst v63  }
0x47: {  	_ =	swait.ge [sflag:s10], $0xC8  }
0x48: {  	[sflag:s10] =	ssyncset.done $0x0  }
0x49: {  	[sflag:s10] =	ssyncadd.s32 $0xFFFFFF38  }
0x4a: {  	[tilespmem:s13], [sflag:$0x1] =	stream.indirect.gather [hbm4b:s3+s12], $0x80, s2, s12, $0xb8;
	[tilespmem:$0xCA00] =	vst v63  }
0x4b: {  	_ = 	snop  }
0x4c: {  	[tilespmem:s14], [sflag:$0x2] =	stream.indirect.gather [hbm4b:s4+s12], $0x80, s11, s12, $0xb8;
	[tilespmem:$0xCA00] =	vst v63  }
0x4d: {  	_ =	swait.ge [sflag:s15], $0x6400  }
0x4e: {  	[sflag:s15] =	ssyncset.done $0x0  }
0x4f: {  	[sflag:s15] =	ssyncadd.s32 $0xFFFF9C00  }
0x50: {  	_ =	swait.ge [sflag:s16], $0x6400  }
0x51: {  	[sflag:s16] =	ssyncset.done $0x0  }
0x52: {  	[sflag:s16] =	ssyncadd.s32 $0xFFFF9C00  }
0x53: {  	[hbm4b:s19+s2] =	stream.linear.scatter [tilespmem:s13], [sflag:$0x3], $0x6400, $0x38;
	[tilespmem:$0xCA00] =	vst v63  }
0x54: {  	s17 =	sadd.s32 $0x1, s17;
	_ =	swait.ge [sflag:s10], $0x6400  }
0x55: {  	p0 =	sne.s32 s17, s6;
	[sflag:s10] =	ssyncset.done $0x0  }
.Ltmp1:
0x56: {  	[sflag:s10] =	ssyncadd.s32 $0xFFFF9C00;
	(pc) =	sbr.rel @p0 .LBB2_1-.Ltmp1, $4  }
0x57: {  	[hbm4b:s18+s2] =	stream.linear.scatter [tilespmem:s14], [sflag:$0x3], $0x6400, $0x38;
	[tilespmem:$0xCA00] =	vst v63  }
0x58: {  	_ =	swait.ge [sflag:s10], $0x6400  }
0x59: {  	[sflag:s10] =	ssyncset.done $0x0  }
0x5a: {  	[sflag:s10] =	ssyncadd.s32 $0xFFFF9C00  }
0x5b: {  	_ =	sfence.sel $0x180000  }
0x5c: {  	[bflag:$0x0] =	sbarrier.arrive $0xFFFF  }
0x5d: {  	p0 =	sne.s32 s1, $0x0;
	_ =	strace $0x90000047  }
0x5e: {  	s0 =	sadd.s32 @!p0 $0x100000, s0;
	[bflag:$0x2] =	sbarrier.arrive $0xFFFF  }
0x5f: {  	[sflag:s0] =	ssyncadd.tile.s32 @!p0 $0x1;
	_ =	shalt  }
.Lfunc_end2:
_tile_overlayer_lowered:
.L_overlay_start_2:
0x60: {  	(tag) =	ssettag $0x2  }
0x61: {  	s0 =	rddreg [dreg:$0x0];
	s2 =	stileid.u32  }
0x62: {  	s1 =	rddreg [dreg:$0x1];
	p0 =	sne.s32 s2, $0x0  }
0x63: {  	s3 =	rddreg [dreg:$0x2];
	[bflag:$0x3] =	sbarrier.arrive $0xFFFF;
	s2 =	simm.s32 @!p0 $0x1C03  }
0x64: {  	[timem:s3], [sflag:s2] =	dma.local @!p0 [hbm:s0], s1  }
0x65: {  	s0 =	simm.s32 @!p0 $0x3  }
0x66: {  	_ =	swait.ge @!p0 [sflag:s0], s1  }
0x67: {  	s1 =	ssub.s32 @!p0 $0x0, s1;
	[sflag:s0] =	ssyncset.done @!p0 $0x0  }
0x68: {  	[sflag:s0] =	ssyncadd.s32 @!p0 s1  }
0x69: {  	[bflag:$0x3] =	sbarrier.arrive $0xFFFF  }
0x6a: {  	_ =	shalt  }

// kernel: _run.28.cloned.1.call-start
scs
__scs_entry_jumppad:
0x0: {  	(pc) =	sbr.rel $0x88, $3  }
0x1: {  	(tag) =	ssettag $0x0;
	lr =	simm.s32 $0x1  }
0x2: {  	[smem:$0x3F77] =	sst lr;
	_ =	strace $0xD0000000  }
0x3: {  	_ = 	snop  }
0x4: {  	_ = 	snop  }
0x5: {  	_ = 	snop  }
0x6: {  	_ = 	snop  }
0x7: {  	_ = 	snop  }
__scs_overlays_trampoline_lowered:
0x8: {  	[smem:$0x3F86] =	sst s0  }
0x9: {  	[smem:$0x3F87] =	sst s1  }
0xa: {  	[smem:$0x3F88] =	sst s2  }
0xb: {  	[smem:$0x3F89] =	sst s3  }
0xc: {  	[smem:$0x3F8A] =	sst s4  }
0xd: {  	[smem:$0x3F8B] =	sst s5  }
0xe: {  	[smem:$0x3F8C] =	sst s6  }
0xf: {  	[smem:$0x3F8D] =	sst s7  }
0x10: {  	[smem:$0x3F8E] =	sst s8  }
0x11: {  	[smem:$0x3F8F] =	sst s9;
	s0 =	simm.s32 @!p0 $0x0  }
0x12: {  	s1 =	sld [smem:$0x3F75];
	s0 =	simm.s32 @p0 $0x1  }
0x13: {  	[smem:$0x3F90] =	sst s0;
	s0 =	simm.s32 @!p1 $0x0  }
0x14: {  	s2 =	sld [smem:$0x3F74];
	s0 =	simm.s32 @p1 $0x1  }
0x15: {  	[smem:$0x3F91] =	sst s0;
	s0 =	simm.s32 @!p2 $0x0  }
0x16: {  	s3 =	sld [smem:$0x3FDB];
	s0 =	simm.s32 @p2 $0x1  }
0x17: {  	s4 =	simm.s32 $0x1BF5;
	[smem:$0x3F93] =	sst s0  }
0x18: {  	s0 =	sld [smem:$0x3F76];
	_ =	swait.ge [sflag:s4], $0x0  }
0x19: {  	s7 =	sld [smem:$0x3F77]  }
0x1a: {  	s8 =	sadd.s32 $0xFFFFE003, lr  }
0x1b: {  	s9 =	sadd.s32 $0xFFFFFEF7, lr;
	s5 =	simm.s32 $0xFFFFFFFF;
	p2 =	slt.u32 s8, $0xFFFFF086  }
0x1c: {  	p1 =	slt.u32 s9, $0xF7A;
	s5 =	simm.s32 @!p2 $0x0  }
0x1d: {  	s5 =	simm.s32 @p1 $0x1;
	p0 =	seq.s32 s7, s2  }
0x1e: {  	s7 =	smul.u32 @!p0 $0xF7A, s2;
	p2 =	seq.s32 @!p0 s5, $0x0  }
0x1f: {  	s9 =	smul.u32 $0xF7A, s1;
	s8 =	simm.s32 @!p0 $0x1BF5;
	p2 =	por !p2, p0  }
0x20: {  	[sflag:s8] =	ssyncset.s32 @!p0 $0xFFFFF086;
	s6 =	sadd.s32 @!p0 s3, s7;
	s7 =	simm.s32 @!p0 $0x108  }
0x21: {  	s3 =	sadd.s32 s3, s9;
	s6 =	sadd.s32 @!p0 $0x88, s6;
	s7 =	simm.s32 @p2 $0x1082  }
0x22: {  	[simem:s7], [sflag:s8] =	dma.local @!p0 [hbm:s6], $0xF7A  }
0x23: {  	s9 =	sor.u32 $0xD0000000, s2;
	s6 =	simm.s32 $0x108;
	_ =	swait.ge @!p0 [sflag:s8], $0x0  }
0x24: {  	s3 =	sadd.s32 $0x88, s3;
	s6 =	simm.s32 @!p1 $0x1082;
	[sflag:s4] =	ssyncset.s32 $0xFFFFF086  }
0x25: {  	[simem:s6], [sflag:s4] =	dma.local [hbm:s3], $0xF7A  }
0x26: {  	[smem:$0x3F77] =	sst s1;
	(tag) =	ssettag s2;
	_ =	strace s9  }
0x27: {  	s1 =	sld [smem:$0x3F87]  }
0x28: {  	s2 =	sld [smem:$0x3F88]  }
0x29: {  	s4 =	sld [smem:$0x3F8A]  }
0x2a: {  	p0 =	seq.s32 s5, $0x0;
	s5 =	sld [smem:$0x3F8B]  }
0x2b: {  	s6 =	sld [smem:$0x3F8C]  }
0x2c: {  	s7 =	sld [smem:$0x3F8D]  }
0x2d: {  	s3 =	simm.s32 $0x108;
	s8 =	sld [smem:$0x3F8E]  }
0x2e: {  	s3 =	simm.s32 @!p0 $0x1082;
	s9 =	sld [smem:$0x3F8F]  }
0x2f: {  	lr =	sadd.s32 s0, s3;
	s0 =	sld [smem:$0x3F86]  }
0x30: {  	s3 =	sld [smem:$0x3F89]  }
0x31: {  	[smem:$0x3F92] =	sst s10  }
0x32: {  	s10 =	sld [smem:$0x3F90];
	_ =	sdelay $0x3  }
0x33: {  	p0 =	seq.s32 s10, $0x1;
	s10 =	sld [smem:$0x3F92];
	_ =	sdelay $0x3  }
0x34: {  	[smem:$0x3F92] =	sst s10  }
0x35: {  	s10 =	sld [smem:$0x3F91];
	_ =	sdelay $0x3  }
0x36: {  	p1 =	seq.s32 s10, $0x1;
	s10 =	sld [smem:$0x3F92];
	_ =	sdelay $0x3  }
0x37: {  	[smem:$0x3F92] =	sst s10  }
0x38: {  	s10 =	sld [smem:$0x3F93]  }
0x39: {  	_ = 	snop;
	(pc) =	sbr.ind lr, $3  }
0x3a: {  	_ = 	snop  }
0x3b: {  	_ = 	snop  }
0x3c: {  	p2 =	seq.s32 s10, $0x1;
	s10 =	sld [smem:$0x3F92]  }
0x3d: {  	_ =	shalt  }
0x3e: {  	_ =	shalt  }
0x3f: {  	_ =	shalt  }
0x40: {  	_ =	shalt  }
0x41: {  	_ =	shalt  }
0x42: {  	_ =	shalt  }
0x43: {  	_ =	shalt  }
0x44: {  	_ =	shalt  }
0x45: {  	_ =	shalt  }
0x46: {  	_ =	shalt  }
0x47: {  	_ =	shalt  }
0x48: {  	_ =	shalt  }
0x49: {  	_ =	shalt  }
0x4a: {  	_ =	shalt  }
0x4b: {  	_ =	shalt  }
0x4c: {  	_ =	shalt  }
0x4d: {  	_ =	shalt  }
0x4e: {  	_ =	shalt  }
0x4f: {  	_ =	shalt  }
0x50: {  	_ =	shalt  }
0x51: {  	_ =	shalt  }
0x52: {  	_ =	shalt  }
0x53: {  	_ =	shalt  }
0x54: {  	_ =	shalt  }
0x55: {  	_ =	shalt  }
0x56: {  	_ =	shalt  }
0x57: {  	_ =	shalt  }
0x58: {  	_ =	shalt  }
0x59: {  	_ =	shalt  }
0x5a: {  	_ =	shalt  }
0x5b: {  	_ =	shalt  }
0x5c: {  	_ =	shalt  }
0x5d: {  	_ =	shalt  }
0x5e: {  	_ =	shalt  }
0x5f: {  	_ =	shalt  }
0x60: {  	_ =	shalt  }
0x61: {  	_ =	shalt  }
0x62: {  	_ =	shalt  }
0x63: {  	_ =	shalt  }
0x64: {  	_ =	shalt  }
0x65: {  	_ =	shalt  }
0x66: {  	_ =	shalt  }
0x67: {  	_ =	shalt  }
0x68: {  	_ =	shalt  }
0x69: {  	_ =	shalt  }
0x6a: {  	_ =	shalt  }
0x6b: {  	_ =	shalt  }
0x6c: {  	_ =	shalt  }
0x6d: {  	_ =	shalt  }
0x6e: {  	_ =	shalt  }
0x6f: {  	_ =	shalt  }
0x70: {  	_ =	shalt  }
0x71: {  	_ =	shalt  }
0x72: {  	_ =	shalt  }
0x73: {  	_ =	shalt  }
0x74: {  	_ =	shalt  }
0x75: {  	_ =	shalt  }
0x76: {  	_ =	shalt  }
0x77: {  	_ =	shalt  }
0x78: {  	_ =	shalt  }
0x79: {  	_ =	shalt  }
0x7a: {  	_ =	shalt  }
0x7b: {  	_ =	shalt  }
0x7c: {  	_ =	shalt  }
0x7d: {  	_ =	shalt  }
0x7e: {  	_ =	shalt  }
0x7f: {  	_ =	shalt  }
0x80: {  	_ =	shalt  }
0x81: {  	_ =	shalt  }
0x82: {  	_ =	shalt  }
0x83: {  	_ =	shalt  }
0x84: {  	_ =	shalt  }
0x85: {  	_ =	shalt  }
0x86: {  	_ =	shalt  }
0x87: {  	_ =	shalt  }
.Lfunc_end0:
.L_simem_size_0:
called_computation.1_lowered:
.L_overlay_start_0:
0x88: {  	s2 =	sld [smem:$0x3FD9]  }
0x89: {  	s3 =	sld [smem:$0x3FFE];
	_ =	sdelay $0x1  }
0x8a: {  	s1 =	srdreg.scid  }
0x8b: {  	s0 =	sand.u32 $0x1, s1  }
0x8c: {  	s16 =	sshll.u32 s0, $0xA;
	s2 =	sadd.s32 s3, s2  }
0x8d: {  	s2 =	sadd.s32 s2, s16  }
0x8e: {  	[smem:$0x3F9E] =	sst s2  }
0x8f: {  	_ = 	snop  }
0x90: {  	(tm) =	ssettm $0x1  }
0x91: {  	s17 =	sld [smem:$0x3FFB];
	_ =	sdelay $0x3  }
0x92: {  	_ =	strace s17  }
0x93: {  	s2 =	sld [smem:$0x3FFC];
	_ =	sdelay $0x3  }
0x94: {  	_ =	strace s2  }
0x95: {  	s2 =	sld [smem:$0x3FFD];
	_ =	sdelay $0x3  }
0x96: {  	_ =	strace s2  }
0x97: {  	_ =	strace $0x8FFFFFFF  }
0x98: {  	s18 =	sld [smem:$0x3FDB];
	_ =	sdelay $0x1  }
0x99: {  	s19 =	simm.s32 $_scs_section_size  }
0x9a: {  	s4 =	simm.s32 $_size__tile_overlayer_lowered;
	s5 =	simm.s32 $_tile_overlayer_lowered  }
0x9b: {  	s22 =	simm.s32 $0x1BFF;
	s21 =	sshll.u32 s5, $0x1;
	s2 =	sadd.s32 s19, s18  }
0x9c: {  	s6 =	simm.s32 $0x0;
	s20 =	sshll.u32 s4, $0x1;
	s4 =	sadd.s32 s21, s2  }
0x9d: {  	[timem:s6], [sflag:s22] =	dma.local [hbm:s4], s20  }
0x9e: {  	_ =	swait.ge [sflag:s22], s20  }
0x9f: {  	s3 =	ssub.s32 $0x0, s20;
	[sflag:s22] =	ssyncset.done $0x0  }
0xa0: {  	[sflag:s22] =	ssyncadd.s32 s3;
	_ =	sdelay $0x1  }
0xa1: {  	s23 =	simm.s32 $0x1B8B  }
0xa2: {  	_ =	swait.ge [sflag:s23], $0x1  }
0xa3: {  	[sflag:s23] =	ssyncset.done $0x0  }
0xa4: {  	s25 =	simm.s32 $0x1B8E;
	s24 =	sld [smem:$0x3FFE];
	[sflag:s23] =	ssyncadd.s32 $0xFFFFFFFF  }
0xa5: {  	s26 =	simm.s32 $execute0_lowered;
	[smem:$0x3FD2] =	sst s25  }
0xa6: {  	s4 =	sshll.u32 s26, $0x1;
	_ =	strace $0x80000049;
	[dreg:$0x1] =	wrdreg $0xFFFFFFFF  }
0xa7: {  	s28 =	simm.s32 $_size_execute0_lowered;
	s2 =	sadd.s32 s2, s4;
	[dreg:$0x0] =	wrdreg $0x0  }
0xa8: {  	s4 =	sshll.u32 s28, $0x1;
	[dreg:$0x2] =	wrdreg s2  }
0xa9: {  	[dreg:$0x3] =	wrdreg s4  }
0xaa: {  	[dreg:$0x4] =	wrdreg $0xC0  }
0xab: {  	_ =	task [dreg:s6], $0x5FFFF  }
0xac: {  	[dreg:$0x1] =	wrdreg $0xFFFFFFFF  }
0xad: {  	[dreg:$0x0] =	wrdreg $0x60  }
0xae: {  	[dreg:$0x2] =	wrdreg s24  }
0xaf: {  	[dreg:$0x3] =	wrdreg $0x19C80  }
0xb0: {  	[dreg:$0x4] =	wrdreg $0x9  }
0xb1: {  	_ =	task.clear_ibuf [dreg:s6], $0x5FFFF;
	_ =	strace $0x90000049  }
0xb2: {  	s29 =	simm.s32 $0x9;
	_ =	strace $0x8000004B  }
0xb3: {  	_ =	swait.ge [sflag:s29], $0x1  }
0xb4: {  	[sflag:s29] =	ssyncadd.s32 $0xFFFFFFFF  }
0xb5: {  	_ =	strace $0x9000004B  }
0xb6: {  	_ =	sfence  }
0xb7: {  	s30 =	sld [smem:$0x0];
	_ =	sdelay $0x2  }
0xb8: {  	s31 =	sshll.u32 s1, $0xD;
	s1 =	sshrl.u32 s1, $0x2  }
0xb9: {  	s3 =	sand.u32 $0x4000, s31;
	s1 =	sadd.s32 s1, s30  }
0xba: {  	s0 =	sor.u32 s3, s0;
	s1 =	sshll.u32 s1, $0x11  }
0xbb: {  	s0 =	sor.u32 s1, s0  }
0xbc: {  	s0 =	sadd.s32 $0x8F2B, s0  }
0xbd: {  	[sflag:s0] =	ssyncadd.remote.s32 $0x1  }
0xbe: {  	_ =	sfence.sel $0xFFFF  }
0xbf: {  	[dreg:$0x0] =	wrdreg $0xFFFFFFFF;
	(pc) =	sbr.abs _section_cstart, $3  }
0xc0: {  	[dreg:$0x1] =	wrdreg $0xFFFFFFFF  }
0xc1: {  	_ =	task.clear_ibuf [dreg:s6], $0x2FFFF;
	_ =	strace $0x9FFFFFFF  }
0xc2: {  	(tm) =	ssettm $0x7FFFFFFF  }
0xc3: {  	_ =	shalt  }
tec
execute0_lowered:
.L_overlay_start_1:
0x0: {  	(tag) =	ssettag $0x1  }
0x1: {  	s0 =	srdreg.scid;
	s4 =	rddreg [dreg:$0x0]  }
0x2: {  	s14 =	stileid.u32;
	s1 =	rddreg [dreg:$0x1];
	s2 =	simm.s32 $0x0  }
0x3: {  	s15 =	simm.s32 $0x1;
	s16 =	simm.s32 $0x20;
	s6 =	smul.u32 $0x61A8, s14  }
0x4: {  	s17 =	simm.s32 $0x80;
	s5 =	sand.u32 $0x1, s0;
	s11 =	smul.u32 $0x61A80, s14  }
0x5: {  	s18 =	simm.s32 $0xC8;
	s0 =	rddreg [dreg:$0x2];
	s3 =	smul.u32 $0x61A80, s5  }
0x6: {  	s19 =	simm.s32 $0x0;
	[smem:$0x7FF] =	sst s2;
	s7 =	smul.u32 $0x61A800, s5  }
0x7: {  	s8 =	sadd.s32 $0x1C1C00, s4;
	p0 =	sne.s32 s14, $0x0;
	s30 =	smul.u32 $0x186A00, s5  }
0x8: {  	_ =	strace $0x8000004A;
	s31 =	ssub.s32 $0x2, s5;
	s12 =	smul.u32 $0x30D40, s5  }
0x9: {  	s14 =	sshrl.u32 @!p0 s1, $0x3;
	s9 =	sshrl.u32 s31, $0x1;
	s3 =	sadd.s32 s6, s3  }
0xa: {  	s29 =	sadd.s32 s7, s4;
	s7 =	sshrl.u32 s30, $0x3;
	s3 =	sshrl.u32 s3, $0x3  }
0xb: {  	s7 =	sadd.s32 s8, s7;
	s13 =	sadd.s32 s11, s29;
	s10 =	sadd.s32 s3, s4  }
0xc: {  	s3 =	sadd.s32 $0xA000, s4;
	s4 =	sadd.s32 $0x61A80, s7;
	s5 =	sadd.s32 $0xC3500, s7  }
0xd: {  	s6 =	sadd.s32 s8, s12;
	s7 =	sadd.s32 $0x124F80, s7;
	s8 =	sadd.s32 $0x2725200, s13  }
0xe: {  	s9 =	ssub.s32 s31, s9;
	s11 =	sadd.s32 $0x2725204, s13;
	s12 =	sadd.s32 $0x2725208, s13  }
0xf: {  	s9 =	smax.u32 s9, $0x1;
	s13 =	sadd.s32 $0x272520C, s13;
	s10 =	sadd.s32 $0xE5E00, s10  }
.LBB2_1:
0x10: {  	s20 =	simm.s32 @!p0 $0x1C01  }
0x11: {  	[spmem:s14], [sflag:s20] =	dma.local @!p0 [hbm:s3], $0x30D40  }
0x12: {  	s20 =	simm.s32 @!p0 $0x1  }
0x13: {  	_ =	swait.ge @!p0 [sflag:s20], $0x30D40  }
0x14: {  	[sflag:s20] =	ssyncset.done @!p0 $0x0  }
0x15: {  	[sflag:s20] =	ssyncadd.s32 @!p0 $0xFFFCF2C0  }
0x16: {  	s31 =	sadd.s32 $0x0, s10;
	[bflag:$0x0] =	sbarrier.arrive $0xFFFF  }
0x17: {  	[tilespmem:s2], [sflag:$0x1] =	stream.linear.gather [hbm4b:s31+s2], $0xC8, $0x38;
	[tilespmem:$0x1A068] =	vst v63  }
0x18: {  	_ =	swait.ge [sflag:s15], $0xC8  }
0x19: {  	[sflag:s15] =	ssyncset.done $0x0  }
0x1a: {  	[sflag:s15] =	ssyncadd.s32 $0xFFFFFF38  }
0x1b: {  	[tilespmem:s18], [sflag:$0x1] =	stream.strided.gather [hbm4b:s8+s16], $0x1900, s17, s16, $0x38;
	[tilespmem:$0x1A068] =	vst v63  }
0x1c: {  	_ =	swait.ge [sflag:s15], $0x1900  }
0x1d: {  	[sflag:s15] =	ssyncset.done $0x0  }
0x1e: {  	[sflag:s15] =	ssyncadd.s32 $0xFFFFE700  }
0x1f: {  	[spmem:s1] =	stream.indirect.scatter.add.f32 [tilespmem:s18], [sflag:$0x1], $0x20, s2, s18, $0xb8;
	[tilespmem:$0x1A068] =	vst v63  }
0x20: {  	s21 =	simm.s32 $0x19;
	_ =	swait.ge [sflag:s15], $0x1900  }
0x21: {  	s22 =	simm.s32 $0x32;
	s20 =	sadd.s32 $0xC80, s8;
	[sflag:s15] =	ssyncset.done $0x0  }
.LBB2_2:
0x22: {  	s23 =	sadd.s32 s21, s10  }
0x23: {  	[sflag:s15] =	ssyncadd.s32 $0xFFFFE700;
	s21 =	smov.u32 s22;
	s24 =	sadd.s32 $0x19, s22  }
0x24: {  	[tilespmem:s2], [sflag:$0x1] =	stream.linear.gather [hbm4b:s23+s2], $0xC8, $0x38;
	[tilespmem:$0x1A068] =	vst v63  }
0x25: {  	p1 =	sne.s32 s22, $0xC1C;
	_ =	swait.ge [sflag:s15], $0xC8  }
0x26: {  	[sflag:s15] =	ssyncset.done $0x0  }
0x27: {  	[sflag:s15] =	ssyncadd.s32 $0xFFFFFF38  }
0x28: {  	[tilespmem:s18], [sflag:$0x1] =	stream.strided.gather [hbm4b:s20+s16], $0x1900, s17, s16, $0x38;
	[tilespmem:$0x1A068] =	vst v63  }
0x29: {  	_ =	swait.ge [sflag:s15], $0x1900  }
.Ltmp0:
0x2a: {  	[sflag:s15] =	ssyncset.done $0x0;
	(pc) =	sbr.rel @p1 .LBB2_2-.Ltmp0, $4  }
0x2b: {  	[sflag:s15] =	ssyncadd.s32 $0xFFFFE700  }
0x2c: {  	[spmem:s1] =	stream.indirect.scatter.add.f32 [tilespmem:s18], [sflag:$0x1], $0x20, s2, s18, $0xb8;
	[tilespmem:$0x1A068] =	vst v63  }
0x2d: {  	_ =	swait.ge [sflag:s15], $0x1900  }
0x2e: {  	s22 =	smov.u32 s24;
	s20 =	sadd.s32 $0xC80, s20;
	[sflag:s15] =	ssyncset.done $0x0  }
0x2f: {  	s21 =	sadd.s32 s21, s10;
	[sflag:s15] =	ssyncadd.s32 $0xFFFFE700  }
0x30: {  	[tilespmem:s2], [sflag:$0x1] =	stream.linear.gather [hbm4b:s21+s2], $0xC8, $0x38;
	[tilespmem:$0x1A068] =	vst v63  }
0x31: {  	_ =	swait.ge [sflag:s15], $0xC8  }
0x32: {  	[sflag:s15] =	ssyncset.done $0x0  }
0x33: {  	[sflag:s15] =	ssyncadd.s32 $0xFFFFFF38  }
0x34: {  	[tilespmem:s18], [sflag:$0x1] =	stream.strided.gather [hbm4b:s20+s16], $0x1900, s17, s16, $0x38;
	[tilespmem:$0x1A068] =	vst v63  }
0x35: {  	_ =	swait.ge [sflag:s15], $0x1900  }
0x36: {  	[sflag:s15] =	ssyncset.done $0x0  }
0x37: {  	[sflag:s15] =	ssyncadd.s32 $0xFFFFE700  }
0x38: {  	[spmem:s1] =	stream.indirect.scatter.add.f32 [tilespmem:s18], [sflag:$0x1], $0x20, s2, s18, $0xb8;
	[tilespmem:$0x1A068] =	vst v63  }
0x39: {  	_ =	swait.ge [sflag:s15], $0x1900  }
0x3a: {  	[sflag:s15] =	ssyncset.done $0x0  }
0x3b: {  	[sflag:s15] =	ssyncadd.s32 $0xFFFFE700  }
0x3c: {  	[bflag:$0x0] =	sbarrier.arrive $0xFFFF  }
0x3d: {  	s21 =	simm.s32 @!p0 $0x1;
	s20 =	simm.s32 @!p0 $0x1C01;
	[bflag:$0x0] =	sbarrier.arrive @p0 $0xFFFF  }
0x3e: {  	[hbm:s6], [sflag:s20] =	dma.local @!p0 [spmem:s14], $0x30D40  }
0x3f: {  	_ =	swait.ge @!p0 [sflag:s21], $0x30D40  }
0x40: {  	[sflag:s21] =	ssyncset.done @!p0 $0x0  }
0x41: {  	[sflag:s21] =	ssyncadd.s32 @!p0 $0xFFFCF2C0  }
0x42: {  	[bflag:$0x0] =	sbarrier.arrive @!p0 $0xFFFF  }
0x43: {  	[spmem:s14], [sflag:s20] =	dma.local @!p0 [hbm:s3], $0x30D40  }
0x44: {  	_ =	swait.ge @!p0 [sflag:s21], $0x30D40  }
0x45: {  	[sflag:s21] =	ssyncset.done @!p0 $0x0  }
0x46: {  	[sflag:s21] =	ssyncadd.s32 @!p0 $0xFFFCF2C0  }
0x47: {  	s31 =	sadd.s32 $0x0, s10;
	[bflag:$0x0] =	sbarrier.arrive $0xFFFF  }
0x48: {  	[tilespmem:s2], [sflag:$0x1] =	stream.linear.gather [hbm4b:s31+s2], $0xC8, $0x38;
	[tilespmem:$0x1A068] =	vst v63  }
0x49: {  	_ =	swait.ge [sflag:s15], $0xC8  }
0x4a: {  	[sflag:s15] =	ssyncset.done $0x0  }
0x4b: {  	[sflag:s15] =	ssyncadd.s32 $0xFFFFFF38  }
0x4c: {  	[tilespmem:s18], [sflag:$0x1] =	stream.strided.gather [hbm4b:s11+s16], $0x1900, s17, s16, $0x38;
	[tilespmem:$0x1A068] =	vst v63  }
0x4d: {  	_ =	swait.ge [sflag:s15], $0x1900  }
0x4e: {  	[sflag:s15] =	ssyncset.done $0x0  }
0x4f: {  	[sflag:s15] =	ssyncadd.s32 $0xFFFFE700  }
0x50: {  	[spmem:s1] =	stream.indirect.scatter.add.f32 [tilespmem:s18], [sflag:$0x1], $0x20, s2, s18, $0xb8;
	[tilespmem:$0x1A068] =	vst v63  }
0x51: {  	s22 =	simm.s32 $0x32;
	_ =	swait.ge [sflag:s15], $0x1900  }
0x52: {  	s20 =	sadd.s32 $0xC80, s11;
	s21 =	simm.s32 $0x19;
	[sflag:s15] =	ssyncset.done $0x0  }
.LBB2_4:
0x53: {  	s23 =	sadd.s32 s21, s10  }
0x54: {  	[sflag:s15] =	ssyncadd.s32 $0xFFFFE700;
	s21 =	smov.u32 s22;
	s24 =	sadd.s32 $0x19, s22  }
0x55: {  	[tilespmem:s2], [sflag:$0x1] =	stream.linear.gather [hbm4b:s23+s2], $0xC8, $0x38;
	[tilespmem:$0x1A068] =	vst v63  }
0x56: {  	p1 =	sne.s32 s22, $0xC1C;
	_ =	swait.ge [sflag:s15], $0xC8  }
0x57: {  	[sflag:s15] =	ssyncset.done $0x0  }
0x58: {  	[sflag:s15] =	ssyncadd.s32 $0xFFFFFF38  }
0x59: {  	[tilespmem:s18], [sflag:$0x1] =	stream.strided.gather [hbm4b:s20+s16], $0x1900, s17, s16, $0x38;
	[tilespmem:$0x1A068] =	vst v63  }
0x5a: {  	_ =	swait.ge [sflag:s15], $0x1900  }
.Ltmp1:
0x5b: {  	[sflag:s15] =	ssyncset.done $0x0;
	(pc) =	sbr.rel @p1 .LBB2_4-.Ltmp1, $4  }
0x5c: {  	[sflag:s15] =	ssyncadd.s32 $0xFFFFE700  }
0x5d: {  	[spmem:s1] =	stream.indirect.scatter.add.f32 [tilespmem:s18], [sflag:$0x1], $0x20, s2, s18, $0xb8;
	[tilespmem:$0x1A068] =	vst v63  }
0x5e: {  	_ =	swait.ge [sflag:s15], $0x1900  }
0x5f: {  	s22 =	smov.u32 s24;
	s20 =	sadd.s32 $0xC80, s20;
	[sflag:s15] =	ssyncset.done $0x0  }
0x60: {  	s21 =	sadd.s32 s21, s10;
	[sflag:s15] =	ssyncadd.s32 $0xFFFFE700  }
0x61: {  	[tilespmem:s2], [sflag:$0x1] =	stream.linear.gather [hbm4b:s21+s2], $0xC8, $0x38;
	[tilespmem:$0x1A068] =	vst v63  }
0x62: {  	_ =	swait.ge [sflag:s15], $0xC8  }
0x63: {  	[sflag:s15] =	ssyncset.done $0x0  }
0x64: {  	[sflag:s15] =	ssyncadd.s32 $0xFFFFFF38  }
0x65: {  	[tilespmem:s18], [sflag:$0x1] =	stream.strided.gather [hbm4b:s20+s16], $0x1900, s17, s16, $0x38;
	[tilespmem:$0x1A068] =	vst v63  }
0x66: {  	_ =	swait.ge [sflag:s15], $0x1900  }
0x67: {  	[sflag:s15] =	ssyncset.done $0x0  }
0x68: {  	[sflag:s15] =	ssyncadd.s32 $0xFFFFE700  }
0x69: {  	[spmem:s1] =	stream.indirect.scatter.add.f32 [tilespmem:s18], [sflag:$0x1], $0x20, s2, s18, $0xb8;
	[tilespmem:$0x1A068] =	vst v63  }
0x6a: {  	_ =	swait.ge [sflag:s15], $0x1900  }
0x6b: {  	[sflag:s15] =	ssyncset.done $0x0  }
0x6c: {  	[sflag:s15] =	ssyncadd.s32 $0xFFFFE700  }
0x6d: {  	[bflag:$0x0] =	sbarrier.arrive $0xFFFF  }
0x6e: {  	s21 =	simm.s32 @!p0 $0x1;
	s20 =	simm.s32 @!p0 $0x1C01;
	[bflag:$0x0] =	sbarrier.arrive @p0 $0xFFFF  }
0x6f: {  	[hbm:s4], [sflag:s20] =	dma.local @!p0 [spmem:s14], $0x30D40  }
0x70: {  	_ =	swait.ge @!p0 [sflag:s21], $0x30D40  }
0x71: {  	[sflag:s21] =	ssyncset.done @!p0 $0x0  }
0x72: {  	[sflag:s21] =	ssyncadd.s32 @!p0 $0xFFFCF2C0  }
0x73: {  	[bflag:$0x0] =	sbarrier.arrive @!p0 $0xFFFF  }
0x74: {  	[spmem:s14], [sflag:s20] =	dma.local @!p0 [hbm:s3], $0x30D40  }
0x75: {  	_ =	swait.ge @!p0 [sflag:s21], $0x30D40  }
0x76: {  	[sflag:s21] =	ssyncset.done @!p0 $0x0  }
0x77: {  	[sflag:s21] =	ssyncadd.s32 @!p0 $0xFFFCF2C0  }
0x78: {  	s31 =	sadd.s32 $0x0, s10;
	[bflag:$0x0] =	sbarrier.arrive $0xFFFF  }
0x79: {  	[tilespmem:s2], [sflag:$0x1] =	stream.linear.gather [hbm4b:s31+s2], $0xC8, $0x38;
	[tilespmem:$0x1A068] =	vst v63  }
0x7a: {  	_ =	swait.ge [sflag:s15], $0xC8  }
0x7b: {  	[sflag:s15] =	ssyncset.done $0x0  }
0x7c: {  	[sflag:s15] =	ssyncadd.s32 $0xFFFFFF38  }
0x7d: {  	[tilespmem:s18], [sflag:$0x1] =	stream.strided.gather [hbm4b:s12+s16], $0x1900, s17, s16, $0x38;
	[tilespmem:$0x1A068] =	vst v63  }
0x7e: {  	_ =	swait.ge [sflag:s15], $0x1900  }
0x7f: {  	[sflag:s15] =	ssyncset.done $0x0  }
0x80: {  	[sflag:s15] =	ssyncadd.s32 $0xFFFFE700  }
0x81: {  	[spmem:s1] =	stream.indirect.scatter.add.f32 [tilespmem:s18], [sflag:$0x1], $0x20, s2, s18, $0xb8;
	[tilespmem:$0x1A068] =	vst v63  }
0x82: {  	s22 =	simm.s32 $0x32;
	_ =	swait.ge [sflag:s15], $0x1900  }
0x83: {  	s20 =	sadd.s32 $0xC80, s12;
	s21 =	simm.s32 $0x19;
	[sflag:s15] =	ssyncset.done $0x0  }
.LBB2_6:
0x84: {  	s23 =	sadd.s32 s21, s10  }
0x85: {  	[sflag:s15] =	ssyncadd.s32 $0xFFFFE700;
	s21 =	smov.u32 s22;
	s24 =	sadd.s32 $0x19, s22  }
0x86: {  	[tilespmem:s2], [sflag:$0x1] =	stream.linear.gather [hbm4b:s23+s2], $0xC8, $0x38;
	[tilespmem:$0x1A068] =	vst v63  }
0x87: {  	p1 =	sne.s32 s22, $0xC1C;
	_ =	swait.ge [sflag:s15], $0xC8  }
0x88: {  	[sflag:s15] =	ssyncset.done $0x0  }
0x89: {  	[sflag:s15] =	ssyncadd.s32 $0xFFFFFF38  }
0x8a: {  	[tilespmem:s18], [sflag:$0x1] =	stream.strided.gather [hbm4b:s20+s16], $0x1900, s17, s16, $0x38;
	[tilespmem:$0x1A068] =	vst v63  }
0x8b: {  	_ =	swait.ge [sflag:s15], $0x1900  }
.Ltmp2:
0x8c: {  	[sflag:s15] =	ssyncset.done $0x0;
	(pc) =	sbr.rel @p1 .LBB2_6-.Ltmp2, $4  }
0x8d: {  	[sflag:s15] =	ssyncadd.s32 $0xFFFFE700  }
0x8e: {  	[spmem:s1] =	stream.indirect.scatter.add.f32 [tilespmem:s18], [sflag:$0x1], $0x20, s2, s18, $0xb8;
	[tilespmem:$0x1A068] =	vst v63  }
0x8f: {  	_ =	swait.ge [sflag:s15], $0x1900  }
0x90: {  	s22 =	smov.u32 s24;
	s20 =	sadd.s32 $0xC80, s20;
	[sflag:s15] =	ssyncset.done $0x0  }
0x91: {  	s21 =	sadd.s32 s21, s10;
	[sflag:s15] =	ssyncadd.s32 $0xFFFFE700  }
0x92: {  	[tilespmem:s2], [sflag:$0x1] =	stream.linear.gather [hbm4b:s21+s2], $0xC8, $0x38;
	[tilespmem:$0x1A068] =	vst v63  }
0x93: {  	_ =	swait.ge [sflag:s15], $0xC8  }
0x94: {  	[sflag:s15] =	ssyncset.done $0x0  }
0x95: {  	[sflag:s15] =	ssyncadd.s32 $0xFFFFFF38  }
0x96: {  	[tilespmem:s18], [sflag:$0x1] =	stream.strided.gather [hbm4b:s20+s16], $0x1900, s17, s16, $0x38;
	[tilespmem:$0x1A068] =	vst v63  }
0x97: {  	_ =	swait.ge [sflag:s15], $0x1900  }
0x98: {  	[sflag:s15] =	ssyncset.done $0x0  }
0x99: {  	[sflag:s15] =	ssyncadd.s32 $0xFFFFE700  }
0x9a: {  	[spmem:s1] =	stream.indirect.scatter.add.f32 [tilespmem:s18], [sflag:$0x1], $0x20, s2, s18, $0xb8;
	[tilespmem:$0x1A068] =	vst v63  }
0x9b: {  	_ =	swait.ge [sflag:s15], $0x1900  }
0x9c: {  	[sflag:s15] =	ssyncset.done $0x0  }
0x9d: {  	[sflag:s15] =	ssyncadd.s32 $0xFFFFE700  }
0x9e: {  	[bflag:$0x0] =	sbarrier.arrive $0xFFFF  }
0x9f: {  	s21 =	simm.s32 @!p0 $0x1;
	s20 =	simm.s32 @!p0 $0x1C01;
	[bflag:$0x0] =	sbarrier.arrive @p0 $0xFFFF  }
0xa0: {  	[hbm:s5], [sflag:s20] =	dma.local @!p0 [spmem:s14], $0x30D40  }
0xa1: {  	_ =	swait.ge @!p0 [sflag:s21], $0x30D40  }
0xa2: {  	[sflag:s21] =	ssyncset.done @!p0 $0x0  }
0xa3: {  	[sflag:s21] =	ssyncadd.s32 @!p0 $0xFFFCF2C0  }
0xa4: {  	[bflag:$0x0] =	sbarrier.arrive @!p0 $0xFFFF  }
0xa5: {  	[spmem:s14], [sflag:s20] =	dma.local @!p0 [hbm:s3], $0x30D40  }
0xa6: {  	_ =	swait.ge @!p0 [sflag:s21], $0x30D40  }
0xa7: {  	[sflag:s21] =	ssyncset.done @!p0 $0x0  }
0xa8: {  	[sflag:s21] =	ssyncadd.s32 @!p0 $0xFFFCF2C0  }
0xa9: {  	s31 =	sadd.s32 $0x0, s10;
	[bflag:$0x0] =	sbarrier.arrive $0xFFFF  }
0xaa: {  	[tilespmem:s2], [sflag:$0x1] =	stream.linear.gather [hbm4b:s31+s2], $0xC8, $0x38;
	[tilespmem:$0x1A068] =	vst v63  }
0xab: {  	_ =	swait.ge [sflag:s15], $0xC8  }
0xac: {  	[sflag:s15] =	ssyncset.done $0x0  }
0xad: {  	[sflag:s15] =	ssyncadd.s32 $0xFFFFFF38  }
0xae: {  	[tilespmem:s18], [sflag:$0x1] =	stream.strided.gather [hbm4b:s13+s16], $0x1900, s17, s16, $0x38;
	[tilespmem:$0x1A068] =	vst v63  }
0xaf: {  	_ =	swait.ge [sflag:s15], $0x1900  }
0xb0: {  	[sflag:s15] =	ssyncset.done $0x0  }
0xb1: {  	[sflag:s15] =	ssyncadd.s32 $0xFFFFE700  }
0xb2: {  	[spmem:s1] =	stream.indirect.scatter.add.f32 [tilespmem:s18], [sflag:$0x1], $0x20, s2, s18, $0xb8;
	[tilespmem:$0x1A068] =	vst v63  }
0xb3: {  	s22 =	simm.s32 $0x32;
	_ =	swait.ge [sflag:s15], $0x1900  }
0xb4: {  	s20 =	sadd.s32 $0xC80, s13;
	s21 =	simm.s32 $0x19;
	[sflag:s15] =	ssyncset.done $0x0  }
.LBB2_8:
0xb5: {  	s23 =	sadd.s32 s21, s10  }
0xb6: {  	[sflag:s15] =	ssyncadd.s32 $0xFFFFE700;
	s21 =	smov.u32 s22;
	s24 =	sadd.s32 $0x19, s22  }
0xb7: {  	[tilespmem:s2], [sflag:$0x1] =	stream.linear.gather [hbm4b:s23+s2], $0xC8, $0x38;
	[tilespmem:$0x1A068] =	vst v63  }
0xb8: {  	p1 =	sne.s32 s22, $0xC1C;
	_ =	swait.ge [sflag:s15], $0xC8  }
0xb9: {  	[sflag:s15] =	ssyncset.done $0x0  }
0xba: {  	[sflag:s15] =	ssyncadd.s32 $0xFFFFFF38  }
0xbb: {  	[tilespmem:s18], [sflag:$0x1] =	stream.strided.gather [hbm4b:s20+s16], $0x1900, s17, s16, $0x38;
	[tilespmem:$0x1A068] =	vst v63  }
0xbc: {  	_ =	swait.ge [sflag:s15], $0x1900  }
.Ltmp3:
0xbd: {  	[sflag:s15] =	ssyncset.done $0x0;
	(pc) =	sbr.rel @p1 .LBB2_8-.Ltmp3, $4  }
0xbe: {  	[sflag:s15] =	ssyncadd.s32 $0xFFFFE700  }
0xbf: {  	[spmem:s1] =	stream.indirect.scatter.add.f32 [tilespmem:s18], [sflag:$0x1], $0x20, s2, s18, $0xb8;
	[tilespmem:$0x1A068] =	vst v63  }
0xc0: {  	_ =	swait.ge [sflag:s15], $0x1900  }
0xc1: {  	s22 =	smov.u32 s24;
	s20 =	sadd.s32 $0xC80, s20;
	[sflag:s15] =	ssyncset.done $0x0  }
0xc2: {  	s21 =	sadd.s32 s21, s10;
	[sflag:s15] =	ssyncadd.s32 $0xFFFFE700  }
0xc3: {  	[tilespmem:s2], [sflag:$0x1] =	stream.linear.gather [hbm4b:s21+s2], $0xC8, $0x38;
	[tilespmem:$0x1A068] =	vst v63  }
0xc4: {  	_ =	swait.ge [sflag:s15], $0xC8  }
0xc5: {  	[sflag:s15] =	ssyncset.done $0x0  }
0xc6: {  	[sflag:s15] =	ssyncadd.s32 $0xFFFFFF38  }
0xc7: {  	[tilespmem:s18], [sflag:$0x1] =	stream.strided.gather [hbm4b:s20+s16], $0x1900, s17, s16, $0x38;
	[tilespmem:$0x1A068] =	vst v63  }
0xc8: {  	_ =	swait.ge [sflag:s15], $0x1900  }
0xc9: {  	[sflag:s15] =	ssyncset.done $0x0  }
0xca: {  	[sflag:s15] =	ssyncadd.s32 $0xFFFFE700  }
0xcb: {  	[spmem:s1] =	stream.indirect.scatter.add.f32 [tilespmem:s18], [sflag:$0x1], $0x20, s2, s18, $0xb8;
	[tilespmem:$0x1A068] =	vst v63  }
0xcc: {  	_ =	swait.ge [sflag:s15], $0x1900  }
0xcd: {  	[sflag:s15] =	ssyncset.done $0x0  }
0xce: {  	[sflag:s15] =	ssyncadd.s32 $0xFFFFE700  }
0xcf: {  	s19 =	sadd.s32 $0x1, s19;
	s20 =	simm.s32 @!p0 $0x1C01;
	[bflag:$0x0] =	sbarrier.arrive $0xFFFF  }
0xd0: {  	[hbm:s7], [sflag:s20] =	dma.local @!p0 [spmem:s14], $0x30D40  }
0xd1: {  	p1 =	sne.s32 s19, s9;
	s20 =	simm.s32 @!p0 $0x1  }
.Ltmp4:
0xd2: {  	_ =	swait.ge @!p0 [sflag:s20], $0x30D40;
	(pc) =	sbr.rel @p1 .LBB2_1-.Ltmp4, $3  }
0xd3: {  	[sflag:s20] =	ssyncset.done @!p0 $0x0  }
0xd4: {  	[sflag:s20] =	ssyncadd.s32 @!p0 $0xFFFCF2C0  }
0xd5: {  	[bflag:$0x0] =	sbarrier.arrive $0xFFFF;
	_ =	sdelay $0x1  }
0xd6: {  	_ =	sfence.sel $0x180000  }
0xd7: {  	[bflag:$0x0] =	sbarrier.arrive $0xFFFF  }
0xd8: {  	_ =	strace $0x9000004A  }
0xd9: {  	s0 =	sadd.s32 @!p0 $0x100000, s0;
	[bflag:$0x2] =	sbarrier.arrive $0xFFFF  }
0xda: {  	[sflag:s0] =	ssyncadd.tile.s32 @!p0 $0x1;
	_ =	shalt  }
.Lfunc_end2:
_tile_overlayer_lowered:
.L_overlay_start_2:
0xdb: {  	(tag) =	ssettag $0x2  }
0xdc: {  	s0 =	rddreg [dreg:$0x0];
	s2 =	stileid.u32  }
0xdd: {  	s1 =	rddreg [dreg:$0x1];
	p0 =	sne.s32 s2, $0x0  }
0xde: {  	s3 =	rddreg [dreg:$0x2];
	[bflag:$0x3] =	sbarrier.arrive $0xFFFF;
	s2 =	simm.s32 @!p0 $0x1C01  }
0xdf: {  	[timem:s3], [sflag:s2] =	dma.local @!p0 [hbm:s0], s1  }
0xe0: {  	s0 =	simm.s32 @!p0 $0x1  }
0xe1: {  	_ =	swait.ge @!p0 [sflag:s0], s1  }
0xe2: {  	s1 =	ssub.s32 @!p0 $0x0, s1;
	[sflag:s0] =	ssyncset.done @!p0 $0x0  }
0xe3: {  	[sflag:s0] =	ssyncadd.s32 @!p0 s1  }
0xe4: {  	[bflag:$0x3] =	sbarrier.arrive $0xFFFF  }
0xe5: {  	_ =	shalt  }

// kernel: _run.31.cloned.1.call-start
scs
__scs_entry_jumppad:
0x0: {  	(pc) =	sbr.rel $0x88, $3  }
0x1: {  	(tag) =	ssettag $0x0;
	lr =	simm.s32 $0x1  }
0x2: {  	[smem:$0x3F77] =	sst lr;
	_ =	strace $0xD0000000  }
0x3: {  	_ = 	snop  }
0x4: {  	_ = 	snop  }
0x5: {  	_ = 	snop  }
0x6: {  	_ = 	snop  }
0x7: {  	_ = 	snop  }
__scs_overlays_trampoline_lowered:
0x8: {  	[smem:$0x3F86] =	sst s0  }
0x9: {  	[smem:$0x3F87] =	sst s1  }
0xa: {  	[smem:$0x3F88] =	sst s2  }
0xb: {  	[smem:$0x3F89] =	sst s3  }
0xc: {  	[smem:$0x3F8A] =	sst s4  }
0xd: {  	[smem:$0x3F8B] =	sst s5  }
0xe: {  	[smem:$0x3F8C] =	sst s6  }
0xf: {  	[smem:$0x3F8D] =	sst s7  }
0x10: {  	[smem:$0x3F8E] =	sst s8  }
0x11: {  	[smem:$0x3F8F] =	sst s9;
	s0 =	simm.s32 @!p0 $0x0  }
0x12: {  	s1 =	sld [smem:$0x3F75];
	s0 =	simm.s32 @p0 $0x1  }
0x13: {  	[smem:$0x3F90] =	sst s0;
	s0 =	simm.s32 @!p1 $0x0  }
0x14: {  	s2 =	sld [smem:$0x3F74];
	s0 =	simm.s32 @p1 $0x1  }
0x15: {  	[smem:$0x3F91] =	sst s0;
	s0 =	simm.s32 @!p2 $0x0  }
0x16: {  	s3 =	sld [smem:$0x3FDB];
	s0 =	simm.s32 @p2 $0x1  }
0x17: {  	s4 =	simm.s32 $0x1BF5;
	[smem:$0x3F93] =	sst s0  }
0x18: {  	s0 =	sld [smem:$0x3F76];
	_ =	swait.ge [sflag:s4], $0x0  }
0x19: {  	s7 =	sld [smem:$0x3F77]  }
0x1a: {  	s8 =	sadd.s32 $0xFFFFE003, lr  }
0x1b: {  	s9 =	sadd.s32 $0xFFFFFEF7, lr;
	s5 =	simm.s32 $0xFFFFFFFF;
	p2 =	slt.u32 s8, $0xFFFFF086  }
0x1c: {  	p1 =	slt.u32 s9, $0xF7A;
	s5 =	simm.s32 @!p2 $0x0  }
0x1d: {  	s5 =	simm.s32 @p1 $0x1;
	p0 =	seq.s32 s7, s2  }
0x1e: {  	s7 =	smul.u32 @!p0 $0xF7A, s2;
	p2 =	seq.s32 @!p0 s5, $0x0  }
0x1f: {  	s9 =	smul.u32 $0xF7A, s1;
	s8 =	simm.s32 @!p0 $0x1BF5;
	p2 =	por !p2, p0  }
0x20: {  	[sflag:s8] =	ssyncset.s32 @!p0 $0xFFFFF086;
	s6 =	sadd.s32 @!p0 s3, s7;
	s7 =	simm.s32 @!p0 $0x108  }
0x21: {  	s3 =	sadd.s32 s3, s9;
	s6 =	sadd.s32 @!p0 $0x88, s6;
	s7 =	simm.s32 @p2 $0x1082  }
0x22: {  	[simem:s7], [sflag:s8] =	dma.local @!p0 [hbm:s6], $0xF7A  }
0x23: {  	s9 =	sor.u32 $0xD0000000, s2;
	s6 =	simm.s32 $0x108;
	_ =	swait.ge @!p0 [sflag:s8], $0x0  }
0x24: {  	s3 =	sadd.s32 $0x88, s3;
	s6 =	simm.s32 @!p1 $0x1082;
	[sflag:s4] =	ssyncset.s32 $0xFFFFF086  }
0x25: {  	[simem:s6], [sflag:s4] =	dma.local [hbm:s3], $0xF7A  }
0x26: {  	[smem:$0x3F77] =	sst s1;
	(tag) =	ssettag s2;
	_ =	strace s9  }
0x27: {  	s1 =	sld [smem:$0x3F87]  }
0x28: {  	s2 =	sld [smem:$0x3F88]  }
0x29: {  	s4 =	sld [smem:$0x3F8A]  }
0x2a: {  	p0 =	seq.s32 s5, $0x0;
	s5 =	sld [smem:$0x3F8B]  }
0x2b: {  	s6 =	sld [smem:$0x3F8C]  }
0x2c: {  	s7 =	sld [smem:$0x3F8D]  }
0x2d: {  	s3 =	simm.s32 $0x108;
	s8 =	sld [smem:$0x3F8E]  }
0x2e: {  	s3 =	simm.s32 @!p0 $0x1082;
	s9 =	sld [smem:$0x3F8F]  }
0x2f: {  	lr =	sadd.s32 s0, s3;
	s0 =	sld [smem:$0x3F86]  }
0x30: {  	s3 =	sld [smem:$0x3F89]  }
0x31: {  	[smem:$0x3F92] =	sst s10  }
0x32: {  	s10 =	sld [smem:$0x3F90];
	_ =	sdelay $0x3  }
0x33: {  	p0 =	seq.s32 s10, $0x1;
	s10 =	sld [smem:$0x3F92];
	_ =	sdelay $0x3  }
0x34: {  	[smem:$0x3F92] =	sst s10  }
0x35: {  	s10 =	sld [smem:$0x3F91];
	_ =	sdelay $0x3  }
0x36: {  	p1 =	seq.s32 s10, $0x1;
	s10 =	sld [smem:$0x3F92];
	_ =	sdelay $0x3  }
0x37: {  	[smem:$0x3F92] =	sst s10  }
0x38: {  	s10 =	sld [smem:$0x3F93]  }
0x39: {  	_ = 	snop;
	(pc) =	sbr.ind lr, $3  }
0x3a: {  	_ = 	snop  }
0x3b: {  	_ = 	snop  }
0x3c: {  	p2 =	seq.s32 s10, $0x1;
	s10 =	sld [smem:$0x3F92]  }
0x3d: {  	_ =	shalt  }
0x3e: {  	_ =	shalt  }
0x3f: {  	_ =	shalt  }
0x40: {  	_ =	shalt  }
0x41: {  	_ =	shalt  }
0x42: {  	_ =	shalt  }
0x43: {  	_ =	shalt  }
0x44: {  	_ =	shalt  }
0x45: {  	_ =	shalt  }
0x46: {  	_ =	shalt  }
0x47: {  	_ =	shalt  }
0x48: {  	_ =	shalt  }
0x49: {  	_ =	shalt  }
0x4a: {  	_ =	shalt  }
0x4b: {  	_ =	shalt  }
0x4c: {  	_ =	shalt  }
0x4d: {  	_ =	shalt  }
0x4e: {  	_ =	shalt  }
0x4f: {  	_ =	shalt  }
0x50: {  	_ =	shalt  }
0x51: {  	_ =	shalt  }
0x52: {  	_ =	shalt  }
0x53: {  	_ =	shalt  }
0x54: {  	_ =	shalt  }
0x55: {  	_ =	shalt  }
0x56: {  	_ =	shalt  }
0x57: {  	_ =	shalt  }
0x58: {  	_ =	shalt  }
0x59: {  	_ =	shalt  }
0x5a: {  	_ =	shalt  }
0x5b: {  	_ =	shalt  }
0x5c: {  	_ =	shalt  }
0x5d: {  	_ =	shalt  }
0x5e: {  	_ =	shalt  }
0x5f: {  	_ =	shalt  }
0x60: {  	_ =	shalt  }
0x61: {  	_ =	shalt  }
0x62: {  	_ =	shalt  }
0x63: {  	_ =	shalt  }
0x64: {  	_ =	shalt  }
0x65: {  	_ =	shalt  }
0x66: {  	_ =	shalt  }
0x67: {  	_ =	shalt  }
0x68: {  	_ =	shalt  }
0x69: {  	_ =	shalt  }
0x6a: {  	_ =	shalt  }
0x6b: {  	_ =	shalt  }
0x6c: {  	_ =	shalt  }
0x6d: {  	_ =	shalt  }
0x6e: {  	_ =	shalt  }
0x6f: {  	_ =	shalt  }
0x70: {  	_ =	shalt  }
0x71: {  	_ =	shalt  }
0x72: {  	_ =	shalt  }
0x73: {  	_ =	shalt  }
0x74: {  	_ =	shalt  }
0x75: {  	_ =	shalt  }
0x76: {  	_ =	shalt  }
0x77: {  	_ =	shalt  }
0x78: {  	_ =	shalt  }
0x79: {  	_ =	shalt  }
0x7a: {  	_ =	shalt  }
0x7b: {  	_ =	shalt  }
0x7c: {  	_ =	shalt  }
0x7d: {  	_ =	shalt  }
0x7e: {  	_ =	shalt  }
0x7f: {  	_ =	shalt  }
0x80: {  	_ =	shalt  }
0x81: {  	_ =	shalt  }
0x82: {  	_ =	shalt  }
0x83: {  	_ =	shalt  }
0x84: {  	_ =	shalt  }
0x85: {  	_ =	shalt  }
0x86: {  	_ =	shalt  }
0x87: {  	_ =	shalt  }
.Lfunc_end0:
.L_simem_size_0:
called_computation.2_lowered:
.L_overlay_start_0:
0x88: {  	s2 =	sld [smem:$0x3FD9]  }
0x89: {  	s3 =	sld [smem:$0x3FFE];
	_ =	sdelay $0x1  }
0x8a: {  	s1 =	srdreg.scid  }
0x8b: {  	s0 =	sand.u32 $0x1, s1  }
0x8c: {  	s16 =	sshll.u32 s0, $0xA;
	s2 =	sadd.s32 s3, s2  }
0x8d: {  	s2 =	sadd.s32 s2, s16  }
0x8e: {  	[smem:$0x3F9E] =	sst s2  }
0x8f: {  	_ = 	snop  }
0x90: {  	(tm) =	ssettm $0x1  }
0x91: {  	s17 =	sld [smem:$0x3FFB];
	_ =	sdelay $0x3  }
0x92: {  	_ =	strace s17  }
0x93: {  	s2 =	sld [smem:$0x3FFC];
	_ =	sdelay $0x3  }
0x94: {  	_ =	strace s2  }
0x95: {  	s2 =	sld [smem:$0x3FFD];
	_ =	sdelay $0x3  }
0x96: {  	_ =	strace s2  }
0x97: {  	_ =	strace $0x8FFFFFFF  }
0x98: {  	s18 =	sld [smem:$0x3FDB];
	_ =	sdelay $0x1  }
0x99: {  	s19 =	simm.s32 $_scs_section_size  }
0x9a: {  	s4 =	simm.s32 $_size__tile_overlayer_lowered;
	s5 =	simm.s32 $_tile_overlayer_lowered  }
0x9b: {  	s22 =	simm.s32 $0x1BFF;
	s21 =	sshll.u32 s5, $0x1;
	s2 =	sadd.s32 s19, s18  }
0x9c: {  	s6 =	simm.s32 $0x0;
	s20 =	sshll.u32 s4, $0x1;
	s4 =	sadd.s32 s21, s2  }
0x9d: {  	[timem:s6], [sflag:s22] =	dma.local [hbm:s4], s20  }
0x9e: {  	_ =	swait.ge [sflag:s22], s20  }
0x9f: {  	s3 =	ssub.s32 $0x0, s20;
	[sflag:s22] =	ssyncset.done $0x0  }
0xa0: {  	[sflag:s22] =	ssyncadd.s32 s3;
	_ =	sdelay $0x1  }
0xa1: {  	s23 =	simm.s32 $0x1B8B  }
0xa2: {  	_ =	swait.ge [sflag:s23], $0x1  }
0xa3: {  	[sflag:s23] =	ssyncset.done $0x0  }
0xa4: {  	s25 =	simm.s32 $0x1B8E;
	s24 =	sld [smem:$0x3FFE];
	[sflag:s23] =	ssyncadd.s32 $0xFFFFFFFF  }
0xa5: {  	s26 =	simm.s32 $execute0_lowered;
	[smem:$0x3FD2] =	sst s25  }
0xa6: {  	s4 =	sshll.u32 s26, $0x1;
	_ =	strace $0x8000004C;
	[dreg:$0x1] =	wrdreg $0xFFFFFFFF  }
0xa7: {  	s28 =	simm.s32 $_size_execute0_lowered;
	s2 =	sadd.s32 s2, s4;
	[dreg:$0x0] =	wrdreg $0x0  }
0xa8: {  	s4 =	sshll.u32 s28, $0x1;
	[dreg:$0x2] =	wrdreg s2  }
0xa9: {  	[dreg:$0x3] =	wrdreg s4  }
0xaa: {  	[dreg:$0x4] =	wrdreg $0xC0  }
0xab: {  	_ =	task [dreg:s6], $0x5FFFF  }
0xac: {  	[dreg:$0x1] =	wrdreg $0xFFFFFFFF  }
0xad: {  	[dreg:$0x0] =	wrdreg $0x60  }
0xae: {  	[dreg:$0x2] =	wrdreg s24  }
0xaf: {  	[dreg:$0x3] =	wrdreg $0x9  }
0xb0: {  	_ =	task.clear_ibuf [dreg:s6], $0x4FFFF;
	_ =	strace $0x9000004C  }
0xb1: {  	s29 =	simm.s32 $0x9;
	_ =	strace $0x8000004E  }
0xb2: {  	_ =	swait.ge [sflag:s29], $0x1  }
0xb3: {  	[sflag:s29] =	ssyncadd.s32 $0xFFFFFFFF  }
0xb4: {  	_ =	strace $0x9000004E  }
0xb5: {  	_ =	sfence  }
0xb6: {  	s30 =	sld [smem:$0x0];
	_ =	sdelay $0x2  }
0xb7: {  	s31 =	sshll.u32 s1, $0xD;
	s1 =	sshrl.u32 s1, $0x2  }
0xb8: {  	s3 =	sand.u32 $0x4000, s31;
	s1 =	sadd.s32 s1, s30  }
0xb9: {  	s0 =	sor.u32 s3, s0;
	s1 =	sshll.u32 s1, $0x11  }
0xba: {  	s0 =	sor.u32 s1, s0  }
0xbb: {  	s0 =	sadd.s32 $0x8F2B, s0  }
0xbc: {  	[sflag:s0] =	ssyncadd.remote.s32 $0x1  }
0xbd: {  	_ =	sfence.sel $0xFFFF  }
0xbe: {  	[dreg:$0x0] =	wrdreg $0xFFFFFFFF;
	(pc) =	sbr.abs _section_cstart, $3  }
0xbf: {  	[dreg:$0x1] =	wrdreg $0xFFFFFFFF  }
0xc0: {  	_ =	task.clear_ibuf [dreg:s6], $0x2FFFF;
	_ =	strace $0x9FFFFFFF  }
0xc1: {  	(tm) =	ssettm $0x7FFFFFFF  }
tec
execute0_lowered:
.L_overlay_start_1:
0x0: {  	(tag) =	ssettag $0x1  }
0x1: {  	s5 =	rddreg [dreg:$0x0]  }
0x2: {  	s0 =	rddreg [dreg:$0x1]  }
0x3: {  	s2 =	simm.s32 $0x0;
	s3 =	srdreg.scid;
	s1 =	stileid.u32  }
0x4: {  	s11 =	simm.s32 $0x100;
	s12 =	simm.s32 $0xC8;
	s13 =	simm.s32 $0x200  }
0x5: {  	s14 =	simm.s32 $0x6600;
	s15 =	simm.s32 $0x1;
	s7 =	smul.u32 $0xC350, s1  }
0x6: {  	s16 =	simm.s32 $0x2;
	s6 =	sand.u32 $0x1, s3;
	s9 =	smul.u32 $0xC3500, s1  }
0x7: {  	s17 =	simm.s32 $0x0;
	s3 =	sadd.s32 $0x1C1C00, s5;
	s8 =	smul.u32 $0x61A8, s6  }
0x8: {  	[smem:$0x7FF] =	sst s2;
	s4 =	sadd.s32 $0x285200, s5;
	s10 =	smul.u32 $0x61A80, s6  }
0x9: {  	_ =	strace $0x8000004D;
	s6 =	ssub.s32 $0x2, s6;
	s29 =	sadd.s32 s9, s5  }
0xa: {  	s30 =	sshrl.u32 s6, $0x1;
	s7 =	sadd.s32 s8, s7;
	s8 =	sadd.s32 s10, s29  }
0xb: {  	s6 =	ssub.s32 s6, s30;
	s10 =	simm.s32 $0x3;
	s7 =	sshrl.u32 s7, $0x3  }
0xc: {  	s6 =	smax.u32 s6, $0x1;
	s31 =	sadd.s32 s7, s5;
	s5 =	sadd.s32 $0x348800, s8  }
0xd: {  	s7 =	sadd.s32 $0x2725200, s8;
	s8 =	sadd.s32 $0xCD600, s31;
	s9 =	sadd.s32 $0xE5E00, s31  }
.LBB2_1:
0xe: {  	s18 =	sadd.s32 $0x0, s9  }
0xf: {  	[tilespmem:s2], [sflag:$0x3] =	stream.linear.gather [hbm4b:s18+s2], $0xC8, $0x38;
	[tilespmem:$0xCA00] =	vst v63  }
0x10: {  	_ =	swait.ge [sflag:s10], $0xC8  }
0x11: {  	[sflag:s10] =	ssyncset.done $0x0  }
0x12: {  	s31 =	sadd.s32 $0x0, s8;
	[sflag:s10] =	ssyncadd.s32 $0xFFFFFF38  }
0x13: {  	[tilespmem:s11], [sflag:$0x3] =	stream.linear.gather [hbm4b:s31+s2], $0xC8, $0x38;
	[tilespmem:$0xCA00] =	vst v63  }
0x14: {  	_ =	swait.ge [sflag:s10], $0xC8  }
0x15: {  	[sflag:s10] =	ssyncset.done $0x0  }
0x16: {  	[sflag:s10] =	ssyncadd.s32 $0xFFFFFF38  }
0x17: {  	[tilespmem:s13], [sflag:$0x1] =	stream.indirect.gather [hbm4b:s3+s12], $0x80, s2, s12, $0xb8;
	[tilespmem:$0xCA00] =	vst v63  }
0x18: {  	_ = 	snop  }
0x19: {  	[tilespmem:s14], [sflag:$0x2] =	stream.indirect.gather [hbm4b:s4+s12], $0x80, s11, s12, $0xb8;
	[tilespmem:$0xCA00] =	vst v63  }
0x1a: {  	_ =	swait.ge [sflag:s15], $0x6400  }
0x1b: {  	[sflag:s15] =	ssyncset.done $0x0  }
0x1c: {  	[sflag:s15] =	ssyncadd.s32 $0xFFFF9C00  }
0x1d: {  	_ =	swait.ge [sflag:s16], $0x6400  }
0x1e: {  	[sflag:s16] =	ssyncset.done $0x0  }
0x1f: {  	[sflag:s16] =	ssyncadd.s32 $0xFFFF9C00  }
0x20: {  	[hbm4b:s5+s2] =	stream.linear.scatter [tilespmem:s13], [sflag:$0x3], $0x6400, $0x38;
	[tilespmem:$0xCA00] =	vst v63  }
0x21: {  	_ =	swait.ge [sflag:s10], $0x6400  }
0x22: {  	[sflag:s10] =	ssyncset.done $0x0  }
0x23: {  	[sflag:s10] =	ssyncadd.s32 $0xFFFF9C00  }
0x24: {  	[hbm4b:s7+s2] =	stream.linear.scatter [tilespmem:s14], [sflag:$0x3], $0x6400, $0x38;
	[tilespmem:$0xCA00] =	vst v63  }
0x25: {  	s20 =	simm.s32 $0x19;
	s21 =	simm.s32 $0x32;
	_ =	swait.ge [sflag:s10], $0x6400  }
0x26: {  	s19 =	sadd.s32 $0xC80, s5;
	s18 =	sadd.s32 $0xC80, s7;
	[sflag:s10] =	ssyncset.done $0x0  }
.LBB2_2:
0x27: {  	s22 =	sadd.s32 s20, s9  }
0x28: {  	[sflag:s10] =	ssyncadd.s32 $0xFFFF9C00;
	s23 =	smov.u32 s21;
	s24 =	sadd.s32 $0x19, s21  }
0x29: {  	[tilespmem:s2], [sflag:$0x3] =	stream.linear.gather [hbm4b:s22+s2], $0xC8, $0x38;
	[tilespmem:$0xCA00] =	vst v63  }
0x2a: {  	p0 =	sne.s32 s21, $0xC1C;
	_ =	swait.ge [sflag:s10], $0xC8  }
0x2b: {  	[sflag:s10] =	ssyncset.done $0x0  }
0x2c: {  	s21 =	sadd.s32 s20, s8;
	s20 =	smov.u32 s23;
	[sflag:s10] =	ssyncadd.s32 $0xFFFFFF38  }
0x2d: {  	[tilespmem:s11], [sflag:$0x3] =	stream.linear.gather [hbm4b:s21+s2], $0xC8, $0x38;
	[tilespmem:$0xCA00] =	vst v63  }
0x2e: {  	_ =	swait.ge [sflag:s10], $0xC8  }
0x2f: {  	[sflag:s10] =	ssyncset.done $0x0  }
0x30: {  	[sflag:s10] =	ssyncadd.s32 $0xFFFFFF38  }
0x31: {  	[tilespmem:s13], [sflag:$0x1] =	stream.indirect.gather [hbm4b:s3+s12], $0x80, s2, s12, $0xb8;
	[tilespmem:$0xCA00] =	vst v63  }
0x32: {  	_ = 	snop  }
0x33: {  	[tilespmem:s14], [sflag:$0x2] =	stream.indirect.gather [hbm4b:s4+s12], $0x80, s11, s12, $0xb8;
	[tilespmem:$0xCA00] =	vst v63  }
0x34: {  	_ =	swait.ge [sflag:s15], $0x6400  }
0x35: {  	[sflag:s15] =	ssyncset.done $0x0  }
0x36: {  	[sflag:s15] =	ssyncadd.s32 $0xFFFF9C00  }
0x37: {  	_ =	swait.ge [sflag:s16], $0x6400  }
0x38: {  	[sflag:s16] =	ssyncset.done $0x0  }
0x39: {  	[sflag:s16] =	ssyncadd.s32 $0xFFFF9C00  }
0x3a: {  	[hbm4b:s19+s2] =	stream.linear.scatter [tilespmem:s13], [sflag:$0x3], $0x6400, $0x38;
	[tilespmem:$0xCA00] =	vst v63  }
0x3b: {  	_ =	swait.ge [sflag:s10], $0x6400  }
.Ltmp0:
0x3c: {  	[sflag:s10] =	ssyncset.done $0x0;
	(pc) =	sbr.rel @p0 .LBB2_2-.Ltmp0, $4  }
0x3d: {  	[sflag:s10] =	ssyncadd.s32 $0xFFFF9C00  }
0x3e: {  	[hbm4b:s18+s2] =	stream.linear.scatter [tilespmem:s14], [sflag:$0x3], $0x6400, $0x38;
	[tilespmem:$0xCA00] =	vst v63  }
0x3f: {  	s21 =	smov.u32 s24;
	_ =	swait.ge [sflag:s10], $0x6400  }
0x40: {  	s19 =	sadd.s32 $0xC80, s19;
	s18 =	sadd.s32 $0xC80, s18;
	[sflag:s10] =	ssyncset.done $0x0  }
0x41: {  	s21 =	sadd.s32 s20, s9;
	[sflag:s10] =	ssyncadd.s32 $0xFFFF9C00  }
0x42: {  	[tilespmem:s2], [sflag:$0x3] =	stream.linear.gather [hbm4b:s21+s2], $0xC8, $0x38;
	[tilespmem:$0xCA00] =	vst v63  }
0x43: {  	_ =	swait.ge [sflag:s10], $0xC8  }
0x44: {  	[sflag:s10] =	ssyncset.done $0x0  }
0x45: {  	s31 =	sadd.s32 s20, s8;
	[sflag:s10] =	ssyncadd.s32 $0xFFFFFF38  }
0x46: {  	[tilespmem:s11], [sflag:$0x3] =	stream.linear.gather [hbm4b:s31+s2], $0xC8, $0x38;
	[tilespmem:$0xCA00] =	vst v63  }
0x47: {  	_ =	swait.ge [sflag:s10], $0xC8  }
0x48: {  	[sflag:s10] =	ssyncset.done $0x0  }
0x49: {  	[sflag:s10] =	ssyncadd.s32 $0xFFFFFF38  }
0x4a: {  	[tilespmem:s13], [sflag:$0x1] =	stream.indirect.gather [hbm4b:s3+s12], $0x80, s2, s12, $0xb8;
	[tilespmem:$0xCA00] =	vst v63  }
0x4b: {  	_ = 	snop  }
0x4c: {  	[tilespmem:s14], [sflag:$0x2] =	stream.indirect.gather [hbm4b:s4+s12], $0x80, s11, s12, $0xb8;
	[tilespmem:$0xCA00] =	vst v63  }
0x4d: {  	_ =	swait.ge [sflag:s15], $0x6400  }
0x4e: {  	[sflag:s15] =	ssyncset.done $0x0  }
0x4f: {  	[sflag:s15] =	ssyncadd.s32 $0xFFFF9C00  }
0x50: {  	_ =	swait.ge [sflag:s16], $0x6400  }
0x51: {  	[sflag:s16] =	ssyncset.done $0x0  }
0x52: {  	[sflag:s16] =	ssyncadd.s32 $0xFFFF9C00  }
0x53: {  	[hbm4b:s19+s2] =	stream.linear.scatter [tilespmem:s13], [sflag:$0x3], $0x6400, $0x38;
	[tilespmem:$0xCA00] =	vst v63  }
0x54: {  	s17 =	sadd.s32 $0x1, s17;
	_ =	swait.ge [sflag:s10], $0x6400  }
0x55: {  	p0 =	sne.s32 s17, s6;
	[sflag:s10] =	ssyncset.done $0x0  }
.Ltmp1:
0x56: {  	[sflag:s10] =	ssyncadd.s32 $0xFFFF9C00;
	(pc) =	sbr.rel @p0 .LBB2_1-.Ltmp1, $4  }
0x57: {  	[hbm4b:s18+s2] =	stream.linear.scatter [tilespmem:s14], [sflag:$0x3], $0x6400, $0x38;
	[tilespmem:$0xCA00] =	vst v63  }
0x58: {  	_ =	swait.ge [sflag:s10], $0x6400  }
0x59: {  	[sflag:s10] =	ssyncset.done $0x0  }
0x5a: {  	[sflag:s10] =	ssyncadd.s32 $0xFFFF9C00  }
0x5b: {  	_ =	sfence.sel $0x180000  }
0x5c: {  	[bflag:$0x0] =	sbarrier.arrive $0xFFFF  }
0x5d: {  	p0 =	sne.s32 s1, $0x0;
	_ =	strace $0x9000004D  }
0x5e: {  	s0 =	sadd.s32 @!p0 $0x100000, s0;
	[bflag:$0x2] =	sbarrier.arrive $0xFFFF  }
0x5f: {  	[sflag:s0] =	ssyncadd.tile.s32 @!p0 $0x1;
	_ =	shalt  }
.Lfunc_end2:
_tile_overlayer_lowered:
.L_overlay_start_2:
0x60: {  	(tag) =	ssettag $0x2  }
0x61: {  	s0 =	rddreg [dreg:$0x0];
	s2 =	stileid.u32  }
0x62: {  	s1 =	rddreg [dreg:$0x1];
	p0 =	sne.s32 s2, $0x0  }
0x63: {  	s3 =	rddreg [dreg:$0x2];
	[bflag:$0x3] =	sbarrier.arrive $0xFFFF;
	s2 =	simm.s32 @!p0 $0x1C03  }
0x64: {  	[timem:s3], [sflag:s2] =	dma.local @!p0 [hbm:s0], s1  }
0x65: {  	s0 =	simm.s32 @!p0 $0x3  }
0x66: {  	_ =	swait.ge @!p0 [sflag:s0], s1  }
0x67: {  	s1 =	ssub.s32 @!p0 $0x0, s1;
	[sflag:s0] =	ssyncset.done @!p0 $0x0  }
0x68: {  	[sflag:s0] =	ssyncadd.s32 @!p0 s1  }
0x69: {  	[bflag:$0x3] =	sbarrier.arrive $0xFFFF  }
0x6a: {  	_ =	shalt  }

// kernel: _run.34.cloned.1.call-start
scs
__scs_entry_jumppad:
0x0: {  	(pc) =	sbr.rel $0x88, $3  }
0x1: {  	(tag) =	ssettag $0x0;
	lr =	simm.s32 $0x1  }
0x2: {  	[smem:$0x3F77] =	sst lr;
	_ =	strace $0xD0000000  }
0x3: {  	_ = 	snop  }
0x4: {  	_ = 	snop  }
0x5: {  	_ = 	snop  }
0x6: {  	_ = 	snop  }
0x7: {  	_ = 	snop  }
__scs_overlays_trampoline_lowered:
0x8: {  	[smem:$0x3F86] =	sst s0  }
0x9: {  	[smem:$0x3F87] =	sst s1  }
0xa: {  	[smem:$0x3F88] =	sst s2  }
0xb: {  	[smem:$0x3F89] =	sst s3  }
0xc: {  	[smem:$0x3F8A] =	sst s4  }
0xd: {  	[smem:$0x3F8B] =	sst s5  }
0xe: {  	[smem:$0x3F8C] =	sst s6  }
0xf: {  	[smem:$0x3F8D] =	sst s7  }
0x10: {  	[smem:$0x3F8E] =	sst s8  }
0x11: {  	[smem:$0x3F8F] =	sst s9;
	s0 =	simm.s32 @!p0 $0x0  }
0x12: {  	s1 =	sld [smem:$0x3F75];
	s0 =	simm.s32 @p0 $0x1  }
0x13: {  	[smem:$0x3F90] =	sst s0;
	s0 =	simm.s32 @!p1 $0x0  }
0x14: {  	s2 =	sld [smem:$0x3F74];
	s0 =	simm.s32 @p1 $0x1  }
0x15: {  	[smem:$0x3F91] =	sst s0;
	s0 =	simm.s32 @!p2 $0x0  }
0x16: {  	s3 =	sld [smem:$0x3FDB];
	s0 =	simm.s32 @p2 $0x1  }
0x17: {  	s4 =	simm.s32 $0x1BF5;
	[smem:$0x3F93] =	sst s0  }
0x18: {  	s0 =	sld [smem:$0x3F76];
	_ =	swait.ge [sflag:s4], $0x0  }
0x19: {  	s7 =	sld [smem:$0x3F77]  }
0x1a: {  	s8 =	sadd.s32 $0xFFFFE003, lr  }
0x1b: {  	s9 =	sadd.s32 $0xFFFFFEF7, lr;
	s5 =	simm.s32 $0xFFFFFFFF;
	p2 =	slt.u32 s8, $0xFFFFF086  }
0x1c: {  	p1 =	slt.u32 s9, $0xF7A;
	s5 =	simm.s32 @!p2 $0x0  }
0x1d: {  	s5 =	simm.s32 @p1 $0x1;
	p0 =	seq.s32 s7, s2  }
0x1e: {  	s7 =	smul.u32 @!p0 $0xF7A, s2;
	p2 =	seq.s32 @!p0 s5, $0x0  }
0x1f: {  	s9 =	smul.u32 $0xF7A, s1;
	s8 =	simm.s32 @!p0 $0x1BF5;
	p2 =	por !p2, p0  }
0x20: {  	[sflag:s8] =	ssyncset.s32 @!p0 $0xFFFFF086;
	s6 =	sadd.s32 @!p0 s3, s7;
	s7 =	simm.s32 @!p0 $0x108  }
0x21: {  	s3 =	sadd.s32 s3, s9;
	s6 =	sadd.s32 @!p0 $0x88, s6;
	s7 =	simm.s32 @p2 $0x1082  }
0x22: {  	[simem:s7], [sflag:s8] =	dma.local @!p0 [hbm:s6], $0xF7A  }
0x23: {  	s9 =	sor.u32 $0xD0000000, s2;
	s6 =	simm.s32 $0x108;
	_ =	swait.ge @!p0 [sflag:s8], $0x0  }
0x24: {  	s3 =	sadd.s32 $0x88, s3;
	s6 =	simm.s32 @!p1 $0x1082;
	[sflag:s4] =	ssyncset.s32 $0xFFFFF086  }
0x25: {  	[simem:s6], [sflag:s4] =	dma.local [hbm:s3], $0xF7A  }
0x26: {  	[smem:$0x3F77] =	sst s1;
	(tag) =	ssettag s2;
	_ =	strace s9  }
0x27: {  	s1 =	sld [smem:$0x3F87]  }
0x28: {  	s2 =	sld [smem:$0x3F88]  }
0x29: {  	s4 =	sld [smem:$0x3F8A]  }
0x2a: {  	p0 =	seq.s32 s5, $0x0;
	s5 =	sld [smem:$0x3F8B]  }
0x2b: {  	s6 =	sld [smem:$0x3F8C]  }
0x2c: {  	s7 =	sld [smem:$0x3F8D]  }
0x2d: {  	s3 =	simm.s32 $0x108;
	s8 =	sld [smem:$0x3F8E]  }
0x2e: {  	s3 =	simm.s32 @!p0 $0x1082;
	s9 =	sld [smem:$0x3F8F]  }
0x2f: {  	lr =	sadd.s32 s0, s3;
	s0 =	sld [smem:$0x3F86]  }
0x30: {  	s3 =	sld [smem:$0x3F89]  }
0x31: {  	[smem:$0x3F92] =	sst s10  }
0x32: {  	s10 =	sld [smem:$0x3F90];
	_ =	sdelay $0x3  }
0x33: {  	p0 =	seq.s32 s10, $0x1;
	s10 =	sld [smem:$0x3F92];
	_ =	sdelay $0x3  }
0x34: {  	[smem:$0x3F92] =	sst s10  }
0x35: {  	s10 =	sld [smem:$0x3F91];
	_ =	sdelay $0x3  }
0x36: {  	p1 =	seq.s32 s10, $0x1;
	s10 =	sld [smem:$0x3F92];
	_ =	sdelay $0x3  }
0x37: {  	[smem:$0x3F92] =	sst s10  }
0x38: {  	s10 =	sld [smem:$0x3F93]  }
0x39: {  	_ = 	snop;
	(pc) =	sbr.ind lr, $3  }
0x3a: {  	_ = 	snop  }
0x3b: {  	_ = 	snop  }
0x3c: {  	p2 =	seq.s32 s10, $0x1;
	s10 =	sld [smem:$0x3F92]  }
0x3d: {  	_ =	shalt  }
0x3e: {  	_ =	shalt  }
0x3f: {  	_ =	shalt  }
0x40: {  	_ =	shalt  }
0x41: {  	_ =	shalt  }
0x42: {  	_ =	shalt  }
0x43: {  	_ =	shalt  }
0x44: {  	_ =	shalt  }
0x45: {  	_ =	shalt  }
0x46: {  	_ =	shalt  }
0x47: {  	_ =	shalt  }
0x48: {  	_ =	shalt  }
0x49: {  	_ =	shalt  }
0x4a: {  	_ =	shalt  }
0x4b: {  	_ =	shalt  }
0x4c: {  	_ =	shalt  }
0x4d: {  	_ =	shalt  }
0x4e: {  	_ =	shalt  }
0x4f: {  	_ =	shalt  }
0x50: {  	_ =	shalt  }
0x51: {  	_ =	shalt  }
0x52: {  	_ =	shalt  }
0x53: {  	_ =	shalt  }
0x54: {  	_ =	shalt  }
0x55: {  	_ =	shalt  }
0x56: {  	_ =	shalt  }
0x57: {  	_ =	shalt  }
0x58: {  	_ =	shalt  }
0x59: {  	_ =	shalt  }
0x5a: {  	_ =	shalt  }
0x5b: {  	_ =	shalt  }
0x5c: {  	_ =	shalt  }
0x5d: {  	_ =	shalt  }
0x5e: {  	_ =	shalt  }
0x5f: {  	_ =	shalt  }
0x60: {  	_ =	shalt  }
0x61: {  	_ =	shalt  }
0x62: {  	_ =	shalt  }
0x63: {  	_ =	shalt  }
0x64: {  	_ =	shalt  }
0x65: {  	_ =	shalt  }
0x66: {  	_ =	shalt  }
0x67: {  	_ =	shalt  }
0x68: {  	_ =	shalt  }
0x69: {  	_ =	shalt  }
0x6a: {  	_ =	shalt  }
0x6b: {  	_ =	shalt  }
0x6c: {  	_ =	shalt  }
0x6d: {  	_ =	shalt  }
0x6e: {  	_ =	shalt  }
0x6f: {  	_ =	shalt  }
0x70: {  	_ =	shalt  }
0x71: {  	_ =	shalt  }
0x72: {  	_ =	shalt  }
0x73: {  	_ =	shalt  }
0x74: {  	_ =	shalt  }
0x75: {  	_ =	shalt  }
0x76: {  	_ =	shalt  }
0x77: {  	_ =	shalt  }
0x78: {  	_ =	shalt  }
0x79: {  	_ =	shalt  }
0x7a: {  	_ =	shalt  }
0x7b: {  	_ =	shalt  }
0x7c: {  	_ =	shalt  }
0x7d: {  	_ =	shalt  }
0x7e: {  	_ =	shalt  }
0x7f: {  	_ =	shalt  }
0x80: {  	_ =	shalt  }
0x81: {  	_ =	shalt  }
0x82: {  	_ =	shalt  }
0x83: {  	_ =	shalt  }
0x84: {  	_ =	shalt  }
0x85: {  	_ =	shalt  }
0x86: {  	_ =	shalt  }
0x87: {  	_ =	shalt  }
.Lfunc_end0:
.L_simem_size_0:
called_computation.3_lowered:
.L_overlay_start_0:
0x88: {  	s2 =	sld [smem:$0x3FD9]  }
0x89: {  	s3 =	sld [smem:$0x3FFE];
	_ =	sdelay $0x1  }
0x8a: {  	s1 =	srdreg.scid  }
0x8b: {  	s0 =	sand.u32 $0x1, s1  }
0x8c: {  	s16 =	sshll.u32 s0, $0xA;
	s2 =	sadd.s32 s3, s2  }
0x8d: {  	s2 =	sadd.s32 s2, s16  }
0x8e: {  	[smem:$0x3F9E] =	sst s2  }
0x8f: {  	_ = 	snop  }
0x90: {  	(tm) =	ssettm $0x1  }
0x91: {  	s17 =	sld [smem:$0x3FFB];
	_ =	sdelay $0x3  }
0x92: {  	_ =	strace s17  }
0x93: {  	s2 =	sld [smem:$0x3FFC];
	_ =	sdelay $0x3  }
0x94: {  	_ =	strace s2  }
0x95: {  	s2 =	sld [smem:$0x3FFD];
	_ =	sdelay $0x3  }
0x96: {  	_ =	strace s2  }
0x97: {  	_ =	strace $0x8FFFFFFF  }
0x98: {  	s18 =	sld [smem:$0x3FDB];
	_ =	sdelay $0x1  }
0x99: {  	s19 =	simm.s32 $_scs_section_size  }
0x9a: {  	s4 =	simm.s32 $_size__tile_overlayer_lowered;
	s5 =	simm.s32 $_tile_overlayer_lowered  }
0x9b: {  	s22 =	simm.s32 $0x1BFF;
	s21 =	sshll.u32 s5, $0x1;
	s2 =	sadd.s32 s19, s18  }
0x9c: {  	s6 =	simm.s32 $0x0;
	s20 =	sshll.u32 s4, $0x1;
	s4 =	sadd.s32 s21, s2  }
0x9d: {  	[timem:s6], [sflag:s22] =	dma.local [hbm:s4], s20  }
0x9e: {  	_ =	swait.ge [sflag:s22], s20  }
0x9f: {  	s3 =	ssub.s32 $0x0, s20;
	[sflag:s22] =	ssyncset.done $0x0  }
0xa0: {  	[sflag:s22] =	ssyncadd.s32 s3;
	_ =	sdelay $0x1  }
0xa1: {  	s23 =	simm.s32 $0x1B8B  }
0xa2: {  	_ =	swait.ge [sflag:s23], $0x1  }
0xa3: {  	[sflag:s23] =	ssyncset.done $0x0  }
0xa4: {  	s25 =	simm.s32 $0x1B8E;
	s24 =	sld [smem:$0x3FFE];
	[sflag:s23] =	ssyncadd.s32 $0xFFFFFFFF  }
0xa5: {  	s26 =	simm.s32 $execute0_lowered;
	[smem:$0x3FD2] =	sst s25  }
0xa6: {  	s4 =	sshll.u32 s26, $0x1;
	_ =	strace $0x8000004F;
	[dreg:$0x1] =	wrdreg $0xFFFFFFFF  }
0xa7: {  	s28 =	simm.s32 $_size_execute0_lowered;
	s2 =	sadd.s32 s2, s4;
	[dreg:$0x0] =	wrdreg $0x0  }
0xa8: {  	s4 =	sshll.u32 s28, $0x1;
	[dreg:$0x2] =	wrdreg s2  }
0xa9: {  	[dreg:$0x3] =	wrdreg s4  }
0xaa: {  	[dreg:$0x4] =	wrdreg $0xC0  }
0xab: {  	_ =	task [dreg:s6], $0x5FFFF  }
0xac: {  	[dreg:$0x1] =	wrdreg $0xFFFFFFFF  }
0xad: {  	[dreg:$0x0] =	wrdreg $0x60  }
0xae: {  	[dreg:$0x2] =	wrdreg s24  }
0xaf: {  	[dreg:$0x3] =	wrdreg $0x19C80  }
0xb0: {  	[dreg:$0x4] =	wrdreg $0x9  }
0xb1: {  	_ =	task.clear_ibuf [dreg:s6], $0x5FFFF;
	_ =	strace $0x9000004F  }
0xb2: {  	s29 =	simm.s32 $0x9;
	_ =	strace $0x80000051  }
0xb3: {  	_ =	swait.ge [sflag:s29], $0x1  }
0xb4: {  	[sflag:s29] =	ssyncadd.s32 $0xFFFFFFFF  }
0xb5: {  	_ =	strace $0x90000051  }
0xb6: {  	_ =	sfence  }
0xb7: {  	s30 =	sld [smem:$0x0];
	_ =	sdelay $0x2  }
0xb8: {  	s31 =	sshll.u32 s1, $0xD;
	s1 =	sshrl.u32 s1, $0x2  }
0xb9: {  	s3 =	sand.u32 $0x4000, s31;
	s1 =	sadd.s32 s1, s30  }
0xba: {  	s0 =	sor.u32 s3, s0;
	s1 =	sshll.u32 s1, $0x11  }
0xbb: {  	s0 =	sor.u32 s1, s0  }
0xbc: {  	s0 =	sadd.s32 $0x8F2B, s0  }
0xbd: {  	[sflag:s0] =	ssyncadd.remote.s32 $0x1  }
0xbe: {  	_ =	sfence.sel $0xFFFF  }
0xbf: {  	[dreg:$0x0] =	wrdreg $0xFFFFFFFF;
	(pc) =	sbr.abs _section_cstart, $3  }
0xc0: {  	[dreg:$0x1] =	wrdreg $0xFFFFFFFF  }
0xc1: {  	_ =	task.clear_ibuf [dreg:s6], $0x2FFFF;
	_ =	strace $0x9FFFFFFF  }
0xc2: {  	(tm) =	ssettm $0x7FFFFFFF  }
0xc3: {  	_ =	shalt  }
tec
execute0_lowered:
.L_overlay_start_1:
0x0: {  	(tag) =	ssettag $0x1  }
0x1: {  	s0 =	srdreg.scid;
	s4 =	rddreg [dreg:$0x0]  }
0x2: {  	s14 =	stileid.u32;
	s1 =	rddreg [dreg:$0x1];
	s2 =	simm.s32 $0x0  }
0x3: {  	s15 =	simm.s32 $0x1;
	s16 =	simm.s32 $0x20;
	s6 =	smul.u32 $0x61A8, s14  }
0x4: {  	s17 =	simm.s32 $0x80;
	s5 =	sand.u32 $0x1, s0;
	s11 =	smul.u32 $0x61A80, s14  }
0x5: {  	s18 =	simm.s32 $0xC8;
	s0 =	rddreg [dreg:$0x2];
	s3 =	smul.u32 $0x61A80, s5  }
0x6: {  	s19 =	simm.s32 $0x0;
	[smem:$0x7FF] =	sst s2;
	s7 =	smul.u32 $0x61A800, s5  }
0x7: {  	s8 =	sadd.s32 $0x2725200, s4;
	p0 =	sne.s32 s14, $0x0;
	s30 =	smul.u32 $0x186A00, s5  }
0x8: {  	_ =	strace $0x80000050;
	s31 =	ssub.s32 $0x2, s5;
	s12 =	smul.u32 $0x30D40, s5  }
0x9: {  	s14 =	sshrl.u32 @!p0 s1, $0x3;
	s9 =	sshrl.u32 s31, $0x1;
	s3 =	sadd.s32 s6, s3  }
0xa: {  	s29 =	sadd.s32 s7, s4;
	s7 =	sshrl.u32 s30, $0x3;
	s3 =	sshrl.u32 s3, $0x3  }
0xb: {  	s7 =	sadd.s32 s8, s7;
	s13 =	sadd.s32 s11, s29;
	s10 =	sadd.s32 s3, s4  }
0xc: {  	s3 =	sadd.s32 $0xA000, s4;
	s4 =	sadd.s32 $0x61A80, s7;
	s5 =	sadd.s32 $0xC3500, s7  }
0xd: {  	s6 =	sadd.s32 s8, s12;
	s7 =	sadd.s32 $0x124F80, s7;
	s8 =	sadd.s32 $0x335A200, s13  }
0xe: {  	s9 =	ssub.s32 s31, s9;
	s11 =	sadd.s32 $0x335A204, s13;
	s12 =	sadd.s32 $0x335A208, s13  }
0xf: {  	s9 =	smax.u32 s9, $0x1;
	s13 =	sadd.s32 $0x335A20C, s13;
	s10 =	sadd.s32 $0xE5E00, s10  }
.LBB2_1:
0x10: {  	s20 =	simm.s32 @!p0 $0x1C01  }
0x11: {  	[spmem:s14], [sflag:s20] =	dma.local @!p0 [hbm:s3], $0x30D40  }
0x12: {  	s20 =	simm.s32 @!p0 $0x1  }
0x13: {  	_ =	swait.ge @!p0 [sflag:s20], $0x30D40  }
0x14: {  	[sflag:s20] =	ssyncset.done @!p0 $0x0  }
0x15: {  	[sflag:s20] =	ssyncadd.s32 @!p0 $0xFFFCF2C0  }
0x16: {  	s31 =	sadd.s32 $0x0, s10;
	[bflag:$0x0] =	sbarrier.arrive $0xFFFF  }
0x17: {  	[tilespmem:s2], [sflag:$0x1] =	stream.linear.gather [hbm4b:s31+s2], $0xC8, $0x38;
	[tilespmem:$0x1A068] =	vst v63  }
0x18: {  	_ =	swait.ge [sflag:s15], $0xC8  }
0x19: {  	[sflag:s15] =	ssyncset.done $0x0  }
0x1a: {  	[sflag:s15] =	ssyncadd.s32 $0xFFFFFF38  }
0x1b: {  	[tilespmem:s18], [sflag:$0x1] =	stream.strided.gather [hbm4b:s8+s16], $0x1900, s17, s16, $0x38;
	[tilespmem:$0x1A068] =	vst v63  }
0x1c: {  	_ =	swait.ge [sflag:s15], $0x1900  }
0x1d: {  	[sflag:s15] =	ssyncset.done $0x0  }
0x1e: {  	[sflag:s15] =	ssyncadd.s32 $0xFFFFE700  }
0x1f: {  	[spmem:s1] =	stream.indirect.scatter.add.f32 [tilespmem:s18], [sflag:$0x1], $0x20, s2, s18, $0xb8;
	[tilespmem:$0x1A068] =	vst v63  }
0x20: {  	s21 =	simm.s32 $0x19;
	_ =	swait.ge [sflag:s15], $0x1900  }
0x21: {  	s22 =	simm.s32 $0x32;
	s20 =	sadd.s32 $0xC80, s8;
	[sflag:s15] =	ssyncset.done $0x0  }
.LBB2_2:
0x22: {  	s23 =	sadd.s32 s21, s10  }
0x23: {  	[sflag:s15] =	ssyncadd.s32 $0xFFFFE700;
	s21 =	smov.u32 s22;
	s24 =	sadd.s32 $0x19, s22  }
0x24: {  	[tilespmem:s2], [sflag:$0x1] =	stream.linear.gather [hbm4b:s23+s2], $0xC8, $0x38;
	[tilespmem:$0x1A068] =	vst v63  }
0x25: {  	p1 =	sne.s32 s22, $0xC1C;
	_ =	swait.ge [sflag:s15], $0xC8  }
0x26: {  	[sflag:s15] =	ssyncset.done $0x0  }
0x27: {  	[sflag:s15] =	ssyncadd.s32 $0xFFFFFF38  }
0x28: {  	[tilespmem:s18], [sflag:$0x1] =	stream.strided.gather [hbm4b:s20+s16], $0x1900, s17, s16, $0x38;
	[tilespmem:$0x1A068] =	vst v63  }
0x29: {  	_ =	swait.ge [sflag:s15], $0x1900  }
.Ltmp0:
0x2a: {  	[sflag:s15] =	ssyncset.done $0x0;
	(pc) =	sbr.rel @p1 .LBB2_2-.Ltmp0, $4  }
0x2b: {  	[sflag:s15] =	ssyncadd.s32 $0xFFFFE700  }
0x2c: {  	[spmem:s1] =	stream.indirect.scatter.add.f32 [tilespmem:s18], [sflag:$0x1], $0x20, s2, s18, $0xb8;
	[tilespmem:$0x1A068] =	vst v63  }
0x2d: {  	_ =	swait.ge [sflag:s15], $0x1900  }
0x2e: {  	s22 =	smov.u32 s24;
	s20 =	sadd.s32 $0xC80, s20;
	[sflag:s15] =	ssyncset.done $0x0  }
0x2f: {  	s21 =	sadd.s32 s21, s10;
	[sflag:s15] =	ssyncadd.s32 $0xFFFFE700  }
0x30: {  	[tilespmem:s2], [sflag:$0x1] =	stream.linear.gather [hbm4b:s21+s2], $0xC8, $0x38;
	[tilespmem:$0x1A068] =	vst v63  }
0x31: {  	_ =	swait.ge [sflag:s15], $0xC8  }
0x32: {  	[sflag:s15] =	ssyncset.done $0x0  }
0x33: {  	[sflag:s15] =	ssyncadd.s32 $0xFFFFFF38  }
0x34: {  	[tilespmem:s18], [sflag:$0x1] =	stream.strided.gather [hbm4b:s20+s16], $0x1900, s17, s16, $0x38;
	[tilespmem:$0x1A068] =	vst v63  }
0x35: {  	_ =	swait.ge [sflag:s15], $0x1900  }
0x36: {  	[sflag:s15] =	ssyncset.done $0x0  }
0x37: {  	[sflag:s15] =	ssyncadd.s32 $0xFFFFE700  }
0x38: {  	[spmem:s1] =	stream.indirect.scatter.add.f32 [tilespmem:s18], [sflag:$0x1], $0x20, s2, s18, $0xb8;
	[tilespmem:$0x1A068] =	vst v63  }
0x39: {  	_ =	swait.ge [sflag:s15], $0x1900  }
0x3a: {  	[sflag:s15] =	ssyncset.done $0x0  }
0x3b: {  	[sflag:s15] =	ssyncadd.s32 $0xFFFFE700  }
0x3c: {  	[bflag:$0x0] =	sbarrier.arrive $0xFFFF  }
0x3d: {  	s21 =	simm.s32 @!p0 $0x1;
	s20 =	simm.s32 @!p0 $0x1C01;
	[bflag:$0x0] =	sbarrier.arrive @p0 $0xFFFF  }
0x3e: {  	[hbm:s6], [sflag:s20] =	dma.local @!p0 [spmem:s14], $0x30D40  }
0x3f: {  	_ =	swait.ge @!p0 [sflag:s21], $0x30D40  }
0x40: {  	[sflag:s21] =	ssyncset.done @!p0 $0x0  }
0x41: {  	[sflag:s21] =	ssyncadd.s32 @!p0 $0xFFFCF2C0  }
0x42: {  	[bflag:$0x0] =	sbarrier.arrive @!p0 $0xFFFF  }
0x43: {  	[spmem:s14], [sflag:s20] =	dma.local @!p0 [hbm:s3], $0x30D40  }
0x44: {  	_ =	swait.ge @!p0 [sflag:s21], $0x30D40  }
0x45: {  	[sflag:s21] =	ssyncset.done @!p0 $0x0  }
0x46: {  	[sflag:s21] =	ssyncadd.s32 @!p0 $0xFFFCF2C0  }
0x47: {  	s31 =	sadd.s32 $0x0, s10;
	[bflag:$0x0] =	sbarrier.arrive $0xFFFF  }
0x48: {  	[tilespmem:s2], [sflag:$0x1] =	stream.linear.gather [hbm4b:s31+s2], $0xC8, $0x38;
	[tilespmem:$0x1A068] =	vst v63  }
0x49: {  	_ =	swait.ge [sflag:s15], $0xC8  }
0x4a: {  	[sflag:s15] =	ssyncset.done $0x0  }
0x4b: {  	[sflag:s15] =	ssyncadd.s32 $0xFFFFFF38  }
0x4c: {  	[tilespmem:s18], [sflag:$0x1] =	stream.strided.gather [hbm4b:s11+s16], $0x1900, s17, s16, $0x38;
	[tilespmem:$0x1A068] =	vst v63  }
0x4d: {  	_ =	swait.ge [sflag:s15], $0x1900  }
0x4e: {  	[sflag:s15] =	ssyncset.done $0x0  }
0x4f: {  	[sflag:s15] =	ssyncadd.s32 $0xFFFFE700  }
0x50: {  	[spmem:s1] =	stream.indirect.scatter.add.f32 [tilespmem:s18], [sflag:$0x1], $0x20, s2, s18, $0xb8;
	[tilespmem:$0x1A068] =	vst v63  }
0x51: {  	s22 =	simm.s32 $0x32;
	_ =	swait.ge [sflag:s15], $0x1900  }
0x52: {  	s20 =	sadd.s32 $0xC80, s11;
	s21 =	simm.s32 $0x19;
	[sflag:s15] =	ssyncset.done $0x0  }
.LBB2_4:
0x53: {  	s23 =	sadd.s32 s21, s10  }
0x54: {  	[sflag:s15] =	ssyncadd.s32 $0xFFFFE700;
	s21 =	smov.u32 s22;
	s24 =	sadd.s32 $0x19, s22  }
0x55: {  	[tilespmem:s2], [sflag:$0x1] =	stream.linear.gather [hbm4b:s23+s2], $0xC8, $0x38;
	[tilespmem:$0x1A068] =	vst v63  }
0x56: {  	p1 =	sne.s32 s22, $0xC1C;
	_ =	swait.ge [sflag:s15], $0xC8  }
0x57: {  	[sflag:s15] =	ssyncset.done $0x0  }
0x58: {  	[sflag:s15] =	ssyncadd.s32 $0xFFFFFF38  }
0x59: {  	[tilespmem:s18], [sflag:$0x1] =	stream.strided.gather [hbm4b:s20+s16], $0x1900, s17, s16, $0x38;
	[tilespmem:$0x1A068] =	vst v63  }
0x5a: {  	_ =	swait.ge [sflag:s15], $0x1900  }
.Ltmp1:
0x5b: {  	[sflag:s15] =	ssyncset.done $0x0;
	(pc) =	sbr.rel @p1 .LBB2_4-.Ltmp1, $4  }
0x5c: {  	[sflag:s15] =	ssyncadd.s32 $0xFFFFE700  }
0x5d: {  	[spmem:s1] =	stream.indirect.scatter.add.f32 [tilespmem:s18], [sflag:$0x1], $0x20, s2, s18, $0xb8;
	[tilespmem:$0x1A068] =	vst v63  }
0x5e: {  	_ =	swait.ge [sflag:s15], $0x1900  }
0x5f: {  	s22 =	smov.u32 s24;
	s20 =	sadd.s32 $0xC80, s20;
	[sflag:s15] =	ssyncset.done $0x0  }
0x60: {  	s21 =	sadd.s32 s21, s10;
	[sflag:s15] =	ssyncadd.s32 $0xFFFFE700  }
0x61: {  	[tilespmem:s2], [sflag:$0x1] =	stream.linear.gather [hbm4b:s21+s2], $0xC8, $0x38;
	[tilespmem:$0x1A068] =	vst v63  }
0x62: {  	_ =	swait.ge [sflag:s15], $0xC8  }
0x63: {  	[sflag:s15] =	ssyncset.done $0x0  }
0x64: {  	[sflag:s15] =	ssyncadd.s32 $0xFFFFFF38  }
0x65: {  	[tilespmem:s18], [sflag:$0x1] =	stream.strided.gather [hbm4b:s20+s16], $0x1900, s17, s16, $0x38;
	[tilespmem:$0x1A068] =	vst v63  }
0x66: {  	_ =	swait.ge [sflag:s15], $0x1900  }
0x67: {  	[sflag:s15] =	ssyncset.done $0x0  }
0x68: {  	[sflag:s15] =	ssyncadd.s32 $0xFFFFE700  }
0x69: {  	[spmem:s1] =	stream.indirect.scatter.add.f32 [tilespmem:s18], [sflag:$0x1], $0x20, s2, s18, $0xb8;
	[tilespmem:$0x1A068] =	vst v63  }
0x6a: {  	_ =	swait.ge [sflag:s15], $0x1900  }
0x6b: {  	[sflag:s15] =	ssyncset.done $0x0  }
0x6c: {  	[sflag:s15] =	ssyncadd.s32 $0xFFFFE700  }
0x6d: {  	[bflag:$0x0] =	sbarrier.arrive $0xFFFF  }
0x6e: {  	s21 =	simm.s32 @!p0 $0x1;
	s20 =	simm.s32 @!p0 $0x1C01;
	[bflag:$0x0] =	sbarrier.arrive @p0 $0xFFFF  }
0x6f: {  	[hbm:s4], [sflag:s20] =	dma.local @!p0 [spmem:s14], $0x30D40  }
0x70: {  	_ =	swait.ge @!p0 [sflag:s21], $0x30D40  }
0x71: {  	[sflag:s21] =	ssyncset.done @!p0 $0x0  }
0x72: {  	[sflag:s21] =	ssyncadd.s32 @!p0 $0xFFFCF2C0  }
0x73: {  	[bflag:$0x0] =	sbarrier.arrive @!p0 $0xFFFF  }
0x74: {  	[spmem:s14], [sflag:s20] =	dma.local @!p0 [hbm:s3], $0x30D40  }
0x75: {  	_ =	swait.ge @!p0 [sflag:s21], $0x30D40  }
0x76: {  	[sflag:s21] =	ssyncset.done @!p0 $0x0  }
0x77: {  	[sflag:s21] =	ssyncadd.s32 @!p0 $0xFFFCF2C0  }
0x78: {  	s31 =	sadd.s32 $0x0, s10;
	[bflag:$0x0] =	sbarrier.arrive $0xFFFF  }
0x79: {  	[tilespmem:s2], [sflag:$0x1] =	stream.linear.gather [hbm4b:s31+s2], $0xC8, $0x38;
	[tilespmem:$0x1A068] =	vst v63  }
0x7a: {  	_ =	swait.ge [sflag:s15], $0xC8  }
0x7b: {  	[sflag:s15] =	ssyncset.done $0x0  }
0x7c: {  	[sflag:s15] =	ssyncadd.s32 $0xFFFFFF38  }
0x7d: {  	[tilespmem:s18], [sflag:$0x1] =	stream.strided.gather [hbm4b:s12+s16], $0x1900, s17, s16, $0x38;
	[tilespmem:$0x1A068] =	vst v63  }
0x7e: {  	_ =	swait.ge [sflag:s15], $0x1900  }
0x7f: {  	[sflag:s15] =	ssyncset.done $0x0  }
0x80: {  	[sflag:s15] =	ssyncadd.s32 $0xFFFFE700  }
0x81: {  	[spmem:s1] =	stream.indirect.scatter.add.f32 [tilespmem:s18], [sflag:$0x1], $0x20, s2, s18, $0xb8;
	[tilespmem:$0x1A068] =	vst v63  }
0x82: {  	s22 =	simm.s32 $0x32;
	_ =	swait.ge [sflag:s15], $0x1900  }
0x83: {  	s20 =	sadd.s32 $0xC80, s12;
	s21 =	simm.s32 $0x19;
	[sflag:s15] =	ssyncset.done $0x0  }
.LBB2_6:
0x84: {  	s23 =	sadd.s32 s21, s10  }
0x85: {  	[sflag:s15] =	ssyncadd.s32 $0xFFFFE700;
	s21 =	smov.u32 s22;
	s24 =	sadd.s32 $0x19, s22  }
0x86: {  	[tilespmem:s2], [sflag:$0x1] =	stream.linear.gather [hbm4b:s23+s2], $0xC8, $0x38;
	[tilespmem:$0x1A068] =	vst v63  }
0x87: {  	p1 =	sne.s32 s22, $0xC1C;
	_ =	swait.ge [sflag:s15], $0xC8  }
0x88: {  	[sflag:s15] =	ssyncset.done $0x0  }
0x89: {  	[sflag:s15] =	ssyncadd.s32 $0xFFFFFF38  }
0x8a: {  	[tilespmem:s18], [sflag:$0x1] =	stream.strided.gather [hbm4b:s20+s16], $0x1900, s17, s16, $0x38;
	[tilespmem:$0x1A068] =	vst v63  }
0x8b: {  	_ =	swait.ge [sflag:s15], $0x1900  }
.Ltmp2:
0x8c: {  	[sflag:s15] =	ssyncset.done $0x0;
	(pc) =	sbr.rel @p1 .LBB2_6-.Ltmp2, $4  }
0x8d: {  	[sflag:s15] =	ssyncadd.s32 $0xFFFFE700  }
0x8e: {  	[spmem:s1] =	stream.indirect.scatter.add.f32 [tilespmem:s18], [sflag:$0x1], $0x20, s2, s18, $0xb8;
	[tilespmem:$0x1A068] =	vst v63  }
0x8f: {  	_ =	swait.ge [sflag:s15], $0x1900  }
0x90: {  	s22 =	smov.u32 s24;
	s20 =	sadd.s32 $0xC80, s20;
	[sflag:s15] =	ssyncset.done $0x0  }
0x91: {  	s21 =	sadd.s32 s21, s10;
	[sflag:s15] =	ssyncadd.s32 $0xFFFFE700  }
0x92: {  	[tilespmem:s2], [sflag:$0x1] =	stream.linear.gather [hbm4b:s21+s2], $0xC8, $0x38;
	[tilespmem:$0x1A068] =	vst v63  }
0x93: {  	_ =	swait.ge [sflag:s15], $0xC8  }
0x94: {  	[sflag:s15] =	ssyncset.done $0x0  }
0x95: {  	[sflag:s15] =	ssyncadd.s32 $0xFFFFFF38  }
0x96: {  	[tilespmem:s18], [sflag:$0x1] =	stream.strided.gather [hbm4b:s20+s16], $0x1900, s17, s16, $0x38;
	[tilespmem:$0x1A068] =	vst v63  }
0x97: {  	_ =	swait.ge [sflag:s15], $0x1900  }
0x98: {  	[sflag:s15] =	ssyncset.done $0x0  }
0x99: {  	[sflag:s15] =	ssyncadd.s32 $0xFFFFE700  }
0x9a: {  	[spmem:s1] =	stream.indirect.scatter.add.f32 [tilespmem:s18], [sflag:$0x1], $0x20, s2, s18, $0xb8;
	[tilespmem:$0x1A068] =	vst v63  }
0x9b: {  	_ =	swait.ge [sflag:s15], $0x1900  }
0x9c: {  	[sflag:s15] =	ssyncset.done $0x0  }
0x9d: {  	[sflag:s15] =	ssyncadd.s32 $0xFFFFE700  }
0x9e: {  	[bflag:$0x0] =	sbarrier.arrive $0xFFFF  }
0x9f: {  	s21 =	simm.s32 @!p0 $0x1;
	s20 =	simm.s32 @!p0 $0x1C01;
	[bflag:$0x0] =	sbarrier.arrive @p0 $0xFFFF  }
0xa0: {  	[hbm:s5], [sflag:s20] =	dma.local @!p0 [spmem:s14], $0x30D40  }
0xa1: {  	_ =	swait.ge @!p0 [sflag:s21], $0x30D40  }
0xa2: {  	[sflag:s21] =	ssyncset.done @!p0 $0x0  }
0xa3: {  	[sflag:s21] =	ssyncadd.s32 @!p0 $0xFFFCF2C0  }
0xa4: {  	[bflag:$0x0] =	sbarrier.arrive @!p0 $0xFFFF  }
0xa5: {  	[spmem:s14], [sflag:s20] =	dma.local @!p0 [hbm:s3], $0x30D40  }
0xa6: {  	_ =	swait.ge @!p0 [sflag:s21], $0x30D40  }
0xa7: {  	[sflag:s21] =	ssyncset.done @!p0 $0x0  }
0xa8: {  	[sflag:s21] =	ssyncadd.s32 @!p0 $0xFFFCF2C0  }
0xa9: {  	s31 =	sadd.s32 $0x0, s10;
	[bflag:$0x0] =	sbarrier.arrive $0xFFFF  }
0xaa: {  	[tilespmem:s2], [sflag:$0x1] =	stream.linear.gather [hbm4b:s31+s2], $0xC8, $0x38;
	[tilespmem:$0x1A068] =	vst v63  }
0xab: {  	_ =	swait.ge [sflag:s15], $0xC8  }
0xac: {  	[sflag:s15] =	ssyncset.done $0x0  }
0xad: {  	[sflag:s15] =	ssyncadd.s32 $0xFFFFFF38  }
0xae: {  	[tilespmem:s18], [sflag:$0x1] =	stream.strided.gather [hbm4b:s13+s16], $0x1900, s17, s16, $0x38;
	[tilespmem:$0x1A068] =	vst v63  }
0xaf: {  	_ =	swait.ge [sflag:s15], $0x1900  }
0xb0: {  	[sflag:s15] =	ssyncset.done $0x0  }
0xb1: {  	[sflag:s15] =	ssyncadd.s32 $0xFFFFE700  }
0xb2: {  	[spmem:s1] =	stream.indirect.scatter.add.f32 [tilespmem:s18], [sflag:$0x1], $0x20, s2, s18, $0xb8;
	[tilespmem:$0x1A068] =	vst v63  }
0xb3: {  	s22 =	simm.s32 $0x32;
	_ =	swait.ge [sflag:s15], $0x1900  }
0xb4: {  	s20 =	sadd.s32 $0xC80, s13;
	s21 =	simm.s32 $0x19;
	[sflag:s15] =	ssyncset.done $0x0  }
.LBB2_8:
0xb5: {  	s23 =	sadd.s32 s21, s10  }
0xb6: {  	[sflag:s15] =	ssyncadd.s32 $0xFFFFE700;
	s21 =	smov.u32 s22;
	s24 =	sadd.s32 $0x19, s22  }
0xb7: {  	[tilespmem:s2], [sflag:$0x1] =	stream.linear.gather [hbm4b:s23+s2], $0xC8, $0x38;
	[tilespmem:$0x1A068] =	vst v63  }
0xb8: {  	p1 =	sne.s32 s22, $0xC1C;
	_ =	swait.ge [sflag:s15], $0xC8  }
0xb9: {  	[sflag:s15] =	ssyncset.done $0x0  }
0xba: {  	[sflag:s15] =	ssyncadd.s32 $0xFFFFFF38  }
0xbb: {  	[tilespmem:s18], [sflag:$0x1] =	stream.strided.gather [hbm4b:s20+s16], $0x1900, s17, s16, $0x38;
	[tilespmem:$0x1A068] =	vst v63  }
0xbc: {  	_ =	swait.ge [sflag:s15], $0x1900  }
.Ltmp3:
0xbd: {  	[sflag:s15] =	ssyncset.done $0x0;
	(pc) =	sbr.rel @p1 .LBB2_8-.Ltmp3, $4  }
0xbe: {  	[sflag:s15] =	ssyncadd.s32 $0xFFFFE700  }
0xbf: {  	[spmem:s1] =	stream.indirect.scatter.add.f32 [tilespmem:s18], [sflag:$0x1], $0x20, s2, s18, $0xb8;
	[tilespmem:$0x1A068] =	vst v63  }
0xc0: {  	_ =	swait.ge [sflag:s15], $0x1900  }
0xc1: {  	s22 =	smov.u32 s24;
	s20 =	sadd.s32 $0xC80, s20;
	[sflag:s15] =	ssyncset.done $0x0  }
0xc2: {  	s21 =	sadd.s32 s21, s10;
	[sflag:s15] =	ssyncadd.s32 $0xFFFFE700  }
0xc3: {  	[tilespmem:s2], [sflag:$0x1] =	stream.linear.gather [hbm4b:s21+s2], $0xC8, $0x38;
	[tilespmem:$0x1A068] =	vst v63  }
0xc4: {  	_ =	swait.ge [sflag:s15], $0xC8  }
0xc5: {  	[sflag:s15] =	ssyncset.done $0x0  }
0xc6: {  	[sflag:s15] =	ssyncadd.s32 $0xFFFFFF38  }
0xc7: {  	[tilespmem:s18], [sflag:$0x1] =	stream.strided.gather [hbm4b:s20+s16], $0x1900, s17, s16, $0x38;
	[tilespmem:$0x1A068] =	vst v63  }
0xc8: {  	_ =	swait.ge [sflag:s15], $0x1900  }
0xc9: {  	[sflag:s15] =	ssyncset.done $0x0  }
0xca: {  	[sflag:s15] =	ssyncadd.s32 $0xFFFFE700  }
0xcb: {  	[spmem:s1] =	stream.indirect.scatter.add.f32 [tilespmem:s18], [sflag:$0x1], $0x20, s2, s18, $0xb8;
	[tilespmem:$0x1A068] =	vst v63  }
0xcc: {  	_ =	swait.ge [sflag:s15], $0x1900  }
0xcd: {  	[sflag:s15] =	ssyncset.done $0x0  }
0xce: {  	[sflag:s15] =	ssyncadd.s32 $0xFFFFE700  }
0xcf: {  	s19 =	sadd.s32 $0x1, s19;
	s20 =	simm.s32 @!p0 $0x1C01;
	[bflag:$0x0] =	sbarrier.arrive $0xFFFF  }
0xd0: {  	[hbm:s7], [sflag:s20] =	dma.local @!p0 [spmem:s14], $0x30D40  }
0xd1: {  	p1 =	sne.s32 s19, s9;
	s20 =	simm.s32 @!p0 $0x1  }
.Ltmp4:
0xd2: {  	_ =	swait.ge @!p0 [sflag:s20], $0x30D40;
	(pc) =	sbr.rel @p1 .LBB2_1-.Ltmp4, $3  }
0xd3: {  	[sflag:s20] =	ssyncset.done @!p0 $0x0  }
0xd4: {  	[sflag:s20] =	ssyncadd.s32 @!p0 $0xFFFCF2C0  }
0xd5: {  	[bflag:$0x0] =	sbarrier.arrive $0xFFFF;
	_ =	sdelay $0x1  }
0xd6: {  	_ =	sfence.sel $0x180000  }
0xd7: {  	[bflag:$0x0] =	sbarrier.arrive $0xFFFF  }
0xd8: {  	_ =	strace $0x90000050  }
0xd9: {  	s0 =	sadd.s32 @!p0 $0x100000, s0;
	[bflag:$0x2] =	sbarrier.arrive $0xFFFF  }
0xda: {  	[sflag:s0] =	ssyncadd.tile.s32 @!p0 $0x1;
	_ =	shalt  }
.Lfunc_end2:
_tile_overlayer_lowered:
.L_overlay_start_2:
0xdb: {  	(tag) =	ssettag $0x2  }
0xdc: {  	s0 =	rddreg [dreg:$0x0];
	s2 =	stileid.u32  }
0xdd: {  	s1 =	rddreg [dreg:$0x1];
	p0 =	sne.s32 s2, $0x0  }
0xde: {  	s3 =	rddreg [dreg:$0x2];
	[bflag:$0x3] =	sbarrier.arrive $0xFFFF;
	s2 =	simm.s32 @!p0 $0x1C01  }
0xdf: {  	[timem:s3], [sflag:s2] =	dma.local @!p0 [hbm:s0], s1  }
0xe0: {  	s0 =	simm.s32 @!p0 $0x1  }
0xe1: {  	_ =	swait.ge @!p0 [sflag:s0], s1  }
0xe2: {  	s1 =	ssub.s32 @!p0 $0x0, s1;
	[sflag:s0] =	ssyncset.done @!p0 $0x0  }
0xe3: {  	[sflag:s0] =	ssyncadd.s32 @!p0 s1  }
0xe4: {  	[bflag:$0x3] =	sbarrier.arrive $0xFFFF  }
0xe5: {  	_ =	shalt  }

// kernel: _run.37.cloned.1.call-start
scs
__scs_entry_jumppad:
0x0: {  	(pc) =	sbr.rel $0x88, $3  }
0x1: {  	(tag) =	ssettag $0x0;
	lr =	simm.s32 $0x1  }
0x2: {  	[smem:$0x3F77] =	sst lr;
	_ =	strace $0xD0000000  }
0x3: {  	_ = 	snop  }
0x4: {  	_ = 	snop  }
0x5: {  	_ = 	snop  }
0x6: {  	_ = 	snop  }
0x7: {  	_ = 	snop  }
__scs_overlays_trampoline_lowered:
0x8: {  	[smem:$0x3F86] =	sst s0  }
0x9: {  	[smem:$0x3F87] =	sst s1  }
0xa: {  	[smem:$0x3F88] =	sst s2  }
0xb: {  	[smem:$0x3F89] =	sst s3  }
0xc: {  	[smem:$0x3F8A] =	sst s4  }
0xd: {  	[smem:$0x3F8B] =	sst s5  }
0xe: {  	[smem:$0x3F8C] =	sst s6  }
0xf: {  	[smem:$0x3F8D] =	sst s7  }
0x10: {  	[smem:$0x3F8E] =	sst s8  }
0x11: {  	[smem:$0x3F8F] =	sst s9;
	s0 =	simm.s32 @!p0 $0x0  }
0x12: {  	s1 =	sld [smem:$0x3F75];
	s0 =	simm.s32 @p0 $0x1  }
0x13: {  	[smem:$0x3F90] =	sst s0;
	s0 =	simm.s32 @!p1 $0x0  }
0x14: {  	s2 =	sld [smem:$0x3F74];
	s0 =	simm.s32 @p1 $0x1  }
0x15: {  	[smem:$0x3F91] =	sst s0;
	s0 =	simm.s32 @!p2 $0x0  }
0x16: {  	s3 =	sld [smem:$0x3FDB];
	s0 =	simm.s32 @p2 $0x1  }
0x17: {  	s4 =	simm.s32 $0x1BF5;
	[smem:$0x3F93] =	sst s0  }
0x18: {  	s0 =	sld [smem:$0x3F76];
	_ =	swait.ge [sflag:s4], $0x0  }
0x19: {  	s7 =	sld [smem:$0x3F77]  }
0x1a: {  	s8 =	sadd.s32 $0xFFFFE003, lr  }
0x1b: {  	s9 =	sadd.s32 $0xFFFFFEF7, lr;
	s5 =	simm.s32 $0xFFFFFFFF;
	p2 =	slt.u32 s8, $0xFFFFF086  }
0x1c: {  	p1 =	slt.u32 s9, $0xF7A;
	s5 =	simm.s32 @!p2 $0x0  }
0x1d: {  	s5 =	simm.s32 @p1 $0x1;
	p0 =	seq.s32 s7, s2  }
0x1e: {  	s7 =	smul.u32 @!p0 $0xF7A, s2;
	p2 =	seq.s32 @!p0 s5, $0x0  }
0x1f: {  	s9 =	smul.u32 $0xF7A, s1;
	s8 =	simm.s32 @!p0 $0x1BF5;
	p2 =	por !p2, p0  }
0x20: {  	[sflag:s8] =	ssyncset.s32 @!p0 $0xFFFFF086;
	s6 =	sadd.s32 @!p0 s3, s7;
	s7 =	simm.s32 @!p0 $0x108  }
0x21: {  	s3 =	sadd.s32 s3, s9;
	s6 =	sadd.s32 @!p0 $0x88, s6;
	s7 =	simm.s32 @p2 $0x1082  }
0x22: {  	[simem:s7], [sflag:s8] =	dma.local @!p0 [hbm:s6], $0xF7A  }
0x23: {  	s9 =	sor.u32 $0xD0000000, s2;
	s6 =	simm.s32 $0x108;
	_ =	swait.ge @!p0 [sflag:s8], $0x0  }
0x24: {  	s3 =	sadd.s32 $0x88, s3;
	s6 =	simm.s32 @!p1 $0x1082;
	[sflag:s4] =	ssyncset.s32 $0xFFFFF086  }
0x25: {  	[simem:s6], [sflag:s4] =	dma.local [hbm:s3], $0xF7A  }
0x26: {  	[smem:$0x3F77] =	sst s1;
	(tag) =	ssettag s2;
	_ =	strace s9  }
0x27: {  	s1 =	sld [smem:$0x3F87]  }
0x28: {  	s2 =	sld [smem:$0x3F88]  }
0x29: {  	s4 =	sld [smem:$0x3F8A]  }
0x2a: {  	p0 =	seq.s32 s5, $0x0;
	s5 =	sld [smem:$0x3F8B]  }
0x2b: {  	s6 =	sld [smem:$0x3F8C]  }
0x2c: {  	s7 =	sld [smem:$0x3F8D]  }
0x2d: {  	s3 =	simm.s32 $0x108;
	s8 =	sld [smem:$0x3F8E]  }
0x2e: {  	s3 =	simm.s32 @!p0 $0x1082;
	s9 =	sld [smem:$0x3F8F]  }
0x2f: {  	lr =	sadd.s32 s0, s3;
	s0 =	sld [smem:$0x3F86]  }
0x30: {  	s3 =	sld [smem:$0x3F89]  }
0x31: {  	[smem:$0x3F92] =	sst s10  }
0x32: {  	s10 =	sld [smem:$0x3F90];
	_ =	sdelay $0x3  }
0x33: {  	p0 =	seq.s32 s10, $0x1;
	s10 =	sld [smem:$0x3F92];
	_ =	sdelay $0x3  }
0x34: {  	[smem:$0x3F92] =	sst s10  }
0x35: {  	s10 =	sld [smem:$0x3F91];
	_ =	sdelay $0x3  }
0x36: {  	p1 =	seq.s32 s10, $0x1;
	s10 =	sld [smem:$0x3F92];
	_ =	sdelay $0x3  }
0x37: {  	[smem:$0x3F92] =	sst s10  }
0x38: {  	s10 =	sld [smem:$0x3F93]  }
0x39: {  	_ = 	snop;
	(pc) =	sbr.ind lr, $3  }
0x3a: {  	_ = 	snop  }
0x3b: {  	_ = 	snop  }
0x3c: {  	p2 =	seq.s32 s10, $0x1;
	s10 =	sld [smem:$0x3F92]  }
0x3d: {  	_ =	shalt  }
0x3e: {  	_ =	shalt  }
0x3f: {  	_ =	shalt  }
0x40: {  	_ =	shalt  }
0x41: {  	_ =	shalt  }
0x42: {  	_ =	shalt  }
0x43: {  	_ =	shalt  }
0x44: {  	_ =	shalt  }
0x45: {  	_ =	shalt  }
0x46: {  	_ =	shalt  }
0x47: {  	_ =	shalt  }
0x48: {  	_ =	shalt  }
0x49: {  	_ =	shalt  }
0x4a: {  	_ =	shalt  }
0x4b: {  	_ =	shalt  }
0x4c: {  	_ =	shalt  }
0x4d: {  	_ =	shalt  }
0x4e: {  	_ =	shalt  }
0x4f: {  	_ =	shalt  }
0x50: {  	_ =	shalt  }
0x51: {  	_ =	shalt  }
0x52: {  	_ =	shalt  }
0x53: {  	_ =	shalt  }
0x54: {  	_ =	shalt  }
0x55: {  	_ =	shalt  }
0x56: {  	_ =	shalt  }
0x57: {  	_ =	shalt  }
0x58: {  	_ =	shalt  }
0x59: {  	_ =	shalt  }
0x5a: {  	_ =	shalt  }
0x5b: {  	_ =	shalt  }
0x5c: {  	_ =	shalt  }
0x5d: {  	_ =	shalt  }
0x5e: {  	_ =	shalt  }
0x5f: {  	_ =	shalt  }
0x60: {  	_ =	shalt  }
0x61: {  	_ =	shalt  }
0x62: {  	_ =	shalt  }
0x63: {  	_ =	shalt  }
0x64: {  	_ =	shalt  }
0x65: {  	_ =	shalt  }
0x66: {  	_ =	shalt  }
0x67: {  	_ =	shalt  }
0x68: {  	_ =	shalt  }
0x69: {  	_ =	shalt  }
0x6a: {  	_ =	shalt  }
0x6b: {  	_ =	shalt  }
0x6c: {  	_ =	shalt  }
0x6d: {  	_ =	shalt  }
0x6e: {  	_ =	shalt  }
0x6f: {  	_ =	shalt  }
0x70: {  	_ =	shalt  }
0x71: {  	_ =	shalt  }
0x72: {  	_ =	shalt  }
0x73: {  	_ =	shalt  }
0x74: {  	_ =	shalt  }
0x75: {  	_ =	shalt  }
0x76: {  	_ =	shalt  }
0x77: {  	_ =	shalt  }
0x78: {  	_ =	shalt  }
0x79: {  	_ =	shalt  }
0x7a: {  	_ =	shalt  }
0x7b: {  	_ =	shalt  }
0x7c: {  	_ =	shalt  }
0x7d: {  	_ =	shalt  }
0x7e: {  	_ =	shalt  }
0x7f: {  	_ =	shalt  }
0x80: {  	_ =	shalt  }
0x81: {  	_ =	shalt  }
0x82: {  	_ =	shalt  }
0x83: {  	_ =	shalt  }
0x84: {  	_ =	shalt  }
0x85: {  	_ =	shalt  }
0x86: {  	_ =	shalt  }
0x87: {  	_ =	shalt  }
.Lfunc_end0:
.L_simem_size_0:
called_computation.4_lowered:
.L_overlay_start_0:
0x88: {  	s2 =	sld [smem:$0x3FD9]  }
0x89: {  	s3 =	sld [smem:$0x3FFE];
	_ =	sdelay $0x1  }
0x8a: {  	s1 =	srdreg.scid  }
0x8b: {  	s0 =	sand.u32 $0x1, s1  }
0x8c: {  	s16 =	sshll.u32 s0, $0xA;
	s2 =	sadd.s32 s3, s2  }
0x8d: {  	s2 =	sadd.s32 s2, s16  }
0x8e: {  	[smem:$0x3F9E] =	sst s2  }
0x8f: {  	_ = 	snop  }
0x90: {  	(tm) =	ssettm $0x1  }
0x91: {  	s17 =	sld [smem:$0x3FFB];
	_ =	sdelay $0x3  }
0x92: {  	_ =	strace s17  }
0x93: {  	s2 =	sld [smem:$0x3FFC];
	_ =	sdelay $0x3  }
0x94: {  	_ =	strace s2  }
0x95: {  	s2 =	sld [smem:$0x3FFD];
	_ =	sdelay $0x3  }
0x96: {  	_ =	strace s2  }
0x97: {  	_ =	strace $0x8FFFFFFF  }
0x98: {  	s18 =	sld [smem:$0x3FDB];
	_ =	sdelay $0x1  }
0x99: {  	s19 =	simm.s32 $_scs_section_size  }
0x9a: {  	s4 =	simm.s32 $_size__tile_overlayer_lowered;
	s5 =	simm.s32 $_tile_overlayer_lowered  }
0x9b: {  	s22 =	simm.s32 $0x1BFF;
	s21 =	sshll.u32 s5, $0x1;
	s2 =	sadd.s32 s19, s18  }
0x9c: {  	s6 =	simm.s32 $0x0;
	s20 =	sshll.u32 s4, $0x1;
	s4 =	sadd.s32 s21, s2  }
0x9d: {  	[timem:s6], [sflag:s22] =	dma.local [hbm:s4], s20  }
0x9e: {  	_ =	swait.ge [sflag:s22], s20  }
0x9f: {  	s3 =	ssub.s32 $0x0, s20;
	[sflag:s22] =	ssyncset.done $0x0  }
0xa0: {  	[sflag:s22] =	ssyncadd.s32 s3;
	_ =	sdelay $0x1  }
0xa1: {  	s23 =	simm.s32 $0x1B8B  }
0xa2: {  	_ =	swait.ge [sflag:s23], $0x1  }
0xa3: {  	[sflag:s23] =	ssyncset.done $0x0  }
0xa4: {  	s25 =	simm.s32 $0x1B8E;
	s24 =	sld [smem:$0x3FFE];
	[sflag:s23] =	ssyncadd.s32 $0xFFFFFFFF  }
0xa5: {  	s26 =	simm.s32 $execute0_lowered;
	[smem:$0x3FD2] =	sst s25  }
0xa6: {  	s4 =	sshll.u32 s26, $0x1;
	_ =	strace $0x80000052;
	[dreg:$0x1] =	wrdreg $0xFFFFFFFF  }
0xa7: {  	s28 =	simm.s32 $_size_execute0_lowered;
	s2 =	sadd.s32 s2, s4;
	[dreg:$0x0] =	wrdreg $0x0  }
0xa8: {  	s4 =	sshll.u32 s28, $0x1;
	[dreg:$0x2] =	wrdreg s2  }
0xa9: {  	[dreg:$0x3] =	wrdreg s4  }
0xaa: {  	[dreg:$0x4] =	wrdreg $0xC0  }
0xab: {  	_ =	task [dreg:s6], $0x5FFFF  }
0xac: {  	[dreg:$0x1] =	wrdreg $0xFFFFFFFF  }
0xad: {  	[dreg:$0x0] =	wrdreg $0x60  }
0xae: {  	[dreg:$0x2] =	wrdreg s24  }
0xaf: {  	[dreg:$0x3] =	wrdreg $0x9  }
0xb0: {  	_ =	task.clear_ibuf [dreg:s6], $0x4FFFF;
	_ =	strace $0x90000052  }
0xb1: {  	s29 =	simm.s32 $0x9;
	_ =	strace $0x80000054  }
0xb2: {  	_ =	swait.ge [sflag:s29], $0x1  }
0xb3: {  	[sflag:s29] =	ssyncadd.s32 $0xFFFFFFFF  }
0xb4: {  	_ =	strace $0x90000054  }
0xb5: {  	_ =	sfence  }
0xb6: {  	s30 =	sld [smem:$0x0];
	_ =	sdelay $0x2  }
0xb7: {  	s31 =	sshll.u32 s1, $0xD;
	s1 =	sshrl.u32 s1, $0x2  }
0xb8: {  	s3 =	sand.u32 $0x4000, s31;
	s1 =	sadd.s32 s1, s30  }
0xb9: {  	s0 =	sor.u32 s3, s0;
	s1 =	sshll.u32 s1, $0x11  }
0xba: {  	s0 =	sor.u32 s1, s0  }
0xbb: {  	s0 =	sadd.s32 $0x8F2B, s0  }
0xbc: {  	[sflag:s0] =	ssyncadd.remote.s32 $0x1  }
0xbd: {  	_ =	sfence.sel $0xFFFF  }
0xbe: {  	[dreg:$0x0] =	wrdreg $0xFFFFFFFF;
	(pc) =	sbr.abs _section_cstart, $3  }
0xbf: {  	[dreg:$0x1] =	wrdreg $0xFFFFFFFF  }
0xc0: {  	_ =	task.clear_ibuf [dreg:s6], $0x2FFFF;
	_ =	strace $0x9FFFFFFF  }
0xc1: {  	(tm) =	ssettm $0x7FFFFFFF  }
tec
execute0_lowered:
.L_overlay_start_1:
0x0: {  	(tag) =	ssettag $0x1  }
0x1: {  	s5 =	rddreg [dreg:$0x0]  }
0x2: {  	s0 =	rddreg [dreg:$0x1]  }
0x3: {  	s2 =	simm.s32 $0x0;
	s3 =	srdreg.scid;
	s1 =	stileid.u32  }
0x4: {  	s11 =	simm.s32 $0x100;
	s12 =	simm.s32 $0xC8;
	s13 =	simm.s32 $0x200  }
0x5: {  	s14 =	simm.s32 $0x6600;
	s15 =	simm.s32 $0x1;
	s7 =	smul.u32 $0xC350, s1  }
0x6: {  	s16 =	simm.s32 $0x2;
	s6 =	sand.u32 $0x1, s3;
	s9 =	smul.u32 $0xC3500, s1  }
0x7: {  	s17 =	simm.s32 $0x0;
	s3 =	sadd.s32 $0x1C1C00, s5;
	s8 =	smul.u32 $0x61A8, s6  }
0x8: {  	[smem:$0x7FF] =	sst s2;
	s4 =	sadd.s32 $0x285200, s5;
	s10 =	smul.u32 $0x61A80, s6  }
0x9: {  	_ =	strace $0x80000053;
	s6 =	ssub.s32 $0x2, s6;
	s29 =	sadd.s32 s9, s5  }
0xa: {  	s30 =	sshrl.u32 s6, $0x1;
	s7 =	sadd.s32 s8, s7;
	s8 =	sadd.s32 s10, s29  }
0xb: {  	s6 =	ssub.s32 s6, s30;
	s10 =	simm.s32 $0x3;
	s7 =	sshrl.u32 s7, $0x3  }
0xc: {  	s6 =	smax.u32 s6, $0x1;
	s31 =	sadd.s32 s7, s5;
	s5 =	sadd.s32 $0x348800, s8  }
0xd: {  	s7 =	sadd.s32 $0x2725200, s8;
	s8 =	sadd.s32 $0xCD600, s31;
	s9 =	sadd.s32 $0xE5E00, s31  }
.LBB2_1:
0xe: {  	s18 =	sadd.s32 $0x0, s9  }
0xf: {  	[tilespmem:s2], [sflag:$0x3] =	stream.linear.gather [hbm4b:s18+s2], $0xC8, $0x38;
	[tilespmem:$0xCA00] =	vst v63  }
0x10: {  	_ =	swait.ge [sflag:s10], $0xC8  }
0x11: {  	[sflag:s10] =	ssyncset.done $0x0  }
0x12: {  	s31 =	sadd.s32 $0x0, s8;
	[sflag:s10] =	ssyncadd.s32 $0xFFFFFF38  }
0x13: {  	[tilespmem:s11], [sflag:$0x3] =	stream.linear.gather [hbm4b:s31+s2], $0xC8, $0x38;
	[tilespmem:$0xCA00] =	vst v63  }
0x14: {  	_ =	swait.ge [sflag:s10], $0xC8  }
0x15: {  	[sflag:s10] =	ssyncset.done $0x0  }
0x16: {  	[sflag:s10] =	ssyncadd.s32 $0xFFFFFF38  }
0x17: {  	[tilespmem:s13], [sflag:$0x1] =	stream.indirect.gather [hbm4b:s3+s12], $0x80, s2, s12, $0xb8;
	[tilespmem:$0xCA00] =	vst v63  }
0x18: {  	_ = 	snop  }
0x19: {  	[tilespmem:s14], [sflag:$0x2] =	stream.indirect.gather [hbm4b:s4+s12], $0x80, s11, s12, $0xb8;
	[tilespmem:$0xCA00] =	vst v63  }
0x1a: {  	_ =	swait.ge [sflag:s15], $0x6400  }
0x1b: {  	[sflag:s15] =	ssyncset.done $0x0  }
0x1c: {  	[sflag:s15] =	ssyncadd.s32 $0xFFFF9C00  }
0x1d: {  	_ =	swait.ge [sflag:s16], $0x6400  }
0x1e: {  	[sflag:s16] =	ssyncset.done $0x0  }
0x1f: {  	[sflag:s16] =	ssyncadd.s32 $0xFFFF9C00  }
0x20: {  	[hbm4b:s5+s2] =	stream.linear.scatter [tilespmem:s13], [sflag:$0x3], $0x6400, $0x38;
	[tilespmem:$0xCA00] =	vst v63  }
0x21: {  	_ =	swait.ge [sflag:s10], $0x6400  }
0x22: {  	[sflag:s10] =	ssyncset.done $0x0  }
0x23: {  	[sflag:s10] =	ssyncadd.s32 $0xFFFF9C00  }
0x24: {  	[hbm4b:s7+s2] =	stream.linear.scatter [tilespmem:s14], [sflag:$0x3], $0x6400, $0x38;
	[tilespmem:$0xCA00] =	vst v63  }
0x25: {  	s20 =	simm.s32 $0x19;
	s21 =	simm.s32 $0x32;
	_ =	swait.ge [sflag:s10], $0x6400  }
0x26: {  	s19 =	sadd.s32 $0xC80, s5;
	s18 =	sadd.s32 $0xC80, s7;
	[sflag:s10] =	ssyncset.done $0x0  }
.LBB2_2:
0x27: {  	s22 =	sadd.s32 s20, s9  }
0x28: {  	[sflag:s10] =	ssyncadd.s32 $0xFFFF9C00;
	s23 =	smov.u32 s21;
	s24 =	sadd.s32 $0x19, s21  }
0x29: {  	[tilespmem:s2], [sflag:$0x3] =	stream.linear.gather [hbm4b:s22+s2], $0xC8, $0x38;
	[tilespmem:$0xCA00] =	vst v63  }
0x2a: {  	p0 =	sne.s32 s21, $0xC1C;
	_ =	swait.ge [sflag:s10], $0xC8  }
0x2b: {  	[sflag:s10] =	ssyncset.done $0x0  }
0x2c: {  	s21 =	sadd.s32 s20, s8;
	s20 =	smov.u32 s23;
	[sflag:s10] =	ssyncadd.s32 $0xFFFFFF38  }
0x2d: {  	[tilespmem:s11], [sflag:$0x3] =	stream.linear.gather [hbm4b:s21+s2], $0xC8, $0x38;
	[tilespmem:$0xCA00] =	vst v63  }
0x2e: {  	_ =	swait.ge [sflag:s10], $0xC8  }
0x2f: {  	[sflag:s10] =	ssyncset.done $0x0  }
0x30: {  	[sflag:s10] =	ssyncadd.s32 $0xFFFFFF38  }
0x31: {  	[tilespmem:s13], [sflag:$0x1] =	stream.indirect.gather [hbm4b:s3+s12], $0x80, s2, s12, $0xb8;
	[tilespmem:$0xCA00] =	vst v63  }
0x32: {  	_ = 	snop  }
0x33: {  	[tilespmem:s14], [sflag:$0x2] =	stream.indirect.gather [hbm4b:s4+s12], $0x80, s11, s12, $0xb8;
	[tilespmem:$0xCA00] =	vst v63  }
0x34: {  	_ =	swait.ge [sflag:s15], $0x6400  }
0x35: {  	[sflag:s15] =	ssyncset.done $0x0  }
0x36: {  	[sflag:s15] =	ssyncadd.s32 $0xFFFF9C00  }
0x37: {  	_ =	swait.ge [sflag:s16], $0x6400  }
0x38: {  	[sflag:s16] =	ssyncset.done $0x0  }
0x39: {  	[sflag:s16] =	ssyncadd.s32 $0xFFFF9C00  }
0x3a: {  	[hbm4b:s19+s2] =	stream.linear.scatter [tilespmem:s13], [sflag:$0x3], $0x6400, $0x38;
	[tilespmem:$0xCA00] =	vst v63  }
0x3b: {  	_ =	swait.ge [sflag:s10], $0x6400  }
.Ltmp0:
0x3c: {  	[sflag:s10] =	ssyncset.done $0x0;
	(pc) =	sbr.rel @p0 .LBB2_2-.Ltmp0, $4  }
0x3d: {  	[sflag:s10] =	ssyncadd.s32 $0xFFFF9C00  }
0x3e: {  	[hbm4b:s18+s2] =	stream.linear.scatter [tilespmem:s14], [sflag:$0x3], $0x6400, $0x38;
	[tilespmem:$0xCA00] =	vst v63  }
0x3f: {  	s21 =	smov.u32 s24;
	_ =	swait.ge [sflag:s10], $0x6400  }
0x40: {  	s19 =	sadd.s32 $0xC80, s19;
	s18 =	sadd.s32 $0xC80, s18;
	[sflag:s10] =	ssyncset.done $0x0  }
0x41: {  	s21 =	sadd.s32 s20, s9;
	[sflag:s10] =	ssyncadd.s32 $0xFFFF9C00  }
0x42: {  	[tilespmem:s2], [sflag:$0x3] =	stream.linear.gather [hbm4b:s21+s2], $0xC8, $0x38;
	[tilespmem:$0xCA00] =	vst v63  }
0x43: {  	_ =	swait.ge [sflag:s10], $0xC8  }
0x44: {  	[sflag:s10] =	ssyncset.done $0x0  }
0x45: {  	s31 =	sadd.s32 s20, s8;
	[sflag:s10] =	ssyncadd.s32 $0xFFFFFF38  }
0x46: {  	[tilespmem:s11], [sflag:$0x3] =	stream.linear.gather [hbm4b:s31+s2], $0xC8, $0x38;
	[tilespmem:$0xCA00] =	vst v63  }
0x47: {  	_ =	swait.ge [sflag:s10], $0xC8  }
0x48: {  	[sflag:s10] =	ssyncset.done $0x0  }
0x49: {  	[sflag:s10] =	ssyncadd.s32 $0xFFFFFF38  }
0x4a: {  	[tilespmem:s13], [sflag:$0x1] =	stream.indirect.gather [hbm4b:s3+s12], $0x80, s2, s12, $0xb8;
	[tilespmem:$0xCA00] =	vst v63  }
0x4b: {  	_ = 	snop  }
0x4c: {  	[tilespmem:s14], [sflag:$0x2] =	stream.indirect.gather [hbm4b:s4+s12], $0x80, s11, s12, $0xb8;
	[tilespmem:$0xCA00] =	vst v63  }
0x4d: {  	_ =	swait.ge [sflag:s15], $0x6400  }
0x4e: {  	[sflag:s15] =	ssyncset.done $0x0  }
0x4f: {  	[sflag:s15] =	ssyncadd.s32 $0xFFFF9C00  }
0x50: {  	_ =	swait.ge [sflag:s16], $0x6400  }
0x51: {  	[sflag:s16] =	ssyncset.done $0x0  }
0x52: {  	[sflag:s16] =	ssyncadd.s32 $0xFFFF9C00  }
0x53: {  	[hbm4b:s19+s2] =	stream.linear.scatter [tilespmem:s13], [sflag:$0x3], $0x6400, $0x38;
	[tilespmem:$0xCA00] =	vst v63  }
0x54: {  	s17 =	sadd.s32 $0x1, s17;
	_ =	swait.ge [sflag:s10], $0x6400  }
0x55: {  	p0 =	sne.s32 s17, s6;
	[sflag:s10] =	ssyncset.done $0x0  }
.Ltmp1:
0x56: {  	[sflag:s10] =	ssyncadd.s32 $0xFFFF9C00;
	(pc) =	sbr.rel @p0 .LBB2_1-.Ltmp1, $4  }
0x57: {  	[hbm4b:s18+s2] =	stream.linear.scatter [tilespmem:s14], [sflag:$0x3], $0x6400, $0x38;
	[tilespmem:$0xCA00] =	vst v63  }
0x58: {  	_ =	swait.ge [sflag:s10], $0x6400  }
0x59: {  	[sflag:s10] =	ssyncset.done $0x0  }
0x5a: {  	[sflag:s10] =	ssyncadd.s32 $0xFFFF9C00  }
0x5b: {  	_ =	sfence.sel $0x180000  }
0x5c: {  	[bflag:$0x0] =	sbarrier.arrive $0xFFFF  }
0x5d: {  	p0 =	sne.s32 s1, $0x0;
	_ =	strace $0x90000053  }
0x5e: {  	s0 =	sadd.s32 @!p0 $0x100000, s0;
	[bflag:$0x2] =	sbarrier.arrive $0xFFFF  }
0x5f: {  	[sflag:s0] =	ssyncadd.tile.s32 @!p0 $0x1;
	_ =	shalt  }
.Lfunc_end2:
_tile_overlayer_lowered:
.L_overlay_start_2:
0x60: {  	(tag) =	ssettag $0x2  }
0x61: {  	s0 =	rddreg [dreg:$0x0];
	s2 =	stileid.u32  }
0x62: {  	s1 =	rddreg [dreg:$0x1];
	p0 =	sne.s32 s2, $0x0  }
0x63: {  	s3 =	rddreg [dreg:$0x2];
	[bflag:$0x3] =	sbarrier.arrive $0xFFFF;
	s2 =	simm.s32 @!p0 $0x1C03  }
0x64: {  	[timem:s3], [sflag:s2] =	dma.local @!p0 [hbm:s0], s1  }
0x65: {  	s0 =	simm.s32 @!p0 $0x3  }
0x66: {  	_ =	swait.ge @!p0 [sflag:s0], s1  }
0x67: {  	s1 =	ssub.s32 @!p0 $0x0, s1;
	[sflag:s0] =	ssyncset.done @!p0 $0x0  }
0x68: {  	[sflag:s0] =	ssyncadd.s32 @!p0 s1  }
0x69: {  	[bflag:$0x3] =	sbarrier.arrive $0xFFFF  }
0x6a: {  	_ =	shalt  }

// kernel: _run.40.cloned.1.call-start
scs
__scs_entry_jumppad:
0x0: {  	(pc) =	sbr.rel $0x88, $3  }
0x1: {  	(tag) =	ssettag $0x0;
	lr =	simm.s32 $0x1  }
0x2: {  	[smem:$0x3F77] =	sst lr;
	_ =	strace $0xD0000000  }
0x3: {  	_ = 	snop  }
0x4: {  	_ = 	snop  }
0x5: {  	_ = 	snop  }
0x6: {  	_ = 	snop  }
0x7: {  	_ = 	snop  }
__scs_overlays_trampoline_lowered:
0x8: {  	[smem:$0x3F86] =	sst s0  }
0x9: {  	[smem:$0x3F87] =	sst s1  }
0xa: {  	[smem:$0x3F88] =	sst s2  }
0xb: {  	[smem:$0x3F89] =	sst s3  }
0xc: {  	[smem:$0x3F8A] =	sst s4  }
0xd: {  	[smem:$0x3F8B] =	sst s5  }
0xe: {  	[smem:$0x3F8C] =	sst s6  }
0xf: {  	[smem:$0x3F8D] =	sst s7  }
0x10: {  	[smem:$0x3F8E] =	sst s8  }
0x11: {  	[smem:$0x3F8F] =	sst s9;
	s0 =	simm.s32 @!p0 $0x0  }
0x12: {  	s1 =	sld [smem:$0x3F75];
	s0 =	simm.s32 @p0 $0x1  }
0x13: {  	[smem:$0x3F90] =	sst s0;
	s0 =	simm.s32 @!p1 $0x0  }
0x14: {  	s2 =	sld [smem:$0x3F74];
	s0 =	simm.s32 @p1 $0x1  }
0x15: {  	[smem:$0x3F91] =	sst s0;
	s0 =	simm.s32 @!p2 $0x0  }
0x16: {  	s3 =	sld [smem:$0x3FDB];
	s0 =	simm.s32 @p2 $0x1  }
0x17: {  	s4 =	simm.s32 $0x1BF5;
	[smem:$0x3F93] =	sst s0  }
0x18: {  	s0 =	sld [smem:$0x3F76];
	_ =	swait.ge [sflag:s4], $0x0  }
0x19: {  	s7 =	sld [smem:$0x3F77]  }
0x1a: {  	s8 =	sadd.s32 $0xFFFFE003, lr  }
0x1b: {  	s9 =	sadd.s32 $0xFFFFFEF7, lr;
	s5 =	simm.s32 $0xFFFFFFFF;
	p2 =	slt.u32 s8, $0xFFFFF086  }
0x1c: {  	p1 =	slt.u32 s9, $0xF7A;
	s5 =	simm.s32 @!p2 $0x0  }
0x1d: {  	s5 =	simm.s32 @p1 $0x1;
	p0 =	seq.s32 s7, s2  }
0x1e: {  	s7 =	smul.u32 @!p0 $0xF7A, s2;
	p2 =	seq.s32 @!p0 s5, $0x0  }
0x1f: {  	s9 =	smul.u32 $0xF7A, s1;
	s8 =	simm.s32 @!p0 $0x1BF5;
	p2 =	por !p2, p0  }
0x20: {  	[sflag:s8] =	ssyncset.s32 @!p0 $0xFFFFF086;
	s6 =	sadd.s32 @!p0 s3, s7;
	s7 =	simm.s32 @!p0 $0x108  }
0x21: {  	s3 =	sadd.s32 s3, s9;
	s6 =	sadd.s32 @!p0 $0x88, s6;
	s7 =	simm.s32 @p2 $0x1082  }
0x22: {  	[simem:s7], [sflag:s8] =	dma.local @!p0 [hbm:s6], $0xF7A  }
0x23: {  	s9 =	sor.u32 $0xD0000000, s2;
	s6 =	simm.s32 $0x108;
	_ =	swait.ge @!p0 [sflag:s8], $0x0  }
0x24: {  	s3 =	sadd.s32 $0x88, s3;
	s6 =	simm.s32 @!p1 $0x1082;
	[sflag:s4] =	ssyncset.s32 $0xFFFFF086  }
0x25: {  	[simem:s6], [sflag:s4] =	dma.local [hbm:s3], $0xF7A  }
0x26: {  	[smem:$0x3F77] =	sst s1;
	(tag) =	ssettag s2;
	_ =	strace s9  }
0x27: {  	s1 =	sld [smem:$0x3F87]  }
0x28: {  	s2 =	sld [smem:$0x3F88]  }
0x29: {  	s4 =	sld [smem:$0x3F8A]  }
0x2a: {  	p0 =	seq.s32 s5, $0x0;
	s5 =	sld [smem:$0x3F8B]  }
0x2b: {  	s6 =	sld [smem:$0x3F8C]  }
0x2c: {  	s7 =	sld [smem:$0x3F8D]  }
0x2d: {  	s3 =	simm.s32 $0x108;
	s8 =	sld [smem:$0x3F8E]  }
0x2e: {  	s3 =	simm.s32 @!p0 $0x1082;
	s9 =	sld [smem:$0x3F8F]  }
0x2f: {  	lr =	sadd.s32 s0, s3;
	s0 =	sld [smem:$0x3F86]  }
0x30: {  	s3 =	sld [smem:$0x3F89]  }
0x31: {  	[smem:$0x3F92] =	sst s10  }
0x32: {  	s10 =	sld [smem:$0x3F90];
	_ =	sdelay $0x3  }
0x33: {  	p0 =	seq.s32 s10, $0x1;
	s10 =	sld [smem:$0x3F92];
	_ =	sdelay $0x3  }
0x34: {  	[smem:$0x3F92] =	sst s10  }
0x35: {  	s10 =	sld [smem:$0x3F91];
	_ =	sdelay $0x3  }
0x36: {  	p1 =	seq.s32 s10, $0x1;
	s10 =	sld [smem:$0x3F92];
	_ =	sdelay $0x3  }
0x37: {  	[smem:$0x3F92] =	sst s10  }
0x38: {  	s10 =	sld [smem:$0x3F93]  }
0x39: {  	_ = 	snop;
	(pc) =	sbr.ind lr, $3  }
0x3a: {  	_ = 	snop  }
0x3b: {  	_ = 	snop  }
0x3c: {  	p2 =	seq.s32 s10, $0x1;
	s10 =	sld [smem:$0x3F92]  }
0x3d: {  	_ =	shalt  }
0x3e: {  	_ =	shalt  }
0x3f: {  	_ =	shalt  }
0x40: {  	_ =	shalt  }
0x41: {  	_ =	shalt  }
0x42: {  	_ =	shalt  }
0x43: {  	_ =	shalt  }
0x44: {  	_ =	shalt  }
0x45: {  	_ =	shalt  }
0x46: {  	_ =	shalt  }
0x47: {  	_ =	shalt  }
0x48: {  	_ =	shalt  }
0x49: {  	_ =	shalt  }
0x4a: {  	_ =	shalt  }
0x4b: {  	_ =	shalt  }
0x4c: {  	_ =	shalt  }
0x4d: {  	_ =	shalt  }
0x4e: {  	_ =	shalt  }
0x4f: {  	_ =	shalt  }
0x50: {  	_ =	shalt  }
0x51: {  	_ =	shalt  }
0x52: {  	_ =	shalt  }
0x53: {  	_ =	shalt  }
0x54: {  	_ =	shalt  }
0x55: {  	_ =	shalt  }
0x56: {  	_ =	shalt  }
0x57: {  	_ =	shalt  }
0x58: {  	_ =	shalt  }
0x59: {  	_ =	shalt  }
0x5a: {  	_ =	shalt  }
0x5b: {  	_ =	shalt  }
0x5c: {  	_ =	shalt  }
0x5d: {  	_ =	shalt  }
0x5e: {  	_ =	shalt  }
0x5f: {  	_ =	shalt  }
0x60: {  	_ =	shalt  }
0x61: {  	_ =	shalt  }
0x62: {  	_ =	shalt  }
0x63: {  	_ =	shalt  }
0x64: {  	_ =	shalt  }
0x65: {  	_ =	shalt  }
0x66: {  	_ =	shalt  }
0x67: {  	_ =	shalt  }
0x68: {  	_ =	shalt  }
0x69: {  	_ =	shalt  }
0x6a: {  	_ =	shalt  }
0x6b: {  	_ =	shalt  }
0x6c: {  	_ =	shalt  }
0x6d: {  	_ =	shalt  }
0x6e: {  	_ =	shalt  }
0x6f: {  	_ =	shalt  }
0x70: {  	_ =	shalt  }
0x71: {  	_ =	shalt  }
0x72: {  	_ =	shalt  }
0x73: {  	_ =	shalt  }
0x74: {  	_ =	shalt  }
0x75: {  	_ =	shalt  }
0x76: {  	_ =	shalt  }
0x77: {  	_ =	shalt  }
0x78: {  	_ =	shalt  }
0x79: {  	_ =	shalt  }
0x7a: {  	_ =	shalt  }
0x7b: {  	_ =	shalt  }
0x7c: {  	_ =	shalt  }
0x7d: {  	_ =	shalt  }
0x7e: {  	_ =	shalt  }
0x7f: {  	_ =	shalt  }
0x80: {  	_ =	shalt  }
0x81: {  	_ =	shalt  }
0x82: {  	_ =	shalt  }
0x83: {  	_ =	shalt  }
0x84: {  	_ =	shalt  }
0x85: {  	_ =	shalt  }
0x86: {  	_ =	shalt  }
0x87: {  	_ =	shalt  }
.Lfunc_end0:
.L_simem_size_0:
called_computation.5_lowered:
.L_overlay_start_0:
0x88: {  	s2 =	sld [smem:$0x3FD9]  }
0x89: {  	s3 =	sld [smem:$0x3FFE];
	_ =	sdelay $0x1  }
0x8a: {  	s1 =	srdreg.scid  }
0x8b: {  	s0 =	sand.u32 $0x1, s1  }
0x8c: {  	s16 =	sshll.u32 s0, $0xA;
	s2 =	sadd.s32 s3, s2  }
0x8d: {  	s2 =	sadd.s32 s2, s16  }
0x8e: {  	[smem:$0x3F9E] =	sst s2  }
0x8f: {  	_ = 	snop  }
0x90: {  	(tm) =	ssettm $0x1  }
0x91: {  	s17 =	sld [smem:$0x3FFB];
	_ =	sdelay $0x3  }
0x92: {  	_ =	strace s17  }
0x93: {  	s2 =	sld [smem:$0x3FFC];
	_ =	sdelay $0x3  }
0x94: {  	_ =	strace s2  }
0x95: {  	s2 =	sld [smem:$0x3FFD];
	_ =	sdelay $0x3  }
0x96: {  	_ =	strace s2  }
0x97: {  	_ =	strace $0x8FFFFFFF  }
0x98: {  	s18 =	sld [smem:$0x3FDB];
	_ =	sdelay $0x1  }
0x99: {  	s19 =	simm.s32 $_scs_section_size  }
0x9a: {  	s4 =	simm.s32 $_size__tile_overlayer_lowered;
	s5 =	simm.s32 $_tile_overlayer_lowered  }
0x9b: {  	s22 =	simm.s32 $0x1BFF;
	s21 =	sshll.u32 s5, $0x1;
	s2 =	sadd.s32 s19, s18  }
0x9c: {  	s6 =	simm.s32 $0x0;
	s20 =	sshll.u32 s4, $0x1;
	s4 =	sadd.s32 s21, s2  }
0x9d: {  	[timem:s6], [sflag:s22] =	dma.local [hbm:s4], s20  }
0x9e: {  	_ =	swait.ge [sflag:s22], s20  }
0x9f: {  	s3 =	ssub.s32 $0x0, s20;
	[sflag:s22] =	ssyncset.done $0x0  }
0xa0: {  	[sflag:s22] =	ssyncadd.s32 s3;
	_ =	sdelay $0x1  }
0xa1: {  	s23 =	simm.s32 $0x1B8B  }
0xa2: {  	_ =	swait.ge [sflag:s23], $0x1  }
0xa3: {  	[sflag:s23] =	ssyncset.done $0x0  }
0xa4: {  	s25 =	simm.s32 $0x1B8E;
	s24 =	sld [smem:$0x3FFE];
	[sflag:s23] =	ssyncadd.s32 $0xFFFFFFFF  }
0xa5: {  	s26 =	simm.s32 $execute0_lowered;
	[smem:$0x3FD2] =	sst s25  }
0xa6: {  	s4 =	sshll.u32 s26, $0x1;
	_ =	strace $0x80000055;
	[dreg:$0x1] =	wrdreg $0xFFFFFFFF  }
0xa7: {  	s28 =	simm.s32 $_size_execute0_lowered;
	s2 =	sadd.s32 s2, s4;
	[dreg:$0x0] =	wrdreg $0x0  }
0xa8: {  	s4 =	sshll.u32 s28, $0x1;
	[dreg:$0x2] =	wrdreg s2  }
0xa9: {  	[dreg:$0x3] =	wrdreg s4  }
0xaa: {  	[dreg:$0x4] =	wrdreg $0xC0  }
0xab: {  	_ =	task [dreg:s6], $0x5FFFF  }
0xac: {  	[dreg:$0x1] =	wrdreg $0xFFFFFFFF  }
0xad: {  	[dreg:$0x0] =	wrdreg $0x60  }
0xae: {  	[dreg:$0x2] =	wrdreg s24  }
0xaf: {  	[dreg:$0x3] =	wrdreg $0x19C80  }
0xb0: {  	[dreg:$0x4] =	wrdreg $0x9  }
0xb1: {  	_ =	task.clear_ibuf [dreg:s6], $0x5FFFF;
	_ =	strace $0x90000055  }
0xb2: {  	s29 =	simm.s32 $0x9;
	_ =	strace $0x80000057  }
0xb3: {  	_ =	swait.ge [sflag:s29], $0x1  }
0xb4: {  	[sflag:s29] =	ssyncadd.s32 $0xFFFFFFFF  }
0xb5: {  	_ =	strace $0x90000057  }
0xb6: {  	_ =	sfence  }
0xb7: {  	s30 =	sld [smem:$0x0];
	_ =	sdelay $0x2  }
0xb8: {  	s31 =	sshll.u32 s1, $0xD;
	s1 =	sshrl.u32 s1, $0x2  }
0xb9: {  	s3 =	sand.u32 $0x4000, s31;
	s1 =	sadd.s32 s1, s30  }
0xba: {  	s0 =	sor.u32 s3, s0;
	s1 =	sshll.u32 s1, $0x11  }
0xbb: {  	s0 =	sor.u32 s1, s0  }
0xbc: {  	s0 =	sadd.s32 $0x8F2B, s0  }
0xbd: {  	[sflag:s0] =	ssyncadd.remote.s32 $0x1  }
0xbe: {  	_ =	sfence.sel $0xFFFF  }
0xbf: {  	[dreg:$0x0] =	wrdreg $0xFFFFFFFF;
	(pc) =	sbr.abs _section_cstart, $3  }
0xc0: {  	[dreg:$0x1] =	wrdreg $0xFFFFFFFF  }
0xc1: {  	_ =	task.clear_ibuf [dreg:s6], $0x2FFFF;
	_ =	strace $0x9FFFFFFF  }
0xc2: {  	(tm) =	ssettm $0x7FFFFFFF  }
0xc3: {  	_ =	shalt  }
tec
execute0_lowered:
.L_overlay_start_1:
0x0: {  	(tag) =	ssettag $0x1  }
0x1: {  	s0 =	srdreg.scid;
	s4 =	rddreg [dreg:$0x0]  }
0x2: {  	s14 =	stileid.u32;
	s1 =	rddreg [dreg:$0x1];
	s2 =	simm.s32 $0x0  }
0x3: {  	s15 =	simm.s32 $0x1;
	s16 =	simm.s32 $0x20;
	s6 =	smul.u32 $0x61A8, s14  }
0x4: {  	s17 =	simm.s32 $0x80;
	s5 =	sand.u32 $0x1, s0;
	s11 =	smul.u32 $0x61A80, s14  }
0x5: {  	s18 =	simm.s32 $0xC8;
	s0 =	rddreg [dreg:$0x2];
	s3 =	smul.u32 $0x61A80, s5  }
0x6: {  	s19 =	simm.s32 $0x0;
	[smem:$0x7FF] =	sst s2;
	s7 =	smul.u32 $0x61A800, s5  }
0x7: {  	s8 =	sadd.s32 $0x1C1C00, s4;
	p0 =	sne.s32 s14, $0x0;
	s30 =	smul.u32 $0x186A00, s5  }
0x8: {  	_ =	strace $0x80000056;
	s31 =	ssub.s32 $0x2, s5;
	s12 =	smul.u32 $0x30D40, s5  }
0x9: {  	s14 =	sshrl.u32 @!p0 s1, $0x3;
	s9 =	sshrl.u32 s31, $0x1;
	s3 =	sadd.s32 s6, s3  }
0xa: {  	s29 =	sadd.s32 s7, s4;
	s7 =	sshrl.u32 s30, $0x3;
	s3 =	sshrl.u32 s3, $0x3  }
0xb: {  	s7 =	sadd.s32 s8, s7;
	s13 =	sadd.s32 s11, s29;
	s10 =	sadd.s32 s3, s4  }
0xc: {  	s3 =	sadd.s32 $0xA000, s4;
	s4 =	sadd.s32 $0x61A80, s7;
	s5 =	sadd.s32 $0xC3500, s7  }
0xd: {  	s6 =	sadd.s32 s8, s12;
	s7 =	sadd.s32 $0x124F80, s7;
	s8 =	sadd.s32 $0x335A200, s13  }
0xe: {  	s9 =	ssub.s32 s31, s9;
	s11 =	sadd.s32 $0x335A204, s13;
	s12 =	sadd.s32 $0x335A208, s13  }
0xf: {  	s9 =	smax.u32 s9, $0x1;
	s13 =	sadd.s32 $0x335A20C, s13;
	s10 =	sadd.s32 $0xE5E00, s10  }
.LBB2_1:
0x10: {  	s20 =	simm.s32 @!p0 $0x1C01  }
0x11: {  	[spmem:s14], [sflag:s20] =	dma.local @!p0 [hbm:s3], $0x30D40  }
0x12: {  	s20 =	simm.s32 @!p0 $0x1  }
0x13: {  	_ =	swait.ge @!p0 [sflag:s20], $0x30D40  }
0x14: {  	[sflag:s20] =	ssyncset.done @!p0 $0x0  }
0x15: {  	[sflag:s20] =	ssyncadd.s32 @!p0 $0xFFFCF2C0  }
0x16: {  	s31 =	sadd.s32 $0x0, s10;
	[bflag:$0x0] =	sbarrier.arrive $0xFFFF  }
0x17: {  	[tilespmem:s2], [sflag:$0x1] =	stream.linear.gather [hbm4b:s31+s2], $0xC8, $0x38;
	[tilespmem:$0x1A068] =	vst v63  }
0x18: {  	_ =	swait.ge [sflag:s15], $0xC8  }
0x19: {  	[sflag:s15] =	ssyncset.done $0x0  }
0x1a: {  	[sflag:s15] =	ssyncadd.s32 $0xFFFFFF38  }
0x1b: {  	[tilespmem:s18], [sflag:$0x1] =	stream.strided.gather [hbm4b:s8+s16], $0x1900, s17, s16, $0x38;
	[tilespmem:$0x1A068] =	vst v63  }
0x1c: {  	_ =	swait.ge [sflag:s15], $0x1900  }
0x1d: {  	[sflag:s15] =	ssyncset.done $0x0  }
0x1e: {  	[sflag:s15] =	ssyncadd.s32 $0xFFFFE700  }
0x1f: {  	[spmem:s1] =	stream.indirect.scatter.add.f32 [tilespmem:s18], [sflag:$0x1], $0x20, s2, s18, $0xb8;
	[tilespmem:$0x1A068] =	vst v63  }
0x20: {  	s21 =	simm.s32 $0x19;
	_ =	swait.ge [sflag:s15], $0x1900  }
0x21: {  	s22 =	simm.s32 $0x32;
	s20 =	sadd.s32 $0xC80, s8;
	[sflag:s15] =	ssyncset.done $0x0  }
.LBB2_2:
0x22: {  	s23 =	sadd.s32 s21, s10  }
0x23: {  	[sflag:s15] =	ssyncadd.s32 $0xFFFFE700;
	s21 =	smov.u32 s22;
	s24 =	sadd.s32 $0x19, s22  }
0x24: {  	[tilespmem:s2], [sflag:$0x1] =	stream.linear.gather [hbm4b:s23+s2], $0xC8, $0x38;
	[tilespmem:$0x1A068] =	vst v63  }
0x25: {  	p1 =	sne.s32 s22, $0xC1C;
	_ =	swait.ge [sflag:s15], $0xC8  }
0x26: {  	[sflag:s15] =	ssyncset.done $0x0  }
0x27: {  	[sflag:s15] =	ssyncadd.s32 $0xFFFFFF38  }
0x28: {  	[tilespmem:s18], [sflag:$0x1] =	stream.strided.gather [hbm4b:s20+s16], $0x1900, s17, s16, $0x38;
	[tilespmem:$0x1A068] =	vst v63  }
0x29: {  	_ =	swait.ge [sflag:s15], $0x1900  }
.Ltmp0:
0x2a: {  	[sflag:s15] =	ssyncset.done $0x0;
	(pc) =	sbr.rel @p1 .LBB2_2-.Ltmp0, $4  }
0x2b: {  	[sflag:s15] =	ssyncadd.s32 $0xFFFFE700  }
0x2c: {  	[spmem:s1] =	stream.indirect.scatter.add.f32 [tilespmem:s18], [sflag:$0x1], $0x20, s2, s18, $0xb8;
	[tilespmem:$0x1A068] =	vst v63  }
0x2d: {  	_ =	swait.ge [sflag:s15], $0x1900  }
0x2e: {  	s22 =	smov.u32 s24;
	s20 =	sadd.s32 $0xC80, s20;
	[sflag:s15] =	ssyncset.done $0x0  }
0x2f: {  	s21 =	sadd.s32 s21, s10;
	[sflag:s15] =	ssyncadd.s32 $0xFFFFE700  }
0x30: {  	[tilespmem:s2], [sflag:$0x1] =	stream.linear.gather [hbm4b:s21+s2], $0xC8, $0x38;
	[tilespmem:$0x1A068] =	vst v63  }
0x31: {  	_ =	swait.ge [sflag:s15], $0xC8  }
0x32: {  	[sflag:s15] =	ssyncset.done $0x0  }
0x33: {  	[sflag:s15] =	ssyncadd.s32 $0xFFFFFF38  }
0x34: {  	[tilespmem:s18], [sflag:$0x1] =	stream.strided.gather [hbm4b:s20+s16], $0x1900, s17, s16, $0x38;
	[tilespmem:$0x1A068] =	vst v63  }
0x35: {  	_ =	swait.ge [sflag:s15], $0x1900  }
0x36: {  	[sflag:s15] =	ssyncset.done $0x0  }
0x37: {  	[sflag:s15] =	ssyncadd.s32 $0xFFFFE700  }
0x38: {  	[spmem:s1] =	stream.indirect.scatter.add.f32 [tilespmem:s18], [sflag:$0x1], $0x20, s2, s18, $0xb8;
	[tilespmem:$0x1A068] =	vst v63  }
0x39: {  	_ =	swait.ge [sflag:s15], $0x1900  }
0x3a: {  	[sflag:s15] =	ssyncset.done $0x0  }
0x3b: {  	[sflag:s15] =	ssyncadd.s32 $0xFFFFE700  }
0x3c: {  	[bflag:$0x0] =	sbarrier.arrive $0xFFFF  }
0x3d: {  	s21 =	simm.s32 @!p0 $0x1;
	s20 =	simm.s32 @!p0 $0x1C01;
	[bflag:$0x0] =	sbarrier.arrive @p0 $0xFFFF  }
0x3e: {  	[hbm:s6], [sflag:s20] =	dma.local @!p0 [spmem:s14], $0x30D40  }
0x3f: {  	_ =	swait.ge @!p0 [sflag:s21], $0x30D40  }
0x40: {  	[sflag:s21] =	ssyncset.done @!p0 $0x0  }
0x41: {  	[sflag:s21] =	ssyncadd.s32 @!p0 $0xFFFCF2C0  }
0x42: {  	[bflag:$0x0] =	sbarrier.arrive @!p0 $0xFFFF  }
0x43: {  	[spmem:s14], [sflag:s20] =	dma.local @!p0 [hbm:s3], $0x30D40  }
0x44: {  	_ =	swait.ge @!p0 [sflag:s21], $0x30D40  }
0x45: {  	[sflag:s21] =	ssyncset.done @!p0 $0x0  }
0x46: {  	[sflag:s21] =	ssyncadd.s32 @!p0 $0xFFFCF2C0  }
0x47: {  	s31 =	sadd.s32 $0x0, s10;
	[bflag:$0x0] =	sbarrier.arrive $0xFFFF  }
0x48: {  	[tilespmem:s2], [sflag:$0x1] =	stream.linear.gather [hbm4b:s31+s2], $0xC8, $0x38;
	[tilespmem:$0x1A068] =	vst v63  }
0x49: {  	_ =	swait.ge [sflag:s15], $0xC8  }
0x4a: {  	[sflag:s15] =	ssyncset.done $0x0  }
0x4b: {  	[sflag:s15] =	ssyncadd.s32 $0xFFFFFF38  }
0x4c: {  	[tilespmem:s18], [sflag:$0x1] =	stream.strided.gather [hbm4b:s11+s16], $0x1900, s17, s16, $0x38;
	[tilespmem:$0x1A068] =	vst v63  }
0x4d: {  	_ =	swait.ge [sflag:s15], $0x1900  }
0x4e: {  	[sflag:s15] =	ssyncset.done $0x0  }
0x4f: {  	[sflag:s15] =	ssyncadd.s32 $0xFFFFE700  }
0x50: {  	[spmem:s1] =	stream.indirect.scatter.add.f32 [tilespmem:s18], [sflag:$0x1], $0x20, s2, s18, $0xb8;
	[tilespmem:$0x1A068] =	vst v63  }
0x51: {  	s22 =	simm.s32 $0x32;
	_ =	swait.ge [sflag:s15], $0x1900  }
0x52: {  	s20 =	sadd.s32 $0xC80, s11;
	s21 =	simm.s32 $0x19;
	[sflag:s15] =	ssyncset.done $0x0  }
.LBB2_4:
0x53: {  	s23 =	sadd.s32 s21, s10  }
0x54: {  	[sflag:s15] =	ssyncadd.s32 $0xFFFFE700;
	s21 =	smov.u32 s22;
	s24 =	sadd.s32 $0x19, s22  }
0x55: {  	[tilespmem:s2], [sflag:$0x1] =	stream.linear.gather [hbm4b:s23+s2], $0xC8, $0x38;
	[tilespmem:$0x1A068] =	vst v63  }
0x56: {  	p1 =	sne.s32 s22, $0xC1C;
	_ =	swait.ge [sflag:s15], $0xC8  }
0x57: {  	[sflag:s15] =	ssyncset.done $0x0  }
0x58: {  	[sflag:s15] =	ssyncadd.s32 $0xFFFFFF38  }
0x59: {  	[tilespmem:s18], [sflag:$0x1] =	stream.strided.gather [hbm4b:s20+s16], $0x1900, s17, s16, $0x38;
	[tilespmem:$0x1A068] =	vst v63  }
0x5a: {  	_ =	swait.ge [sflag:s15], $0x1900  }
.Ltmp1:
0x5b: {  	[sflag:s15] =	ssyncset.done $0x0;
	(pc) =	sbr.rel @p1 .LBB2_4-.Ltmp1, $4  }
0x5c: {  	[sflag:s15] =	ssyncadd.s32 $0xFFFFE700  }
0x5d: {  	[spmem:s1] =	stream.indirect.scatter.add.f32 [tilespmem:s18], [sflag:$0x1], $0x20, s2, s18, $0xb8;
	[tilespmem:$0x1A068] =	vst v63  }
0x5e: {  	_ =	swait.ge [sflag:s15], $0x1900  }
0x5f: {  	s22 =	smov.u32 s24;
	s20 =	sadd.s32 $0xC80, s20;
	[sflag:s15] =	ssyncset.done $0x0  }
0x60: {  	s21 =	sadd.s32 s21, s10;
	[sflag:s15] =	ssyncadd.s32 $0xFFFFE700  }
0x61: {  	[tilespmem:s2], [sflag:$0x1] =	stream.linear.gather [hbm4b:s21+s2], $0xC8, $0x38;
	[tilespmem:$0x1A068] =	vst v63  }
0x62: {  	_ =	swait.ge [sflag:s15], $0xC8  }
0x63: {  	[sflag:s15] =	ssyncset.done $0x0  }
0x64: {  	[sflag:s15] =	ssyncadd.s32 $0xFFFFFF38  }
0x65: {  	[tilespmem:s18], [sflag:$0x1] =	stream.strided.gather [hbm4b:s20+s16], $0x1900, s17, s16, $0x38;
	[tilespmem:$0x1A068] =	vst v63  }
0x66: {  	_ =	swait.ge [sflag:s15], $0x1900  }
0x67: {  	[sflag:s15] =	ssyncset.done $0x0  }
0x68: {  	[sflag:s15] =	ssyncadd.s32 $0xFFFFE700  }
0x69: {  	[spmem:s1] =	stream.indirect.scatter.add.f32 [tilespmem:s18], [sflag:$0x1], $0x20, s2, s18, $0xb8;
	[tilespmem:$0x1A068] =	vst v63  }
0x6a: {  	_ =	swait.ge [sflag:s15], $0x1900  }
0x6b: {  	[sflag:s15] =	ssyncset.done $0x0  }
0x6c: {  	[sflag:s15] =	ssyncadd.s32 $0xFFFFE700  }
0x6d: {  	[bflag:$0x0] =	sbarrier.arrive $0xFFFF  }
0x6e: {  	s21 =	simm.s32 @!p0 $0x1;
	s20 =	simm.s32 @!p0 $0x1C01;
	[bflag:$0x0] =	sbarrier.arrive @p0 $0xFFFF  }
0x6f: {  	[hbm:s4], [sflag:s20] =	dma.local @!p0 [spmem:s14], $0x30D40  }
0x70: {  	_ =	swait.ge @!p0 [sflag:s21], $0x30D40  }
0x71: {  	[sflag:s21] =	ssyncset.done @!p0 $0x0  }
0x72: {  	[sflag:s21] =	ssyncadd.s32 @!p0 $0xFFFCF2C0  }
0x73: {  	[bflag:$0x0] =	sbarrier.arrive @!p0 $0xFFFF  }
0x74: {  	[spmem:s14], [sflag:s20] =	dma.local @!p0 [hbm:s3], $0x30D40  }
0x75: {  	_ =	swait.ge @!p0 [sflag:s21], $0x30D40  }
0x76: {  	[sflag:s21] =	ssyncset.done @!p0 $0x0  }
0x77: {  	[sflag:s21] =	ssyncadd.s32 @!p0 $0xFFFCF2C0  }
0x78: {  	s31 =	sadd.s32 $0x0, s10;
	[bflag:$0x0] =	sbarrier.arrive $0xFFFF  }
0x79: {  	[tilespmem:s2], [sflag:$0x1] =	stream.linear.gather [hbm4b:s31+s2], $0xC8, $0x38;
	[tilespmem:$0x1A068] =	vst v63  }
0x7a: {  	_ =	swait.ge [sflag:s15], $0xC8  }
0x7b: {  	[sflag:s15] =	ssyncset.done $0x0  }
0x7c: {  	[sflag:s15] =	ssyncadd.s32 $0xFFFFFF38  }
0x7d: {  	[tilespmem:s18], [sflag:$0x1] =	stream.strided.gather [hbm4b:s12+s16], $0x1900, s17, s16, $0x38;
	[tilespmem:$0x1A068] =	vst v63  }
0x7e: {  	_ =	swait.ge [sflag:s15], $0x1900  }
0x7f: {  	[sflag:s15] =	ssyncset.done $0x0  }
0x80: {  	[sflag:s15] =	ssyncadd.s32 $0xFFFFE700  }
0x81: {  	[spmem:s1] =	stream.indirect.scatter.add.f32 [tilespmem:s18], [sflag:$0x1], $0x20, s2, s18, $0xb8;
	[tilespmem:$0x1A068] =	vst v63  }
0x82: {  	s22 =	simm.s32 $0x32;
	_ =	swait.ge [sflag:s15], $0x1900  }
0x83: {  	s20 =	sadd.s32 $0xC80, s12;
	s21 =	simm.s32 $0x19;
	[sflag:s15] =	ssyncset.done $0x0  }
.LBB2_6:
0x84: {  	s23 =	sadd.s32 s21, s10  }
0x85: {  	[sflag:s15] =	ssyncadd.s32 $0xFFFFE700;
	s21 =	smov.u32 s22;
	s24 =	sadd.s32 $0x19, s22  }
0x86: {  	[tilespmem:s2], [sflag:$0x1] =	stream.linear.gather [hbm4b:s23+s2], $0xC8, $0x38;
	[tilespmem:$0x1A068] =	vst v63  }
0x87: {  	p1 =	sne.s32 s22, $0xC1C;
	_ =	swait.ge [sflag:s15], $0xC8  }
0x88: {  	[sflag:s15] =	ssyncset.done $0x0  }
0x89: {  	[sflag:s15] =	ssyncadd.s32 $0xFFFFFF38  }
0x8a: {  	[tilespmem:s18], [sflag:$0x1] =	stream.strided.gather [hbm4b:s20+s16], $0x1900, s17, s16, $0x38;
	[tilespmem:$0x1A068] =	vst v63  }
0x8b: {  	_ =	swait.ge [sflag:s15], $0x1900  }
.Ltmp2:
0x8c: {  	[sflag:s15] =	ssyncset.done $0x0;
	(pc) =	sbr.rel @p1 .LBB2_6-.Ltmp2, $4  }
0x8d: {  	[sflag:s15] =	ssyncadd.s32 $0xFFFFE700  }
0x8e: {  	[spmem:s1] =	stream.indirect.scatter.add.f32 [tilespmem:s18], [sflag:$0x1], $0x20, s2, s18, $0xb8;
	[tilespmem:$0x1A068] =	vst v63  }
0x8f: {  	_ =	swait.ge [sflag:s15], $0x1900  }
0x90: {  	s22 =	smov.u32 s24;
	s20 =	sadd.s32 $0xC80, s20;
	[sflag:s15] =	ssyncset.done $0x0  }
0x91: {  	s21 =	sadd.s32 s21, s10;
	[sflag:s15] =	ssyncadd.s32 $0xFFFFE700  }
0x92: {  	[tilespmem:s2], [sflag:$0x1] =	stream.linear.gather [hbm4b:s21+s2], $0xC8, $0x38;
	[tilespmem:$0x1A068] =	vst v63  }
0x93: {  	_ =	swait.ge [sflag:s15], $0xC8  }
0x94: {  	[sflag:s15] =	ssyncset.done $0x0  }
0x95: {  	[sflag:s15] =	ssyncadd.s32 $0xFFFFFF38  }
0x96: {  	[tilespmem:s18], [sflag:$0x1] =	stream.strided.gather [hbm4b:s20+s16], $0x1900, s17, s16, $0x38;
	[tilespmem:$0x1A068] =	vst v63  }
0x97: {  	_ =	swait.ge [sflag:s15], $0x1900  }
0x98: {  	[sflag:s15] =	ssyncset.done $0x0  }
0x99: {  	[sflag:s15] =	ssyncadd.s32 $0xFFFFE700  }
0x9a: {  	[spmem:s1] =	stream.indirect.scatter.add.f32 [tilespmem:s18], [sflag:$0x1], $0x20, s2, s18, $0xb8;
	[tilespmem:$0x1A068] =	vst v63  }
0x9b: {  	_ =	swait.ge [sflag:s15], $0x1900  }
0x9c: {  	[sflag:s15] =	ssyncset.done $0x0  }
0x9d: {  	[sflag:s15] =	ssyncadd.s32 $0xFFFFE700  }
0x9e: {  	[bflag:$0x0] =	sbarrier.arrive $0xFFFF  }
0x9f: {  	s21 =	simm.s32 @!p0 $0x1;
	s20 =	simm.s32 @!p0 $0x1C01;
	[bflag:$0x0] =	sbarrier.arrive @p0 $0xFFFF  }
0xa0: {  	[hbm:s5], [sflag:s20] =	dma.local @!p0 [spmem:s14], $0x30D40  }
0xa1: {  	_ =	swait.ge @!p0 [sflag:s21], $0x30D40  }
0xa2: {  	[sflag:s21] =	ssyncset.done @!p0 $0x0  }
0xa3: {  	[sflag:s21] =	ssyncadd.s32 @!p0 $0xFFFCF2C0  }
0xa4: {  	[bflag:$0x0] =	sbarrier.arrive @!p0 $0xFFFF  }
0xa5: {  	[spmem:s14], [sflag:s20] =	dma.local @!p0 [hbm:s3], $0x30D40  }
0xa6: {  	_ =	swait.ge @!p0 [sflag:s21], $0x30D40  }
0xa7: {  	[sflag:s21] =	ssyncset.done @!p0 $0x0  }
0xa8: {  	[sflag:s21] =	ssyncadd.s32 @!p0 $0xFFFCF2C0  }
0xa9: {  	s31 =	sadd.s32 $0x0, s10;
	[bflag:$0x0] =	sbarrier.arrive $0xFFFF  }
0xaa: {  	[tilespmem:s2], [sflag:$0x1] =	stream.linear.gather [hbm4b:s31+s2], $0xC8, $0x38;
	[tilespmem:$0x1A068] =	vst v63  }
0xab: {  	_ =	swait.ge [sflag:s15], $0xC8  }
0xac: {  	[sflag:s15] =	ssyncset.done $0x0  }
0xad: {  	[sflag:s15] =	ssyncadd.s32 $0xFFFFFF38  }
0xae: {  	[tilespmem:s18], [sflag:$0x1] =	stream.strided.gather [hbm4b:s13+s16], $0x1900, s17, s16, $0x38;
	[tilespmem:$0x1A068] =	vst v63  }
0xaf: {  	_ =	swait.ge [sflag:s15], $0x1900  }
0xb0: {  	[sflag:s15] =	ssyncset.done $0x0  }
0xb1: {  	[sflag:s15] =	ssyncadd.s32 $0xFFFFE700  }
0xb2: {  	[spmem:s1] =	stream.indirect.scatter.add.f32 [tilespmem:s18], [sflag:$0x1], $0x20, s2, s18, $0xb8;
	[tilespmem:$0x1A068] =	vst v63  }
0xb3: {  	s22 =	simm.s32 $0x32;
	_ =	swait.ge [sflag:s15], $0x1900  }
0xb4: {  	s20 =	sadd.s32 $0xC80, s13;
	s21 =	simm.s32 $0x19;
	[sflag:s15] =	ssyncset.done $0x0  }
.LBB2_8:
0xb5: {  	s23 =	sadd.s32 s21, s10  }
0xb6: {  	[sflag:s15] =	ssyncadd.s32 $0xFFFFE700;
	s21 =	smov.u32 s22;
	s24 =	sadd.s32 $0x19, s22  }
0xb7: {  	[tilespmem:s2], [sflag:$0x1] =	stream.linear.gather [hbm4b:s23+s2], $0xC8, $0x38;
	[tilespmem:$0x1A068] =	vst v63  }
0xb8: {  	p1 =	sne.s32 s22, $0xC1C;
	_ =	swait.ge [sflag:s15], $0xC8  }
0xb9: {  	[sflag:s15] =	ssyncset.done $0x0  }
0xba: {  	[sflag:s15] =	ssyncadd.s32 $0xFFFFFF38  }
0xbb: {  	[tilespmem:s18], [sflag:$0x1] =	stream.strided.gather [hbm4b:s20+s16], $0x1900, s17, s16, $0x38;
	[tilespmem:$0x1A068] =	vst v63  }
0xbc: {  	_ =	swait.ge [sflag:s15], $0x1900  }
.Ltmp3:
0xbd: {  	[sflag:s15] =	ssyncset.done $0x0;
	(pc) =	sbr.rel @p1 .LBB2_8-.Ltmp3, $4  }
0xbe: {  	[sflag:s15] =	ssyncadd.s32 $0xFFFFE700  }
0xbf: {  	[spmem:s1] =	stream.indirect.scatter.add.f32 [tilespmem:s18], [sflag:$0x1], $0x20, s2, s18, $0xb8;
	[tilespmem:$0x1A068] =	vst v63  }
0xc0: {  	_ =	swait.ge [sflag:s15], $0x1900  }
0xc1: {  	s22 =	smov.u32 s24;
	s20 =	sadd.s32 $0xC80, s20;
	[sflag:s15] =	ssyncset.done $0x0  }
0xc2: {  	s21 =	sadd.s32 s21, s10;
	[sflag:s15] =	ssyncadd.s32 $0xFFFFE700  }
0xc3: {  	[tilespmem:s2], [sflag:$0x1] =	stream.linear.gather [hbm4b:s21+s2], $0xC8, $0x38;
	[tilespmem:$0x1A068] =	vst v63  }
0xc4: {  	_ =	swait.ge [sflag:s15], $0xC8  }
0xc5: {  	[sflag:s15] =	ssyncset.done $0x0  }
0xc6: {  	[sflag:s15] =	ssyncadd.s32 $0xFFFFFF38  }
0xc7: {  	[tilespmem:s18], [sflag:$0x1] =	stream.strided.gather [hbm4b:s20+s16], $0x1900, s17, s16, $0x38;
	[tilespmem:$0x1A068] =	vst v63  }
0xc8: {  	_ =	swait.ge [sflag:s15], $0x1900  }
0xc9: {  	[sflag:s15] =	ssyncset.done $0x0  }
0xca: {  	[sflag:s15] =	ssyncadd.s32 $0xFFFFE700  }
0xcb: {  	[spmem:s1] =	stream.indirect.scatter.add.f32 [tilespmem:s18], [sflag:$0x1], $0x20, s2, s18, $0xb8;
	[tilespmem:$0x1A068] =	vst v63  }
0xcc: {  	_ =	swait.ge [sflag:s15], $0x1900  }
0xcd: {  	[sflag:s15] =	ssyncset.done $0x0  }
0xce: {  	[sflag:s15] =	ssyncadd.s32 $0xFFFFE700  }
0xcf: {  	s19 =	sadd.s32 $0x1, s19;
	s20 =	simm.s32 @!p0 $0x1C01;
	[bflag:$0x0] =	sbarrier.arrive $0xFFFF  }
0xd0: {  	[hbm:s7], [sflag:s20] =	dma.local @!p0 [spmem:s14], $0x30D40  }
0xd1: {  	p1 =	sne.s32 s19, s9;
	s20 =	simm.s32 @!p0 $0x1  }
.Ltmp4:
0xd2: {  	_ =	swait.ge @!p0 [sflag:s20], $0x30D40;
	(pc) =	sbr.rel @p1 .LBB2_1-.Ltmp4, $3  }
0xd3: {  	[sflag:s20] =	ssyncset.done @!p0 $0x0  }
0xd4: {  	[sflag:s20] =	ssyncadd.s32 @!p0 $0xFFFCF2C0  }
0xd5: {  	[bflag:$0x0] =	sbarrier.arrive $0xFFFF;
	_ =	sdelay $0x1  }
0xd6: {  	_ =	sfence.sel $0x180000  }
0xd7: {  	[bflag:$0x0] =	sbarrier.arrive $0xFFFF  }
0xd8: {  	_ =	strace $0x90000056  }
0xd9: {  	s0 =	sadd.s32 @!p0 $0x100000, s0;
	[bflag:$0x2] =	sbarrier.arrive $0xFFFF  }
0xda: {  	[sflag:s0] =	ssyncadd.tile.s32 @!p0 $0x1;
	_ =	shalt  }
.Lfunc_end2:
_tile_overlayer_lowered:
.L_overlay_start_2:
0xdb: {  	(tag) =	ssettag $0x2  }
0xdc: {  	s0 =	rddreg [dreg:$0x0];
	s2 =	stileid.u32  }
0xdd: {  	s1 =	rddreg [dreg:$0x1];
	p0 =	sne.s32 s2, $0x0  }
0xde: {  	s3 =	rddreg [dreg:$0x2];
	[bflag:$0x3] =	sbarrier.arrive $0xFFFF;
	s2 =	simm.s32 @!p0 $0x1C01  }
0xdf: {  	[timem:s3], [sflag:s2] =	dma.local @!p0 [hbm:s0], s1  }
0xe0: {  	s0 =	simm.s32 @!p0 $0x1  }
0xe1: {  	_ =	swait.ge @!p0 [sflag:s0], s1  }
0xe2: {  	s1 =	ssub.s32 @!p0 $0x0, s1;
	[sflag:s0] =	ssyncset.done @!p0 $0x0  }
0xe3: {  	[sflag:s0] =	ssyncadd.s32 @!p0 s1  }
0xe4: {  	[bflag:$0x3] =	sbarrier.arrive $0xFFFF  }
0xe5: {  	_ =	shalt  }

</sc_bundles>
